<compile_context>
chip_gen: v7x
topology: tpu7x:2x2x1
jax: 0.10.2.dev20260603
libtpu: 0.0.44.dev20260713+nightly
codegen_flags: <defaults>
</compile_context>

<pallas_src>
import jax
import jax.numpy as jnp
from jax import lax
from jax.experimental import pallas as pl
from jax.experimental.pallas import tpu as pltpu
from jax.experimental.pallas import tpu_sc as plsc

_N = 10000
_E = 320000
_D = 128
_NC = 2
_NS = 16
_CHUNK = 128
_NT0 = 112
_NT1 = 48
_ROWS = _NS * (_NT0 + _NT1)
_EP = _ROWS * _CHUNK
_NR = 10112
_RPT = _NR // _NS
_NB = 2
_IB = 16


def _sc_agg_body(with_deg, src_hbm, dst_hbm, p_hbm, out_hbm, deg_hbm,
                 sblk, dblk, bufs, sems, acc, ones, dacc, dbuf):
    cid = lax.axis_index("c")
    sid = lax.axis_index("s")
    is0 = cid == 0
    ntc = jnp.where(is0, _NT0, _NT1)
    nblk = ntc // _IB
    row_base = jnp.where(is0, sid * _NT0, _NS * _NT0 + sid * _NT1)
    base = sid * _RPT
    rows = bufs[0]

    def zrow(i, c):
        for k in range(_D // 16):
            rows[i, pl.ds(k * 16, 16)] = jnp.zeros((16,), jnp.float32)
        return c
    lax.fori_loop(0, _CHUNK, zrow, 0)
    nfull = _RPT // _CHUNK
    for t in range(nfull):
        pltpu.sync_copy(rows, acc.at[pl.ds(base + t * _CHUNK, _CHUNK)])
    rem = _RPT - nfull * _CHUNK
    if rem:
        pltpu.sync_copy(rows.at[pl.ds(0, rem)],
                        acc.at[pl.ds(base + nfull * _CHUNK, rem)])
    if with_deg:
        for k in range(_CHUNK // 16):
            ones[pl.ds(k * 16, 16)] = jnp.ones((16,), jnp.float32)
        for k in range(_RPT // 16):
            dbuf[pl.ds(k * 16, 16)] = jnp.zeros((16,), jnp.float32)
        dbuf[pl.ds(_RPT - 16, 16)] = jnp.zeros((16,), jnp.float32)
        pltpu.sync_copy(dbuf, dacc.at[pl.ds(base, _RPT)])
    plsc.subcore_barrier()

    pltpu.sync_copy(src_hbm.at[pl.ds(row_base, _IB)], sblk.at[0])
    for b in range(_NB):
        pltpu.async_copy(p_hbm.at[sblk.at[0, b]], bufs[b], sems[b])

    def block(blk, c):
        @pl.when(blk + 1 < nblk)
        def _():
            pltpu.sync_copy(
                src_hbm.at[pl.ds(row_base + (blk + 1) * _IB, _IB)],
                sblk.at[(blk + 1) % 2])
        pltpu.sync_copy(dst_hbm.at[pl.ds(row_base + blk * _IB, _IB)], dblk)

        def group(g, c2):
            for b in range(_NB):
                j = blk * _IB + g * _NB + b
                pltpu.make_async_copy(p_hbm.at[pl.ds(0, _CHUNK)],
                                      bufs[b], sems[b]).wait()
                pltpu.sync_copy(bufs[b], acc.at[dblk.at[g * _NB + b]],
                                add=True)
                if with_deg:
                    pltpu.sync_copy(ones, dacc.at[dblk.at[g * _NB + b]],
                                    add=True)
                jn = j + _NB

                @pl.when(jn < ntc)
                def _():
                    pltpu.async_copy(
                        p_hbm.at[sblk.at[(jn // _IB) % 2, jn % _IB]],
                        bufs[b], sems[b])
            return c2
        lax.fori_loop(0, _IB // _NB, group, 0)
        return c
    lax.fori_loop(0, nblk, block, 0)
    plsc.subcore_barrier()

    nout = -(-_RPT // _CHUNK)
    for t in range(nout):
        rn = min(_CHUNK, _RPT - t * _CHUNK)
        b = t % _NB
        pltpu.sync_copy(acc.at[pl.ds(base + t * _CHUNK, rn)],
                        bufs[b].at[pl.ds(0, rn)])
        pltpu.sync_copy(bufs[b].at[pl.ds(0, rn)],
                        out_hbm.at[cid, pl.ds(base + t * _CHUNK, rn)])
    if with_deg:
        pltpu.sync_copy(dacc.at[pl.ds(base, _RPT)], dbuf)
        pltpu.sync_copy(dbuf, deg_hbm.at[pl.ds(cid * _NR + base, _RPT)])


def _make_sc_agg(with_deg):
    mesh = plsc.VectorSubcoreMesh(core_axis_name="c", subcore_axis_name="s")
    outs = [jax.ShapeDtypeStruct((_NC, _NR, _D), jnp.float32)]
    scratch = [
        pltpu.VMEM((2, _IB, _CHUNK), jnp.int32),
        pltpu.VMEM((_IB, _CHUNK), jnp.int32),
        [pltpu.VMEM((_CHUNK, _D), jnp.float32) for _ in range(_NB)],
        [pltpu.SemaphoreType.DMA for _ in range(_NB)],
        pltpu.VMEM_SHARED((_NR, _D), jnp.float32),
    ]
    if with_deg:
        outs.append(jax.ShapeDtypeStruct((_NC * _NR,), jnp.float32))
        scratch += [
            pltpu.VMEM((_CHUNK,), jnp.float32),
            pltpu.VMEM_SHARED((_NR,), jnp.float32),
            pltpu.VMEM((_RPT,), jnp.float32),
        ]

        def body(src_hbm, dst_hbm, p_hbm, out_hbm, deg_hbm,
                 sblk, dblk, bufs, sems, acc, ones, dacc, dbuf):
            _sc_agg_body(True, src_hbm, dst_hbm, p_hbm, out_hbm, deg_hbm,
                         sblk, dblk, bufs, sems, acc, ones, dacc, dbuf)
    else:
        def body(src_hbm, dst_hbm, p_hbm, out_hbm,
                 sblk, dblk, bufs, sems, acc):
            _sc_agg_body(False, src_hbm, dst_hbm, p_hbm, out_hbm, None,
                         sblk, dblk, bufs, sems, acc, None, None, None)

    return pl.kernel(body, out_type=tuple(outs), mesh=mesh,
                     scratch_types=scratch,
                     name="sc_agg_deg" if with_deg else "sc_agg")


_sc_agg_deg = _make_sc_agg(True)
_sc_agg = _make_sc_agg(False)


def _dense_in_body(x_ref, we, be, wl, bl, wr, p_ref, r_ref):
    h = jnp.dot(x_ref[...], we[...], preferred_element_type=jnp.float32)
    h = h + be[...]
    p_ref[...] = jnp.dot(h, wl[...], preferred_element_type=jnp.float32)
    r_ref[...] = jnp.dot(h, wr[...], preferred_element_type=jnp.float32) + bl[...]


def _bn_relu(a0, a1, d0, d1, r, g, b):
    deg = jnp.maximum(d0[...] + d1[...], 1.0)
    u = (a0[...] + a1[...]) / deg + r[...]
    mean = jnp.mean(u, axis=0, keepdims=True)
    var = jnp.mean((u - mean) ** 2, axis=0, keepdims=True)
    hn = (u - mean) * lax.rsqrt(var + 1e-5) * g[...] + b[...]
    return jnp.maximum(hn, 0.0)


def _mid_body(a0, a1, d0, d1, r, g, b, wl, bl, wr, p_ref, r_ref):
    h = _bn_relu(a0, a1, d0, d1, r, g, b)
    p_ref[...] = jnp.dot(h, wl[...], preferred_element_type=jnp.float32)
    r_ref[...] = jnp.dot(h, wr[...], preferred_element_type=jnp.float32) + bl[...]


def _out_body(a0, a1, d0, d1, r, g, b, wc, bc, o_ref):
    h = _bn_relu(a0, a1, d0, d1, r, g, b)
    o_ref[...] = jnp.dot(h, wc[...], preferred_element_type=jnp.float32) + bc[...]


_f = jnp.float32
_dense_in = pl.pallas_call(
    _dense_in_body,
    out_shape=(jax.ShapeDtypeStruct((_N, _D), _f),
               jax.ShapeDtypeStruct((_N, _D), _f)))
_mid = pl.pallas_call(
    _mid_body,
    out_shape=(jax.ShapeDtypeStruct((_N, _D), _f),
               jax.ShapeDtypeStruct((_N, _D), _f)))
_outk = pl.pallas_call(
    _out_body,
    out_shape=jax.ShapeDtypeStruct((_N, 40), _f))


def kernel(x, edge_index, W_emb, b_emb, Wl1, bl1, Wr1, gamma1, beta1,
           Wl2, bl2, Wr2, gamma2, beta2, Wl3, bl3, Wr3, gamma3, beta3,
           W_cls, b_cls):
    src = edge_index[0].astype(jnp.int32)
    dst = edge_index[1].astype(jnp.int32)
    pad = _EP - _E
    src_p = jnp.concatenate([src, jnp.zeros((pad,), jnp.int32)])
    dst_p = jnp.concatenate(
        [dst, _N + (jnp.arange(pad, dtype=jnp.int32) % (_NR - _N))])
    src_p = src_p.reshape(_ROWS, _CHUNK)
    dst_p = dst_p.reshape(_ROWS, _CHUNK)

    p1, r1 = _dense_in(x, W_emb, b_emb, Wl1, bl1, Wr1)
    parts1, degp = _sc_agg_deg(src_p, dst_p, p1)
    d0 = degp[:_N].reshape(_N, 1)
    d1 = degp[_NR:_NR + _N].reshape(_N, 1)

    p2, r2 = _mid(parts1[0, :_N], parts1[1, :_N], d0, d1, r1,
                  gamma1, beta1, Wl2, bl2, Wr2)
    parts2, = _sc_agg(src_p, dst_p, p2)
    p3, r3 = _mid(parts2[0, :_N], parts2[1, :_N], d0, d1, r2,
                  gamma2, beta2, Wl3, bl3, Wr3)
    parts3, = _sc_agg(src_p, dst_p, p3)
    logits = _outk(parts3[0, :_N], parts3[1, :_N], d0, d1, r3,
                   gamma3, beta3, W_cls, b_cls)
    return logits

# --- scband reference (transcript-rebuilt; emitter-appended) ---
"""Pipeline reference for scband-graph-sage-graph-svx-foroptuna-51402168598679 (READ-ONLY COPY).

The authoritative reference and input builder live on the scoring server;
editing this copy changes nothing except your own understanding.
"""

import jax, jax.numpy as jnp
import numpy as np

N = 10000
E = 320000
D_IN = 128
D_HID = 128
D_OUT = 40


def _glorot(key, shape):
    fan_in, fan_out = shape[0], shape[1]
    lim = jnp.sqrt(6.0 / (fan_in + fan_out))
    return jax.random.uniform(key, shape, jnp.float32, -lim, lim)


def setup_inputs(seed: int = 0) -> dict:
    key = jax.random.key(seed)
    ks = jax.random.split(key, 16)
    inp = {}
    inp['x'] = jax.random.normal(ks[0], (N, D_IN), jnp.float32)
    inp['edge_index'] = jax.random.randint(ks[1], (2, E), 0, N, jnp.int64)
    # node_emb linear
    inp['W_emb'] = _glorot(ks[2], (D_IN, D_HID))
    inp['b_emb'] = jnp.zeros((D_HID,), jnp.float32)
    # three SAGEConv layers: lin_l (on aggregated neighbors) and lin_r (root)
    for i, k in zip((1, 2, 3), (ks[3], ks[4], ks[5])):
        k1, k2 = jax.random.split(k)
        inp[f'Wl{i}'] = _glorot(k1, (D_HID, D_HID))
        inp[f'bl{i}'] = jnp.zeros((D_HID,), jnp.float32)
        inp[f'Wr{i}'] = _glorot(k2, (D_HID, D_HID))
        inp[f'gamma{i}'] = jnp.ones((D_HID,), jnp.float32)
        inp[f'beta{i}'] = jnp.zeros((D_HID,), jnp.float32)
    inp['W_cls'] = _glorot(ks[6], (D_HID, D_OUT))
    inp['b_cls'] = jnp.zeros((D_OUT,), jnp.float32)
    return inp


def _sage_conv(x, src, dst, Wl, bl, Wr):
    msg = jnp.take(x, src, axis=0)
    agg = jax.ops.segment_sum(msg, dst, num_segments=x.shape[0])
    cnt = jax.ops.segment_sum(jnp.ones_like(dst, dtype=x.dtype), dst, num_segments=x.shape[0])
    agg = agg / jnp.maximum(cnt, 1.0)[:, None]
    return agg @ Wl + bl + x @ Wr


def _batch_norm(x, gamma, beta, eps=1e-5):
    mean = jnp.mean(x, axis=0)
    var = jnp.var(x, axis=0)
    return (x - mean) / jnp.sqrt(var + eps) * gamma + beta


def reference(x, edge_index, W_emb, b_emb,
              Wl1, bl1, Wr1, gamma1, beta1,
              Wl2, bl2, Wr2, gamma2, beta2,
              Wl3, bl3, Wr3, gamma3, beta3,
              W_cls, b_cls):
    src = edge_index[0]
    dst = edge_index[1]
    h = x @ W_emb + b_emb
    h = _sage_conv(h, src, dst, Wl1, bl1, Wr1)
    h = jax.nn.relu(_batch_norm(h, gamma1, beta1))
    h = _sage_conv(h, src, dst, Wl2, bl2, Wr2)
    h = jax.nn.relu(_batch_norm(h, gamma2, beta2))
    h = _sage_conv(h, src, dst, Wl3, bl3, Wr3)
    h = jax.nn.relu(_batch_norm(h, gamma3, beta3))
    logits = h @ W_cls + b_cls
    return logits

if __name__ == "__main__":
    import jax
    _d = setup_inputs()
    print(jax.jit(kernel)(*tuple(_d.values())))

</pallas_src>

<mosaic_0001>
#map = affine_map<(d0, d1) -> (0, 0)>
#map1 = affine_map<(d0, d1) -> (0, 0, 0)>
#map2 = affine_map<(d0, d1) -> (0)>
module attributes {stable_mosaic.version = 14 : i64} {
  func.func @sc_agg_deg(%arg0: i32, %arg1: i32, %arg2: memref<2560x128xi32, #tpu.memory_space<hbm>>, %arg3: memref<2560x128xi32, #tpu.memory_space<hbm>>, %arg4: memref<10000x128xf32, #tpu.memory_space<hbm>>, %arg5: memref<2x10112x128xf32, #tpu.memory_space<hbm>>, %arg6: memref<20224xf32, #tpu.memory_space<hbm>>, %arg7: memref<2x16x128xi32, #tpu.memory_space<vmem>>, %arg8: memref<16x128xi32, #tpu.memory_space<vmem>>, %arg9: memref<128x128xf32, #tpu.memory_space<vmem>>, %arg10: memref<128x128xf32, #tpu.memory_space<vmem>>, %arg11: memref<!tpu.dma_semaphore, #tpu.memory_space<semaphore_mem>>, %arg12: memref<!tpu.dma_semaphore, #tpu.memory_space<semaphore_mem>>, %arg13: memref<10112x128xf32, #tpu.memory_space<vmem_shared>>, %arg14: memref<128xf32, #tpu.memory_space<vmem>>, %arg15: memref<10112xf32, #tpu.memory_space<vmem_shared>>, %arg16: memref<632xf32, #tpu.memory_space<vmem>>) attributes {dimension_semantics = [#tpu.dimension_semantics<core_parallel>, #tpu.dimension_semantics<subcore_parallel>], iteration_bounds = array<i64: 2, 16>, scalar_prefetch = 0 : i64, scratch_operands = 10 : i64, tpu.core_type = #tpu.core_type<sc_vector_subcore>, window_params = [{transform_indices = #map}, {transform_indices = #map}, {transform_indices = #map}, {transform_indices = #map1}, {transform_indices = #map2}]} {
    %eq3A = arith.constant 0 : i32
    %eq3A_0 = arith.cmpi eq, %arg0, %eq3A : i32
    %jit3A = arith.constant 112 : i32
    %jit3A_1 = arith.constant 48 : i32
    %select_n3A = arith.select %eq3A_0, %jit3A, %jit3A_1 : i32
    %jit3A_2 = arith.constant 16 : i32
    %div3A = arith.divsi %select_n3A, %jit3A_2 : i32
    %sign3A = arith.constant 0 : i32
    %sign3A_3 = arith.cmpi sgt, %select_n3A, %sign3A : i32
    %sign3A_4 = arith.extui %sign3A_3 : i1 to i32
    %sign3A_5 = arith.constant 0 : i32
    %sign3A_6 = arith.cmpi slt, %select_n3A, %sign3A_5 : i32
    %sign3A_7 = arith.extui %sign3A_6 : i1 to i32
    %sign3A_8 = arith.subi %sign3A_4, %sign3A_7 : i32
    %sign3A_9 = arith.constant 0 : i32
    %sign3A_10 = arith.cmpi sgt, %jit3A_2, %sign3A_9 : i32
    %sign3A_11 = arith.extui %sign3A_10 : i1 to i32
    %sign3A_12 = arith.constant 0 : i32
    %sign3A_13 = arith.cmpi slt, %jit3A_2, %sign3A_12 : i32
    %sign3A_14 = arith.extui %sign3A_13 : i1 to i32
    %sign3A_15 = arith.subi %sign3A_11, %sign3A_14 : i32
    %ne3A = arith.cmpi ne, %sign3A_8, %sign3A_15 : i32
    %rem3A = arith.remsi %select_n3A, %jit3A_2 : i32
    %ne3A_16 = arith.constant 0 : i32
    %ne3A_17 = arith.cmpi ne, %rem3A, %ne3A_16 : i32
    %and3A = arith.andi %ne3A, %ne3A_17 : i1
    %sub3A = arith.constant 1 : i32
    %sub3A_18 = arith.subi %div3A, %sub3A : i32
    %select_n3A_19 = arith.select %and3A, %sub3A_18, %div3A : i32
    %mul3A = arith.constant 112 : i32
    %mul3A_20 = arith.muli %arg1, %mul3A : i32
    %mul3A_21 = arith.constant 48 : i32
    %mul3A_22 = arith.muli %arg1, %mul3A_21 : i32
    %add3A = arith.constant 1792 : i32
    %add3A_23 = arith.addi %add3A, %mul3A_22 : i32
    %select_n3A_24 = arith.select %eq3A_0, %mul3A_20, %add3A_23 : i32
    %mul3A_25 = arith.constant 632 : i32
    %mul3A_26 = arith.muli %arg1, %mul3A_25 : i32
    %scan3A = arith.constant 0 : i32
    %scan3A_27 = arith.constant 0 : i32
    %scan3A_28 = arith.constant 128 : i32
    %scan3A_29 = arith.addi %scan3A_27, %scan3A_28 : i32
    %scan3A_30 = arith.constant 1 : i32
    scf.for %scan3A_376 = %scan3A_27 to %scan3A_29 step %scan3A_30  : i32 {
      %broadcast_in_dim3A_377 = arith.constant 0.000000e+00 : f32
      %broadcast_in_dim3A_378 = vector.broadcast %broadcast_in_dim3A_377 : f32 to vector<16xf32>
      %swap3A_379 = arith.index_cast %scan3A_376 : i32 to index
      %swap3A_380 = arith.constant 0 : index
      %swap3A_381 = tpu.vector_load %arg9[%swap3A_379, %swap3A_380] {strides = array<i32>} : memref<128x128xf32, #tpu.memory_space<vmem>>, vector<1x16xf32>,
      %swap3A_382 = vector.shape_cast %swap3A_381 : vector<1x16xf32> to vector<16xf32>
      %swap3A_383 = vector.shape_cast %broadcast_in_dim3A_378 : vector<16xf32> to vector<1x16xf32>
      tpu.vector_store %arg9[%swap3A_379, %swap3A_380], %swap3A_383 {strides = array<i32>} : memref<128x128xf32, #tpu.memory_space<vmem>>, vector<1x16xf32>,
      %broadcast_in_dim3A_384 = arith.constant 0.000000e+00 : f32
      %broadcast_in_dim3A_385 = vector.broadcast %broadcast_in_dim3A_384 : f32 to vector<16xf32>
      %swap3A_386 = arith.index_cast %scan3A_376 : i32 to index
      %swap3A_387 = arith.constant 16 : index
      %swap3A_388 = tpu.vector_load %arg9[%swap3A_386, %swap3A_387] {strides = array<i32>} : memref<128x128xf32, #tpu.memory_space<vmem>>, vector<1x16xf32>,
      %swap3A_389 = vector.shape_cast %swap3A_388 : vector<1x16xf32> to vector<16xf32>
      %swap3A_390 = vector.shape_cast %broadcast_in_dim3A_385 : vector<16xf32> to vector<1x16xf32>
      tpu.vector_store %arg9[%swap3A_386, %swap3A_387], %swap3A_390 {strides = array<i32>} : memref<128x128xf32, #tpu.memory_space<vmem>>, vector<1x16xf32>,
      %broadcast_in_dim3A_391 = arith.constant 0.000000e+00 : f32
      %broadcast_in_dim3A_392 = vector.broadcast %broadcast_in_dim3A_391 : f32 to vector<16xf32>
      %swap3A_393 = arith.index_cast %scan3A_376 : i32 to index
      %swap3A_394 = arith.constant 32 : index
      %swap3A_395 = tpu.vector_load %arg9[%swap3A_393, %swap3A_394] {strides = array<i32>} : memref<128x128xf32, #tpu.memory_space<vmem>>, vector<1x16xf32>,
      %swap3A_396 = vector.shape_cast %swap3A_395 : vector<1x16xf32> to vector<16xf32>
      %swap3A_397 = vector.shape_cast %broadcast_in_dim3A_392 : vector<16xf32> to vector<1x16xf32>
      tpu.vector_store %arg9[%swap3A_393, %swap3A_394], %swap3A_397 {strides = array<i32>} : memref<128x128xf32, #tpu.memory_space<vmem>>, vector<1x16xf32>,
      %broadcast_in_dim3A_398 = arith.constant 0.000000e+00 : f32
      %broadcast_in_dim3A_399 = vector.broadcast %broadcast_in_dim3A_398 : f32 to vector<16xf32>
      %swap3A_400 = arith.index_cast %scan3A_376 : i32 to index
      %swap3A_401 = arith.constant 48 : index
      %swap3A_402 = tpu.vector_load %arg9[%swap3A_400, %swap3A_401] {strides = array<i32>} : memref<128x128xf32, #tpu.memory_space<vmem>>, vector<1x16xf32>,
      %swap3A_403 = vector.shape_cast %swap3A_402 : vector<1x16xf32> to vector<16xf32>
      %swap3A_404 = vector.shape_cast %broadcast_in_dim3A_399 : vector<16xf32> to vector<1x16xf32>
      tpu.vector_store %arg9[%swap3A_400, %swap3A_401], %swap3A_404 {strides = array<i32>} : memref<128x128xf32, #tpu.memory_space<vmem>>, vector<1x16xf32>,
      %broadcast_in_dim3A_405 = arith.constant 0.000000e+00 : f32
      %broadcast_in_dim3A_406 = vector.broadcast %broadcast_in_dim3A_405 : f32 to vector<16xf32>
      %swap3A_407 = arith.index_cast %scan3A_376 : i32 to index
      %swap3A_408 = arith.constant 64 : index
      %swap3A_409 = tpu.vector_load %arg9[%swap3A_407, %swap3A_408] {strides = array<i32>} : memref<128x128xf32, #tpu.memory_space<vmem>>, vector<1x16xf32>,
      %swap3A_410 = vector.shape_cast %swap3A_409 : vector<1x16xf32> to vector<16xf32>
      %swap3A_411 = vector.shape_cast %broadcast_in_dim3A_406 : vector<16xf32> to vector<1x16xf32>
      tpu.vector_store %arg9[%swap3A_407, %swap3A_408], %swap3A_411 {strides = array<i32>} : memref<128x128xf32, #tpu.memory_space<vmem>>, vector<1x16xf32>,
      %broadcast_in_dim3A_412 = arith.constant 0.000000e+00 : f32
      %broadcast_in_dim3A_413 = vector.broadcast %broadcast_in_dim3A_412 : f32 to vector<16xf32>
      %swap3A_414 = arith.index_cast %scan3A_376 : i32 to index
      %swap3A_415 = arith.constant 80 : index
      %swap3A_416 = tpu.vector_load %arg9[%swap3A_414, %swap3A_415] {strides = array<i32>} : memref<128x128xf32, #tpu.memory_space<vmem>>, vector<1x16xf32>,
      %swap3A_417 = vector.shape_cast %swap3A_416 : vector<1x16xf32> to vector<16xf32>
      %swap3A_418 = vector.shape_cast %broadcast_in_dim3A_413 : vector<16xf32> to vector<1x16xf32>
      tpu.vector_store %arg9[%swap3A_414, %swap3A_415], %swap3A_418 {strides = array<i32>} : memref<128x128xf32, #tpu.memory_space<vmem>>, vector<1x16xf32>,
      %broadcast_in_dim3A_419 = arith.constant 0.000000e+00 : f32
      %broadcast_in_dim3A_420 = vector.broadcast %broadcast_in_dim3A_419 : f32 to vector<16xf32>
      %swap3A_421 = arith.index_cast %scan3A_376 : i32 to index
      %swap3A_422 = arith.constant 96 : index
      %swap3A_423 = tpu.vector_load %arg9[%swap3A_421, %swap3A_422] {strides = array<i32>} : memref<128x128xf32, #tpu.memory_space<vmem>>, vector<1x16xf32>,
      %swap3A_424 = vector.shape_cast %swap3A_423 : vector<1x16xf32> to vector<16xf32>
      %swap3A_425 = vector.shape_cast %broadcast_in_dim3A_420 : vector<16xf32> to vector<1x16xf32>
      tpu.vector_store %arg9[%swap3A_421, %swap3A_422], %swap3A_425 {strides = array<i32>} : memref<128x128xf32, #tpu.memory_space<vmem>>, vector<1x16xf32>,
      %broadcast_in_dim3A_426 = arith.constant 0.000000e+00 : f32
      %broadcast_in_dim3A_427 = vector.broadcast %broadcast_in_dim3A_426 : f32 to vector<16xf32>
      %swap3A_428 = arith.index_cast %scan3A_376 : i32 to index
      %swap3A_429 = arith.constant 112 : index
      %swap3A_430 = tpu.vector_load %arg9[%swap3A_428, %swap3A_429] {strides = array<i32>} : memref<128x128xf32, #tpu.memory_space<vmem>>, vector<1x16xf32>,
      %swap3A_431 = vector.shape_cast %swap3A_430 : vector<1x16xf32> to vector<16xf32>
      %swap3A_432 = vector.shape_cast %broadcast_in_dim3A_427 : vector<16xf32> to vector<1x16xf32>
      tpu.vector_store %arg9[%swap3A_428, %swap3A_429], %swap3A_432 {strides = array<i32>} : memref<128x128xf32, #tpu.memory_space<vmem>>, vector<1x16xf32>,
    }
    %scan3A_31 = arith.constant 128 : i32
    %add3A_32 = arith.constant 0 : i32
    %add3A_33 = arith.addi %mul3A_26, %add3A_32 : i32
    "tpu.region"() ({
      %run_scoped3A_376 = tpu.sem_alloc : memref<!tpu.dma_semaphore, #tpu.memory_space<semaphore_mem>>
      %dma_start3A_377 = arith.constant 0 : i32
      %dma_start3A_378 = tpu.memref_slice %arg13[%add3A_33, %dma_start3A_377] : memref<10112x128xf32, #tpu.memory_space<vmem_shared>> -> memref<128x128xf32, #tpu.memory_space<vmem_shared>>
      %dma_start3A_379 = arith.constant 0 : i32
      %dma_start3A_380 = tpu.memref_slice %arg13[%add3A_33, %dma_start3A_379] : memref<10112x128xf32, #tpu.memory_space<vmem_shared>> -> memref<128x128xf32, #tpu.memory_space<vmem_shared>>
      tpu.enqueue_dma source(%arg9 : memref<128x128xf32, #tpu.memory_space<vmem>>) target(%dma_start3A_380 : memref<128x128xf32, #tpu.memory_space<vmem_shared>>) target_semaphore(%run_scoped3A_376 : memref<!tpu.dma_semaphore, #tpu.memory_space<semaphore_mem>>)
      %dma_wait3A = arith.constant 0 : i32
      %dma_wait3A_381 = tpu.memref_slice %arg13[%add3A_33, %dma_wait3A] : memref<10112x128xf32, #tpu.memory_space<vmem_shared>> -> memref<128x128xf32, #tpu.memory_space<vmem_shared>>
      %dma_wait3A_382 = arith.constant 0 : i32
      %dma_wait3A_383 = tpu.memref_slice %arg13[%add3A_33, %dma_wait3A_382] : memref<10112x128xf32, #tpu.memory_space<vmem_shared>> -> memref<128x128xf32, #tpu.memory_space<vmem_shared>>
      tpu.wait_dma2 semaphore(%run_scoped3A_376 : memref<!tpu.dma_semaphore, #tpu.memory_space<semaphore_mem>>) src(%arg9 : memref<128x128xf32, #tpu.memory_space<vmem>>) dst(%dma_wait3A_383 : memref<128x128xf32, #tpu.memory_space<vmem_shared>>)
      tpu.yield
    }) : () -> ()
    %add3A_34 = arith.constant 128 : i32
    %add3A_35 = arith.addi %mul3A_26, %add3A_34 : i32
    "tpu.region"() ({
      %run_scoped3A_376 = tpu.sem_alloc : memref<!tpu.dma_semaphore, #tpu.memory_space<semaphore_mem>>
      %dma_start3A_377 = arith.constant 0 : i32
      %dma_start3A_378 = tpu.memref_slice %arg13[%add3A_35, %dma_start3A_377] : memref<10112x128xf32, #tpu.memory_space<vmem_shared>> -> memref<128x128xf32, #tpu.memory_space<vmem_shared>>
      %dma_start3A_379 = arith.constant 0 : i32
      %dma_start3A_380 = tpu.memref_slice %arg13[%add3A_35, %dma_start3A_379] : memref<10112x128xf32, #tpu.memory_space<vmem_shared>> -> memref<128x128xf32, #tpu.memory_space<vmem_shared>>
      tpu.enqueue_dma source(%arg9 : memref<128x128xf32, #tpu.memory_space<vmem>>) target(%dma_start3A_380 : memref<128x128xf32, #tpu.memory_space<vmem_shared>>) target_semaphore(%run_scoped3A_376 : memref<!tpu.dma_semaphore, #tpu.memory_space<semaphore_mem>>)
      %dma_wait3A = arith.constant 0 : i32
      %dma_wait3A_381 = tpu.memref_slice %arg13[%add3A_35, %dma_wait3A] : memref<10112x128xf32, #tpu.memory_space<vmem_shared>> -> memref<128x128xf32, #tpu.memory_space<vmem_shared>>
      %dma_wait3A_382 = arith.constant 0 : i32
      %dma_wait3A_383 = tpu.memref_slice %arg13[%add3A_35, %dma_wait3A_382] : memref<10112x128xf32, #tpu.memory_space<vmem_shared>> -> memref<128x128xf32, #tpu.memory_space<vmem_shared>>
      tpu.wait_dma2 semaphore(%run_scoped3A_376 : memref<!tpu.dma_semaphore, #tpu.memory_space<semaphore_mem>>) src(%arg9 : memref<128x128xf32, #tpu.memory_space<vmem>>) dst(%dma_wait3A_383 : memref<128x128xf32, #tpu.memory_space<vmem_shared>>)
      tpu.yield
    }) : () -> ()
    %add3A_36 = arith.constant 256 : i32
    %add3A_37 = arith.addi %mul3A_26, %add3A_36 : i32
    "tpu.region"() ({
      %run_scoped3A_376 = tpu.sem_alloc : memref<!tpu.dma_semaphore, #tpu.memory_space<semaphore_mem>>
      %dma_start3A_377 = arith.constant 0 : i32
      %dma_start3A_378 = tpu.memref_slice %arg13[%add3A_37, %dma_start3A_377] : memref<10112x128xf32, #tpu.memory_space<vmem_shared>> -> memref<128x128xf32, #tpu.memory_space<vmem_shared>>
      %dma_start3A_379 = arith.constant 0 : i32
      %dma_start3A_380 = tpu.memref_slice %arg13[%add3A_37, %dma_start3A_379] : memref<10112x128xf32, #tpu.memory_space<vmem_shared>> -> memref<128x128xf32, #tpu.memory_space<vmem_shared>>
      tpu.enqueue_dma source(%arg9 : memref<128x128xf32, #tpu.memory_space<vmem>>) target(%dma_start3A_380 : memref<128x128xf32, #tpu.memory_space<vmem_shared>>) target_semaphore(%run_scoped3A_376 : memref<!tpu.dma_semaphore, #tpu.memory_space<semaphore_mem>>)
      %dma_wait3A = arith.constant 0 : i32
      %dma_wait3A_381 = tpu.memref_slice %arg13[%add3A_37, %dma_wait3A] : memref<10112x128xf32, #tpu.memory_space<vmem_shared>> -> memref<128x128xf32, #tpu.memory_space<vmem_shared>>
      %dma_wait3A_382 = arith.constant 0 : i32
      %dma_wait3A_383 = tpu.memref_slice %arg13[%add3A_37, %dma_wait3A_382] : memref<10112x128xf32, #tpu.memory_space<vmem_shared>> -> memref<128x128xf32, #tpu.memory_space<vmem_shared>>
      tpu.wait_dma2 semaphore(%run_scoped3A_376 : memref<!tpu.dma_semaphore, #tpu.memory_space<semaphore_mem>>) src(%arg9 : memref<128x128xf32, #tpu.memory_space<vmem>>) dst(%dma_wait3A_383 : memref<128x128xf32, #tpu.memory_space<vmem_shared>>)
      tpu.yield
    }) : () -> ()
    %add3A_38 = arith.constant 384 : i32
    %add3A_39 = arith.addi %mul3A_26, %add3A_38 : i32
    "tpu.region"() ({
      %run_scoped3A_376 = tpu.sem_alloc : memref<!tpu.dma_semaphore, #tpu.memory_space<semaphore_mem>>
      %dma_start3A_377 = arith.constant 0 : i32
      %dma_start3A_378 = tpu.memref_slice %arg13[%add3A_39, %dma_start3A_377] : memref<10112x128xf32, #tpu.memory_space<vmem_shared>> -> memref<128x128xf32, #tpu.memory_space<vmem_shared>>
      %dma_start3A_379 = arith.constant 0 : i32
      %dma_start3A_380 = tpu.memref_slice %arg13[%add3A_39, %dma_start3A_379] : memref<10112x128xf32, #tpu.memory_space<vmem_shared>> -> memref<128x128xf32, #tpu.memory_space<vmem_shared>>
      tpu.enqueue_dma source(%arg9 : memref<128x128xf32, #tpu.memory_space<vmem>>) target(%dma_start3A_380 : memref<128x128xf32, #tpu.memory_space<vmem_shared>>) target_semaphore(%run_scoped3A_376 : memref<!tpu.dma_semaphore, #tpu.memory_space<semaphore_mem>>)
      %dma_wait3A = arith.constant 0 : i32
      %dma_wait3A_381 = tpu.memref_slice %arg13[%add3A_39, %dma_wait3A] : memref<10112x128xf32, #tpu.memory_space<vmem_shared>> -> memref<128x128xf32, #tpu.memory_space<vmem_shared>>
      %dma_wait3A_382 = arith.constant 0 : i32
      %dma_wait3A_383 = tpu.memref_slice %arg13[%add3A_39, %dma_wait3A_382] : memref<10112x128xf32, #tpu.memory_space<vmem_shared>> -> memref<128x128xf32, #tpu.memory_space<vmem_shared>>
      tpu.wait_dma2 semaphore(%run_scoped3A_376 : memref<!tpu.dma_semaphore, #tpu.memory_space<semaphore_mem>>) src(%arg9 : memref<128x128xf32, #tpu.memory_space<vmem>>) dst(%dma_wait3A_383 : memref<128x128xf32, #tpu.memory_space<vmem_shared>>)
      tpu.yield
    }) : () -> ()
    %add3A_40 = arith.constant 512 : i32
    %add3A_41 = arith.addi %mul3A_26, %add3A_40 : i32
    "tpu.region"() ({
      %run_scoped3A_376 = tpu.sem_alloc : memref<!tpu.dma_semaphore, #tpu.memory_space<semaphore_mem>>
      %dma_start3A_377 = arith.constant 0 : i32
      %dma_start3A_378 = arith.constant 0 : i32
      %dma_start3A_379 = tpu.memref_slice %arg9[%dma_start3A_377, %dma_start3A_378] : memref<128x128xf32, #tpu.memory_space<vmem>> -> memref<120x128xf32, #tpu.memory_space<vmem>>
      %dma_start3A_380 = arith.constant 0 : i32
      %dma_start3A_381 = tpu.memref_slice %arg13[%add3A_41, %dma_start3A_380] : memref<10112x128xf32, #tpu.memory_space<vmem_shared>> -> memref<120x128xf32, #tpu.memory_space<vmem_shared>>
      %dma_start3A_382 = arith.constant 0 : i32
      %dma_start3A_383 = tpu.memref_slice %arg13[%add3A_41, %dma_start3A_382] : memref<10112x128xf32, #tpu.memory_space<vmem_shared>> -> memref<120x128xf32, #tpu.memory_space<vmem_shared>>
      %dma_start3A_384 = arith.constant 0 : i32
      %dma_start3A_385 = arith.constant 0 : i32
      %dma_start3A_386 = tpu.memref_slice %arg9[%dma_start3A_384, %dma_start3A_385] : memref<128x128xf32, #tpu.memory_space<vmem>> -> memref<120x128xf32, #tpu.memory_space<vmem>>
      tpu.enqueue_dma source(%dma_start3A_386 : memref<120x128xf32, #tpu.memory_space<vmem>>) target(%dma_start3A_383 : memref<120x128xf32, #tpu.memory_space<vmem_shared>>) target_semaphore(%run_scoped3A_376 : memref<!tpu.dma_semaphore, #tpu.memory_space<semaphore_mem>>)
      %dma_wait3A = arith.constant 0 : i32
      %dma_wait3A_387 = arith.constant 0 : i32
      %dma_wait3A_388 = tpu.memref_slice %arg9[%dma_wait3A, %dma_wait3A_387] : memref<128x128xf32, #tpu.memory_space<vmem>> -> memref<120x128xf32, #tpu.memory_space<vmem>>
      %dma_wait3A_389 = arith.constant 0 : i32
      %dma_wait3A_390 = tpu.memref_slice %arg13[%add3A_41, %dma_wait3A_389] : memref<10112x128xf32, #tpu.memory_space<vmem_shared>> -> memref<120x128xf32, #tpu.memory_space<vmem_shared>>
      %dma_wait3A_391 = arith.constant 0 : i32
      %dma_wait3A_392 = tpu.memref_slice %arg13[%add3A_41, %dma_wait3A_391] : memref<10112x128xf32, #tpu.memory_space<vmem_shared>> -> memref<120x128xf32, #tpu.memory_space<vmem_shared>>
      %dma_wait3A_393 = arith.constant 0 : i32
      %dma_wait3A_394 = arith.constant 0 : i32
      %dma_wait3A_395 = tpu.memref_slice %arg9[%dma_wait3A_393, %dma_wait3A_394] : memref<128x128xf32, #tpu.memory_space<vmem>> -> memref<120x128xf32, #tpu.memory_space<vmem>>
      tpu.wait_dma2 semaphore(%run_scoped3A_376 : memref<!tpu.dma_semaphore, #tpu.memory_space<semaphore_mem>>) src(%dma_wait3A_395 : memref<120x128xf32, #tpu.memory_space<vmem>>) dst(%dma_wait3A_392 : memref<120x128xf32, #tpu.memory_space<vmem_shared>>)
      tpu.yield
    }) : () -> ()
    %broadcast_in_dim3A = arith.constant 1.000000e+00 : f32
    %broadcast_in_dim3A_42 = vector.broadcast %broadcast_in_dim3A : f32 to vector<16xf32>
    %swap3A = arith.constant 0 : index
    %swap3A_43 = tpu.vector_load %arg14[%swap3A] {strides = array<i32>} : memref<128xf32, #tpu.memory_space<vmem>>, vector<16xf32>,
    %swap3A_44 = vector.shape_cast %swap3A_43 : vector<16xf32> to vector<16xf32>
    %swap3A_45 = vector.shape_cast %broadcast_in_dim3A_42 : vector<16xf32> to vector<16xf32>
    tpu.vector_store %arg14[%swap3A], %swap3A_45 {strides = array<i32>} : memref<128xf32, #tpu.memory_space<vmem>>, vector<16xf32>,
    %broadcast_in_dim3A_46 = arith.constant 1.000000e+00 : f32
    %broadcast_in_dim3A_47 = vector.broadcast %broadcast_in_dim3A_46 : f32 to vector<16xf32>
    %swap3A_48 = arith.constant 16 : index
    %swap3A_49 = tpu.vector_load %arg14[%swap3A_48] {strides = array<i32>} : memref<128xf32, #tpu.memory_space<vmem>>, vector<16xf32>,
    %swap3A_50 = vector.shape_cast %swap3A_49 : vector<16xf32> to vector<16xf32>
    %swap3A_51 = vector.shape_cast %broadcast_in_dim3A_47 : vector<16xf32> to vector<16xf32>
    tpu.vector_store %arg14[%swap3A_48], %swap3A_51 {strides = array<i32>} : memref<128xf32, #tpu.memory_space<vmem>>, vector<16xf32>,
    %broadcast_in_dim3A_52 = arith.constant 1.000000e+00 : f32
    %broadcast_in_dim3A_53 = vector.broadcast %broadcast_in_dim3A_52 : f32 to vector<16xf32>
    %swap3A_54 = arith.constant 32 : index
    %swap3A_55 = tpu.vector_load %arg14[%swap3A_54] {strides = array<i32>} : memref<128xf32, #tpu.memory_space<vmem>>, vector<16xf32>,
    %swap3A_56 = vector.shape_cast %swap3A_55 : vector<16xf32> to vector<16xf32>
    %swap3A_57 = vector.shape_cast %broadcast_in_dim3A_53 : vector<16xf32> to vector<16xf32>
    tpu.vector_store %arg14[%swap3A_54], %swap3A_57 {strides = array<i32>} : memref<128xf32, #tpu.memory_space<vmem>>, vector<16xf32>,
    %broadcast_in_dim3A_58 = arith.constant 1.000000e+00 : f32
    %broadcast_in_dim3A_59 = vector.broadcast %broadcast_in_dim3A_58 : f32 to vector<16xf32>
    %swap3A_60 = arith.constant 48 : index
    %swap3A_61 = tpu.vector_load %arg14[%swap3A_60] {strides = array<i32>} : memref<128xf32, #tpu.memory_space<vmem>>, vector<16xf32>,
    %swap3A_62 = vector.shape_cast %swap3A_61 : vector<16xf32> to vector<16xf32>
    %swap3A_63 = vector.shape_cast %broadcast_in_dim3A_59 : vector<16xf32> to vector<16xf32>
    tpu.vector_store %arg14[%swap3A_60], %swap3A_63 {strides = array<i32>} : memref<128xf32, #tpu.memory_space<vmem>>, vector<16xf32>,
    %broadcast_in_dim3A_64 = arith.constant 1.000000e+00 : f32
    %broadcast_in_dim3A_65 = vector.broadcast %broadcast_in_dim3A_64 : f32 to vector<16xf32>
    %swap3A_66 = arith.constant 64 : index
    %swap3A_67 = tpu.vector_load %arg14[%swap3A_66] {strides = array<i32>} : memref<128xf32, #tpu.memory_space<vmem>>, vector<16xf32>,
    %swap3A_68 = vector.shape_cast %swap3A_67 : vector<16xf32> to vector<16xf32>
    %swap3A_69 = vector.shape_cast %broadcast_in_dim3A_65 : vector<16xf32> to vector<16xf32>
    tpu.vector_store %arg14[%swap3A_66], %swap3A_69 {strides = array<i32>} : memref<128xf32, #tpu.memory_space<vmem>>, vector<16xf32>,
    %broadcast_in_dim3A_70 = arith.constant 1.000000e+00 : f32
    %broadcast_in_dim3A_71 = vector.broadcast %broadcast_in_dim3A_70 : f32 to vector<16xf32>
    %swap3A_72 = arith.constant 80 : index
    %swap3A_73 = tpu.vector_load %arg14[%swap3A_72] {strides = array<i32>} : memref<128xf32, #tpu.memory_space<vmem>>, vector<16xf32>,
    %swap3A_74 = vector.shape_cast %swap3A_73 : vector<16xf32> to vector<16xf32>
    %swap3A_75 = vector.shape_cast %broadcast_in_dim3A_71 : vector<16xf32> to vector<16xf32>
    tpu.vector_store %arg14[%swap3A_72], %swap3A_75 {strides = array<i32>} : memref<128xf32, #tpu.memory_space<vmem>>, vector<16xf32>,
    %broadcast_in_dim3A_76 = arith.constant 1.000000e+00 : f32
    %broadcast_in_dim3A_77 = vector.broadcast %broadcast_in_dim3A_76 : f32 to vector<16xf32>
    %swap3A_78 = arith.constant 96 : index
    %swap3A_79 = tpu.vector_load %arg14[%swap3A_78] {strides = array<i32>} : memref<128xf32, #tpu.memory_space<vmem>>, vector<16xf32>,
    %swap3A_80 = vector.shape_cast %swap3A_79 : vector<16xf32> to vector<16xf32>
    %swap3A_81 = vector.shape_cast %broadcast_in_dim3A_77 : vector<16xf32> to vector<16xf32>
    tpu.vector_store %arg14[%swap3A_78], %swap3A_81 {strides = array<i32>} : memref<128xf32, #tpu.memory_space<vmem>>, vector<16xf32>,
    %broadcast_in_dim3A_82 = arith.constant 1.000000e+00 : f32
    %broadcast_in_dim3A_83 = vector.broadcast %broadcast_in_dim3A_82 : f32 to vector<16xf32>
    %swap3A_84 = arith.constant 112 : index
    %swap3A_85 = tpu.vector_load %arg14[%swap3A_84] {strides = array<i32>} : memref<128xf32, #tpu.memory_space<vmem>>, vector<16xf32>,
    %swap3A_86 = vector.shape_cast %swap3A_85 : vector<16xf32> to vector<16xf32>
    %swap3A_87 = vector.shape_cast %broadcast_in_dim3A_83 : vector<16xf32> to vector<16xf32>
    tpu.vector_store %arg14[%swap3A_84], %swap3A_87 {strides = array<i32>} : memref<128xf32, #tpu.memory_space<vmem>>, vector<16xf32>,
    %broadcast_in_dim3A_88 = arith.constant 0.000000e+00 : f32
    %broadcast_in_dim3A_89 = vector.broadcast %broadcast_in_dim3A_88 : f32 to vector<16xf32>
    %swap3A_90 = arith.constant 0 : index
    %swap3A_91 = tpu.vector_load %arg16[%swap3A_90] {strides = array<i32>} : memref<632xf32, #tpu.memory_space<vmem>>, vector<16xf32>,
    %swap3A_92 = vector.shape_cast %swap3A_91 : vector<16xf32> to vector<16xf32>
    %swap3A_93 = vector.shape_cast %broadcast_in_dim3A_89 : vector<16xf32> to vector<16xf32>
    tpu.vector_store %arg16[%swap3A_90], %swap3A_93 {strides = array<i32>} : memref<632xf32, #tpu.memory_space<vmem>>, vector<16xf32>,
    %broadcast_in_dim3A_94 = arith.constant 0.000000e+00 : f32
    %broadcast_in_dim3A_95 = vector.broadcast %broadcast_in_dim3A_94 : f32 to vector<16xf32>
    %swap3A_96 = arith.constant 16 : index
    %swap3A_97 = tpu.vector_load %arg16[%swap3A_96] {strides = array<i32>} : memref<632xf32, #tpu.memory_space<vmem>>, vector<16xf32>,
    %swap3A_98 = vector.shape_cast %swap3A_97 : vector<16xf32> to vector<16xf32>
    %swap3A_99 = vector.shape_cast %broadcast_in_dim3A_95 : vector<16xf32> to vector<16xf32>
    tpu.vector_store %arg16[%swap3A_96], %swap3A_99 {strides = array<i32>} : memref<632xf32, #tpu.memory_space<vmem>>, vector<16xf32>,
    %broadcast_in_dim3A_100 = arith.constant 0.000000e+00 : f32
    %broadcast_in_dim3A_101 = vector.broadcast %broadcast_in_dim3A_100 : f32 to vector<16xf32>
    %swap3A_102 = arith.constant 32 : index
    %swap3A_103 = tpu.vector_load %arg16[%swap3A_102] {strides = array<i32>} : memref<632xf32, #tpu.memory_space<vmem>>, vector<16xf32>,
    %swap3A_104 = vector.shape_cast %swap3A_103 : vector<16xf32> to vector<16xf32>
    %swap3A_105 = vector.shape_cast %broadcast_in_dim3A_101 : vector<16xf32> to vector<16xf32>
    tpu.vector_store %arg16[%swap3A_102], %swap3A_105 {strides = array<i32>} : memref<632xf32, #tpu.memory_space<vmem>>, vector<16xf32>,
    %broadcast_in_dim3A_106 = arith.constant 0.000000e+00 : f32
    %broadcast_in_dim3A_107 = vector.broadcast %broadcast_in_dim3A_106 : f32 to vector<16xf32>
    %swap3A_108 = arith.constant 48 : index
    %swap3A_109 = tpu.vector_load %arg16[%swap3A_108] {strides = array<i32>} : memref<632xf32, #tpu.memory_space<vmem>>, vector<16xf32>,
    %swap3A_110 = vector.shape_cast %swap3A_109 : vector<16xf32> to vector<16xf32>
    %swap3A_111 = vector.shape_cast %broadcast_in_dim3A_107 : vector<16xf32> to vector<16xf32>
    tpu.vector_store %arg16[%swap3A_108], %swap3A_111 {strides = array<i32>} : memref<632xf32, #tpu.memory_space<vmem>>, vector<16xf32>,
    %broadcast_in_dim3A_112 = arith.constant 0.000000e+00 : f32
    %broadcast_in_dim3A_113 = vector.broadcast %broadcast_in_dim3A_112 : f32 to vector<16xf32>
    %swap3A_114 = arith.constant 64 : index
    %swap3A_115 = tpu.vector_load %arg16[%swap3A_114] {strides = array<i32>} : memref<632xf32, #tpu.memory_space<vmem>>, vector<16xf32>,
    %swap3A_116 = vector.shape_cast %swap3A_115 : vector<16xf32> to vector<16xf32>
    %swap3A_117 = vector.shape_cast %broadcast_in_dim3A_113 : vector<16xf32> to vector<16xf32>
    tpu.vector_store %arg16[%swap3A_114], %swap3A_117 {strides = array<i32>} : memref<632xf32, #tpu.memory_space<vmem>>, vector<16xf32>,
    %broadcast_in_dim3A_118 = arith.constant 0.000000e+00 : f32
    %broadcast_in_dim3A_119 = vector.broadcast %broadcast_in_dim3A_118 : f32 to vector<16xf32>
    %swap3A_120 = arith.constant 80 : index
    %swap3A_121 = tpu.vector_load %arg16[%swap3A_120] {strides = array<i32>} : memref<632xf32, #tpu.memory_space<vmem>>, vector<16xf32>,
    %swap3A_122 = vector.shape_cast %swap3A_121 : vector<16xf32> to vector<16xf32>
    %swap3A_123 = vector.shape_cast %broadcast_in_dim3A_119 : vector<16xf32> to vector<16xf32>
    tpu.vector_store %arg16[%swap3A_120], %swap3A_123 {strides = array<i32>} : memref<632xf32, #tpu.memory_space<vmem>>, vector<16xf32>,
    %broadcast_in_dim3A_124 = arith.constant 0.000000e+00 : f32
    %broadcast_in_dim3A_125 = vector.broadcast %broadcast_in_dim3A_124 : f32 to vector<16xf32>
    %swap3A_126 = arith.constant 96 : index
    %swap3A_127 = tpu.vector_load %arg16[%swap3A_126] {strides = array<i32>} : memref<632xf32, #tpu.memory_space<vmem>>, vector<16xf32>,
    %swap3A_128 = vector.shape_cast %swap3A_127 : vector<16xf32> to vector<16xf32>
    %swap3A_129 = vector.shape_cast %broadcast_in_dim3A_125 : vector<16xf32> to vector<16xf32>
    tpu.vector_store %arg16[%swap3A_126], %swap3A_129 {strides = array<i32>} : memref<632xf32, #tpu.memory_space<vmem>>, vector<16xf32>,
    %broadcast_in_dim3A_130 = arith.constant 0.000000e+00 : f32
    %broadcast_in_dim3A_131 = vector.broadcast %broadcast_in_dim3A_130 : f32 to vector<16xf32>
    %swap3A_132 = arith.constant 112 : index
    %swap3A_133 = tpu.vector_load %arg16[%swap3A_132] {strides = array<i32>} : memref<632xf32, #tpu.memory_space<vmem>>, vector<16xf32>,
    %swap3A_134 = vector.shape_cast %swap3A_133 : vector<16xf32> to vector<16xf32>
    %swap3A_135 = vector.shape_cast %broadcast_in_dim3A_131 : vector<16xf32> to vector<16xf32>
    tpu.vector_store %arg16[%swap3A_132], %swap3A_135 {strides = array<i32>} : memref<632xf32, #tpu.memory_space<vmem>>, vector<16xf32>,
    %broadcast_in_dim3A_136 = arith.constant 0.000000e+00 : f32
    %broadcast_in_dim3A_137 = vector.broadcast %broadcast_in_dim3A_136 : f32 to vector<16xf32>
    %swap3A_138 = arith.constant 128 : index
    %swap3A_139 = tpu.vector_load %arg16[%swap3A_138] {strides = array<i32>} : memref<632xf32, #tpu.memory_space<vmem>>, vector<16xf32>,
    %swap3A_140 = vector.shape_cast %swap3A_139 : vector<16xf32> to vector<16xf32>
    %swap3A_141 = vector.shape_cast %broadcast_in_dim3A_137 : vector<16xf32> to vector<16xf32>
    tpu.vector_store %arg16[%swap3A_138], %swap3A_141 {strides = array<i32>} : memref<632xf32, #tpu.memory_space<vmem>>, vector<16xf32>,
    %broadcast_in_dim3A_142 = arith.constant 0.000000e+00 : f32
    %broadcast_in_dim3A_143 = vector.broadcast %broadcast_in_dim3A_142 : f32 to vector<16xf32>
    %swap3A_144 = arith.constant 144 : index
    %swap3A_145 = tpu.vector_load %arg16[%swap3A_144] {strides = array<i32>} : memref<632xf32, #tpu.memory_space<vmem>>, vector<16xf32>,
    %swap3A_146 = vector.shape_cast %swap3A_145 : vector<16xf32> to vector<16xf32>
    %swap3A_147 = vector.shape_cast %broadcast_in_dim3A_143 : vector<16xf32> to vector<16xf32>
    tpu.vector_store %arg16[%swap3A_144], %swap3A_147 {strides = array<i32>} : memref<632xf32, #tpu.memory_space<vmem>>, vector<16xf32>,
    %broadcast_in_dim3A_148 = arith.constant 0.000000e+00 : f32
    %broadcast_in_dim3A_149 = vector.broadcast %broadcast_in_dim3A_148 : f32 to vector<16xf32>
    %swap3A_150 = arith.constant 160 : index
    %swap3A_151 = tpu.vector_load %arg16[%swap3A_150] {strides = array<i32>} : memref<632xf32, #tpu.memory_space<vmem>>, vector<16xf32>,
    %swap3A_152 = vector.shape_cast %swap3A_151 : vector<16xf32> to vector<16xf32>
    %swap3A_153 = vector.shape_cast %broadcast_in_dim3A_149 : vector<16xf32> to vector<16xf32>
    tpu.vector_store %arg16[%swap3A_150], %swap3A_153 {strides = array<i32>} : memref<632xf32, #tpu.memory_space<vmem>>, vector<16xf32>,
    %broadcast_in_dim3A_154 = arith.constant 0.000000e+00 : f32
    %broadcast_in_dim3A_155 = vector.broadcast %broadcast_in_dim3A_154 : f32 to vector<16xf32>
    %swap3A_156 = arith.constant 176 : index
    %swap3A_157 = tpu.vector_load %arg16[%swap3A_156] {strides = array<i32>} : memref<632xf32, #tpu.memory_space<vmem>>, vector<16xf32>,
    %swap3A_158 = vector.shape_cast %swap3A_157 : vector<16xf32> to vector<16xf32>
    %swap3A_159 = vector.shape_cast %broadcast_in_dim3A_155 : vector<16xf32> to vector<16xf32>
    tpu.vector_store %arg16[%swap3A_156], %swap3A_159 {strides = array<i32>} : memref<632xf32, #tpu.memory_space<vmem>>, vector<16xf32>,
    %broadcast_in_dim3A_160 = arith.constant 0.000000e+00 : f32
    %broadcast_in_dim3A_161 = vector.broadcast %broadcast_in_dim3A_160 : f32 to vector<16xf32>
    %swap3A_162 = arith.constant 192 : index
    %swap3A_163 = tpu.vector_load %arg16[%swap3A_162] {strides = array<i32>} : memref<632xf32, #tpu.memory_space<vmem>>, vector<16xf32>,
    %swap3A_164 = vector.shape_cast %swap3A_163 : vector<16xf32> to vector<16xf32>
    %swap3A_165 = vector.shape_cast %broadcast_in_dim3A_161 : vector<16xf32> to vector<16xf32>
    tpu.vector_store %arg16[%swap3A_162], %swap3A_165 {strides = array<i32>} : memref<632xf32, #tpu.memory_space<vmem>>, vector<16xf32>,
    %broadcast_in_dim3A_166 = arith.constant 0.000000e+00 : f32
    %broadcast_in_dim3A_167 = vector.broadcast %broadcast_in_dim3A_166 : f32 to vector<16xf32>
    %swap3A_168 = arith.constant 208 : index
    %swap3A_169 = tpu.vector_load %arg16[%swap3A_168] {strides = array<i32>} : memref<632xf32, #tpu.memory_space<vmem>>, vector<16xf32>,
    %swap3A_170 = vector.shape_cast %swap3A_169 : vector<16xf32> to vector<16xf32>
    %swap3A_171 = vector.shape_cast %broadcast_in_dim3A_167 : vector<16xf32> to vector<16xf32>
    tpu.vector_store %arg16[%swap3A_168], %swap3A_171 {strides = array<i32>} : memref<632xf32, #tpu.memory_space<vmem>>, vector<16xf32>,
    %broadcast_in_dim3A_172 = arith.constant 0.000000e+00 : f32
    %broadcast_in_dim3A_173 = vector.broadcast %broadcast_in_dim3A_172 : f32 to vector<16xf32>
    %swap3A_174 = arith.constant 224 : index
    %swap3A_175 = tpu.vector_load %arg16[%swap3A_174] {strides = array<i32>} : memref<632xf32, #tpu.memory_space<vmem>>, vector<16xf32>,
    %swap3A_176 = vector.shape_cast %swap3A_175 : vector<16xf32> to vector<16xf32>
    %swap3A_177 = vector.shape_cast %broadcast_in_dim3A_173 : vector<16xf32> to vector<16xf32>
    tpu.vector_store %arg16[%swap3A_174], %swap3A_177 {strides = array<i32>} : memref<632xf32, #tpu.memory_space<vmem>>, vector<16xf32>,
    %broadcast_in_dim3A_178 = arith.constant 0.000000e+00 : f32
    %broadcast_in_dim3A_179 = vector.broadcast %broadcast_in_dim3A_178 : f32 to vector<16xf32>
    %swap3A_180 = arith.constant 240 : index
    %swap3A_181 = tpu.vector_load %arg16[%swap3A_180] {strides = array<i32>} : memref<632xf32, #tpu.memory_space<vmem>>, vector<16xf32>,
    %swap3A_182 = vector.shape_cast %swap3A_181 : vector<16xf32> to vector<16xf32>
    %swap3A_183 = vector.shape_cast %broadcast_in_dim3A_179 : vector<16xf32> to vector<16xf32>
    tpu.vector_store %arg16[%swap3A_180], %swap3A_183 {strides = array<i32>} : memref<632xf32, #tpu.memory_space<vmem>>, vector<16xf32>,
    %broadcast_in_dim3A_184 = arith.constant 0.000000e+00 : f32
    %broadcast_in_dim3A_185 = vector.broadcast %broadcast_in_dim3A_184 : f32 to vector<16xf32>
    %swap3A_186 = arith.constant 256 : index
    %swap3A_187 = tpu.vector_load %arg16[%swap3A_186] {strides = array<i32>} : memref<632xf32, #tpu.memory_space<vmem>>, vector<16xf32>,
    %swap3A_188 = vector.shape_cast %swap3A_187 : vector<16xf32> to vector<16xf32>
    %swap3A_189 = vector.shape_cast %broadcast_in_dim3A_185 : vector<16xf32> to vector<16xf32>
    tpu.vector_store %arg16[%swap3A_186], %swap3A_189 {strides = array<i32>} : memref<632xf32, #tpu.memory_space<vmem>>, vector<16xf32>,
    %broadcast_in_dim3A_190 = arith.constant 0.000000e+00 : f32
    %broadcast_in_dim3A_191 = vector.broadcast %broadcast_in_dim3A_190 : f32 to vector<16xf32>
    %swap3A_192 = arith.constant 272 : index
    %swap3A_193 = tpu.vector_load %arg16[%swap3A_192] {strides = array<i32>} : memref<632xf32, #tpu.memory_space<vmem>>, vector<16xf32>,
    %swap3A_194 = vector.shape_cast %swap3A_193 : vector<16xf32> to vector<16xf32>
    %swap3A_195 = vector.shape_cast %broadcast_in_dim3A_191 : vector<16xf32> to vector<16xf32>
    tpu.vector_store %arg16[%swap3A_192], %swap3A_195 {strides = array<i32>} : memref<632xf32, #tpu.memory_space<vmem>>, vector<16xf32>,
    %broadcast_in_dim3A_196 = arith.constant 0.000000e+00 : f32
    %broadcast_in_dim3A_197 = vector.broadcast %broadcast_in_dim3A_196 : f32 to vector<16xf32>
    %swap3A_198 = arith.constant 288 : index
    %swap3A_199 = tpu.vector_load %arg16[%swap3A_198] {strides = array<i32>} : memref<632xf32, #tpu.memory_space<vmem>>, vector<16xf32>,
    %swap3A_200 = vector.shape_cast %swap3A_199 : vector<16xf32> to vector<16xf32>
    %swap3A_201 = vector.shape_cast %broadcast_in_dim3A_197 : vector<16xf32> to vector<16xf32>
    tpu.vector_store %arg16[%swap3A_198], %swap3A_201 {strides = array<i32>} : memref<632xf32, #tpu.memory_space<vmem>>, vector<16xf32>,
    %broadcast_in_dim3A_202 = arith.constant 0.000000e+00 : f32
    %broadcast_in_dim3A_203 = vector.broadcast %broadcast_in_dim3A_202 : f32 to vector<16xf32>
    %swap3A_204 = arith.constant 304 : index
    %swap3A_205 = tpu.vector_load %arg16[%swap3A_204] {strides = array<i32>} : memref<632xf32, #tpu.memory_space<vmem>>, vector<16xf32>,
    %swap3A_206 = vector.shape_cast %swap3A_205 : vector<16xf32> to vector<16xf32>
    %swap3A_207 = vector.shape_cast %broadcast_in_dim3A_203 : vector<16xf32> to vector<16xf32>
    tpu.vector_store %arg16[%swap3A_204], %swap3A_207 {strides = array<i32>} : memref<632xf32, #tpu.memory_space<vmem>>, vector<16xf32>,
    %broadcast_in_dim3A_208 = arith.constant 0.000000e+00 : f32
    %broadcast_in_dim3A_209 = vector.broadcast %broadcast_in_dim3A_208 : f32 to vector<16xf32>
    %swap3A_210 = arith.constant 320 : index
    %swap3A_211 = tpu.vector_load %arg16[%swap3A_210] {strides = array<i32>} : memref<632xf32, #tpu.memory_space<vmem>>, vector<16xf32>,
    %swap3A_212 = vector.shape_cast %swap3A_211 : vector<16xf32> to vector<16xf32>
    %swap3A_213 = vector.shape_cast %broadcast_in_dim3A_209 : vector<16xf32> to vector<16xf32>
    tpu.vector_store %arg16[%swap3A_210], %swap3A_213 {strides = array<i32>} : memref<632xf32, #tpu.memory_space<vmem>>, vector<16xf32>,
    %broadcast_in_dim3A_214 = arith.constant 0.000000e+00 : f32
    %broadcast_in_dim3A_215 = vector.broadcast %broadcast_in_dim3A_214 : f32 to vector<16xf32>
    %swap3A_216 = arith.constant 336 : index
    %swap3A_217 = tpu.vector_load %arg16[%swap3A_216] {strides = array<i32>} : memref<632xf32, #tpu.memory_space<vmem>>, vector<16xf32>,
    %swap3A_218 = vector.shape_cast %swap3A_217 : vector<16xf32> to vector<16xf32>
    %swap3A_219 = vector.shape_cast %broadcast_in_dim3A_215 : vector<16xf32> to vector<16xf32>
    tpu.vector_store %arg16[%swap3A_216], %swap3A_219 {strides = array<i32>} : memref<632xf32, #tpu.memory_space<vmem>>, vector<16xf32>,
    %broadcast_in_dim3A_220 = arith.constant 0.000000e+00 : f32
    %broadcast_in_dim3A_221 = vector.broadcast %broadcast_in_dim3A_220 : f32 to vector<16xf32>
    %swap3A_222 = arith.constant 352 : index
    %swap3A_223 = tpu.vector_load %arg16[%swap3A_222] {strides = array<i32>} : memref<632xf32, #tpu.memory_space<vmem>>, vector<16xf32>,
    %swap3A_224 = vector.shape_cast %swap3A_223 : vector<16xf32> to vector<16xf32>
    %swap3A_225 = vector.shape_cast %broadcast_in_dim3A_221 : vector<16xf32> to vector<16xf32>
    tpu.vector_store %arg16[%swap3A_222], %swap3A_225 {strides = array<i32>} : memref<632xf32, #tpu.memory_space<vmem>>, vector<16xf32>,
    %broadcast_in_dim3A_226 = arith.constant 0.000000e+00 : f32
    %broadcast_in_dim3A_227 = vector.broadcast %broadcast_in_dim3A_226 : f32 to vector<16xf32>
    %swap3A_228 = arith.constant 368 : index
    %swap3A_229 = tpu.vector_load %arg16[%swap3A_228] {strides = array<i32>} : memref<632xf32, #tpu.memory_space<vmem>>, vector<16xf32>,
    %swap3A_230 = vector.shape_cast %swap3A_229 : vector<16xf32> to vector<16xf32>
    %swap3A_231 = vector.shape_cast %broadcast_in_dim3A_227 : vector<16xf32> to vector<16xf32>
    tpu.vector_store %arg16[%swap3A_228], %swap3A_231 {strides = array<i32>} : memref<632xf32, #tpu.memory_space<vmem>>, vector<16xf32>,
    %broadcast_in_dim3A_232 = arith.constant 0.000000e+00 : f32
    %broadcast_in_dim3A_233 = vector.broadcast %broadcast_in_dim3A_232 : f32 to vector<16xf32>
    %swap3A_234 = arith.constant 384 : index
    %swap3A_235 = tpu.vector_load %arg16[%swap3A_234] {strides = array<i32>} : memref<632xf32, #tpu.memory_space<vmem>>, vector<16xf32>,
    %swap3A_236 = vector.shape_cast %swap3A_235 : vector<16xf32> to vector<16xf32>
    %swap3A_237 = vector.shape_cast %broadcast_in_dim3A_233 : vector<16xf32> to vector<16xf32>
    tpu.vector_store %arg16[%swap3A_234], %swap3A_237 {strides = array<i32>} : memref<632xf32, #tpu.memory_space<vmem>>, vector<16xf32>,
    %broadcast_in_dim3A_238 = arith.constant 0.000000e+00 : f32
    %broadcast_in_dim3A_239 = vector.broadcast %broadcast_in_dim3A_238 : f32 to vector<16xf32>
    %swap3A_240 = arith.constant 400 : index
    %swap3A_241 = tpu.vector_load %arg16[%swap3A_240] {strides = array<i32>} : memref<632xf32, #tpu.memory_space<vmem>>, vector<16xf32>,
    %swap3A_242 = vector.shape_cast %swap3A_241 : vector<16xf32> to vector<16xf32>
    %swap3A_243 = vector.shape_cast %broadcast_in_dim3A_239 : vector<16xf32> to vector<16xf32>
    tpu.vector_store %arg16[%swap3A_240], %swap3A_243 {strides = array<i32>} : memref<632xf32, #tpu.memory_space<vmem>>, vector<16xf32>,
    %broadcast_in_dim3A_244 = arith.constant 0.000000e+00 : f32
    %broadcast_in_dim3A_245 = vector.broadcast %broadcast_in_dim3A_244 : f32 to vector<16xf32>
    %swap3A_246 = arith.constant 416 : index
    %swap3A_247 = tpu.vector_load %arg16[%swap3A_246] {strides = array<i32>} : memref<632xf32, #tpu.memory_space<vmem>>, vector<16xf32>,
    %swap3A_248 = vector.shape_cast %swap3A_247 : vector<16xf32> to vector<16xf32>
    %swap3A_249 = vector.shape_cast %broadcast_in_dim3A_245 : vector<16xf32> to vector<16xf32>
    tpu.vector_store %arg16[%swap3A_246], %swap3A_249 {strides = array<i32>} : memref<632xf32, #tpu.memory_space<vmem>>, vector<16xf32>,
    %broadcast_in_dim3A_250 = arith.constant 0.000000e+00 : f32
    %broadcast_in_dim3A_251 = vector.broadcast %broadcast_in_dim3A_250 : f32 to vector<16xf32>
    %swap3A_252 = arith.constant 432 : index
    %swap3A_253 = tpu.vector_load %arg16[%swap3A_252] {strides = array<i32>} : memref<632xf32, #tpu.memory_space<vmem>>, vector<16xf32>,
    %swap3A_254 = vector.shape_cast %swap3A_253 : vector<16xf32> to vector<16xf32>
    %swap3A_255 = vector.shape_cast %broadcast_in_dim3A_251 : vector<16xf32> to vector<16xf32>
    tpu.vector_store %arg16[%swap3A_252], %swap3A_255 {strides = array<i32>} : memref<632xf32, #tpu.memory_space<vmem>>, vector<16xf32>,
    %broadcast_in_dim3A_256 = arith.constant 0.000000e+00 : f32
    %broadcast_in_dim3A_257 = vector.broadcast %broadcast_in_dim3A_256 : f32 to vector<16xf32>
    %swap3A_258 = arith.constant 448 : index
    %swap3A_259 = tpu.vector_load %arg16[%swap3A_258] {strides = array<i32>} : memref<632xf32, #tpu.memory_space<vmem>>, vector<16xf32>,
    %swap3A_260 = vector.shape_cast %swap3A_259 : vector<16xf32> to vector<16xf32>
    %swap3A_261 = vector.shape_cast %broadcast_in_dim3A_257 : vector<16xf32> to vector<16xf32>
    tpu.vector_store %arg16[%swap3A_258], %swap3A_261 {strides = array<i32>} : memref<632xf32, #tpu.memory_space<vmem>>, vector<16xf32>,
    %broadcast_in_dim3A_262 = arith.constant 0.000000e+00 : f32
    %broadcast_in_dim3A_263 = vector.broadcast %broadcast_in_dim3A_262 : f32 to vector<16xf32>
    %swap3A_264 = arith.constant 464 : index
    %swap3A_265 = tpu.vector_load %arg16[%swap3A_264] {strides = array<i32>} : memref<632xf32, #tpu.memory_space<vmem>>, vector<16xf32>,
    %swap3A_266 = vector.shape_cast %swap3A_265 : vector<16xf32> to vector<16xf32>
    %swap3A_267 = vector.shape_cast %broadcast_in_dim3A_263 : vector<16xf32> to vector<16xf32>
    tpu.vector_store %arg16[%swap3A_264], %swap3A_267 {strides = array<i32>} : memref<632xf32, #tpu.memory_space<vmem>>, vector<16xf32>,
    %broadcast_in_dim3A_268 = arith.constant 0.000000e+00 : f32
    %broadcast_in_dim3A_269 = vector.broadcast %broadcast_in_dim3A_268 : f32 to vector<16xf32>
    %swap3A_270 = arith.constant 480 : index
    %swap3A_271 = tpu.vector_load %arg16[%swap3A_270] {strides = array<i32>} : memref<632xf32, #tpu.memory_space<vmem>>, vector<16xf32>,
    %swap3A_272 = vector.shape_cast %swap3A_271 : vector<16xf32> to vector<16xf32>
    %swap3A_273 = vector.shape_cast %broadcast_in_dim3A_269 : vector<16xf32> to vector<16xf32>
    tpu.vector_store %arg16[%swap3A_270], %swap3A_273 {strides = array<i32>} : memref<632xf32, #tpu.memory_space<vmem>>, vector<16xf32>,
    %broadcast_in_dim3A_274 = arith.constant 0.000000e+00 : f32
    %broadcast_in_dim3A_275 = vector.broadcast %broadcast_in_dim3A_274 : f32 to vector<16xf32>
    %swap3A_276 = arith.constant 496 : index
    %swap3A_277 = tpu.vector_load %arg16[%swap3A_276] {strides = array<i32>} : memref<632xf32, #tpu.memory_space<vmem>>, vector<16xf32>,
    %swap3A_278 = vector.shape_cast %swap3A_277 : vector<16xf32> to vector<16xf32>
    %swap3A_279 = vector.shape_cast %broadcast_in_dim3A_275 : vector<16xf32> to vector<16xf32>
    tpu.vector_store %arg16[%swap3A_276], %swap3A_279 {strides = array<i32>} : memref<632xf32, #tpu.memory_space<vmem>>, vector<16xf32>,
    %broadcast_in_dim3A_280 = arith.constant 0.000000e+00 : f32
    %broadcast_in_dim3A_281 = vector.broadcast %broadcast_in_dim3A_280 : f32 to vector<16xf32>
    %swap3A_282 = arith.constant 512 : index
    %swap3A_283 = tpu.vector_load %arg16[%swap3A_282] {strides = array<i32>} : memref<632xf32, #tpu.memory_space<vmem>>, vector<16xf32>,
    %swap3A_284 = vector.shape_cast %swap3A_283 : vector<16xf32> to vector<16xf32>
    %swap3A_285 = vector.shape_cast %broadcast_in_dim3A_281 : vector<16xf32> to vector<16xf32>
    tpu.vector_store %arg16[%swap3A_282], %swap3A_285 {strides = array<i32>} : memref<632xf32, #tpu.memory_space<vmem>>, vector<16xf32>,
    %broadcast_in_dim3A_286 = arith.constant 0.000000e+00 : f32
    %broadcast_in_dim3A_287 = vector.broadcast %broadcast_in_dim3A_286 : f32 to vector<16xf32>
    %swap3A_288 = arith.constant 528 : index
    %swap3A_289 = tpu.vector_load %arg16[%swap3A_288] {strides = array<i32>} : memref<632xf32, #tpu.memory_space<vmem>>, vector<16xf32>,
    %swap3A_290 = vector.shape_cast %swap3A_289 : vector<16xf32> to vector<16xf32>
    %swap3A_291 = vector.shape_cast %broadcast_in_dim3A_287 : vector<16xf32> to vector<16xf32>
    tpu.vector_store %arg16[%swap3A_288], %swap3A_291 {strides = array<i32>} : memref<632xf32, #tpu.memory_space<vmem>>, vector<16xf32>,
    %broadcast_in_dim3A_292 = arith.constant 0.000000e+00 : f32
    %broadcast_in_dim3A_293 = vector.broadcast %broadcast_in_dim3A_292 : f32 to vector<16xf32>
    %swap3A_294 = arith.constant 544 : index
    %swap3A_295 = tpu.vector_load %arg16[%swap3A_294] {strides = array<i32>} : memref<632xf32, #tpu.memory_space<vmem>>, vector<16xf32>,
    %swap3A_296 = vector.shape_cast %swap3A_295 : vector<16xf32> to vector<16xf32>
    %swap3A_297 = vector.shape_cast %broadcast_in_dim3A_293 : vector<16xf32> to vector<16xf32>
    tpu.vector_store %arg16[%swap3A_294], %swap3A_297 {strides = array<i32>} : memref<632xf32, #tpu.memory_space<vmem>>, vector<16xf32>,
    %broadcast_in_dim3A_298 = arith.constant 0.000000e+00 : f32
    %broadcast_in_dim3A_299 = vector.broadcast %broadcast_in_dim3A_298 : f32 to vector<16xf32>
    %swap3A_300 = arith.constant 560 : index
    %swap3A_301 = tpu.vector_load %arg16[%swap3A_300] {strides = array<i32>} : memref<632xf32, #tpu.memory_space<vmem>>, vector<16xf32>,
    %swap3A_302 = vector.shape_cast %swap3A_301 : vector<16xf32> to vector<16xf32>
    %swap3A_303 = vector.shape_cast %broadcast_in_dim3A_299 : vector<16xf32> to vector<16xf32>
    tpu.vector_store %arg16[%swap3A_300], %swap3A_303 {strides = array<i32>} : memref<632xf32, #tpu.memory_space<vmem>>, vector<16xf32>,
    %broadcast_in_dim3A_304 = arith.constant 0.000000e+00 : f32
    %broadcast_in_dim3A_305 = vector.broadcast %broadcast_in_dim3A_304 : f32 to vector<16xf32>
    %swap3A_306 = arith.constant 576 : index
    %swap3A_307 = tpu.vector_load %arg16[%swap3A_306] {strides = array<i32>} : memref<632xf32, #tpu.memory_space<vmem>>, vector<16xf32>,
    %swap3A_308 = vector.shape_cast %swap3A_307 : vector<16xf32> to vector<16xf32>
    %swap3A_309 = vector.shape_cast %broadcast_in_dim3A_305 : vector<16xf32> to vector<16xf32>
    tpu.vector_store %arg16[%swap3A_306], %swap3A_309 {strides = array<i32>} : memref<632xf32, #tpu.memory_space<vmem>>, vector<16xf32>,
    %broadcast_in_dim3A_310 = arith.constant 0.000000e+00 : f32
    %broadcast_in_dim3A_311 = vector.broadcast %broadcast_in_dim3A_310 : f32 to vector<16xf32>
    %swap3A_312 = arith.constant 592 : index
    %swap3A_313 = tpu.vector_load %arg16[%swap3A_312] {strides = array<i32>} : memref<632xf32, #tpu.memory_space<vmem>>, vector<16xf32>,
    %swap3A_314 = vector.shape_cast %swap3A_313 : vector<16xf32> to vector<16xf32>
    %swap3A_315 = vector.shape_cast %broadcast_in_dim3A_311 : vector<16xf32> to vector<16xf32>
    tpu.vector_store %arg16[%swap3A_312], %swap3A_315 {strides = array<i32>} : memref<632xf32, #tpu.memory_space<vmem>>, vector<16xf32>,
    %broadcast_in_dim3A_316 = arith.constant 0.000000e+00 : f32
    %broadcast_in_dim3A_317 = vector.broadcast %broadcast_in_dim3A_316 : f32 to vector<16xf32>
    %swap3A_318 = arith.constant 608 : index
    %swap3A_319 = tpu.vector_load %arg16[%swap3A_318] {strides = array<i32>} : memref<632xf32, #tpu.memory_space<vmem>>, vector<16xf32>,
    %swap3A_320 = vector.shape_cast %swap3A_319 : vector<16xf32> to vector<16xf32>
    %swap3A_321 = vector.shape_cast %broadcast_in_dim3A_317 : vector<16xf32> to vector<16xf32>
    tpu.vector_store %arg16[%swap3A_318], %swap3A_321 {strides = array<i32>} : memref<632xf32, #tpu.memory_space<vmem>>, vector<16xf32>,
    %broadcast_in_dim3A_322 = arith.constant 0.000000e+00 : f32
    %broadcast_in_dim3A_323 = vector.broadcast %broadcast_in_dim3A_322 : f32 to vector<16xf32>
    %swap3A_324 = arith.constant 616 : index
    %swap3A_325 = tpu.vector_load %arg16[%swap3A_324] {strides = array<i32>} : memref<632xf32, #tpu.memory_space<vmem>>, vector<16xf32>,
    %swap3A_326 = vector.shape_cast %swap3A_325 : vector<16xf32> to vector<16xf32>
    %swap3A_327 = vector.shape_cast %broadcast_in_dim3A_323 : vector<16xf32> to vector<16xf32>
    tpu.vector_store %arg16[%swap3A_324], %swap3A_327 {strides = array<i32>} : memref<632xf32, #tpu.memory_space<vmem>>, vector<16xf32>,
    "tpu.region"() ({
      %run_scoped3A_376 = tpu.sem_alloc : memref<!tpu.dma_semaphore, #tpu.memory_space<semaphore_mem>>
      %dma_start3A_377 = tpu.memref_slice %arg15[%mul3A_26] : memref<10112xf32, #tpu.memory_space<vmem_shared>> -> memref<632xf32, #tpu.memory_space<vmem_shared>>
      %dma_start3A_378 = tpu.memref_slice %arg15[%mul3A_26] : memref<10112xf32, #tpu.memory_space<vmem_shared>> -> memref<632xf32, #tpu.memory_space<vmem_shared>>
      tpu.enqueue_dma source(%arg16 : memref<632xf32, #tpu.memory_space<vmem>>) target(%dma_start3A_378 : memref<632xf32, #tpu.memory_space<vmem_shared>>) target_semaphore(%run_scoped3A_376 : memref<!tpu.dma_semaphore, #tpu.memory_space<semaphore_mem>>)
      %dma_wait3A = tpu.memref_slice %arg15[%mul3A_26] : memref<10112xf32, #tpu.memory_space<vmem_shared>> -> memref<632xf32, #tpu.memory_space<vmem_shared>>
      %dma_wait3A_379 = tpu.memref_slice %arg15[%mul3A_26] : memref<10112xf32, #tpu.memory_space<vmem_shared>> -> memref<632xf32, #tpu.memory_space<vmem_shared>>
      tpu.wait_dma2 semaphore(%run_scoped3A_376 : memref<!tpu.dma_semaphore, #tpu.memory_space<semaphore_mem>>) src(%arg16 : memref<632xf32, #tpu.memory_space<vmem>>) dst(%dma_wait3A_379 : memref<632xf32, #tpu.memory_space<vmem_shared>>)
      tpu.yield
    }) : () -> ()
    %barrier3A = arith.constant 0 : index
    tpu.barrier barrier_id(%barrier3A)
    %run_scoped3A = arith.constant 0 : i32
    "tpu.region"() ({
      %run_scoped3A_376 = tpu.sem_alloc : memref<!tpu.dma_semaphore, #tpu.memory_space<semaphore_mem>>
      %dma_start3A_377 = arith.constant 0 : i32
      %dma_start3A_378 = arith.constant 0 : i32
      %dma_start3A_379 = tpu.memref_slice %arg7[%run_scoped3A, %dma_start3A_377, %dma_start3A_378] : memref<2x16x128xi32, #tpu.memory_space<vmem>> -> memref<1x16x128xi32, #tpu.memory_space<vmem>>
      %dma_start3A_380 = tpu.memref_squeeze %dma_start3A_379 : memref<1x16x128xi32, #tpu.memory_space<vmem>> -> memref<16x128xi32, #tpu.memory_space<vmem>>
      %dma_start3A_381 = arith.constant 0 : i32
      %dma_start3A_382 = tpu.memref_slice %arg2[%select_n3A_24, %dma_start3A_381] : memref<2560x128xi32, #tpu.memory_space<hbm>> -> memref<16x128xi32, #tpu.memory_space<hbm>>
      %dma_start3A_383 = arith.constant 0 : i32
      %dma_start3A_384 = arith.constant 0 : i32
      %dma_start3A_385 = tpu.memref_slice %arg7[%run_scoped3A, %dma_start3A_383, %dma_start3A_384] : memref<2x16x128xi32, #tpu.memory_space<vmem>> -> memref<1x16x128xi32, #tpu.memory_space<vmem>>
      %dma_start3A_386 = tpu.memref_squeeze %dma_start3A_385 : memref<1x16x128xi32, #tpu.memory_space<vmem>> -> memref<16x128xi32, #tpu.memory_space<vmem>>
      %dma_start3A_387 = arith.constant 0 : i32
      %dma_start3A_388 = tpu.memref_slice %arg2[%select_n3A_24, %dma_start3A_387] : memref<2560x128xi32, #tpu.memory_space<hbm>> -> memref<16x128xi32, #tpu.memory_space<hbm>>
      tpu.enqueue_dma source(%dma_start3A_388 : memref<16x128xi32, #tpu.memory_space<hbm>>) target(%dma_start3A_386 : memref<16x128xi32, #tpu.memory_space<vmem>>) target_semaphore(%run_scoped3A_376 : memref<!tpu.dma_semaphore, #tpu.memory_space<semaphore_mem>>)
      %dma_wait3A = arith.constant 0 : i32
      %dma_wait3A_389 = arith.constant 0 : i32
      %dma_wait3A_390 = tpu.memref_slice %arg7[%run_scoped3A, %dma_wait3A, %dma_wait3A_389] : memref<2x16x128xi32, #tpu.memory_space<vmem>> -> memref<1x16x128xi32, #tpu.memory_space<vmem>>
      %dma_wait3A_391 = tpu.memref_squeeze %dma_wait3A_390 : memref<1x16x128xi32, #tpu.memory_space<vmem>> -> memref<16x128xi32, #tpu.memory_space<vmem>>
      %dma_wait3A_392 = arith.constant 0 : i32
      %dma_wait3A_393 = tpu.memref_slice %arg2[%select_n3A_24, %dma_wait3A_392] : memref<2560x128xi32, #tpu.memory_space<hbm>> -> memref<16x128xi32, #tpu.memory_space<hbm>>
      %dma_wait3A_394 = arith.constant 0 : i32
      %dma_wait3A_395 = arith.constant 0 : i32
      %dma_wait3A_396 = tpu.memref_slice %arg7[%run_scoped3A, %dma_wait3A_394, %dma_wait3A_395] : memref<2x16x128xi32, #tpu.memory_space<vmem>> -> memref<1x16x128xi32, #tpu.memory_space<vmem>>
      %dma_wait3A_397 = tpu.memref_squeeze %dma_wait3A_396 : memref<1x16x128xi32, #tpu.memory_space<vmem>> -> memref<16x128xi32, #tpu.memory_space<vmem>>
      %dma_wait3A_398 = arith.constant 0 : i32
      %dma_wait3A_399 = tpu.memref_slice %arg2[%select_n3A_24, %dma_wait3A_398] : memref<2560x128xi32, #tpu.memory_space<hbm>> -> memref<16x128xi32, #tpu.memory_space<hbm>>
      tpu.wait_dma2 semaphore(%run_scoped3A_376 : memref<!tpu.dma_semaphore, #tpu.memory_space<semaphore_mem>>) src(%dma_wait3A_399 : memref<16x128xi32, #tpu.memory_space<hbm>>) dst(%dma_wait3A_397 : memref<16x128xi32, #tpu.memory_space<vmem>>)
      tpu.yield
    }) : () -> ()
    %dma_start3A = arith.constant 0 : i32
    %dma_start3A_328 = arith.constant 0 : i32
    %dma_start3A_329 = arith.constant 0 : i32
    %dma_start3A_330 = tpu.memref_slice %arg7[%dma_start3A, %dma_start3A_328, %dma_start3A_329] : memref<2x16x128xi32, #tpu.memory_space<vmem>> -> memref<1x1x128xi32, #tpu.memory_space<vmem>>
    %dma_start3A_331 = tpu.memref_squeeze %dma_start3A_330 : memref<1x1x128xi32, #tpu.memory_space<vmem>> -> memref<128xi32, #tpu.memory_space<vmem>>
    %dma_start3A_332 = arith.constant 0 : i32
    %dma_start3A_333 = arith.constant 0 : i32
    %dma_start3A_334 = tpu.memref_slice %arg4[%dma_start3A_332, %dma_start3A_333] : memref<10000x128xf32, #tpu.memory_space<hbm>> -> memref<10000x128xf32, #tpu.memory_space<hbm>>
    tpu.enqueue_indirect_dma source(%dma_start3A_334 : memref<10000x128xf32, #tpu.memory_space<hbm>>) target(%arg9 : memref<128x128xf32, #tpu.memory_space<vmem>>) offsets(%dma_start3A_331 : memref<128xi32, #tpu.memory_space<vmem>>) semaphore(%arg11 : memref<!tpu.dma_semaphore, #tpu.memory_space<semaphore_mem>>)
    %dma_start3A_335 = arith.constant 0 : i32
    %dma_start3A_336 = arith.constant 1 : i32
    %dma_start3A_337 = arith.constant 0 : i32
    %dma_start3A_338 = tpu.memref_slice %arg7[%dma_start3A_335, %dma_start3A_336, %dma_start3A_337] : memref<2x16x128xi32, #tpu.memory_space<vmem>> -> memref<1x1x128xi32, #tpu.memory_space<vmem>>
    %dma_start3A_339 = tpu.memref_squeeze %dma_start3A_338 : memref<1x1x128xi32, #tpu.memory_space<vmem>> -> memref<128xi32, #tpu.memory_space<vmem>>
    %dma_start3A_340 = arith.constant 0 : i32
    %dma_start3A_341 = arith.constant 0 : i32
    %dma_start3A_342 = tpu.memref_slice %arg4[%dma_start3A_340, %dma_start3A_341] : memref<10000x128xf32, #tpu.memory_space<hbm>> -> memref<10000x128xf32, #tpu.memory_space<hbm>>
    tpu.enqueue_indirect_dma source(%dma_start3A_342 : memref<10000x128xf32, #tpu.memory_space<hbm>>) target(%arg10 : memref<128x128xf32, #tpu.memory_space<vmem>>) offsets(%dma_start3A_339 : memref<128xi32, #tpu.memory_space<vmem>>) semaphore(%arg12 : memref<!tpu.dma_semaphore, #tpu.memory_space<semaphore_mem>>)
    %while3A = arith.constant 0 : i32
    %while3A_343 = arith.constant 0 : i32
    %while3A_344 = arith.subi %select_n3A_19, %while3A_343 : i32
    %while3A_345 = arith.addi %while3A_343, %while3A_344 : i32
    %while3A_346 = arith.constant 1 : i32
    %while3A_347 = arith.divsi %while3A_344, %while3A_346 : i32
    %while3A_348 = arith.muli %while3A_347, %while3A_346 : i32
    %while3A_349 = arith.addi %while3A_343, %while3A_348 : i32
    %while3A_350 = arith.constant 1 : i32
    scf.for %while3A_376 = %while3A_343 to %while3A_349 step %while3A_350  : i32 {
      %add3A_377 = arith.constant 1 : i32
      %add3A_378 = arith.addi %while3A_376, %add3A_377 : i32
      %lt3A = arith.cmpi slt, %add3A_378, %select_n3A_19 : i32
      %convert_element_type3A = arith.extui %lt3A : i1 to i32
      %cond3A = arith.constant 0 : i32
      %cond3A_379 = arith.cmpi ne, %convert_element_type3A, %cond3A : i32
      scf.if %cond3A_379 {
        %add3A_389 = arith.constant 1 : i32
        %add3A_390 = arith.addi %while3A_376, %add3A_389 : i32
        %mul3A_391 = arith.constant 16 : i32
        %mul3A_392 = arith.muli %add3A_390, %mul3A_391 : i32
        %add3A_393 = arith.addi %select_n3A_24, %mul3A_392 : i32
        %add3A_394 = arith.constant 1 : i32
        %add3A_395 = arith.addi %while3A_376, %add3A_394 : i32
        %jit3A_396 = arith.constant 2 : i32
        %eq3A_397 = arith.constant 0 : i32
        %eq3A_398 = arith.cmpi eq, %jit3A_396, %eq3A_397 : i32
        %jit3A_399 = arith.constant 1 : i32
        %select_n3A_400 = arith.select %eq3A_398, %jit3A_399, %jit3A_396 : i32
        %rem3A_401 = arith.remsi %add3A_395, %select_n3A_400 : i32
        %ne3A_402 = arith.constant 0 : i32
        %ne3A_403 = arith.cmpi ne, %rem3A_401, %ne3A_402 : i32
        %lt3A_404 = arith.constant 0 : i32
        %lt3A_405 = arith.cmpi slt, %rem3A_401, %lt3A_404 : i32
        %lt3A_406 = arith.constant 0 : i32
        %lt3A_407 = arith.cmpi slt, %select_n3A_400, %lt3A_406 : i32
        %ne3A_408 = arith.xori %lt3A_405, %lt3A_407 : i1
        %and3A_409 = arith.andi %ne3A_408, %ne3A_403 : i1
        %add3A_410 = arith.addi %rem3A_401, %select_n3A_400 : i32
        %select_n3A_411 = arith.select %and3A_409, %add3A_410, %rem3A_401 : i32
        "tpu.region"() ({
          %run_scoped3A_412 = tpu.sem_alloc : memref<!tpu.dma_semaphore, #tpu.memory_space<semaphore_mem>>
          %dma_start3A_413 = arith.constant 0 : i32
          %dma_start3A_414 = arith.constant 0 : i32
          %dma_start3A_415 = tpu.memref_slice %arg7[%select_n3A_411, %dma_start3A_413, %dma_start3A_414] : memref<2x16x128xi32, #tpu.memory_space<vmem>> -> memref<1x16x128xi32, #tpu.memory_space<vmem>>
          %dma_start3A_416 = tpu.memref_squeeze %dma_start3A_415 : memref<1x16x128xi32, #tpu.memory_space<vmem>> -> memref<16x128xi32, #tpu.memory_space<vmem>>
          %dma_start3A_417 = arith.constant 0 : i32
          %dma_start3A_418 = tpu.memref_slice %arg2[%add3A_393, %dma_start3A_417] : memref<2560x128xi32, #tpu.memory_space<hbm>> -> memref<16x128xi32, #tpu.memory_space<hbm>>
          %dma_start3A_419 = arith.constant 0 : i32
          %dma_start3A_420 = arith.constant 0 : i32
          %dma_start3A_421 = tpu.memref_slice %arg7[%select_n3A_411, %dma_start3A_419, %dma_start3A_420] : memref<2x16x128xi32, #tpu.memory_space<vmem>> -> memref<1x16x128xi32, #tpu.memory_space<vmem>>
          %dma_start3A_422 = tpu.memref_squeeze %dma_start3A_421 : memref<1x16x128xi32, #tpu.memory_space<vmem>> -> memref<16x128xi32, #tpu.memory_space<vmem>>
          %dma_start3A_423 = arith.constant 0 : i32
          %dma_start3A_424 = tpu.memref_slice %arg2[%add3A_393, %dma_start3A_423] : memref<2560x128xi32, #tpu.memory_space<hbm>> -> memref<16x128xi32, #tpu.memory_space<hbm>>
          tpu.enqueue_dma source(%dma_start3A_424 : memref<16x128xi32, #tpu.memory_space<hbm>>) target(%dma_start3A_422 : memref<16x128xi32, #tpu.memory_space<vmem>>) target_semaphore(%run_scoped3A_412 : memref<!tpu.dma_semaphore, #tpu.memory_space<semaphore_mem>>)
          %dma_wait3A = arith.constant 0 : i32
          %dma_wait3A_425 = arith.constant 0 : i32
          %dma_wait3A_426 = tpu.memref_slice %arg7[%select_n3A_411, %dma_wait3A, %dma_wait3A_425] : memref<2x16x128xi32, #tpu.memory_space<vmem>> -> memref<1x16x128xi32, #tpu.memory_space<vmem>>
          %dma_wait3A_427 = tpu.memref_squeeze %dma_wait3A_426 : memref<1x16x128xi32, #tpu.memory_space<vmem>> -> memref<16x128xi32, #tpu.memory_space<vmem>>
          %dma_wait3A_428 = arith.constant 0 : i32
          %dma_wait3A_429 = tpu.memref_slice %arg2[%add3A_393, %dma_wait3A_428] : memref<2560x128xi32, #tpu.memory_space<hbm>> -> memref<16x128xi32, #tpu.memory_space<hbm>>
          %dma_wait3A_430 = arith.constant 0 : i32
          %dma_wait3A_431 = arith.constant 0 : i32
          %dma_wait3A_432 = tpu.memref_slice %arg7[%select_n3A_411, %dma_wait3A_430, %dma_wait3A_431] : memref<2x16x128xi32, #tpu.memory_space<vmem>> -> memref<1x16x128xi32, #tpu.memory_space<vmem>>
          %dma_wait3A_433 = tpu.memref_squeeze %dma_wait3A_432 : memref<1x16x128xi32, #tpu.memory_space<vmem>> -> memref<16x128xi32, #tpu.memory_space<vmem>>
          %dma_wait3A_434 = arith.constant 0 : i32
          %dma_wait3A_435 = tpu.memref_slice %arg2[%add3A_393, %dma_wait3A_434] : memref<2560x128xi32, #tpu.memory_space<hbm>> -> memref<16x128xi32, #tpu.memory_space<hbm>>
          tpu.wait_dma2 semaphore(%run_scoped3A_412 : memref<!tpu.dma_semaphore, #tpu.memory_space<semaphore_mem>>) src(%dma_wait3A_435 : memref<16x128xi32, #tpu.memory_space<hbm>>) dst(%dma_wait3A_433 : memref<16x128xi32, #tpu.memory_space<vmem>>)
          tpu.yield
        }) : () -> ()
      } else {
      }
      %mul3A_380 = arith.constant 16 : i32
      %mul3A_381 = arith.muli %while3A_376, %mul3A_380 : i32
      %add3A_382 = arith.addi %select_n3A_24, %mul3A_381 : i32
      "tpu.region"() ({
        %run_scoped3A_389 = tpu.sem_alloc : memref<!tpu.dma_semaphore, #tpu.memory_space<semaphore_mem>>
        %dma_start3A_390 = arith.constant 0 : i32
        %dma_start3A_391 = tpu.memref_slice %arg3[%add3A_382, %dma_start3A_390] : memref<2560x128xi32, #tpu.memory_space<hbm>> -> memref<16x128xi32, #tpu.memory_space<hbm>>
        %dma_start3A_392 = arith.constant 0 : i32
        %dma_start3A_393 = tpu.memref_slice %arg3[%add3A_382, %dma_start3A_392] : memref<2560x128xi32, #tpu.memory_space<hbm>> -> memref<16x128xi32, #tpu.memory_space<hbm>>
        tpu.enqueue_dma source(%dma_start3A_393 : memref<16x128xi32, #tpu.memory_space<hbm>>) target(%arg8 : memref<16x128xi32, #tpu.memory_space<vmem>>) target_semaphore(%run_scoped3A_389 : memref<!tpu.dma_semaphore, #tpu.memory_space<semaphore_mem>>)
        %dma_wait3A = arith.constant 0 : i32
        %dma_wait3A_394 = tpu.memref_slice %arg3[%add3A_382, %dma_wait3A] : memref<2560x128xi32, #tpu.memory_space<hbm>> -> memref<16x128xi32, #tpu.memory_space<hbm>>
        %dma_wait3A_395 = arith.constant 0 : i32
        %dma_wait3A_396 = tpu.memref_slice %arg3[%add3A_382, %dma_wait3A_395] : memref<2560x128xi32, #tpu.memory_space<hbm>> -> memref<16x128xi32, #tpu.memory_space<hbm>>
        tpu.wait_dma2 semaphore(%run_scoped3A_389 : memref<!tpu.dma_semaphore, #tpu.memory_space<semaphore_mem>>) src(%dma_wait3A_396 : memref<16x128xi32, #tpu.memory_space<hbm>>) dst(%arg8 : memref<16x128xi32, #tpu.memory_space<vmem>>)
        tpu.yield
      }) : () -> ()
      %scan3A_383 = arith.constant 0 : i32
      %scan3A_384 = arith.constant 0 : i32
      %scan3A_385 = arith.constant 8 : i32
      %scan3A_386 = arith.addi %scan3A_384, %scan3A_385 : i32
      %scan3A_387 = arith.constant 1 : i32
      scf.for %scan3A_389 = %scan3A_384 to %scan3A_386 step %scan3A_387  : i32 {
        %mul3A_390 = arith.constant 16 : i32
        %mul3A_391 = arith.muli %while3A_376, %mul3A_390 : i32
        %mul3A_392 = arith.constant 2 : i32
        %mul3A_393 = arith.muli %scan3A_389, %mul3A_392 : i32
        %add3A_394 = arith.addi %mul3A_391, %mul3A_393 : i32
        %add3A_395 = arith.constant 0 : i32
        %add3A_396 = arith.addi %add3A_394, %add3A_395 : i32
        %dma_wait3A = arith.constant 0 : i32
        %dma_wait3A_397 = arith.constant 0 : i32
        %dma_wait3A_398 = tpu.memref_slice %arg4[%dma_wait3A, %dma_wait3A_397] : memref<10000x128xf32, #tpu.memory_space<hbm>> -> memref<128x128xf32, #tpu.memory_space<hbm>>
        %dma_wait3A_399 = arith.constant 0 : i32
        %dma_wait3A_400 = arith.constant 0 : i32
        %dma_wait3A_401 = tpu.memref_slice %arg4[%dma_wait3A_399, %dma_wait3A_400] : memref<10000x128xf32, #tpu.memory_space<hbm>> -> memref<128x128xf32, #tpu.memory_space<hbm>>
        tpu.wait_dma2 semaphore(%arg11 : memref<!tpu.dma_semaphore, #tpu.memory_space<semaphore_mem>>) src(%dma_wait3A_401 : memref<128x128xf32, #tpu.memory_space<hbm>>) dst(%arg9 : memref<128x128xf32, #tpu.memory_space<vmem>>)
        %mul3A_402 = arith.constant 2 : i32
        %mul3A_403 = arith.muli %scan3A_389, %mul3A_402 : i32
        %add3A_404 = arith.constant 0 : i32
        %add3A_405 = arith.addi %mul3A_403, %add3A_404 : i32
        "tpu.region"() ({
          %run_scoped3A_443 = tpu.sem_alloc : memref<!tpu.dma_semaphore, #tpu.memory_space<semaphore_mem>>
          %dma_start3A_444 = arith.constant 0 : i32
          %dma_start3A_445 = tpu.memref_slice %arg8[%add3A_405, %dma_start3A_444] : memref<16x128xi32, #tpu.memory_space<vmem>> -> memref<1x128xi32, #tpu.memory_space<vmem>>
          %dma_start3A_446 = tpu.memref_squeeze %dma_start3A_445 : memref<1x128xi32, #tpu.memory_space<vmem>> -> memref<128xi32, #tpu.memory_space<vmem>>
          %dma_start3A_447 = arith.constant 0 : i32
          %dma_start3A_448 = arith.constant 0 : i32
          %dma_start3A_449 = tpu.memref_slice %arg13[%dma_start3A_447, %dma_start3A_448] : memref<10112x128xf32, #tpu.memory_space<vmem_shared>> -> memref<10112x128xf32, #tpu.memory_space<vmem_shared>>
          tpu.enqueue_indirect_dma source(%arg9 : memref<128x128xf32, #tpu.memory_space<vmem>>) target(%dma_start3A_449 : memref<10112x128xf32, #tpu.memory_space<vmem_shared>>) offsets(%dma_start3A_446 : memref<128xi32, #tpu.memory_space<vmem>>) semaphore(%run_scoped3A_443 : memref<!tpu.dma_semaphore, #tpu.memory_space<semaphore_mem>>) {add = true}
          %dma_wait3A_450 = arith.constant 0 : i32
          %dma_wait3A_451 = tpu.memref_slice %arg8[%add3A_405, %dma_wait3A_450] : memref<16x128xi32, #tpu.memory_space<vmem>> -> memref<1x128xi32, #tpu.memory_space<vmem>>
          %dma_wait3A_452 = tpu.memref_squeeze %dma_wait3A_451 : memref<1x128xi32, #tpu.memory_space<vmem>> -> memref<128xi32, #tpu.memory_space<vmem>>
          %dma_wait3A_453 = arith.constant 0 : i32
          %dma_wait3A_454 = arith.constant 0 : i32
          %dma_wait3A_455 = tpu.memref_slice %arg13[%dma_wait3A_453, %dma_wait3A_454] : memref<10112x128xf32, #tpu.memory_space<vmem_shared>> -> memref<10112x128xf32, #tpu.memory_space<vmem_shared>>
          tpu.wait_indirect_dma semaphore(%run_scoped3A_443 : memref<!tpu.dma_semaphore, #tpu.memory_space<semaphore_mem>>) src(%arg9 : memref<128x128xf32, #tpu.memory_space<vmem>>) dst(%dma_wait3A_455 : memref<10112x128xf32, #tpu.memory_space<vmem_shared>>)
          tpu.yield
        }) : () -> ()
        %mul3A_406 = arith.constant 2 : i32
        %mul3A_407 = arith.muli %scan3A_389, %mul3A_406 : i32
        %add3A_408 = arith.constant 0 : i32
        %add3A_409 = arith.addi %mul3A_407, %add3A_408 : i32
        "tpu.region"() ({
          %run_scoped3A_443 = tpu.sem_alloc : memref<!tpu.dma_semaphore, #tpu.memory_space<semaphore_mem>>
          %dma_start3A_444 = arith.constant 0 : i32
          %dma_start3A_445 = tpu.memref_slice %arg8[%add3A_409, %dma_start3A_444] : memref<16x128xi32, #tpu.memory_space<vmem>> -> memref<1x128xi32, #tpu.memory_space<vmem>>
          %dma_start3A_446 = tpu.memref_squeeze %dma_start3A_445 : memref<1x128xi32, #tpu.memory_space<vmem>> -> memref<128xi32, #tpu.memory_space<vmem>>
          %dma_start3A_447 = arith.constant 0 : i32
          %dma_start3A_448 = tpu.memref_slice %arg15[%dma_start3A_447] : memref<10112xf32, #tpu.memory_space<vmem_shared>> -> memref<10112xf32, #tpu.memory_space<vmem_shared>>
          tpu.enqueue_indirect_dma source(%arg14 : memref<128xf32, #tpu.memory_space<vmem>>) target(%dma_start3A_448 : memref<10112xf32, #tpu.memory_space<vmem_shared>>) offsets(%dma_start3A_446 : memref<128xi32, #tpu.memory_space<vmem>>) semaphore(%run_scoped3A_443 : memref<!tpu.dma_semaphore, #tpu.memory_space<semaphore_mem>>) {add = true}
          %dma_wait3A_449 = arith.constant 0 : i32
          %dma_wait3A_450 = tpu.memref_slice %arg8[%add3A_409, %dma_wait3A_449] : memref<16x128xi32, #tpu.memory_space<vmem>> -> memref<1x128xi32, #tpu.memory_space<vmem>>
          %dma_wait3A_451 = tpu.memref_squeeze %dma_wait3A_450 : memref<1x128xi32, #tpu.memory_space<vmem>> -> memref<128xi32, #tpu.memory_space<vmem>>
          %dma_wait3A_452 = arith.constant 0 : i32
          %dma_wait3A_453 = tpu.memref_slice %arg15[%dma_wait3A_452] : memref<10112xf32, #tpu.memory_space<vmem_shared>> -> memref<10112xf32, #tpu.memory_space<vmem_shared>>
          tpu.wait_indirect_dma semaphore(%run_scoped3A_443 : memref<!tpu.dma_semaphore, #tpu.memory_space<semaphore_mem>>) src(%arg14 : memref<128xf32, #tpu.memory_space<vmem>>) dst(%dma_wait3A_453 : memref<10112xf32, #tpu.memory_space<vmem_shared>>)
          tpu.yield
        }) : () -> ()
        %add3A_410 = arith.constant 2 : i32
        %add3A_411 = arith.addi %add3A_396, %add3A_410 : i32
        %lt3A_412 = arith.cmpi slt, %add3A_411, %select_n3A : i32
        %convert_element_type3A_413 = arith.extui %lt3A_412 : i1 to i32
        %cond3A_414 = arith.constant 0 : i32
        %cond3A_415 = arith.cmpi ne, %convert_element_type3A_413, %cond3A_414 : i32
        scf.if %cond3A_415 {
          %jit3A_443 = arith.constant 16 : i32
          %div3A_444 = arith.divsi %add3A_411, %jit3A_443 : i32
          %sign3A_445 = arith.constant 0 : i32
          %sign3A_446 = arith.cmpi sgt, %add3A_411, %sign3A_445 : i32
          %sign3A_447 = arith.extui %sign3A_446 : i1 to i32
          %sign3A_448 = arith.constant 0 : i32
          %sign3A_449 = arith.cmpi slt, %add3A_411, %sign3A_448 : i32
          %sign3A_450 = arith.extui %sign3A_449 : i1 to i32
          %sign3A_451 = arith.subi %sign3A_447, %sign3A_450 : i32
          %sign3A_452 = arith.constant 0 : i32
          %sign3A_453 = arith.cmpi sgt, %jit3A_443, %sign3A_452 : i32
          %sign3A_454 = arith.extui %sign3A_453 : i1 to i32
          %sign3A_455 = arith.constant 0 : i32
          %sign3A_456 = arith.cmpi slt, %jit3A_443, %sign3A_455 : i32
          %sign3A_457 = arith.extui %sign3A_456 : i1 to i32
          %sign3A_458 = arith.subi %sign3A_454, %sign3A_457 : i32
          %ne3A_459 = arith.cmpi ne, %sign3A_451, %sign3A_458 : i32
          %rem3A_460 = arith.remsi %add3A_411, %jit3A_443 : i32
          %ne3A_461 = arith.constant 0 : i32
          %ne3A_462 = arith.cmpi ne, %rem3A_460, %ne3A_461 : i32
          %and3A_463 = arith.andi %ne3A_459, %ne3A_462 : i1
          %sub3A_464 = arith.constant 1 : i32
          %sub3A_465 = arith.subi %div3A_444, %sub3A_464 : i32
          %select_n3A_466 = arith.select %and3A_463, %sub3A_465, %div3A_444 : i32
          %jit3A_467 = arith.constant 2 : i32
          %eq3A_468 = arith.constant 0 : i32
          %eq3A_469 = arith.cmpi eq, %jit3A_467, %eq3A_468 : i32
          %jit3A_470 = arith.constant 1 : i32
          %select_n3A_471 = arith.select %eq3A_469, %jit3A_470, %jit3A_467 : i32
          %rem3A_472 = arith.remsi %select_n3A_466, %select_n3A_471 : i32
          %ne3A_473 = arith.constant 0 : i32
          %ne3A_474 = arith.cmpi ne, %rem3A_472, %ne3A_473 : i32
          %lt3A_475 = arith.constant 0 : i32
          %lt3A_476 = arith.cmpi slt, %rem3A_472, %lt3A_475 : i32
          %lt3A_477 = arith.constant 0 : i32
          %lt3A_478 = arith.cmpi slt, %select_n3A_471, %lt3A_477 : i32
          %ne3A_479 = arith.xori %lt3A_476, %lt3A_478 : i1
          %and3A_480 = arith.andi %ne3A_479, %ne3A_474 : i1
          %add3A_481 = arith.addi %rem3A_472, %select_n3A_471 : i32
          %select_n3A_482 = arith.select %and3A_480, %add3A_481, %rem3A_472 : i32
          %jit3A_483 = arith.constant 16 : i32
          %eq3A_484 = arith.constant 0 : i32
          %eq3A_485 = arith.cmpi eq, %jit3A_483, %eq3A_484 : i32
          %jit3A_486 = arith.constant 1 : i32
          %select_n3A_487 = arith.select %eq3A_485, %jit3A_486, %jit3A_483 : i32
          %rem3A_488 = arith.remsi %add3A_411, %select_n3A_487 : i32
          %ne3A_489 = arith.constant 0 : i32
          %ne3A_490 = arith.cmpi ne, %rem3A_488, %ne3A_489 : i32
          %lt3A_491 = arith.constant 0 : i32
          %lt3A_492 = arith.cmpi slt, %rem3A_488, %lt3A_491 : i32
          %lt3A_493 = arith.constant 0 : i32
          %lt3A_494 = arith.cmpi slt, %select_n3A_487, %lt3A_493 : i32
          %ne3A_495 = arith.xori %lt3A_492, %lt3A_494 : i1
          %and3A_496 = arith.andi %ne3A_495, %ne3A_490 : i1
          %add3A_497 = arith.addi %rem3A_488, %select_n3A_487 : i32
          %select_n3A_498 = arith.select %and3A_496, %add3A_497, %rem3A_488 : i32
          %dma_start3A_499 = arith.constant 0 : i32
          %dma_start3A_500 = tpu.memref_slice %arg7[%select_n3A_482, %select_n3A_498, %dma_start3A_499] : memref<2x16x128xi32, #tpu.memory_space<vmem>> -> memref<1x1x128xi32, #tpu.memory_space<vmem>>
          %dma_start3A_501 = tpu.memref_squeeze %dma_start3A_500 : memref<1x1x128xi32, #tpu.memory_space<vmem>> -> memref<128xi32, #tpu.memory_space<vmem>>
          %dma_start3A_502 = arith.constant 0 : i32
          %dma_start3A_503 = arith.constant 0 : i32
          %dma_start3A_504 = tpu.memref_slice %arg4[%dma_start3A_502, %dma_start3A_503] : memref<10000x128xf32, #tpu.memory_space<hbm>> -> memref<10000x128xf32, #tpu.memory_space<hbm>>
          tpu.enqueue_indirect_dma source(%dma_start3A_504 : memref<10000x128xf32, #tpu.memory_space<hbm>>) target(%arg9 : memref<128x128xf32, #tpu.memory_space<vmem>>) offsets(%dma_start3A_501 : memref<128xi32, #tpu.memory_space<vmem>>) semaphore(%arg11 : memref<!tpu.dma_semaphore, #tpu.memory_space<semaphore_mem>>)
        } else {
        }
        %mul3A_416 = arith.constant 16 : i32
        %mul3A_417 = arith.muli %while3A_376, %mul3A_416 : i32
        %mul3A_418 = arith.constant 2 : i32
        %mul3A_419 = arith.muli %scan3A_389, %mul3A_418 : i32
        %add3A_420 = arith.addi %mul3A_417, %mul3A_419 : i32
        %add3A_421 = arith.constant 1 : i32
        %add3A_422 = arith.addi %add3A_420, %add3A_421 : i32
        %dma_wait3A_423 = arith.constant 0 : i32
        %dma_wait3A_424 = arith.constant 0 : i32
        %dma_wait3A_425 = tpu.memref_slice %arg4[%dma_wait3A_423, %dma_wait3A_424] : memref<10000x128xf32, #tpu.memory_space<hbm>> -> memref<128x128xf32, #tpu.memory_space<hbm>>
        %dma_wait3A_426 = arith.constant 0 : i32
        %dma_wait3A_427 = arith.constant 0 : i32
        %dma_wait3A_428 = tpu.memref_slice %arg4[%dma_wait3A_426, %dma_wait3A_427] : memref<10000x128xf32, #tpu.memory_space<hbm>> -> memref<128x128xf32, #tpu.memory_space<hbm>>
        tpu.wait_dma2 semaphore(%arg12 : memref<!tpu.dma_semaphore, #tpu.memory_space<semaphore_mem>>) src(%dma_wait3A_428 : memref<128x128xf32, #tpu.memory_space<hbm>>) dst(%arg10 : memref<128x128xf32, #tpu.memory_space<vmem>>)
        %mul3A_429 = arith.constant 2 : i32
        %mul3A_430 = arith.muli %scan3A_389, %mul3A_429 : i32
        %add3A_431 = arith.constant 1 : i32
        %add3A_432 = arith.addi %mul3A_430, %add3A_431 : i32
        "tpu.region"() ({
          %run_scoped3A_443 = tpu.sem_alloc : memref<!tpu.dma_semaphore, #tpu.memory_space<semaphore_mem>>
          %dma_start3A_444 = arith.constant 0 : i32
          %dma_start3A_445 = tpu.memref_slice %arg8[%add3A_432, %dma_start3A_444] : memref<16x128xi32, #tpu.memory_space<vmem>> -> memref<1x128xi32, #tpu.memory_space<vmem>>
          %dma_start3A_446 = tpu.memref_squeeze %dma_start3A_445 : memref<1x128xi32, #tpu.memory_space<vmem>> -> memref<128xi32, #tpu.memory_space<vmem>>
          %dma_start3A_447 = arith.constant 0 : i32
          %dma_start3A_448 = arith.constant 0 : i32
          %dma_start3A_449 = tpu.memref_slice %arg13[%dma_start3A_447, %dma_start3A_448] : memref<10112x128xf32, #tpu.memory_space<vmem_shared>> -> memref<10112x128xf32, #tpu.memory_space<vmem_shared>>
          tpu.enqueue_indirect_dma source(%arg10 : memref<128x128xf32, #tpu.memory_space<vmem>>) target(%dma_start3A_449 : memref<10112x128xf32, #tpu.memory_space<vmem_shared>>) offsets(%dma_start3A_446 : memref<128xi32, #tpu.memory_space<vmem>>) semaphore(%run_scoped3A_443 : memref<!tpu.dma_semaphore, #tpu.memory_space<semaphore_mem>>) {add = true}
          %dma_wait3A_450 = arith.constant 0 : i32
          %dma_wait3A_451 = tpu.memref_slice %arg8[%add3A_432, %dma_wait3A_450] : memref<16x128xi32, #tpu.memory_space<vmem>> -> memref<1x128xi32, #tpu.memory_space<vmem>>
          %dma_wait3A_452 = tpu.memref_squeeze %dma_wait3A_451 : memref<1x128xi32, #tpu.memory_space<vmem>> -> memref<128xi32, #tpu.memory_space<vmem>>
          %dma_wait3A_453 = arith.constant 0 : i32
          %dma_wait3A_454 = arith.constant 0 : i32
          %dma_wait3A_455 = tpu.memref_slice %arg13[%dma_wait3A_453, %dma_wait3A_454] : memref<10112x128xf32, #tpu.memory_space<vmem_shared>> -> memref<10112x128xf32, #tpu.memory_space<vmem_shared>>
          tpu.wait_indirect_dma semaphore(%run_scoped3A_443 : memref<!tpu.dma_semaphore, #tpu.memory_space<semaphore_mem>>) src(%arg10 : memref<128x128xf32, #tpu.memory_space<vmem>>) dst(%dma_wait3A_455 : memref<10112x128xf32, #tpu.memory_space<vmem_shared>>)
          tpu.yield
        }) : () -> ()
        %mul3A_433 = arith.constant 2 : i32
        %mul3A_434 = arith.muli %scan3A_389, %mul3A_433 : i32
        %add3A_435 = arith.constant 1 : i32
        %add3A_436 = arith.addi %mul3A_434, %add3A_435 : i32
        "tpu.region"() ({
          %run_scoped3A_443 = tpu.sem_alloc : memref<!tpu.dma_semaphore, #tpu.memory_space<semaphore_mem>>
          %dma_start3A_444 = arith.constant 0 : i32
          %dma_start3A_445 = tpu.memref_slice %arg8[%add3A_436, %dma_start3A_444] : memref<16x128xi32, #tpu.memory_space<vmem>> -> memref<1x128xi32, #tpu.memory_space<vmem>>
          %dma_start3A_446 = tpu.memref_squeeze %dma_start3A_445 : memref<1x128xi32, #tpu.memory_space<vmem>> -> memref<128xi32, #tpu.memory_space<vmem>>
          %dma_start3A_447 = arith.constant 0 : i32
          %dma_start3A_448 = tpu.memref_slice %arg15[%dma_start3A_447] : memref<10112xf32, #tpu.memory_space<vmem_shared>> -> memref<10112xf32, #tpu.memory_space<vmem_shared>>
          tpu.enqueue_indirect_dma source(%arg14 : memref<128xf32, #tpu.memory_space<vmem>>) target(%dma_start3A_448 : memref<10112xf32, #tpu.memory_space<vmem_shared>>) offsets(%dma_start3A_446 : memref<128xi32, #tpu.memory_space<vmem>>) semaphore(%run_scoped3A_443 : memref<!tpu.dma_semaphore, #tpu.memory_space<semaphore_mem>>) {add = true}
          %dma_wait3A_449 = arith.constant 0 : i32
          %dma_wait3A_450 = tpu.memref_slice %arg8[%add3A_436, %dma_wait3A_449] : memref<16x128xi32, #tpu.memory_space<vmem>> -> memref<1x128xi32, #tpu.memory_space<vmem>>
          %dma_wait3A_451 = tpu.memref_squeeze %dma_wait3A_450 : memref<1x128xi32, #tpu.memory_space<vmem>> -> memref<128xi32, #tpu.memory_space<vmem>>
          %dma_wait3A_452 = arith.constant 0 : i32
          %dma_wait3A_453 = tpu.memref_slice %arg15[%dma_wait3A_452] : memref<10112xf32, #tpu.memory_space<vmem_shared>> -> memref<10112xf32, #tpu.memory_space<vmem_shared>>
          tpu.wait_indirect_dma semaphore(%run_scoped3A_443 : memref<!tpu.dma_semaphore, #tpu.memory_space<semaphore_mem>>) src(%arg14 : memref<128xf32, #tpu.memory_space<vmem>>) dst(%dma_wait3A_453 : memref<10112xf32, #tpu.memory_space<vmem_shared>>)
          tpu.yield
        }) : () -> ()
        %add3A_437 = arith.constant 2 : i32
        %add3A_438 = arith.addi %add3A_422, %add3A_437 : i32
        %lt3A_439 = arith.cmpi slt, %add3A_438, %select_n3A : i32
        %convert_element_type3A_440 = arith.extui %lt3A_439 : i1 to i32
        %cond3A_441 = arith.constant 0 : i32
        %cond3A_442 = arith.cmpi ne, %convert_element_type3A_440, %cond3A_441 : i32
        scf.if %cond3A_442 {
          %jit3A_443 = arith.constant 16 : i32
          %div3A_444 = arith.divsi %add3A_438, %jit3A_443 : i32
          %sign3A_445 = arith.constant 0 : i32
          %sign3A_446 = arith.cmpi sgt, %add3A_438, %sign3A_445 : i32
          %sign3A_447 = arith.extui %sign3A_446 : i1 to i32
          %sign3A_448 = arith.constant 0 : i32
          %sign3A_449 = arith.cmpi slt, %add3A_438, %sign3A_448 : i32
          %sign3A_450 = arith.extui %sign3A_449 : i1 to i32
          %sign3A_451 = arith.subi %sign3A_447, %sign3A_450 : i32
          %sign3A_452 = arith.constant 0 : i32
          %sign3A_453 = arith.cmpi sgt, %jit3A_443, %sign3A_452 : i32
          %sign3A_454 = arith.extui %sign3A_453 : i1 to i32
          %sign3A_455 = arith.constant 0 : i32
          %sign3A_456 = arith.cmpi slt, %jit3A_443, %sign3A_455 : i32
          %sign3A_457 = arith.extui %sign3A_456 : i1 to i32
          %sign3A_458 = arith.subi %sign3A_454, %sign3A_457 : i32
          %ne3A_459 = arith.cmpi ne, %sign3A_451, %sign3A_458 : i32
          %rem3A_460 = arith.remsi %add3A_438, %jit3A_443 : i32
          %ne3A_461 = arith.constant 0 : i32
          %ne3A_462 = arith.cmpi ne, %rem3A_460, %ne3A_461 : i32
          %and3A_463 = arith.andi %ne3A_459, %ne3A_462 : i1
          %sub3A_464 = arith.constant 1 : i32
          %sub3A_465 = arith.subi %div3A_444, %sub3A_464 : i32
          %select_n3A_466 = arith.select %and3A_463, %sub3A_465, %div3A_444 : i32
          %jit3A_467 = arith.constant 2 : i32
          %eq3A_468 = arith.constant 0 : i32
          %eq3A_469 = arith.cmpi eq, %jit3A_467, %eq3A_468 : i32
          %jit3A_470 = arith.constant 1 : i32
          %select_n3A_471 = arith.select %eq3A_469, %jit3A_470, %jit3A_467 : i32
          %rem3A_472 = arith.remsi %select_n3A_466, %select_n3A_471 : i32
          %ne3A_473 = arith.constant 0 : i32
          %ne3A_474 = arith.cmpi ne, %rem3A_472, %ne3A_473 : i32
          %lt3A_475 = arith.constant 0 : i32
          %lt3A_476 = arith.cmpi slt, %rem3A_472, %lt3A_475 : i32
          %lt3A_477 = arith.constant 0 : i32
          %lt3A_478 = arith.cmpi slt, %select_n3A_471, %lt3A_477 : i32
          %ne3A_479 = arith.xori %lt3A_476, %lt3A_478 : i1
          %and3A_480 = arith.andi %ne3A_479, %ne3A_474 : i1
          %add3A_481 = arith.addi %rem3A_472, %select_n3A_471 : i32
          %select_n3A_482 = arith.select %and3A_480, %add3A_481, %rem3A_472 : i32
          %jit3A_483 = arith.constant 16 : i32
          %eq3A_484 = arith.constant 0 : i32
          %eq3A_485 = arith.cmpi eq, %jit3A_483, %eq3A_484 : i32
          %jit3A_486 = arith.constant 1 : i32
          %select_n3A_487 = arith.select %eq3A_485, %jit3A_486, %jit3A_483 : i32
          %rem3A_488 = arith.remsi %add3A_438, %select_n3A_487 : i32
          %ne3A_489 = arith.constant 0 : i32
          %ne3A_490 = arith.cmpi ne, %rem3A_488, %ne3A_489 : i32
          %lt3A_491 = arith.constant 0 : i32
          %lt3A_492 = arith.cmpi slt, %rem3A_488, %lt3A_491 : i32
          %lt3A_493 = arith.constant 0 : i32
          %lt3A_494 = arith.cmpi slt, %select_n3A_487, %lt3A_493 : i32
          %ne3A_495 = arith.xori %lt3A_492, %lt3A_494 : i1
          %and3A_496 = arith.andi %ne3A_495, %ne3A_490 : i1
          %add3A_497 = arith.addi %rem3A_488, %select_n3A_487 : i32
          %select_n3A_498 = arith.select %and3A_496, %add3A_497, %rem3A_488 : i32
          %dma_start3A_499 = arith.constant 0 : i32
          %dma_start3A_500 = tpu.memref_slice %arg7[%select_n3A_482, %select_n3A_498, %dma_start3A_499] : memref<2x16x128xi32, #tpu.memory_space<vmem>> -> memref<1x1x128xi32, #tpu.memory_space<vmem>>
          %dma_start3A_501 = tpu.memref_squeeze %dma_start3A_500 : memref<1x1x128xi32, #tpu.memory_space<vmem>> -> memref<128xi32, #tpu.memory_space<vmem>>
          %dma_start3A_502 = arith.constant 0 : i32
          %dma_start3A_503 = arith.constant 0 : i32
          %dma_start3A_504 = tpu.memref_slice %arg4[%dma_start3A_502, %dma_start3A_503] : memref<10000x128xf32, #tpu.memory_space<hbm>> -> memref<10000x128xf32, #tpu.memory_space<hbm>>
          tpu.enqueue_indirect_dma source(%dma_start3A_504 : memref<10000x128xf32, #tpu.memory_space<hbm>>) target(%arg10 : memref<128x128xf32, #tpu.memory_space<vmem>>) offsets(%dma_start3A_501 : memref<128xi32, #tpu.memory_space<vmem>>) semaphore(%arg12 : memref<!tpu.dma_semaphore, #tpu.memory_space<semaphore_mem>>)
        } else {
        }
      }
      %scan3A_388 = arith.constant 8 : i32
    }
    %while3A_351 = arith.constant 1 : i32
    scf.for %while3A_376 = %while3A_349 to %while3A_345 step %while3A_351  : i32 {
      %add3A_377 = arith.constant 1 : i32
      %add3A_378 = arith.addi %while3A_376, %add3A_377 : i32
      %lt3A = arith.cmpi slt, %add3A_378, %select_n3A_19 : i32
      %convert_element_type3A = arith.extui %lt3A : i1 to i32
      %cond3A = arith.constant 0 : i32
      %cond3A_379 = arith.cmpi ne, %convert_element_type3A, %cond3A : i32
      scf.if %cond3A_379 {
        %add3A_389 = arith.constant 1 : i32
        %add3A_390 = arith.addi %while3A_376, %add3A_389 : i32
        %mul3A_391 = arith.constant 16 : i32
        %mul3A_392 = arith.muli %add3A_390, %mul3A_391 : i32
        %add3A_393 = arith.addi %select_n3A_24, %mul3A_392 : i32
        %add3A_394 = arith.constant 1 : i32
        %add3A_395 = arith.addi %while3A_376, %add3A_394 : i32
        %jit3A_396 = arith.constant 2 : i32
        %eq3A_397 = arith.constant 0 : i32
        %eq3A_398 = arith.cmpi eq, %jit3A_396, %eq3A_397 : i32
        %jit3A_399 = arith.constant 1 : i32
        %select_n3A_400 = arith.select %eq3A_398, %jit3A_399, %jit3A_396 : i32
        %rem3A_401 = arith.remsi %add3A_395, %select_n3A_400 : i32
        %ne3A_402 = arith.constant 0 : i32
        %ne3A_403 = arith.cmpi ne, %rem3A_401, %ne3A_402 : i32
        %lt3A_404 = arith.constant 0 : i32
        %lt3A_405 = arith.cmpi slt, %rem3A_401, %lt3A_404 : i32
        %lt3A_406 = arith.constant 0 : i32
        %lt3A_407 = arith.cmpi slt, %select_n3A_400, %lt3A_406 : i32
        %ne3A_408 = arith.xori %lt3A_405, %lt3A_407 : i1
        %and3A_409 = arith.andi %ne3A_408, %ne3A_403 : i1
        %add3A_410 = arith.addi %rem3A_401, %select_n3A_400 : i32
        %select_n3A_411 = arith.select %and3A_409, %add3A_410, %rem3A_401 : i32
        "tpu.region"() ({
          %run_scoped3A_412 = tpu.sem_alloc : memref<!tpu.dma_semaphore, #tpu.memory_space<semaphore_mem>>
          %dma_start3A_413 = arith.constant 0 : i32
          %dma_start3A_414 = arith.constant 0 : i32
          %dma_start3A_415 = tpu.memref_slice %arg7[%select_n3A_411, %dma_start3A_413, %dma_start3A_414] : memref<2x16x128xi32, #tpu.memory_space<vmem>> -> memref<1x16x128xi32, #tpu.memory_space<vmem>>
          %dma_start3A_416 = tpu.memref_squeeze %dma_start3A_415 : memref<1x16x128xi32, #tpu.memory_space<vmem>> -> memref<16x128xi32, #tpu.memory_space<vmem>>
          %dma_start3A_417 = arith.constant 0 : i32
          %dma_start3A_418 = tpu.memref_slice %arg2[%add3A_393, %dma_start3A_417] : memref<2560x128xi32, #tpu.memory_space<hbm>> -> memref<16x128xi32, #tpu.memory_space<hbm>>
          %dma_start3A_419 = arith.constant 0 : i32
          %dma_start3A_420 = arith.constant 0 : i32
          %dma_start3A_421 = tpu.memref_slice %arg7[%select_n3A_411, %dma_start3A_419, %dma_start3A_420] : memref<2x16x128xi32, #tpu.memory_space<vmem>> -> memref<1x16x128xi32, #tpu.memory_space<vmem>>
          %dma_start3A_422 = tpu.memref_squeeze %dma_start3A_421 : memref<1x16x128xi32, #tpu.memory_space<vmem>> -> memref<16x128xi32, #tpu.memory_space<vmem>>
          %dma_start3A_423 = arith.constant 0 : i32
          %dma_start3A_424 = tpu.memref_slice %arg2[%add3A_393, %dma_start3A_423] : memref<2560x128xi32, #tpu.memory_space<hbm>> -> memref<16x128xi32, #tpu.memory_space<hbm>>
          tpu.enqueue_dma source(%dma_start3A_424 : memref<16x128xi32, #tpu.memory_space<hbm>>) target(%dma_start3A_422 : memref<16x128xi32, #tpu.memory_space<vmem>>) target_semaphore(%run_scoped3A_412 : memref<!tpu.dma_semaphore, #tpu.memory_space<semaphore_mem>>)
          %dma_wait3A = arith.constant 0 : i32
          %dma_wait3A_425 = arith.constant 0 : i32
          %dma_wait3A_426 = tpu.memref_slice %arg7[%select_n3A_411, %dma_wait3A, %dma_wait3A_425] : memref<2x16x128xi32, #tpu.memory_space<vmem>> -> memref<1x16x128xi32, #tpu.memory_space<vmem>>
          %dma_wait3A_427 = tpu.memref_squeeze %dma_wait3A_426 : memref<1x16x128xi32, #tpu.memory_space<vmem>> -> memref<16x128xi32, #tpu.memory_space<vmem>>
          %dma_wait3A_428 = arith.constant 0 : i32
          %dma_wait3A_429 = tpu.memref_slice %arg2[%add3A_393, %dma_wait3A_428] : memref<2560x128xi32, #tpu.memory_space<hbm>> -> memref<16x128xi32, #tpu.memory_space<hbm>>
          %dma_wait3A_430 = arith.constant 0 : i32
          %dma_wait3A_431 = arith.constant 0 : i32
          %dma_wait3A_432 = tpu.memref_slice %arg7[%select_n3A_411, %dma_wait3A_430, %dma_wait3A_431] : memref<2x16x128xi32, #tpu.memory_space<vmem>> -> memref<1x16x128xi32, #tpu.memory_space<vmem>>
          %dma_wait3A_433 = tpu.memref_squeeze %dma_wait3A_432 : memref<1x16x128xi32, #tpu.memory_space<vmem>> -> memref<16x128xi32, #tpu.memory_space<vmem>>
          %dma_wait3A_434 = arith.constant 0 : i32
          %dma_wait3A_435 = tpu.memref_slice %arg2[%add3A_393, %dma_wait3A_434] : memref<2560x128xi32, #tpu.memory_space<hbm>> -> memref<16x128xi32, #tpu.memory_space<hbm>>
          tpu.wait_dma2 semaphore(%run_scoped3A_412 : memref<!tpu.dma_semaphore, #tpu.memory_space<semaphore_mem>>) src(%dma_wait3A_435 : memref<16x128xi32, #tpu.memory_space<hbm>>) dst(%dma_wait3A_433 : memref<16x128xi32, #tpu.memory_space<vmem>>)
          tpu.yield
        }) : () -> ()
      } else {
      }
      %mul3A_380 = arith.constant 16 : i32
      %mul3A_381 = arith.muli %while3A_376, %mul3A_380 : i32
      %add3A_382 = arith.addi %select_n3A_24, %mul3A_381 : i32
      "tpu.region"() ({
        %run_scoped3A_389 = tpu.sem_alloc : memref<!tpu.dma_semaphore, #tpu.memory_space<semaphore_mem>>
        %dma_start3A_390 = arith.constant 0 : i32
        %dma_start3A_391 = tpu.memref_slice %arg3[%add3A_382, %dma_start3A_390] : memref<2560x128xi32, #tpu.memory_space<hbm>> -> memref<16x128xi32, #tpu.memory_space<hbm>>
        %dma_start3A_392 = arith.constant 0 : i32
        %dma_start3A_393 = tpu.memref_slice %arg3[%add3A_382, %dma_start3A_392] : memref<2560x128xi32, #tpu.memory_space<hbm>> -> memref<16x128xi32, #tpu.memory_space<hbm>>
        tpu.enqueue_dma source(%dma_start3A_393 : memref<16x128xi32, #tpu.memory_space<hbm>>) target(%arg8 : memref<16x128xi32, #tpu.memory_space<vmem>>) target_semaphore(%run_scoped3A_389 : memref<!tpu.dma_semaphore, #tpu.memory_space<semaphore_mem>>)
        %dma_wait3A = arith.constant 0 : i32
        %dma_wait3A_394 = tpu.memref_slice %arg3[%add3A_382, %dma_wait3A] : memref<2560x128xi32, #tpu.memory_space<hbm>> -> memref<16x128xi32, #tpu.memory_space<hbm>>
        %dma_wait3A_395 = arith.constant 0 : i32
        %dma_wait3A_396 = tpu.memref_slice %arg3[%add3A_382, %dma_wait3A_395] : memref<2560x128xi32, #tpu.memory_space<hbm>> -> memref<16x128xi32, #tpu.memory_space<hbm>>
        tpu.wait_dma2 semaphore(%run_scoped3A_389 : memref<!tpu.dma_semaphore, #tpu.memory_space<semaphore_mem>>) src(%dma_wait3A_396 : memref<16x128xi32, #tpu.memory_space<hbm>>) dst(%arg8 : memref<16x128xi32, #tpu.memory_space<vmem>>)
        tpu.yield
      }) : () -> ()
      %scan3A_383 = arith.constant 0 : i32
      %scan3A_384 = arith.constant 0 : i32
      %scan3A_385 = arith.constant 8 : i32
      %scan3A_386 = arith.addi %scan3A_384, %scan3A_385 : i32
      %scan3A_387 = arith.constant 1 : i32
      scf.for %scan3A_389 = %scan3A_384 to %scan3A_386 step %scan3A_387  : i32 {
        %mul3A_390 = arith.constant 16 : i32
        %mul3A_391 = arith.muli %while3A_376, %mul3A_390 : i32
        %mul3A_392 = arith.constant 2 : i32
        %mul3A_393 = arith.muli %scan3A_389, %mul3A_392 : i32
        %add3A_394 = arith.addi %mul3A_391, %mul3A_393 : i32
        %add3A_395 = arith.constant 0 : i32
        %add3A_396 = arith.addi %add3A_394, %add3A_395 : i32
        %dma_wait3A = arith.constant 0 : i32
        %dma_wait3A_397 = arith.constant 0 : i32
        %dma_wait3A_398 = tpu.memref_slice %arg4[%dma_wait3A, %dma_wait3A_397] : memref<10000x128xf32, #tpu.memory_space<hbm>> -> memref<128x128xf32, #tpu.memory_space<hbm>>
        %dma_wait3A_399 = arith.constant 0 : i32
        %dma_wait3A_400 = arith.constant 0 : i32
        %dma_wait3A_401 = tpu.memref_slice %arg4[%dma_wait3A_399, %dma_wait3A_400] : memref<10000x128xf32, #tpu.memory_space<hbm>> -> memref<128x128xf32, #tpu.memory_space<hbm>>
        tpu.wait_dma2 semaphore(%arg11 : memref<!tpu.dma_semaphore, #tpu.memory_space<semaphore_mem>>) src(%dma_wait3A_401 : memref<128x128xf32, #tpu.memory_space<hbm>>) dst(%arg9 : memref<128x128xf32, #tpu.memory_space<vmem>>)
        %mul3A_402 = arith.constant 2 : i32
        %mul3A_403 = arith.muli %scan3A_389, %mul3A_402 : i32
        %add3A_404 = arith.constant 0 : i32
        %add3A_405 = arith.addi %mul3A_403, %add3A_404 : i32
        "tpu.region"() ({
          %run_scoped3A_443 = tpu.sem_alloc : memref<!tpu.dma_semaphore, #tpu.memory_space<semaphore_mem>>
          %dma_start3A_444 = arith.constant 0 : i32
          %dma_start3A_445 = tpu.memref_slice %arg8[%add3A_405, %dma_start3A_444] : memref<16x128xi32, #tpu.memory_space<vmem>> -> memref<1x128xi32, #tpu.memory_space<vmem>>
          %dma_start3A_446 = tpu.memref_squeeze %dma_start3A_445 : memref<1x128xi32, #tpu.memory_space<vmem>> -> memref<128xi32, #tpu.memory_space<vmem>>
          %dma_start3A_447 = arith.constant 0 : i32
          %dma_start3A_448 = arith.constant 0 : i32
          %dma_start3A_449 = tpu.memref_slice %arg13[%dma_start3A_447, %dma_start3A_448] : memref<10112x128xf32, #tpu.memory_space<vmem_shared>> -> memref<10112x128xf32, #tpu.memory_space<vmem_shared>>
          tpu.enqueue_indirect_dma source(%arg9 : memref<128x128xf32, #tpu.memory_space<vmem>>) target(%dma_start3A_449 : memref<10112x128xf32, #tpu.memory_space<vmem_shared>>) offsets(%dma_start3A_446 : memref<128xi32, #tpu.memory_space<vmem>>) semaphore(%run_scoped3A_443 : memref<!tpu.dma_semaphore, #tpu.memory_space<semaphore_mem>>) {add = true}
          %dma_wait3A_450 = arith.constant 0 : i32
          %dma_wait3A_451 = tpu.memref_slice %arg8[%add3A_405, %dma_wait3A_450] : memref<16x128xi32, #tpu.memory_space<vmem>> -> memref<1x128xi32, #tpu.memory_space<vmem>>
          %dma_wait3A_452 = tpu.memref_squeeze %dma_wait3A_451 : memref<1x128xi32, #tpu.memory_space<vmem>> -> memref<128xi32, #tpu.memory_space<vmem>>
          %dma_wait3A_453 = arith.constant 0 : i32
          %dma_wait3A_454 = arith.constant 0 : i32
          %dma_wait3A_455 = tpu.memref_slice %arg13[%dma_wait3A_453, %dma_wait3A_454] : memref<10112x128xf32, #tpu.memory_space<vmem_shared>> -> memref<10112x128xf32, #tpu.memory_space<vmem_shared>>
          tpu.wait_indirect_dma semaphore(%run_scoped3A_443 : memref<!tpu.dma_semaphore, #tpu.memory_space<semaphore_mem>>) src(%arg9 : memref<128x128xf32, #tpu.memory_space<vmem>>) dst(%dma_wait3A_455 : memref<10112x128xf32, #tpu.memory_space<vmem_shared>>)
          tpu.yield
        }) : () -> ()
        %mul3A_406 = arith.constant 2 : i32
        %mul3A_407 = arith.muli %scan3A_389, %mul3A_406 : i32
        %add3A_408 = arith.constant 0 : i32
        %add3A_409 = arith.addi %mul3A_407, %add3A_408 : i32
        "tpu.region"() ({
          %run_scoped3A_443 = tpu.sem_alloc : memref<!tpu.dma_semaphore, #tpu.memory_space<semaphore_mem>>
          %dma_start3A_444 = arith.constant 0 : i32
          %dma_start3A_445 = tpu.memref_slice %arg8[%add3A_409, %dma_start3A_444] : memref<16x128xi32, #tpu.memory_space<vmem>> -> memref<1x128xi32, #tpu.memory_space<vmem>>
          %dma_start3A_446 = tpu.memref_squeeze %dma_start3A_445 : memref<1x128xi32, #tpu.memory_space<vmem>> -> memref<128xi32, #tpu.memory_space<vmem>>
          %dma_start3A_447 = arith.constant 0 : i32
          %dma_start3A_448 = tpu.memref_slice %arg15[%dma_start3A_447] : memref<10112xf32, #tpu.memory_space<vmem_shared>> -> memref<10112xf32, #tpu.memory_space<vmem_shared>>
          tpu.enqueue_indirect_dma source(%arg14 : memref<128xf32, #tpu.memory_space<vmem>>) target(%dma_start3A_448 : memref<10112xf32, #tpu.memory_space<vmem_shared>>) offsets(%dma_start3A_446 : memref<128xi32, #tpu.memory_space<vmem>>) semaphore(%run_scoped3A_443 : memref<!tpu.dma_semaphore, #tpu.memory_space<semaphore_mem>>) {add = true}
          %dma_wait3A_449 = arith.constant 0 : i32
          %dma_wait3A_450 = tpu.memref_slice %arg8[%add3A_409, %dma_wait3A_449] : memref<16x128xi32, #tpu.memory_space<vmem>> -> memref<1x128xi32, #tpu.memory_space<vmem>>
          %dma_wait3A_451 = tpu.memref_squeeze %dma_wait3A_450 : memref<1x128xi32, #tpu.memory_space<vmem>> -> memref<128xi32, #tpu.memory_space<vmem>>
          %dma_wait3A_452 = arith.constant 0 : i32
          %dma_wait3A_453 = tpu.memref_slice %arg15[%dma_wait3A_452] : memref<10112xf32, #tpu.memory_space<vmem_shared>> -> memref<10112xf32, #tpu.memory_space<vmem_shared>>
          tpu.wait_indirect_dma semaphore(%run_scoped3A_443 : memref<!tpu.dma_semaphore, #tpu.memory_space<semaphore_mem>>) src(%arg14 : memref<128xf32, #tpu.memory_space<vmem>>) dst(%dma_wait3A_453 : memref<10112xf32, #tpu.memory_space<vmem_shared>>)
          tpu.yield
        }) : () -> ()
        %add3A_410 = arith.constant 2 : i32
        %add3A_411 = arith.addi %add3A_396, %add3A_410 : i32
        %lt3A_412 = arith.cmpi slt, %add3A_411, %select_n3A : i32
        %convert_element_type3A_413 = arith.extui %lt3A_412 : i1 to i32
        %cond3A_414 = arith.constant 0 : i32
        %cond3A_415 = arith.cmpi ne, %convert_element_type3A_413, %cond3A_414 : i32
        scf.if %cond3A_415 {
          %jit3A_443 = arith.constant 16 : i32
          %div3A_444 = arith.divsi %add3A_411, %jit3A_443 : i32
          %sign3A_445 = arith.constant 0 : i32
          %sign3A_446 = arith.cmpi sgt, %add3A_411, %sign3A_445 : i32
          %sign3A_447 = arith.extui %sign3A_446 : i1 to i32
          %sign3A_448 = arith.constant 0 : i32
          %sign3A_449 = arith.cmpi slt, %add3A_411, %sign3A_448 : i32
          %sign3A_450 = arith.extui %sign3A_449 : i1 to i32
          %sign3A_451 = arith.subi %sign3A_447, %sign3A_450 : i32
          %sign3A_452 = arith.constant 0 : i32
          %sign3A_453 = arith.cmpi sgt, %jit3A_443, %sign3A_452 : i32
          %sign3A_454 = arith.extui %sign3A_453 : i1 to i32
          %sign3A_455 = arith.constant 0 : i32
          %sign3A_456 = arith.cmpi slt, %jit3A_443, %sign3A_455 : i32
          %sign3A_457 = arith.extui %sign3A_456 : i1 to i32
          %sign3A_458 = arith.subi %sign3A_454, %sign3A_457 : i32
          %ne3A_459 = arith.cmpi ne, %sign3A_451, %sign3A_458 : i32
          %rem3A_460 = arith.remsi %add3A_411, %jit3A_443 : i32
          %ne3A_461 = arith.constant 0 : i32
          %ne3A_462 = arith.cmpi ne, %rem3A_460, %ne3A_461 : i32
          %and3A_463 = arith.andi %ne3A_459, %ne3A_462 : i1
          %sub3A_464 = arith.constant 1 : i32
          %sub3A_465 = arith.subi %div3A_444, %sub3A_464 : i32
          %select_n3A_466 = arith.select %and3A_463, %sub3A_465, %div3A_444 : i32
          %jit3A_467 = arith.constant 2 : i32
          %eq3A_468 = arith.constant 0 : i32
          %eq3A_469 = arith.cmpi eq, %jit3A_467, %eq3A_468 : i32
          %jit3A_470 = arith.constant 1 : i32
          %select_n3A_471 = arith.select %eq3A_469, %jit3A_470, %jit3A_467 : i32
          %rem3A_472 = arith.remsi %select_n3A_466, %select_n3A_471 : i32
          %ne3A_473 = arith.constant 0 : i32
          %ne3A_474 = arith.cmpi ne, %rem3A_472, %ne3A_473 : i32
          %lt3A_475 = arith.constant 0 : i32
          %lt3A_476 = arith.cmpi slt, %rem3A_472, %lt3A_475 : i32
          %lt3A_477 = arith.constant 0 : i32
          %lt3A_478 = arith.cmpi slt, %select_n3A_471, %lt3A_477 : i32
          %ne3A_479 = arith.xori %lt3A_476, %lt3A_478 : i1
          %and3A_480 = arith.andi %ne3A_479, %ne3A_474 : i1
          %add3A_481 = arith.addi %rem3A_472, %select_n3A_471 : i32
          %select_n3A_482 = arith.select %and3A_480, %add3A_481, %rem3A_472 : i32
          %jit3A_483 = arith.constant 16 : i32
          %eq3A_484 = arith.constant 0 : i32
          %eq3A_485 = arith.cmpi eq, %jit3A_483, %eq3A_484 : i32
          %jit3A_486 = arith.constant 1 : i32
          %select_n3A_487 = arith.select %eq3A_485, %jit3A_486, %jit3A_483 : i32
          %rem3A_488 = arith.remsi %add3A_411, %select_n3A_487 : i32
          %ne3A_489 = arith.constant 0 : i32
          %ne3A_490 = arith.cmpi ne, %rem3A_488, %ne3A_489 : i32
          %lt3A_491 = arith.constant 0 : i32
          %lt3A_492 = arith.cmpi slt, %rem3A_488, %lt3A_491 : i32
          %lt3A_493 = arith.constant 0 : i32
          %lt3A_494 = arith.cmpi slt, %select_n3A_487, %lt3A_493 : i32
          %ne3A_495 = arith.xori %lt3A_492, %lt3A_494 : i1
          %and3A_496 = arith.andi %ne3A_495, %ne3A_490 : i1
          %add3A_497 = arith.addi %rem3A_488, %select_n3A_487 : i32
          %select_n3A_498 = arith.select %and3A_496, %add3A_497, %rem3A_488 : i32
          %dma_start3A_499 = arith.constant 0 : i32
          %dma_start3A_500 = tpu.memref_slice %arg7[%select_n3A_482, %select_n3A_498, %dma_start3A_499] : memref<2x16x128xi32, #tpu.memory_space<vmem>> -> memref<1x1x128xi32, #tpu.memory_space<vmem>>
          %dma_start3A_501 = tpu.memref_squeeze %dma_start3A_500 : memref<1x1x128xi32, #tpu.memory_space<vmem>> -> memref<128xi32, #tpu.memory_space<vmem>>
          %dma_start3A_502 = arith.constant 0 : i32
          %dma_start3A_503 = arith.constant 0 : i32
          %dma_start3A_504 = tpu.memref_slice %arg4[%dma_start3A_502, %dma_start3A_503] : memref<10000x128xf32, #tpu.memory_space<hbm>> -> memref<10000x128xf32, #tpu.memory_space<hbm>>
          tpu.enqueue_indirect_dma source(%dma_start3A_504 : memref<10000x128xf32, #tpu.memory_space<hbm>>) target(%arg9 : memref<128x128xf32, #tpu.memory_space<vmem>>) offsets(%dma_start3A_501 : memref<128xi32, #tpu.memory_space<vmem>>) semaphore(%arg11 : memref<!tpu.dma_semaphore, #tpu.memory_space<semaphore_mem>>)
        } else {
        }
        %mul3A_416 = arith.constant 16 : i32
        %mul3A_417 = arith.muli %while3A_376, %mul3A_416 : i32
        %mul3A_418 = arith.constant 2 : i32
        %mul3A_419 = arith.muli %scan3A_389, %mul3A_418 : i32
        %add3A_420 = arith.addi %mul3A_417, %mul3A_419 : i32
        %add3A_421 = arith.constant 1 : i32
        %add3A_422 = arith.addi %add3A_420, %add3A_421 : i32
        %dma_wait3A_423 = arith.constant 0 : i32
        %dma_wait3A_424 = arith.constant 0 : i32
        %dma_wait3A_425 = tpu.memref_slice %arg4[%dma_wait3A_423, %dma_wait3A_424] : memref<10000x128xf32, #tpu.memory_space<hbm>> -> memref<128x128xf32, #tpu.memory_space<hbm>>
        %dma_wait3A_426 = arith.constant 0 : i32
        %dma_wait3A_427 = arith.constant 0 : i32
        %dma_wait3A_428 = tpu.memref_slice %arg4[%dma_wait3A_426, %dma_wait3A_427] : memref<10000x128xf32, #tpu.memory_space<hbm>> -> memref<128x128xf32, #tpu.memory_space<hbm>>
        tpu.wait_dma2 semaphore(%arg12 : memref<!tpu.dma_semaphore, #tpu.memory_space<semaphore_mem>>) src(%dma_wait3A_428 : memref<128x128xf32, #tpu.memory_space<hbm>>) dst(%arg10 : memref<128x128xf32, #tpu.memory_space<vmem>>)
        %mul3A_429 = arith.constant 2 : i32
        %mul3A_430 = arith.muli %scan3A_389, %mul3A_429 : i32
        %add3A_431 = arith.constant 1 : i32
        %add3A_432 = arith.addi %mul3A_430, %add3A_431 : i32
        "tpu.region"() ({
          %run_scoped3A_443 = tpu.sem_alloc : memref<!tpu.dma_semaphore, #tpu.memory_space<semaphore_mem>>
          %dma_start3A_444 = arith.constant 0 : i32
          %dma_start3A_445 = tpu.memref_slice %arg8[%add3A_432, %dma_start3A_444] : memref<16x128xi32, #tpu.memory_space<vmem>> -> memref<1x128xi32, #tpu.memory_space<vmem>>
          %dma_start3A_446 = tpu.memref_squeeze %dma_start3A_445 : memref<1x128xi32, #tpu.memory_space<vmem>> -> memref<128xi32, #tpu.memory_space<vmem>>
          %dma_start3A_447 = arith.constant 0 : i32
          %dma_start3A_448 = arith.constant 0 : i32
          %dma_start3A_449 = tpu.memref_slice %arg13[%dma_start3A_447, %dma_start3A_448] : memref<10112x128xf32, #tpu.memory_space<vmem_shared>> -> memref<10112x128xf32, #tpu.memory_space<vmem_shared>>
          tpu.enqueue_indirect_dma source(%arg10 : memref<128x128xf32, #tpu.memory_space<vmem>>) target(%dma_start3A_449 : memref<10112x128xf32, #tpu.memory_space<vmem_shared>>) offsets(%dma_start3A_446 : memref<128xi32, #tpu.memory_space<vmem>>) semaphore(%run_scoped3A_443 : memref<!tpu.dma_semaphore, #tpu.memory_space<semaphore_mem>>) {add = true}
          %dma_wait3A_450 = arith.constant 0 : i32
          %dma_wait3A_451 = tpu.memref_slice %arg8[%add3A_432, %dma_wait3A_450] : memref<16x128xi32, #tpu.memory_space<vmem>> -> memref<1x128xi32, #tpu.memory_space<vmem>>
          %dma_wait3A_452 = tpu.memref_squeeze %dma_wait3A_451 : memref<1x128xi32, #tpu.memory_space<vmem>> -> memref<128xi32, #tpu.memory_space<vmem>>
          %dma_wait3A_453 = arith.constant 0 : i32
          %dma_wait3A_454 = arith.constant 0 : i32
          %dma_wait3A_455 = tpu.memref_slice %arg13[%dma_wait3A_453, %dma_wait3A_454] : memref<10112x128xf32, #tpu.memory_space<vmem_shared>> -> memref<10112x128xf32, #tpu.memory_space<vmem_shared>>
          tpu.wait_indirect_dma semaphore(%run_scoped3A_443 : memref<!tpu.dma_semaphore, #tpu.memory_space<semaphore_mem>>) src(%arg10 : memref<128x128xf32, #tpu.memory_space<vmem>>) dst(%dma_wait3A_455 : memref<10112x128xf32, #tpu.memory_space<vmem_shared>>)
          tpu.yield
        }) : () -> ()
        %mul3A_433 = arith.constant 2 : i32
        %mul3A_434 = arith.muli %scan3A_389, %mul3A_433 : i32
        %add3A_435 = arith.constant 1 : i32
        %add3A_436 = arith.addi %mul3A_434, %add3A_435 : i32
        "tpu.region"() ({
          %run_scoped3A_443 = tpu.sem_alloc : memref<!tpu.dma_semaphore, #tpu.memory_space<semaphore_mem>>
          %dma_start3A_444 = arith.constant 0 : i32
          %dma_start3A_445 = tpu.memref_slice %arg8[%add3A_436, %dma_start3A_444] : memref<16x128xi32, #tpu.memory_space<vmem>> -> memref<1x128xi32, #tpu.memory_space<vmem>>
          %dma_start3A_446 = tpu.memref_squeeze %dma_start3A_445 : memref<1x128xi32, #tpu.memory_space<vmem>> -> memref<128xi32, #tpu.memory_space<vmem>>
          %dma_start3A_447 = arith.constant 0 : i32
          %dma_start3A_448 = tpu.memref_slice %arg15[%dma_start3A_447] : memref<10112xf32, #tpu.memory_space<vmem_shared>> -> memref<10112xf32, #tpu.memory_space<vmem_shared>>
          tpu.enqueue_indirect_dma source(%arg14 : memref<128xf32, #tpu.memory_space<vmem>>) target(%dma_start3A_448 : memref<10112xf32, #tpu.memory_space<vmem_shared>>) offsets(%dma_start3A_446 : memref<128xi32, #tpu.memory_space<vmem>>) semaphore(%run_scoped3A_443 : memref<!tpu.dma_semaphore, #tpu.memory_space<semaphore_mem>>) {add = true}
          %dma_wait3A_449 = arith.constant 0 : i32
          %dma_wait3A_450 = tpu.memref_slice %arg8[%add3A_436, %dma_wait3A_449] : memref<16x128xi32, #tpu.memory_space<vmem>> -> memref<1x128xi32, #tpu.memory_space<vmem>>
          %dma_wait3A_451 = tpu.memref_squeeze %dma_wait3A_450 : memref<1x128xi32, #tpu.memory_space<vmem>> -> memref<128xi32, #tpu.memory_space<vmem>>
          %dma_wait3A_452 = arith.constant 0 : i32
          %dma_wait3A_453 = tpu.memref_slice %arg15[%dma_wait3A_452] : memref<10112xf32, #tpu.memory_space<vmem_shared>> -> memref<10112xf32, #tpu.memory_space<vmem_shared>>
          tpu.wait_indirect_dma semaphore(%run_scoped3A_443 : memref<!tpu.dma_semaphore, #tpu.memory_space<semaphore_mem>>) src(%arg14 : memref<128xf32, #tpu.memory_space<vmem>>) dst(%dma_wait3A_453 : memref<10112xf32, #tpu.memory_space<vmem_shared>>)
          tpu.yield
        }) : () -> ()
        %add3A_437 = arith.constant 2 : i32
        %add3A_438 = arith.addi %add3A_422, %add3A_437 : i32
        %lt3A_439 = arith.cmpi slt, %add3A_438, %select_n3A : i32
        %convert_element_type3A_440 = arith.extui %lt3A_439 : i1 to i32
        %cond3A_441 = arith.constant 0 : i32
        %cond3A_442 = arith.cmpi ne, %convert_element_type3A_440, %cond3A_441 : i32
        scf.if %cond3A_442 {
          %jit3A_443 = arith.constant 16 : i32
          %div3A_444 = arith.divsi %add3A_438, %jit3A_443 : i32
          %sign3A_445 = arith.constant 0 : i32
          %sign3A_446 = arith.cmpi sgt, %add3A_438, %sign3A_445 : i32
          %sign3A_447 = arith.extui %sign3A_446 : i1 to i32
          %sign3A_448 = arith.constant 0 : i32
          %sign3A_449 = arith.cmpi slt, %add3A_438, %sign3A_448 : i32
          %sign3A_450 = arith.extui %sign3A_449 : i1 to i32
          %sign3A_451 = arith.subi %sign3A_447, %sign3A_450 : i32
          %sign3A_452 = arith.constant 0 : i32
          %sign3A_453 = arith.cmpi sgt, %jit3A_443, %sign3A_452 : i32
          %sign3A_454 = arith.extui %sign3A_453 : i1 to i32
          %sign3A_455 = arith.constant 0 : i32
          %sign3A_456 = arith.cmpi slt, %jit3A_443, %sign3A_455 : i32
          %sign3A_457 = arith.extui %sign3A_456 : i1 to i32
          %sign3A_458 = arith.subi %sign3A_454, %sign3A_457 : i32
          %ne3A_459 = arith.cmpi ne, %sign3A_451, %sign3A_458 : i32
          %rem3A_460 = arith.remsi %add3A_438, %jit3A_443 : i32
          %ne3A_461 = arith.constant 0 : i32
          %ne3A_462 = arith.cmpi ne, %rem3A_460, %ne3A_461 : i32
          %and3A_463 = arith.andi %ne3A_459, %ne3A_462 : i1
          %sub3A_464 = arith.constant 1 : i32
          %sub3A_465 = arith.subi %div3A_444, %sub3A_464 : i32
          %select_n3A_466 = arith.select %and3A_463, %sub3A_465, %div3A_444 : i32
          %jit3A_467 = arith.constant 2 : i32
          %eq3A_468 = arith.constant 0 : i32
          %eq3A_469 = arith.cmpi eq, %jit3A_467, %eq3A_468 : i32
          %jit3A_470 = arith.constant 1 : i32
          %select_n3A_471 = arith.select %eq3A_469, %jit3A_470, %jit3A_467 : i32
          %rem3A_472 = arith.remsi %select_n3A_466, %select_n3A_471 : i32
          %ne3A_473 = arith.constant 0 : i32
          %ne3A_474 = arith.cmpi ne, %rem3A_472, %ne3A_473 : i32
          %lt3A_475 = arith.constant 0 : i32
          %lt3A_476 = arith.cmpi slt, %rem3A_472, %lt3A_475 : i32
          %lt3A_477 = arith.constant 0 : i32
          %lt3A_478 = arith.cmpi slt, %select_n3A_471, %lt3A_477 : i32
          %ne3A_479 = arith.xori %lt3A_476, %lt3A_478 : i1
          %and3A_480 = arith.andi %ne3A_479, %ne3A_474 : i1
          %add3A_481 = arith.addi %rem3A_472, %select_n3A_471 : i32
          %select_n3A_482 = arith.select %and3A_480, %add3A_481, %rem3A_472 : i32
          %jit3A_483 = arith.constant 16 : i32
          %eq3A_484 = arith.constant 0 : i32
          %eq3A_485 = arith.cmpi eq, %jit3A_483, %eq3A_484 : i32
          %jit3A_486 = arith.constant 1 : i32
          %select_n3A_487 = arith.select %eq3A_485, %jit3A_486, %jit3A_483 : i32
          %rem3A_488 = arith.remsi %add3A_438, %select_n3A_487 : i32
          %ne3A_489 = arith.constant 0 : i32
          %ne3A_490 = arith.cmpi ne, %rem3A_488, %ne3A_489 : i32
          %lt3A_491 = arith.constant 0 : i32
          %lt3A_492 = arith.cmpi slt, %rem3A_488, %lt3A_491 : i32
          %lt3A_493 = arith.constant 0 : i32
          %lt3A_494 = arith.cmpi slt, %select_n3A_487, %lt3A_493 : i32
          %ne3A_495 = arith.xori %lt3A_492, %lt3A_494 : i1
          %and3A_496 = arith.andi %ne3A_495, %ne3A_490 : i1
          %add3A_497 = arith.addi %rem3A_488, %select_n3A_487 : i32
          %select_n3A_498 = arith.select %and3A_496, %add3A_497, %rem3A_488 : i32
          %dma_start3A_499 = arith.constant 0 : i32
          %dma_start3A_500 = tpu.memref_slice %arg7[%select_n3A_482, %select_n3A_498, %dma_start3A_499] : memref<2x16x128xi32, #tpu.memory_space<vmem>> -> memref<1x1x128xi32, #tpu.memory_space<vmem>>
          %dma_start3A_501 = tpu.memref_squeeze %dma_start3A_500 : memref<1x1x128xi32, #tpu.memory_space<vmem>> -> memref<128xi32, #tpu.memory_space<vmem>>
          %dma_start3A_502 = arith.constant 0 : i32
          %dma_start3A_503 = arith.constant 0 : i32
          %dma_start3A_504 = tpu.memref_slice %arg4[%dma_start3A_502, %dma_start3A_503] : memref<10000x128xf32, #tpu.memory_space<hbm>> -> memref<10000x128xf32, #tpu.memory_space<hbm>>
          tpu.enqueue_indirect_dma source(%dma_start3A_504 : memref<10000x128xf32, #tpu.memory_space<hbm>>) target(%arg10 : memref<128x128xf32, #tpu.memory_space<vmem>>) offsets(%dma_start3A_501 : memref<128xi32, #tpu.memory_space<vmem>>) semaphore(%arg12 : memref<!tpu.dma_semaphore, #tpu.memory_space<semaphore_mem>>)
        } else {
        }
      }
      %scan3A_388 = arith.constant 8 : i32
    }
    %barrier3A_352 = arith.constant 0 : index
    tpu.barrier barrier_id(%barrier3A_352)
    %add3A_353 = arith.constant 0 : i32
    %add3A_354 = arith.addi %mul3A_26, %add3A_353 : i32
    "tpu.region"() ({
      %run_scoped3A_376 = tpu.sem_alloc : memref<!tpu.dma_semaphore, #tpu.memory_space<semaphore_mem>>
      %dma_start3A_377 = arith.constant 0 : i32
      %dma_start3A_378 = arith.constant 0 : i32
      %dma_start3A_379 = tpu.memref_slice %arg9[%dma_start3A_377, %dma_start3A_378] : memref<128x128xf32, #tpu.memory_space<vmem>> -> memref<128x128xf32, #tpu.memory_space<vmem>>
      %dma_start3A_380 = arith.constant 0 : i32
      %dma_start3A_381 = tpu.memref_slice %arg13[%add3A_354, %dma_start3A_380] : memref<10112x128xf32, #tpu.memory_space<vmem_shared>> -> memref<128x128xf32, #tpu.memory_space<vmem_shared>>
      %dma_start3A_382 = arith.constant 0 : i32
      %dma_start3A_383 = arith.constant 0 : i32
      %dma_start3A_384 = tpu.memref_slice %arg9[%dma_start3A_382, %dma_start3A_383] : memref<128x128xf32, #tpu.memory_space<vmem>> -> memref<128x128xf32, #tpu.memory_space<vmem>>
      %dma_start3A_385 = arith.constant 0 : i32
      %dma_start3A_386 = tpu.memref_slice %arg13[%add3A_354, %dma_start3A_385] : memref<10112x128xf32, #tpu.memory_space<vmem_shared>> -> memref<128x128xf32, #tpu.memory_space<vmem_shared>>
      tpu.enqueue_dma source(%dma_start3A_386 : memref<128x128xf32, #tpu.memory_space<vmem_shared>>) target(%dma_start3A_384 : memref<128x128xf32, #tpu.memory_space<vmem>>) target_semaphore(%run_scoped3A_376 : memref<!tpu.dma_semaphore, #tpu.memory_space<semaphore_mem>>)
      %dma_wait3A = arith.constant 0 : i32
      %dma_wait3A_387 = arith.constant 0 : i32
      %dma_wait3A_388 = tpu.memref_slice %arg9[%dma_wait3A, %dma_wait3A_387] : memref<128x128xf32, #tpu.memory_space<vmem>> -> memref<128x128xf32, #tpu.memory_space<vmem>>
      %dma_wait3A_389 = arith.constant 0 : i32
      %dma_wait3A_390 = tpu.memref_slice %arg13[%add3A_354, %dma_wait3A_389] : memref<10112x128xf32, #tpu.memory_space<vmem_shared>> -> memref<128x128xf32, #tpu.memory_space<vmem_shared>>
      %dma_wait3A_391 = arith.constant 0 : i32
      %dma_wait3A_392 = arith.constant 0 : i32
      %dma_wait3A_393 = tpu.memref_slice %arg9[%dma_wait3A_391, %dma_wait3A_392] : memref<128x128xf32, #tpu.memory_space<vmem>> -> memref<128x128xf32, #tpu.memory_space<vmem>>
      %dma_wait3A_394 = arith.constant 0 : i32
      %dma_wait3A_395 = tpu.memref_slice %arg13[%add3A_354, %dma_wait3A_394] : memref<10112x128xf32, #tpu.memory_space<vmem_shared>> -> memref<128x128xf32, #tpu.memory_space<vmem_shared>>
      tpu.wait_dma2 semaphore(%run_scoped3A_376 : memref<!tpu.dma_semaphore, #tpu.memory_space<semaphore_mem>>) src(%dma_wait3A_395 : memref<128x128xf32, #tpu.memory_space<vmem_shared>>) dst(%dma_wait3A_393 : memref<128x128xf32, #tpu.memory_space<vmem>>)
      tpu.yield
    }) : () -> ()
    %add3A_355 = arith.constant 0 : i32
    %add3A_356 = arith.addi %mul3A_26, %add3A_355 : i32
    "tpu.region"() ({
      %run_scoped3A_376 = tpu.sem_alloc : memref<!tpu.dma_semaphore, #tpu.memory_space<semaphore_mem>>
      %dma_start3A_377 = arith.constant 0 : i32
      %dma_start3A_378 = arith.constant 0 : i32
      %dma_start3A_379 = tpu.memref_slice %arg9[%dma_start3A_377, %dma_start3A_378] : memref<128x128xf32, #tpu.memory_space<vmem>> -> memref<128x128xf32, #tpu.memory_space<vmem>>
      %dma_start3A_380 = arith.constant 0 : i32
      %dma_start3A_381 = tpu.memref_slice %arg5[%arg0, %add3A_356, %dma_start3A_380] : memref<2x10112x128xf32, #tpu.memory_space<hbm>> -> memref<1x128x128xf32, #tpu.memory_space<hbm>>
      %dma_start3A_382 = tpu.memref_squeeze %dma_start3A_381 : memref<1x128x128xf32, #tpu.memory_space<hbm>> -> memref<128x128xf32, #tpu.memory_space<hbm>>
      %dma_start3A_383 = arith.constant 0 : i32
      %dma_start3A_384 = tpu.memref_slice %arg5[%arg0, %add3A_356, %dma_start3A_383] : memref<2x10112x128xf32, #tpu.memory_space<hbm>> -> memref<1x128x128xf32, #tpu.memory_space<hbm>>
      %dma_start3A_385 = tpu.memref_squeeze %dma_start3A_384 : memref<1x128x128xf32, #tpu.memory_space<hbm>> -> memref<128x128xf32, #tpu.memory_space<hbm>>
      %dma_start3A_386 = arith.constant 0 : i32
      %dma_start3A_387 = arith.constant 0 : i32
      %dma_start3A_388 = tpu.memref_slice %arg9[%dma_start3A_386, %dma_start3A_387] : memref<128x128xf32, #tpu.memory_space<vmem>> -> memref<128x128xf32, #tpu.memory_space<vmem>>
      tpu.enqueue_dma source(%dma_start3A_388 : memref<128x128xf32, #tpu.memory_space<vmem>>) target(%dma_start3A_385 : memref<128x128xf32, #tpu.memory_space<hbm>>) target_semaphore(%run_scoped3A_376 : memref<!tpu.dma_semaphore, #tpu.memory_space<semaphore_mem>>)
      %dma_wait3A = arith.constant 0 : i32
      %dma_wait3A_389 = arith.constant 0 : i32
      %dma_wait3A_390 = tpu.memref_slice %arg9[%dma_wait3A, %dma_wait3A_389] : memref<128x128xf32, #tpu.memory_space<vmem>> -> memref<128x128xf32, #tpu.memory_space<vmem>>
      %dma_wait3A_391 = arith.constant 0 : i32
      %dma_wait3A_392 = tpu.memref_slice %arg5[%arg0, %add3A_356, %dma_wait3A_391] : memref<2x10112x128xf32, #tpu.memory_space<hbm>> -> memref<1x128x128xf32, #tpu.memory_space<hbm>>
      %dma_wait3A_393 = tpu.memref_squeeze %dma_wait3A_392 : memref<1x128x128xf32, #tpu.memory_space<hbm>> -> memref<128x128xf32, #tpu.memory_space<hbm>>
      %dma_wait3A_394 = arith.constant 0 : i32
      %dma_wait3A_395 = tpu.memref_slice %arg5[%arg0, %add3A_356, %dma_wait3A_394] : memref<2x10112x128xf32, #tpu.memory_space<hbm>> -> memref<1x128x128xf32, #tpu.memory_space<hbm>>
      %dma_wait3A_396 = tpu.memref_squeeze %dma_wait3A_395 : memref<1x128x128xf32, #tpu.memory_space<hbm>> -> memref<128x128xf32, #tpu.memory_space<hbm>>
      %dma_wait3A_397 = arith.constant 0 : i32
      %dma_wait3A_398 = arith.constant 0 : i32
      %dma_wait3A_399 = tpu.memref_slice %arg9[%dma_wait3A_397, %dma_wait3A_398] : memref<128x128xf32, #tpu.memory_space<vmem>> -> memref<128x128xf32, #tpu.memory_space<vmem>>
      tpu.wait_dma2 semaphore(%run_scoped3A_376 : memref<!tpu.dma_semaphore, #tpu.memory_space<semaphore_mem>>) src(%dma_wait3A_399 : memref<128x128xf32, #tpu.memory_space<vmem>>) dst(%dma_wait3A_396 : memref<128x128xf32, #tpu.memory_space<hbm>>)
      tpu.yield
    }) : () -> ()
    %add3A_357 = arith.constant 128 : i32
    %add3A_358 = arith.addi %mul3A_26, %add3A_357 : i32
    "tpu.region"() ({
      %run_scoped3A_376 = tpu.sem_alloc : memref<!tpu.dma_semaphore, #tpu.memory_space<semaphore_mem>>
      %dma_start3A_377 = arith.constant 0 : i32
      %dma_start3A_378 = arith.constant 0 : i32
      %dma_start3A_379 = tpu.memref_slice %arg10[%dma_start3A_377, %dma_start3A_378] : memref<128x128xf32, #tpu.memory_space<vmem>> -> memref<128x128xf32, #tpu.memory_space<vmem>>
      %dma_start3A_380 = arith.constant 0 : i32
      %dma_start3A_381 = tpu.memref_slice %arg13[%add3A_358, %dma_start3A_380] : memref<10112x128xf32, #tpu.memory_space<vmem_shared>> -> memref<128x128xf32, #tpu.memory_space<vmem_shared>>
      %dma_start3A_382 = arith.constant 0 : i32
      %dma_start3A_383 = arith.constant 0 : i32
      %dma_start3A_384 = tpu.memref_slice %arg10[%dma_start3A_382, %dma_start3A_383] : memref<128x128xf32, #tpu.memory_space<vmem>> -> memref<128x128xf32, #tpu.memory_space<vmem>>
      %dma_start3A_385 = arith.constant 0 : i32
      %dma_start3A_386 = tpu.memref_slice %arg13[%add3A_358, %dma_start3A_385] : memref<10112x128xf32, #tpu.memory_space<vmem_shared>> -> memref<128x128xf32, #tpu.memory_space<vmem_shared>>
      tpu.enqueue_dma source(%dma_start3A_386 : memref<128x128xf32, #tpu.memory_space<vmem_shared>>) target(%dma_start3A_384 : memref<128x128xf32, #tpu.memory_space<vmem>>) target_semaphore(%run_scoped3A_376 : memref<!tpu.dma_semaphore, #tpu.memory_space<semaphore_mem>>)
      %dma_wait3A = arith.constant 0 : i32
      %dma_wait3A_387 = arith.constant 0 : i32
      %dma_wait3A_388 = tpu.memref_slice %arg10[%dma_wait3A, %dma_wait3A_387] : memref<128x128xf32, #tpu.memory_space<vmem>> -> memref<128x128xf32, #tpu.memory_space<vmem>>
      %dma_wait3A_389 = arith.constant 0 : i32
      %dma_wait3A_390 = tpu.memref_slice %arg13[%add3A_358, %dma_wait3A_389] : memref<10112x128xf32, #tpu.memory_space<vmem_shared>> -> memref<128x128xf32, #tpu.memory_space<vmem_shared>>
      %dma_wait3A_391 = arith.constant 0 : i32
      %dma_wait3A_392 = arith.constant 0 : i32
      %dma_wait3A_393 = tpu.memref_slice %arg10[%dma_wait3A_391, %dma_wait3A_392] : memref<128x128xf32, #tpu.memory_space<vmem>> -> memref<128x128xf32, #tpu.memory_space<vmem>>
      %dma_wait3A_394 = arith.constant 0 : i32
      %dma_wait3A_395 = tpu.memref_slice %arg13[%add3A_358, %dma_wait3A_394] : memref<10112x128xf32, #tpu.memory_space<vmem_shared>> -> memref<128x128xf32, #tpu.memory_space<vmem_shared>>
      tpu.wait_dma2 semaphore(%run_scoped3A_376 : memref<!tpu.dma_semaphore, #tpu.memory_space<semaphore_mem>>) src(%dma_wait3A_395 : memref<128x128xf32, #tpu.memory_space<vmem_shared>>) dst(%dma_wait3A_393 : memref<128x128xf32, #tpu.memory_space<vmem>>)
      tpu.yield
    }) : () -> ()
    %add3A_359 = arith.constant 128 : i32
    %add3A_360 = arith.addi %mul3A_26, %add3A_359 : i32
    "tpu.region"() ({
      %run_scoped3A_376 = tpu.sem_alloc : memref<!tpu.dma_semaphore, #tpu.memory_space<semaphore_mem>>
      %dma_start3A_377 = arith.constant 0 : i32
      %dma_start3A_378 = arith.constant 0 : i32
      %dma_start3A_379 = tpu.memref_slice %arg10[%dma_start3A_377, %dma_start3A_378] : memref<128x128xf32, #tpu.memory_space<vmem>> -> memref<128x128xf32, #tpu.memory_space<vmem>>
      %dma_start3A_380 = arith.constant 0 : i32
      %dma_start3A_381 = tpu.memref_slice %arg5[%arg0, %add3A_360, %dma_start3A_380] : memref<2x10112x128xf32, #tpu.memory_space<hbm>> -> memref<1x128x128xf32, #tpu.memory_space<hbm>>
      %dma_start3A_382 = tpu.memref_squeeze %dma_start3A_381 : memref<1x128x128xf32, #tpu.memory_space<hbm>> -> memref<128x128xf32, #tpu.memory_space<hbm>>
      %dma_start3A_383 = arith.constant 0 : i32
      %dma_start3A_384 = tpu.memref_slice %arg5[%arg0, %add3A_360, %dma_start3A_383] : memref<2x10112x128xf32, #tpu.memory_space<hbm>> -> memref<1x128x128xf32, #tpu.memory_space<hbm>>
      %dma_start3A_385 = tpu.memref_squeeze %dma_start3A_384 : memref<1x128x128xf32, #tpu.memory_space<hbm>> -> memref<128x128xf32, #tpu.memory_space<hbm>>
      %dma_start3A_386 = arith.constant 0 : i32
      %dma_start3A_387 = arith.constant 0 : i32
      %dma_start3A_388 = tpu.memref_slice %arg10[%dma_start3A_386, %dma_start3A_387] : memref<128x128xf32, #tpu.memory_space<vmem>> -> memref<128x128xf32, #tpu.memory_space<vmem>>
      tpu.enqueue_dma source(%dma_start3A_388 : memref<128x128xf32, #tpu.memory_space<vmem>>) target(%dma_start3A_385 : memref<128x128xf32, #tpu.memory_space<hbm>>) target_semaphore(%run_scoped3A_376 : memref<!tpu.dma_semaphore, #tpu.memory_space<semaphore_mem>>)
      %dma_wait3A = arith.constant 0 : i32
      %dma_wait3A_389 = arith.constant 0 : i32
      %dma_wait3A_390 = tpu.memref_slice %arg10[%dma_wait3A, %dma_wait3A_389] : memref<128x128xf32, #tpu.memory_space<vmem>> -> memref<128x128xf32, #tpu.memory_space<vmem>>
      %dma_wait3A_391 = arith.constant 0 : i32
      %dma_wait3A_392 = tpu.memref_slice %arg5[%arg0, %add3A_360, %dma_wait3A_391] : memref<2x10112x128xf32, #tpu.memory_space<hbm>> -> memref<1x128x128xf32, #tpu.memory_space<hbm>>
      %dma_wait3A_393 = tpu.memref_squeeze %dma_wait3A_392 : memref<1x128x128xf32, #tpu.memory_space<hbm>> -> memref<128x128xf32, #tpu.memory_space<hbm>>
      %dma_wait3A_394 = arith.constant 0 : i32
      %dma_wait3A_395 = tpu.memref_slice %arg5[%arg0, %add3A_360, %dma_wait3A_394] : memref<2x10112x128xf32, #tpu.memory_space<hbm>> -> memref<1x128x128xf32, #tpu.memory_space<hbm>>
      %dma_wait3A_396 = tpu.memref_squeeze %dma_wait3A_395 : memref<1x128x128xf32, #tpu.memory_space<hbm>> -> memref<128x128xf32, #tpu.memory_space<hbm>>
      %dma_wait3A_397 = arith.constant 0 : i32
      %dma_wait3A_398 = arith.constant 0 : i32
      %dma_wait3A_399 = tpu.memref_slice %arg10[%dma_wait3A_397, %dma_wait3A_398] : memref<128x128xf32, #tpu.memory_space<vmem>> -> memref<128x128xf32, #tpu.memory_space<vmem>>
      tpu.wait_dma2 semaphore(%run_scoped3A_376 : memref<!tpu.dma_semaphore, #tpu.memory_space<semaphore_mem>>) src(%dma_wait3A_399 : memref<128x128xf32, #tpu.memory_space<vmem>>) dst(%dma_wait3A_396 : memref<128x128xf32, #tpu.memory_space<hbm>>)
      tpu.yield
    }) : () -> ()
    %add3A_361 = arith.constant 256 : i32
    %add3A_362 = arith.addi %mul3A_26, %add3A_361 : i32
    "tpu.region"() ({
      %run_scoped3A_376 = tpu.sem_alloc : memref<!tpu.dma_semaphore, #tpu.memory_space<semaphore_mem>>
      %dma_start3A_377 = arith.constant 0 : i32
      %dma_start3A_378 = arith.constant 0 : i32
      %dma_start3A_379 = tpu.memref_slice %arg9[%dma_start3A_377, %dma_start3A_378] : memref<128x128xf32, #tpu.memory_space<vmem>> -> memref<128x128xf32, #tpu.memory_space<vmem>>
      %dma_start3A_380 = arith.constant 0 : i32
      %dma_start3A_381 = tpu.memref_slice %arg13[%add3A_362, %dma_start3A_380] : memref<10112x128xf32, #tpu.memory_space<vmem_shared>> -> memref<128x128xf32, #tpu.memory_space<vmem_shared>>
      %dma_start3A_382 = arith.constant 0 : i32
      %dma_start3A_383 = arith.constant 0 : i32
      %dma_start3A_384 = tpu.memref_slice %arg9[%dma_start3A_382, %dma_start3A_383] : memref<128x128xf32, #tpu.memory_space<vmem>> -> memref<128x128xf32, #tpu.memory_space<vmem>>
      %dma_start3A_385 = arith.constant 0 : i32
      %dma_start3A_386 = tpu.memref_slice %arg13[%add3A_362, %dma_start3A_385] : memref<10112x128xf32, #tpu.memory_space<vmem_shared>> -> memref<128x128xf32, #tpu.memory_space<vmem_shared>>
      tpu.enqueue_dma source(%dma_start3A_386 : memref<128x128xf32, #tpu.memory_space<vmem_shared>>) target(%dma_start3A_384 : memref<128x128xf32, #tpu.memory_space<vmem>>) target_semaphore(%run_scoped3A_376 : memref<!tpu.dma_semaphore, #tpu.memory_space<semaphore_mem>>)
      %dma_wait3A = arith.constant 0 : i32
      %dma_wait3A_387 = arith.constant 0 : i32
      %dma_wait3A_388 = tpu.memref_slice %arg9[%dma_wait3A, %dma_wait3A_387] : memref<128x128xf32, #tpu.memory_space<vmem>> -> memref<128x128xf32, #tpu.memory_space<vmem>>
      %dma_wait3A_389 = arith.constant 0 : i32
      %dma_wait3A_390 = tpu.memref_slice %arg13[%add3A_362, %dma_wait3A_389] : memref<10112x128xf32, #tpu.memory_space<vmem_shared>> -> memref<128x128xf32, #tpu.memory_space<vmem_shared>>
      %dma_wait3A_391 = arith.constant 0 : i32
      %dma_wait3A_392 = arith.constant 0 : i32
      %dma_wait3A_393 = tpu.memref_slice %arg9[%dma_wait3A_391, %dma_wait3A_392] : memref<128x128xf32, #tpu.memory_space<vmem>> -> memref<128x128xf32, #tpu.memory_space<vmem>>
      %dma_wait3A_394 = arith.constant 0 : i32
      %dma_wait3A_395 = tpu.memref_slice %arg13[%add3A_362, %dma_wait3A_394] : memref<10112x128xf32, #tpu.memory_space<vmem_shared>> -> memref<128x128xf32, #tpu.memory_space<vmem_shared>>
      tpu.wait_dma2 semaphore(%run_scoped3A_376 : memref<!tpu.dma_semaphore, #tpu.memory_space<semaphore_mem>>) src(%dma_wait3A_395 : memref<128x128xf32, #tpu.memory_space<vmem_shared>>) dst(%dma_wait3A_393 : memref<128x128xf32, #tpu.memory_space<vmem>>)
      tpu.yield
    }) : () -> ()
    %add3A_363 = arith.constant 256 : i32
    %add3A_364 = arith.addi %mul3A_26, %add3A_363 : i32
    "tpu.region"() ({
      %run_scoped3A_376 = tpu.sem_alloc : memref<!tpu.dma_semaphore, #tpu.memory_space<semaphore_mem>>
      %dma_start3A_377 = arith.constant 0 : i32
      %dma_start3A_378 = arith.constant 0 : i32
      %dma_start3A_379 = tpu.memref_slice %arg9[%dma_start3A_377, %dma_start3A_378] : memref<128x128xf32, #tpu.memory_space<vmem>> -> memref<128x128xf32, #tpu.memory_space<vmem>>
      %dma_start3A_380 = arith.constant 0 : i32
      %dma_start3A_381 = tpu.memref_slice %arg5[%arg0, %add3A_364, %dma_start3A_380] : memref<2x10112x128xf32, #tpu.memory_space<hbm>> -> memref<1x128x128xf32, #tpu.memory_space<hbm>>
      %dma_start3A_382 = tpu.memref_squeeze %dma_start3A_381 : memref<1x128x128xf32, #tpu.memory_space<hbm>> -> memref<128x128xf32, #tpu.memory_space<hbm>>
      %dma_start3A_383 = arith.constant 0 : i32
      %dma_start3A_384 = tpu.memref_slice %arg5[%arg0, %add3A_364, %dma_start3A_383] : memref<2x10112x128xf32, #tpu.memory_space<hbm>> -> memref<1x128x128xf32, #tpu.memory_space<hbm>>
      %dma_start3A_385 = tpu.memref_squeeze %dma_start3A_384 : memref<1x128x128xf32, #tpu.memory_space<hbm>> -> memref<128x128xf32, #tpu.memory_space<hbm>>
      %dma_start3A_386 = arith.constant 0 : i32
      %dma_start3A_387 = arith.constant 0 : i32
      %dma_start3A_388 = tpu.memref_slice %arg9[%dma_start3A_386, %dma_start3A_387] : memref<128x128xf32, #tpu.memory_space<vmem>> -> memref<128x128xf32, #tpu.memory_space<vmem>>
      tpu.enqueue_dma source(%dma_start3A_388 : memref<128x128xf32, #tpu.memory_space<vmem>>) target(%dma_start3A_385 : memref<128x128xf32, #tpu.memory_space<hbm>>) target_semaphore(%run_scoped3A_376 : memref<!tpu.dma_semaphore, #tpu.memory_space<semaphore_mem>>)
      %dma_wait3A = arith.constant 0 : i32
      %dma_wait3A_389 = arith.constant 0 : i32
      %dma_wait3A_390 = tpu.memref_slice %arg9[%dma_wait3A, %dma_wait3A_389] : memref<128x128xf32, #tpu.memory_space<vmem>> -> memref<128x128xf32, #tpu.memory_space<vmem>>
      %dma_wait3A_391 = arith.constant 0 : i32
      %dma_wait3A_392 = tpu.memref_slice %arg5[%arg0, %add3A_364, %dma_wait3A_391] : memref<2x10112x128xf32, #tpu.memory_space<hbm>> -> memref<1x128x128xf32, #tpu.memory_space<hbm>>
      %dma_wait3A_393 = tpu.memref_squeeze %dma_wait3A_392 : memref<1x128x128xf32, #tpu.memory_space<hbm>> -> memref<128x128xf32, #tpu.memory_space<hbm>>
      %dma_wait3A_394 = arith.constant 0 : i32
      %dma_wait3A_395 = tpu.memref_slice %arg5[%arg0, %add3A_364, %dma_wait3A_394] : memref<2x10112x128xf32, #tpu.memory_space<hbm>> -> memref<1x128x128xf32, #tpu.memory_space<hbm>>
      %dma_wait3A_396 = tpu.memref_squeeze %dma_wait3A_395 : memref<1x128x128xf32, #tpu.memory_space<hbm>> -> memref<128x128xf32, #tpu.memory_space<hbm>>
      %dma_wait3A_397 = arith.constant 0 : i32
      %dma_wait3A_398 = arith.constant 0 : i32
      %dma_wait3A_399 = tpu.memref_slice %arg9[%dma_wait3A_397, %dma_wait3A_398] : memref<128x128xf32, #tpu.memory_space<vmem>> -> memref<128x128xf32, #tpu.memory_space<vmem>>
      tpu.wait_dma2 semaphore(%run_scoped3A_376 : memref<!tpu.dma_semaphore, #tpu.memory_space<semaphore_mem>>) src(%dma_wait3A_399 : memref<128x128xf32, #tpu.memory_space<vmem>>) dst(%dma_wait3A_396 : memref<128x128xf32, #tpu.memory_space<hbm>>)
      tpu.yield
    }) : () -> ()
    %add3A_365 = arith.constant 384 : i32
    %add3A_366 = arith.addi %mul3A_26, %add3A_365 : i32
    "tpu.region"() ({
      %run_scoped3A_376 = tpu.sem_alloc : memref<!tpu.dma_semaphore, #tpu.memory_space<semaphore_mem>>
      %dma_start3A_377 = arith.constant 0 : i32
      %dma_start3A_378 = arith.constant 0 : i32
      %dma_start3A_379 = tpu.memref_slice %arg10[%dma_start3A_377, %dma_start3A_378] : memref<128x128xf32, #tpu.memory_space<vmem>> -> memref<128x128xf32, #tpu.memory_space<vmem>>
      %dma_start3A_380 = arith.constant 0 : i32
      %dma_start3A_381 = tpu.memref_slice %arg13[%add3A_366, %dma_start3A_380] : memref<10112x128xf32, #tpu.memory_space<vmem_shared>> -> memref<128x128xf32, #tpu.memory_space<vmem_shared>>
      %dma_start3A_382 = arith.constant 0 : i32
      %dma_start3A_383 = arith.constant 0 : i32
      %dma_start3A_384 = tpu.memref_slice %arg10[%dma_start3A_382, %dma_start3A_383] : memref<128x128xf32, #tpu.memory_space<vmem>> -> memref<128x128xf32, #tpu.memory_space<vmem>>
      %dma_start3A_385 = arith.constant 0 : i32
      %dma_start3A_386 = tpu.memref_slice %arg13[%add3A_366, %dma_start3A_385] : memref<10112x128xf32, #tpu.memory_space<vmem_shared>> -> memref<128x128xf32, #tpu.memory_space<vmem_shared>>
      tpu.enqueue_dma source(%dma_start3A_386 : memref<128x128xf32, #tpu.memory_space<vmem_shared>>) target(%dma_start3A_384 : memref<128x128xf32, #tpu.memory_space<vmem>>) target_semaphore(%run_scoped3A_376 : memref<!tpu.dma_semaphore, #tpu.memory_space<semaphore_mem>>)
      %dma_wait3A = arith.constant 0 : i32
      %dma_wait3A_387 = arith.constant 0 : i32
      %dma_wait3A_388 = tpu.memref_slice %arg10[%dma_wait3A, %dma_wait3A_387] : memref<128x128xf32, #tpu.memory_space<vmem>> -> memref<128x128xf32, #tpu.memory_space<vmem>>
      %dma_wait3A_389 = arith.constant 0 : i32
      %dma_wait3A_390 = tpu.memref_slice %arg13[%add3A_366, %dma_wait3A_389] : memref<10112x128xf32, #tpu.memory_space<vmem_shared>> -> memref<128x128xf32, #tpu.memory_space<vmem_shared>>
      %dma_wait3A_391 = arith.constant 0 : i32
      %dma_wait3A_392 = arith.constant 0 : i32
      %dma_wait3A_393 = tpu.memref_slice %arg10[%dma_wait3A_391, %dma_wait3A_392] : memref<128x128xf32, #tpu.memory_space<vmem>> -> memref<128x128xf32, #tpu.memory_space<vmem>>
      %dma_wait3A_394 = arith.constant 0 : i32
      %dma_wait3A_395 = tpu.memref_slice %arg13[%add3A_366, %dma_wait3A_394] : memref<10112x128xf32, #tpu.memory_space<vmem_shared>> -> memref<128x128xf32, #tpu.memory_space<vmem_shared>>
      tpu.wait_dma2 semaphore(%run_scoped3A_376 : memref<!tpu.dma_semaphore, #tpu.memory_space<semaphore_mem>>) src(%dma_wait3A_395 : memref<128x128xf32, #tpu.memory_space<vmem_shared>>) dst(%dma_wait3A_393 : memref<128x128xf32, #tpu.memory_space<vmem>>)
      tpu.yield
    }) : () -> ()
    %add3A_367 = arith.constant 384 : i32
    %add3A_368 = arith.addi %mul3A_26, %add3A_367 : i32
    "tpu.region"() ({
      %run_scoped3A_376 = tpu.sem_alloc : memref<!tpu.dma_semaphore, #tpu.memory_space<semaphore_mem>>
      %dma_start3A_377 = arith.constant 0 : i32
      %dma_start3A_378 = arith.constant 0 : i32
      %dma_start3A_379 = tpu.memref_slice %arg10[%dma_start3A_377, %dma_start3A_378] : memref<128x128xf32, #tpu.memory_space<vmem>> -> memref<128x128xf32, #tpu.memory_space<vmem>>
      %dma_start3A_380 = arith.constant 0 : i32
      %dma_start3A_381 = tpu.memref_slice %arg5[%arg0, %add3A_368, %dma_start3A_380] : memref<2x10112x128xf32, #tpu.memory_space<hbm>> -> memref<1x128x128xf32, #tpu.memory_space<hbm>>
      %dma_start3A_382 = tpu.memref_squeeze %dma_start3A_381 : memref<1x128x128xf32, #tpu.memory_space<hbm>> -> memref<128x128xf32, #tpu.memory_space<hbm>>
      %dma_start3A_383 = arith.constant 0 : i32
      %dma_start3A_384 = tpu.memref_slice %arg5[%arg0, %add3A_368, %dma_start3A_383] : memref<2x10112x128xf32, #tpu.memory_space<hbm>> -> memref<1x128x128xf32, #tpu.memory_space<hbm>>
      %dma_start3A_385 = tpu.memref_squeeze %dma_start3A_384 : memref<1x128x128xf32, #tpu.memory_space<hbm>> -> memref<128x128xf32, #tpu.memory_space<hbm>>
      %dma_start3A_386 = arith.constant 0 : i32
      %dma_start3A_387 = arith.constant 0 : i32
      %dma_start3A_388 = tpu.memref_slice %arg10[%dma_start3A_386, %dma_start3A_387] : memref<128x128xf32, #tpu.memory_space<vmem>> -> memref<128x128xf32, #tpu.memory_space<vmem>>
      tpu.enqueue_dma source(%dma_start3A_388 : memref<128x128xf32, #tpu.memory_space<vmem>>) target(%dma_start3A_385 : memref<128x128xf32, #tpu.memory_space<hbm>>) target_semaphore(%run_scoped3A_376 : memref<!tpu.dma_semaphore, #tpu.memory_space<semaphore_mem>>)
      %dma_wait3A = arith.constant 0 : i32
      %dma_wait3A_389 = arith.constant 0 : i32
      %dma_wait3A_390 = tpu.memref_slice %arg10[%dma_wait3A, %dma_wait3A_389] : memref<128x128xf32, #tpu.memory_space<vmem>> -> memref<128x128xf32, #tpu.memory_space<vmem>>
      %dma_wait3A_391 = arith.constant 0 : i32
      %dma_wait3A_392 = tpu.memref_slice %arg5[%arg0, %add3A_368, %dma_wait3A_391] : memref<2x10112x128xf32, #tpu.memory_space<hbm>> -> memref<1x128x128xf32, #tpu.memory_space<hbm>>
      %dma_wait3A_393 = tpu.memref_squeeze %dma_wait3A_392 : memref<1x128x128xf32, #tpu.memory_space<hbm>> -> memref<128x128xf32, #tpu.memory_space<hbm>>
      %dma_wait3A_394 = arith.constant 0 : i32
      %dma_wait3A_395 = tpu.memref_slice %arg5[%arg0, %add3A_368, %dma_wait3A_394] : memref<2x10112x128xf32, #tpu.memory_space<hbm>> -> memref<1x128x128xf32, #tpu.memory_space<hbm>>
      %dma_wait3A_396 = tpu.memref_squeeze %dma_wait3A_395 : memref<1x128x128xf32, #tpu.memory_space<hbm>> -> memref<128x128xf32, #tpu.memory_space<hbm>>
      %dma_wait3A_397 = arith.constant 0 : i32
      %dma_wait3A_398 = arith.constant 0 : i32
      %dma_wait3A_399 = tpu.memref_slice %arg10[%dma_wait3A_397, %dma_wait3A_398] : memref<128x128xf32, #tpu.memory_space<vmem>> -> memref<128x128xf32, #tpu.memory_space<vmem>>
      tpu.wait_dma2 semaphore(%run_scoped3A_376 : memref<!tpu.dma_semaphore, #tpu.memory_space<semaphore_mem>>) src(%dma_wait3A_399 : memref<128x128xf32, #tpu.memory_space<vmem>>) dst(%dma_wait3A_396 : memref<128x128xf32, #tpu.memory_space<hbm>>)
      tpu.yield
    }) : () -> ()
    %add3A_369 = arith.constant 512 : i32
    %add3A_370 = arith.addi %mul3A_26, %add3A_369 : i32
    "tpu.region"() ({
      %run_scoped3A_376 = tpu.sem_alloc : memref<!tpu.dma_semaphore, #tpu.memory_space<semaphore_mem>>
      %dma_start3A_377 = arith.constant 0 : i32
      %dma_start3A_378 = arith.constant 0 : i32
      %dma_start3A_379 = tpu.memref_slice %arg9[%dma_start3A_377, %dma_start3A_378] : memref<128x128xf32, #tpu.memory_space<vmem>> -> memref<120x128xf32, #tpu.memory_space<vmem>>
      %dma_start3A_380 = arith.constant 0 : i32
      %dma_start3A_381 = tpu.memref_slice %arg13[%add3A_370, %dma_start3A_380] : memref<10112x128xf32, #tpu.memory_space<vmem_shared>> -> memref<120x128xf32, #tpu.memory_space<vmem_shared>>
      %dma_start3A_382 = arith.constant 0 : i32
      %dma_start3A_383 = arith.constant 0 : i32
      %dma_start3A_384 = tpu.memref_slice %arg9[%dma_start3A_382, %dma_start3A_383] : memref<128x128xf32, #tpu.memory_space<vmem>> -> memref<120x128xf32, #tpu.memory_space<vmem>>
      %dma_start3A_385 = arith.constant 0 : i32
      %dma_start3A_386 = tpu.memref_slice %arg13[%add3A_370, %dma_start3A_385] : memref<10112x128xf32, #tpu.memory_space<vmem_shared>> -> memref<120x128xf32, #tpu.memory_space<vmem_shared>>
      tpu.enqueue_dma source(%dma_start3A_386 : memref<120x128xf32, #tpu.memory_space<vmem_shared>>) target(%dma_start3A_384 : memref<120x128xf32, #tpu.memory_space<vmem>>) target_semaphore(%run_scoped3A_376 : memref<!tpu.dma_semaphore, #tpu.memory_space<semaphore_mem>>)
      %dma_wait3A = arith.constant 0 : i32
      %dma_wait3A_387 = arith.constant 0 : i32
      %dma_wait3A_388 = tpu.memref_slice %arg9[%dma_wait3A, %dma_wait3A_387] : memref<128x128xf32, #tpu.memory_space<vmem>> -> memref<120x128xf32, #tpu.memory_space<vmem>>
      %dma_wait3A_389 = arith.constant 0 : i32
      %dma_wait3A_390 = tpu.memref_slice %arg13[%add3A_370, %dma_wait3A_389] : memref<10112x128xf32, #tpu.memory_space<vmem_shared>> -> memref<120x128xf32, #tpu.memory_space<vmem_shared>>
      %dma_wait3A_391 = arith.constant 0 : i32
      %dma_wait3A_392 = arith.constant 0 : i32
      %dma_wait3A_393 = tpu.memref_slice %arg9[%dma_wait3A_391, %dma_wait3A_392] : memref<128x128xf32, #tpu.memory_space<vmem>> -> memref<120x128xf32, #tpu.memory_space<vmem>>
      %dma_wait3A_394 = arith.constant 0 : i32
      %dma_wait3A_395 = tpu.memref_slice %arg13[%add3A_370, %dma_wait3A_394] : memref<10112x128xf32, #tpu.memory_space<vmem_shared>> -> memref<120x128xf32, #tpu.memory_space<vmem_shared>>
      tpu.wait_dma2 semaphore(%run_scoped3A_376 : memref<!tpu.dma_semaphore, #tpu.memory_space<semaphore_mem>>) src(%dma_wait3A_395 : memref<120x128xf32, #tpu.memory_space<vmem_shared>>) dst(%dma_wait3A_393 : memref<120x128xf32, #tpu.memory_space<vmem>>)
      tpu.yield
    }) : () -> ()
    %add3A_371 = arith.constant 512 : i32
    %add3A_372 = arith.addi %mul3A_26, %add3A_371 : i32
    "tpu.region"() ({
      %run_scoped3A_376 = tpu.sem_alloc : memref<!tpu.dma_semaphore, #tpu.memory_space<semaphore_mem>>
      %dma_start3A_377 = arith.constant 0 : i32
      %dma_start3A_378 = arith.constant 0 : i32
      %dma_start3A_379 = tpu.memref_slice %arg9[%dma_start3A_377, %dma_start3A_378] : memref<128x128xf32, #tpu.memory_space<vmem>> -> memref<120x128xf32, #tpu.memory_space<vmem>>
      %dma_start3A_380 = arith.constant 0 : i32
      %dma_start3A_381 = tpu.memref_slice %arg5[%arg0, %add3A_372, %dma_start3A_380] : memref<2x10112x128xf32, #tpu.memory_space<hbm>> -> memref<1x120x128xf32, #tpu.memory_space<hbm>>
      %dma_start3A_382 = tpu.memref_squeeze %dma_start3A_381 : memref<1x120x128xf32, #tpu.memory_space<hbm>> -> memref<120x128xf32, #tpu.memory_space<hbm>>
      %dma_start3A_383 = arith.constant 0 : i32
      %dma_start3A_384 = tpu.memref_slice %arg5[%arg0, %add3A_372, %dma_start3A_383] : memref<2x10112x128xf32, #tpu.memory_space<hbm>> -> memref<1x120x128xf32, #tpu.memory_space<hbm>>
      %dma_start3A_385 = tpu.memref_squeeze %dma_start3A_384 : memref<1x120x128xf32, #tpu.memory_space<hbm>> -> memref<120x128xf32, #tpu.memory_space<hbm>>
      %dma_start3A_386 = arith.constant 0 : i32
      %dma_start3A_387 = arith.constant 0 : i32
      %dma_start3A_388 = tpu.memref_slice %arg9[%dma_start3A_386, %dma_start3A_387] : memref<128x128xf32, #tpu.memory_space<vmem>> -> memref<120x128xf32, #tpu.memory_space<vmem>>
      tpu.enqueue_dma source(%dma_start3A_388 : memref<120x128xf32, #tpu.memory_space<vmem>>) target(%dma_start3A_385 : memref<120x128xf32, #tpu.memory_space<hbm>>) target_semaphore(%run_scoped3A_376 : memref<!tpu.dma_semaphore, #tpu.memory_space<semaphore_mem>>)
      %dma_wait3A = arith.constant 0 : i32
      %dma_wait3A_389 = arith.constant 0 : i32
      %dma_wait3A_390 = tpu.memref_slice %arg9[%dma_wait3A, %dma_wait3A_389] : memref<128x128xf32, #tpu.memory_space<vmem>> -> memref<120x128xf32, #tpu.memory_space<vmem>>
      %dma_wait3A_391 = arith.constant 0 : i32
      %dma_wait3A_392 = tpu.memref_slice %arg5[%arg0, %add3A_372, %dma_wait3A_391] : memref<2x10112x128xf32, #tpu.memory_space<hbm>> -> memref<1x120x128xf32, #tpu.memory_space<hbm>>
      %dma_wait3A_393 = tpu.memref_squeeze %dma_wait3A_392 : memref<1x120x128xf32, #tpu.memory_space<hbm>> -> memref<120x128xf32, #tpu.memory_space<hbm>>
      %dma_wait3A_394 = arith.constant 0 : i32
      %dma_wait3A_395 = tpu.memref_slice %arg5[%arg0, %add3A_372, %dma_wait3A_394] : memref<2x10112x128xf32, #tpu.memory_space<hbm>> -> memref<1x120x128xf32, #tpu.memory_space<hbm>>
      %dma_wait3A_396 = tpu.memref_squeeze %dma_wait3A_395 : memref<1x120x128xf32, #tpu.memory_space<hbm>> -> memref<120x128xf32, #tpu.memory_space<hbm>>
      %dma_wait3A_397 = arith.constant 0 : i32
      %dma_wait3A_398 = arith.constant 0 : i32
      %dma_wait3A_399 = tpu.memref_slice %arg9[%dma_wait3A_397, %dma_wait3A_398] : memref<128x128xf32, #tpu.memory_space<vmem>> -> memref<120x128xf32, #tpu.memory_space<vmem>>
      tpu.wait_dma2 semaphore(%run_scoped3A_376 : memref<!tpu.dma_semaphore, #tpu.memory_space<semaphore_mem>>) src(%dma_wait3A_399 : memref<120x128xf32, #tpu.memory_space<vmem>>) dst(%dma_wait3A_396 : memref<120x128xf32, #tpu.memory_space<hbm>>)
      tpu.yield
    }) : () -> ()
    "tpu.region"() ({
      %run_scoped3A_376 = tpu.sem_alloc : memref<!tpu.dma_semaphore, #tpu.memory_space<semaphore_mem>>
      %dma_start3A_377 = tpu.memref_slice %arg15[%mul3A_26] : memref<10112xf32, #tpu.memory_space<vmem_shared>> -> memref<632xf32, #tpu.memory_space<vmem_shared>>
      %dma_start3A_378 = tpu.memref_slice %arg15[%mul3A_26] : memref<10112xf32, #tpu.memory_space<vmem_shared>> -> memref<632xf32, #tpu.memory_space<vmem_shared>>
      tpu.enqueue_dma source(%dma_start3A_378 : memref<632xf32, #tpu.memory_space<vmem_shared>>) target(%arg16 : memref<632xf32, #tpu.memory_space<vmem>>) target_semaphore(%run_scoped3A_376 : memref<!tpu.dma_semaphore, #tpu.memory_space<semaphore_mem>>)
      %dma_wait3A = tpu.memref_slice %arg15[%mul3A_26] : memref<10112xf32, #tpu.memory_space<vmem_shared>> -> memref<632xf32, #tpu.memory_space<vmem_shared>>
      %dma_wait3A_379 = tpu.memref_slice %arg15[%mul3A_26] : memref<10112xf32, #tpu.memory_space<vmem_shared>> -> memref<632xf32, #tpu.memory_space<vmem_shared>>
      tpu.wait_dma2 semaphore(%run_scoped3A_376 : memref<!tpu.dma_semaphore, #tpu.memory_space<semaphore_mem>>) src(%dma_wait3A_379 : memref<632xf32, #tpu.memory_space<vmem_shared>>) dst(%arg16 : memref<632xf32, #tpu.memory_space<vmem>>)
      tpu.yield
    }) : () -> ()
    %mul3A_373 = arith.constant 10112 : i32
    %mul3A_374 = arith.muli %arg0, %mul3A_373 : i32
    %add3A_375 = arith.addi %mul3A_374, %mul3A_26 : i32
    "tpu.region"() ({
      %run_scoped3A_376 = tpu.sem_alloc : memref<!tpu.dma_semaphore, #tpu.memory_space<semaphore_mem>>
      %dma_start3A_377 = tpu.memref_slice %arg6[%add3A_375] : memref<20224xf32, #tpu.memory_space<hbm>> -> memref<632xf32, #tpu.memory_space<hbm>>
      %dma_start3A_378 = tpu.memref_slice %arg6[%add3A_375] : memref<20224xf32, #tpu.memory_space<hbm>> -> memref<632xf32, #tpu.memory_space<hbm>>
      tpu.enqueue_dma source(%arg16 : memref<632xf32, #tpu.memory_space<vmem>>) target(%dma_start3A_378 : memref<632xf32, #tpu.memory_space<hbm>>) target_semaphore(%run_scoped3A_376 : memref<!tpu.dma_semaphore, #tpu.memory_space<semaphore_mem>>)
      %dma_wait3A = tpu.memref_slice %arg6[%add3A_375] : memref<20224xf32, #tpu.memory_space<hbm>> -> memref<632xf32, #tpu.memory_space<hbm>>
      %dma_wait3A_379 = tpu.memref_slice %arg6[%add3A_375] : memref<20224xf32, #tpu.memory_space<hbm>> -> memref<632xf32, #tpu.memory_space<hbm>>
      tpu.wait_dma2 semaphore(%run_scoped3A_376 : memref<!tpu.dma_semaphore, #tpu.memory_space<semaphore_mem>>) src(%arg16 : memref<632xf32, #tpu.memory_space<vmem>>) dst(%dma_wait3A_379 : memref<632xf32, #tpu.memory_space<hbm>>)
      tpu.yield
    }) : () -> ()
    return
  }
}

#map = affine_map<(d0, d1) -> (0, 0)>
#map1 = affine_map<(d0, d1) -> (0, 0, 0)>
module attributes {stable_mosaic.version = 14 : i64} {
  func.func @sc_agg(%arg0: i32, %arg1: i32, %arg2: memref<2560x128xi32, #tpu.memory_space<hbm>>, %arg3: memref<2560x128xi32, #tpu.memory_space<hbm>>, %arg4: memref<10000x128xf32, #tpu.memory_space<hbm>>, %arg5: memref<2x10112x128xf32, #tpu.memory_space<hbm>>, %arg6: memref<2x16x128xi32, #tpu.memory_space<vmem>>, %arg7: memref<16x128xi32, #tpu.memory_space<vmem>>, %arg8: memref<128x128xf32, #tpu.memory_space<vmem>>, %arg9: memref<128x128xf32, #tpu.memory_space<vmem>>, %arg10: memref<!tpu.dma_semaphore, #tpu.memory_space<semaphore_mem>>, %arg11: memref<!tpu.dma_semaphore, #tpu.memory_space<semaphore_mem>>, %arg12: memref<10112x128xf32, #tpu.memory_space<vmem_shared>>) attributes {dimension_semantics = [#tpu.dimension_semantics<core_parallel>, #tpu.dimension_semantics<subcore_parallel>], iteration_bounds = array<i64: 2, 16>, scalar_prefetch = 0 : i64, scratch_operands = 7 : i64, tpu.core_type = #tpu.core_type<sc_vector_subcore>, window_params = [{transform_indices = #map}, {transform_indices = #map}, {transform_indices = #map}, {transform_indices = #map1}]} {
    %eq3A = arith.constant 0 : i32
    %eq3A_0 = arith.cmpi eq, %arg0, %eq3A : i32
    %jit3A = arith.constant 112 : i32
    %jit3A_1 = arith.constant 48 : i32
    %select_n3A = arith.select %eq3A_0, %jit3A, %jit3A_1 : i32
    %jit3A_2 = arith.constant 16 : i32
    %div3A = arith.divsi %select_n3A, %jit3A_2 : i32
    %sign3A = arith.constant 0 : i32
    %sign3A_3 = arith.cmpi sgt, %select_n3A, %sign3A : i32
    %sign3A_4 = arith.extui %sign3A_3 : i1 to i32
    %sign3A_5 = arith.constant 0 : i32
    %sign3A_6 = arith.cmpi slt, %select_n3A, %sign3A_5 : i32
    %sign3A_7 = arith.extui %sign3A_6 : i1 to i32
    %sign3A_8 = arith.subi %sign3A_4, %sign3A_7 : i32
    %sign3A_9 = arith.constant 0 : i32
    %sign3A_10 = arith.cmpi sgt, %jit3A_2, %sign3A_9 : i32
    %sign3A_11 = arith.extui %sign3A_10 : i1 to i32
    %sign3A_12 = arith.constant 0 : i32
    %sign3A_13 = arith.cmpi slt, %jit3A_2, %sign3A_12 : i32
    %sign3A_14 = arith.extui %sign3A_13 : i1 to i32
    %sign3A_15 = arith.subi %sign3A_11, %sign3A_14 : i32
    %ne3A = arith.cmpi ne, %sign3A_8, %sign3A_15 : i32
    %rem3A = arith.remsi %select_n3A, %jit3A_2 : i32
    %ne3A_16 = arith.constant 0 : i32
    %ne3A_17 = arith.cmpi ne, %rem3A, %ne3A_16 : i32
    %and3A = arith.andi %ne3A, %ne3A_17 : i1
    %sub3A = arith.constant 1 : i32
    %sub3A_18 = arith.subi %div3A, %sub3A : i32
    %select_n3A_19 = arith.select %and3A, %sub3A_18, %div3A : i32
    %mul3A = arith.constant 112 : i32
    %mul3A_20 = arith.muli %arg1, %mul3A : i32
    %mul3A_21 = arith.constant 48 : i32
    %mul3A_22 = arith.muli %arg1, %mul3A_21 : i32
    %add3A = arith.constant 1792 : i32
    %add3A_23 = arith.addi %add3A, %mul3A_22 : i32
    %select_n3A_24 = arith.select %eq3A_0, %mul3A_20, %add3A_23 : i32
    %mul3A_25 = arith.constant 632 : i32
    %mul3A_26 = arith.muli %arg1, %mul3A_25 : i32
    %scan3A = arith.constant 0 : i32
    %scan3A_27 = arith.constant 0 : i32
    %scan3A_28 = arith.constant 128 : i32
    %scan3A_29 = arith.addi %scan3A_27, %scan3A_28 : i32
    %scan3A_30 = arith.constant 1 : i32
    scf.for %scan3A_87 = %scan3A_27 to %scan3A_29 step %scan3A_30  : i32 {
      %broadcast_in_dim3A = arith.constant 0.000000e+00 : f32
      %broadcast_in_dim3A_88 = vector.broadcast %broadcast_in_dim3A : f32 to vector<16xf32>
      %swap3A = arith.index_cast %scan3A_87 : i32 to index
      %swap3A_89 = arith.constant 0 : index
      %swap3A_90 = tpu.vector_load %arg8[%swap3A, %swap3A_89] {strides = array<i32>} : memref<128x128xf32, #tpu.memory_space<vmem>>, vector<1x16xf32>,
      %swap3A_91 = vector.shape_cast %swap3A_90 : vector<1x16xf32> to vector<16xf32>
      %swap3A_92 = vector.shape_cast %broadcast_in_dim3A_88 : vector<16xf32> to vector<1x16xf32>
      tpu.vector_store %arg8[%swap3A, %swap3A_89], %swap3A_92 {strides = array<i32>} : memref<128x128xf32, #tpu.memory_space<vmem>>, vector<1x16xf32>,
      %broadcast_in_dim3A_93 = arith.constant 0.000000e+00 : f32
      %broadcast_in_dim3A_94 = vector.broadcast %broadcast_in_dim3A_93 : f32 to vector<16xf32>
      %swap3A_95 = arith.index_cast %scan3A_87 : i32 to index
      %swap3A_96 = arith.constant 16 : index
      %swap3A_97 = tpu.vector_load %arg8[%swap3A_95, %swap3A_96] {strides = array<i32>} : memref<128x128xf32, #tpu.memory_space<vmem>>, vector<1x16xf32>,
      %swap3A_98 = vector.shape_cast %swap3A_97 : vector<1x16xf32> to vector<16xf32>
      %swap3A_99 = vector.shape_cast %broadcast_in_dim3A_94 : vector<16xf32> to vector<1x16xf32>
      tpu.vector_store %arg8[%swap3A_95, %swap3A_96], %swap3A_99 {strides = array<i32>} : memref<128x128xf32, #tpu.memory_space<vmem>>, vector<1x16xf32>,
      %broadcast_in_dim3A_100 = arith.constant 0.000000e+00 : f32
      %broadcast_in_dim3A_101 = vector.broadcast %broadcast_in_dim3A_100 : f32 to vector<16xf32>
      %swap3A_102 = arith.index_cast %scan3A_87 : i32 to index
      %swap3A_103 = arith.constant 32 : index
      %swap3A_104 = tpu.vector_load %arg8[%swap3A_102, %swap3A_103] {strides = array<i32>} : memref<128x128xf32, #tpu.memory_space<vmem>>, vector<1x16xf32>,
      %swap3A_105 = vector.shape_cast %swap3A_104 : vector<1x16xf32> to vector<16xf32>
      %swap3A_106 = vector.shape_cast %broadcast_in_dim3A_101 : vector<16xf32> to vector<1x16xf32>
      tpu.vector_store %arg8[%swap3A_102, %swap3A_103], %swap3A_106 {strides = array<i32>} : memref<128x128xf32, #tpu.memory_space<vmem>>, vector<1x16xf32>,
      %broadcast_in_dim3A_107 = arith.constant 0.000000e+00 : f32
      %broadcast_in_dim3A_108 = vector.broadcast %broadcast_in_dim3A_107 : f32 to vector<16xf32>
      %swap3A_109 = arith.index_cast %scan3A_87 : i32 to index
      %swap3A_110 = arith.constant 48 : index
      %swap3A_111 = tpu.vector_load %arg8[%swap3A_109, %swap3A_110] {strides = array<i32>} : memref<128x128xf32, #tpu.memory_space<vmem>>, vector<1x16xf32>,
      %swap3A_112 = vector.shape_cast %swap3A_111 : vector<1x16xf32> to vector<16xf32>
      %swap3A_113 = vector.shape_cast %broadcast_in_dim3A_108 : vector<16xf32> to vector<1x16xf32>
      tpu.vector_store %arg8[%swap3A_109, %swap3A_110], %swap3A_113 {strides = array<i32>} : memref<128x128xf32, #tpu.memory_space<vmem>>, vector<1x16xf32>,
      %broadcast_in_dim3A_114 = arith.constant 0.000000e+00 : f32
      %broadcast_in_dim3A_115 = vector.broadcast %broadcast_in_dim3A_114 : f32 to vector<16xf32>
      %swap3A_116 = arith.index_cast %scan3A_87 : i32 to index
      %swap3A_117 = arith.constant 64 : index
      %swap3A_118 = tpu.vector_load %arg8[%swap3A_116, %swap3A_117] {strides = array<i32>} : memref<128x128xf32, #tpu.memory_space<vmem>>, vector<1x16xf32>,
      %swap3A_119 = vector.shape_cast %swap3A_118 : vector<1x16xf32> to vector<16xf32>
      %swap3A_120 = vector.shape_cast %broadcast_in_dim3A_115 : vector<16xf32> to vector<1x16xf32>
      tpu.vector_store %arg8[%swap3A_116, %swap3A_117], %swap3A_120 {strides = array<i32>} : memref<128x128xf32, #tpu.memory_space<vmem>>, vector<1x16xf32>,
      %broadcast_in_dim3A_121 = arith.constant 0.000000e+00 : f32
      %broadcast_in_dim3A_122 = vector.broadcast %broadcast_in_dim3A_121 : f32 to vector<16xf32>
      %swap3A_123 = arith.index_cast %scan3A_87 : i32 to index
      %swap3A_124 = arith.constant 80 : index
      %swap3A_125 = tpu.vector_load %arg8[%swap3A_123, %swap3A_124] {strides = array<i32>} : memref<128x128xf32, #tpu.memory_space<vmem>>, vector<1x16xf32>,
      %swap3A_126 = vector.shape_cast %swap3A_125 : vector<1x16xf32> to vector<16xf32>
      %swap3A_127 = vector.shape_cast %broadcast_in_dim3A_122 : vector<16xf32> to vector<1x16xf32>
      tpu.vector_store %arg8[%swap3A_123, %swap3A_124], %swap3A_127 {strides = array<i32>} : memref<128x128xf32, #tpu.memory_space<vmem>>, vector<1x16xf32>,
      %broadcast_in_dim3A_128 = arith.constant 0.000000e+00 : f32
      %broadcast_in_dim3A_129 = vector.broadcast %broadcast_in_dim3A_128 : f32 to vector<16xf32>
      %swap3A_130 = arith.index_cast %scan3A_87 : i32 to index
      %swap3A_131 = arith.constant 96 : index
      %swap3A_132 = tpu.vector_load %arg8[%swap3A_130, %swap3A_131] {strides = array<i32>} : memref<128x128xf32, #tpu.memory_space<vmem>>, vector<1x16xf32>,
      %swap3A_133 = vector.shape_cast %swap3A_132 : vector<1x16xf32> to vector<16xf32>
      %swap3A_134 = vector.shape_cast %broadcast_in_dim3A_129 : vector<16xf32> to vector<1x16xf32>
      tpu.vector_store %arg8[%swap3A_130, %swap3A_131], %swap3A_134 {strides = array<i32>} : memref<128x128xf32, #tpu.memory_space<vmem>>, vector<1x16xf32>,
      %broadcast_in_dim3A_135 = arith.constant 0.000000e+00 : f32
      %broadcast_in_dim3A_136 = vector.broadcast %broadcast_in_dim3A_135 : f32 to vector<16xf32>
      %swap3A_137 = arith.index_cast %scan3A_87 : i32 to index
      %swap3A_138 = arith.constant 112 : index
      %swap3A_139 = tpu.vector_load %arg8[%swap3A_137, %swap3A_138] {strides = array<i32>} : memref<128x128xf32, #tpu.memory_space<vmem>>, vector<1x16xf32>,
      %swap3A_140 = vector.shape_cast %swap3A_139 : vector<1x16xf32> to vector<16xf32>
      %swap3A_141 = vector.shape_cast %broadcast_in_dim3A_136 : vector<16xf32> to vector<1x16xf32>
      tpu.vector_store %arg8[%swap3A_137, %swap3A_138], %swap3A_141 {strides = array<i32>} : memref<128x128xf32, #tpu.memory_space<vmem>>, vector<1x16xf32>,
    }
    %scan3A_31 = arith.constant 128 : i32
    %add3A_32 = arith.constant 0 : i32
    %add3A_33 = arith.addi %mul3A_26, %add3A_32 : i32
    "tpu.region"() ({
      %run_scoped3A_87 = tpu.sem_alloc : memref<!tpu.dma_semaphore, #tpu.memory_space<semaphore_mem>>
      %dma_start3A_88 = arith.constant 0 : i32
      %dma_start3A_89 = tpu.memref_slice %arg12[%add3A_33, %dma_start3A_88] : memref<10112x128xf32, #tpu.memory_space<vmem_shared>> -> memref<128x128xf32, #tpu.memory_space<vmem_shared>>
      %dma_start3A_90 = arith.constant 0 : i32
      %dma_start3A_91 = tpu.memref_slice %arg12[%add3A_33, %dma_start3A_90] : memref<10112x128xf32, #tpu.memory_space<vmem_shared>> -> memref<128x128xf32, #tpu.memory_space<vmem_shared>>
      tpu.enqueue_dma source(%arg8 : memref<128x128xf32, #tpu.memory_space<vmem>>) target(%dma_start3A_91 : memref<128x128xf32, #tpu.memory_space<vmem_shared>>) target_semaphore(%run_scoped3A_87 : memref<!tpu.dma_semaphore, #tpu.memory_space<semaphore_mem>>)
      %dma_wait3A = arith.constant 0 : i32
      %dma_wait3A_92 = tpu.memref_slice %arg12[%add3A_33, %dma_wait3A] : memref<10112x128xf32, #tpu.memory_space<vmem_shared>> -> memref<128x128xf32, #tpu.memory_space<vmem_shared>>
      %dma_wait3A_93 = arith.constant 0 : i32
      %dma_wait3A_94 = tpu.memref_slice %arg12[%add3A_33, %dma_wait3A_93] : memref<10112x128xf32, #tpu.memory_space<vmem_shared>> -> memref<128x128xf32, #tpu.memory_space<vmem_shared>>
      tpu.wait_dma2 semaphore(%run_scoped3A_87 : memref<!tpu.dma_semaphore, #tpu.memory_space<semaphore_mem>>) src(%arg8 : memref<128x128xf32, #tpu.memory_space<vmem>>) dst(%dma_wait3A_94 : memref<128x128xf32, #tpu.memory_space<vmem_shared>>)
      tpu.yield
    }) : () -> ()
    %add3A_34 = arith.constant 128 : i32
    %add3A_35 = arith.addi %mul3A_26, %add3A_34 : i32
    "tpu.region"() ({
      %run_scoped3A_87 = tpu.sem_alloc : memref<!tpu.dma_semaphore, #tpu.memory_space<semaphore_mem>>
      %dma_start3A_88 = arith.constant 0 : i32
      %dma_start3A_89 = tpu.memref_slice %arg12[%add3A_35, %dma_start3A_88] : memref<10112x128xf32, #tpu.memory_space<vmem_shared>> -> memref<128x128xf32, #tpu.memory_space<vmem_shared>>
      %dma_start3A_90 = arith.constant 0 : i32
      %dma_start3A_91 = tpu.memref_slice %arg12[%add3A_35, %dma_start3A_90] : memref<10112x128xf32, #tpu.memory_space<vmem_shared>> -> memref<128x128xf32, #tpu.memory_space<vmem_shared>>
      tpu.enqueue_dma source(%arg8 : memref<128x128xf32, #tpu.memory_space<vmem>>) target(%dma_start3A_91 : memref<128x128xf32, #tpu.memory_space<vmem_shared>>) target_semaphore(%run_scoped3A_87 : memref<!tpu.dma_semaphore, #tpu.memory_space<semaphore_mem>>)
      %dma_wait3A = arith.constant 0 : i32
      %dma_wait3A_92 = tpu.memref_slice %arg12[%add3A_35, %dma_wait3A] : memref<10112x128xf32, #tpu.memory_space<vmem_shared>> -> memref<128x128xf32, #tpu.memory_space<vmem_shared>>
      %dma_wait3A_93 = arith.constant 0 : i32
      %dma_wait3A_94 = tpu.memref_slice %arg12[%add3A_35, %dma_wait3A_93] : memref<10112x128xf32, #tpu.memory_space<vmem_shared>> -> memref<128x128xf32, #tpu.memory_space<vmem_shared>>
      tpu.wait_dma2 semaphore(%run_scoped3A_87 : memref<!tpu.dma_semaphore, #tpu.memory_space<semaphore_mem>>) src(%arg8 : memref<128x128xf32, #tpu.memory_space<vmem>>) dst(%dma_wait3A_94 : memref<128x128xf32, #tpu.memory_space<vmem_shared>>)
      tpu.yield
    }) : () -> ()
    %add3A_36 = arith.constant 256 : i32
    %add3A_37 = arith.addi %mul3A_26, %add3A_36 : i32
    "tpu.region"() ({
      %run_scoped3A_87 = tpu.sem_alloc : memref<!tpu.dma_semaphore, #tpu.memory_space<semaphore_mem>>
      %dma_start3A_88 = arith.constant 0 : i32
      %dma_start3A_89 = tpu.memref_slice %arg12[%add3A_37, %dma_start3A_88] : memref<10112x128xf32, #tpu.memory_space<vmem_shared>> -> memref<128x128xf32, #tpu.memory_space<vmem_shared>>
      %dma_start3A_90 = arith.constant 0 : i32
      %dma_start3A_91 = tpu.memref_slice %arg12[%add3A_37, %dma_start3A_90] : memref<10112x128xf32, #tpu.memory_space<vmem_shared>> -> memref<128x128xf32, #tpu.memory_space<vmem_shared>>
      tpu.enqueue_dma source(%arg8 : memref<128x128xf32, #tpu.memory_space<vmem>>) target(%dma_start3A_91 : memref<128x128xf32, #tpu.memory_space<vmem_shared>>) target_semaphore(%run_scoped3A_87 : memref<!tpu.dma_semaphore, #tpu.memory_space<semaphore_mem>>)
      %dma_wait3A = arith.constant 0 : i32
      %dma_wait3A_92 = tpu.memref_slice %arg12[%add3A_37, %dma_wait3A] : memref<10112x128xf32, #tpu.memory_space<vmem_shared>> -> memref<128x128xf32, #tpu.memory_space<vmem_shared>>
      %dma_wait3A_93 = arith.constant 0 : i32
      %dma_wait3A_94 = tpu.memref_slice %arg12[%add3A_37, %dma_wait3A_93] : memref<10112x128xf32, #tpu.memory_space<vmem_shared>> -> memref<128x128xf32, #tpu.memory_space<vmem_shared>>
      tpu.wait_dma2 semaphore(%run_scoped3A_87 : memref<!tpu.dma_semaphore, #tpu.memory_space<semaphore_mem>>) src(%arg8 : memref<128x128xf32, #tpu.memory_space<vmem>>) dst(%dma_wait3A_94 : memref<128x128xf32, #tpu.memory_space<vmem_shared>>)
      tpu.yield
    }) : () -> ()
    %add3A_38 = arith.constant 384 : i32
    %add3A_39 = arith.addi %mul3A_26, %add3A_38 : i32
    "tpu.region"() ({
      %run_scoped3A_87 = tpu.sem_alloc : memref<!tpu.dma_semaphore, #tpu.memory_space<semaphore_mem>>
      %dma_start3A_88 = arith.constant 0 : i32
      %dma_start3A_89 = tpu.memref_slice %arg12[%add3A_39, %dma_start3A_88] : memref<10112x128xf32, #tpu.memory_space<vmem_shared>> -> memref<128x128xf32, #tpu.memory_space<vmem_shared>>
      %dma_start3A_90 = arith.constant 0 : i32
      %dma_start3A_91 = tpu.memref_slice %arg12[%add3A_39, %dma_start3A_90] : memref<10112x128xf32, #tpu.memory_space<vmem_shared>> -> memref<128x128xf32, #tpu.memory_space<vmem_shared>>
      tpu.enqueue_dma source(%arg8 : memref<128x128xf32, #tpu.memory_space<vmem>>) target(%dma_start3A_91 : memref<128x128xf32, #tpu.memory_space<vmem_shared>>) target_semaphore(%run_scoped3A_87 : memref<!tpu.dma_semaphore, #tpu.memory_space<semaphore_mem>>)
      %dma_wait3A = arith.constant 0 : i32
      %dma_wait3A_92 = tpu.memref_slice %arg12[%add3A_39, %dma_wait3A] : memref<10112x128xf32, #tpu.memory_space<vmem_shared>> -> memref<128x128xf32, #tpu.memory_space<vmem_shared>>
      %dma_wait3A_93 = arith.constant 0 : i32
      %dma_wait3A_94 = tpu.memref_slice %arg12[%add3A_39, %dma_wait3A_93] : memref<10112x128xf32, #tpu.memory_space<vmem_shared>> -> memref<128x128xf32, #tpu.memory_space<vmem_shared>>
      tpu.wait_dma2 semaphore(%run_scoped3A_87 : memref<!tpu.dma_semaphore, #tpu.memory_space<semaphore_mem>>) src(%arg8 : memref<128x128xf32, #tpu.memory_space<vmem>>) dst(%dma_wait3A_94 : memref<128x128xf32, #tpu.memory_space<vmem_shared>>)
      tpu.yield
    }) : () -> ()
    %add3A_40 = arith.constant 512 : i32
    %add3A_41 = arith.addi %mul3A_26, %add3A_40 : i32
    "tpu.region"() ({
      %run_scoped3A_87 = tpu.sem_alloc : memref<!tpu.dma_semaphore, #tpu.memory_space<semaphore_mem>>
      %dma_start3A_88 = arith.constant 0 : i32
      %dma_start3A_89 = arith.constant 0 : i32
      %dma_start3A_90 = tpu.memref_slice %arg8[%dma_start3A_88, %dma_start3A_89] : memref<128x128xf32, #tpu.memory_space<vmem>> -> memref<120x128xf32, #tpu.memory_space<vmem>>
      %dma_start3A_91 = arith.constant 0 : i32
      %dma_start3A_92 = tpu.memref_slice %arg12[%add3A_41, %dma_start3A_91] : memref<10112x128xf32, #tpu.memory_space<vmem_shared>> -> memref<120x128xf32, #tpu.memory_space<vmem_shared>>
      %dma_start3A_93 = arith.constant 0 : i32
      %dma_start3A_94 = tpu.memref_slice %arg12[%add3A_41, %dma_start3A_93] : memref<10112x128xf32, #tpu.memory_space<vmem_shared>> -> memref<120x128xf32, #tpu.memory_space<vmem_shared>>
      %dma_start3A_95 = arith.constant 0 : i32
      %dma_start3A_96 = arith.constant 0 : i32
      %dma_start3A_97 = tpu.memref_slice %arg8[%dma_start3A_95, %dma_start3A_96] : memref<128x128xf32, #tpu.memory_space<vmem>> -> memref<120x128xf32, #tpu.memory_space<vmem>>
      tpu.enqueue_dma source(%dma_start3A_97 : memref<120x128xf32, #tpu.memory_space<vmem>>) target(%dma_start3A_94 : memref<120x128xf32, #tpu.memory_space<vmem_shared>>) target_semaphore(%run_scoped3A_87 : memref<!tpu.dma_semaphore, #tpu.memory_space<semaphore_mem>>)
      %dma_wait3A = arith.constant 0 : i32
      %dma_wait3A_98 = arith.constant 0 : i32
      %dma_wait3A_99 = tpu.memref_slice %arg8[%dma_wait3A, %dma_wait3A_98] : memref<128x128xf32, #tpu.memory_space<vmem>> -> memref<120x128xf32, #tpu.memory_space<vmem>>
      %dma_wait3A_100 = arith.constant 0 : i32
      %dma_wait3A_101 = tpu.memref_slice %arg12[%add3A_41, %dma_wait3A_100] : memref<10112x128xf32, #tpu.memory_space<vmem_shared>> -> memref<120x128xf32, #tpu.memory_space<vmem_shared>>
      %dma_wait3A_102 = arith.constant 0 : i32
      %dma_wait3A_103 = tpu.memref_slice %arg12[%add3A_41, %dma_wait3A_102] : memref<10112x128xf32, #tpu.memory_space<vmem_shared>> -> memref<120x128xf32, #tpu.memory_space<vmem_shared>>
      %dma_wait3A_104 = arith.constant 0 : i32
      %dma_wait3A_105 = arith.constant 0 : i32
      %dma_wait3A_106 = tpu.memref_slice %arg8[%dma_wait3A_104, %dma_wait3A_105] : memref<128x128xf32, #tpu.memory_space<vmem>> -> memref<120x128xf32, #tpu.memory_space<vmem>>
      tpu.wait_dma2 semaphore(%run_scoped3A_87 : memref<!tpu.dma_semaphore, #tpu.memory_space<semaphore_mem>>) src(%dma_wait3A_106 : memref<120x128xf32, #tpu.memory_space<vmem>>) dst(%dma_wait3A_103 : memref<120x128xf32, #tpu.memory_space<vmem_shared>>)
      tpu.yield
    }) : () -> ()
    %barrier3A = arith.constant 0 : index
    tpu.barrier barrier_id(%barrier3A)
    %run_scoped3A = arith.constant 0 : i32
    "tpu.region"() ({
      %run_scoped3A_87 = tpu.sem_alloc : memref<!tpu.dma_semaphore, #tpu.memory_space<semaphore_mem>>
      %dma_start3A_88 = arith.constant 0 : i32
      %dma_start3A_89 = arith.constant 0 : i32
      %dma_start3A_90 = tpu.memref_slice %arg6[%run_scoped3A, %dma_start3A_88, %dma_start3A_89] : memref<2x16x128xi32, #tpu.memory_space<vmem>> -> memref<1x16x128xi32, #tpu.memory_space<vmem>>
      %dma_start3A_91 = tpu.memref_squeeze %dma_start3A_90 : memref<1x16x128xi32, #tpu.memory_space<vmem>> -> memref<16x128xi32, #tpu.memory_space<vmem>>
      %dma_start3A_92 = arith.constant 0 : i32
      %dma_start3A_93 = tpu.memref_slice %arg2[%select_n3A_24, %dma_start3A_92] : memref<2560x128xi32, #tpu.memory_space<hbm>> -> memref<16x128xi32, #tpu.memory_space<hbm>>
      %dma_start3A_94 = arith.constant 0 : i32
      %dma_start3A_95 = arith.constant 0 : i32
      %dma_start3A_96 = tpu.memref_slice %arg6[%run_scoped3A, %dma_start3A_94, %dma_start3A_95] : memref<2x16x128xi32, #tpu.memory_space<vmem>> -> memref<1x16x128xi32, #tpu.memory_space<vmem>>
      %dma_start3A_97 = tpu.memref_squeeze %dma_start3A_96 : memref<1x16x128xi32, #tpu.memory_space<vmem>> -> memref<16x128xi32, #tpu.memory_space<vmem>>
      %dma_start3A_98 = arith.constant 0 : i32
      %dma_start3A_99 = tpu.memref_slice %arg2[%select_n3A_24, %dma_start3A_98] : memref<2560x128xi32, #tpu.memory_space<hbm>> -> memref<16x128xi32, #tpu.memory_space<hbm>>
      tpu.enqueue_dma source(%dma_start3A_99 : memref<16x128xi32, #tpu.memory_space<hbm>>) target(%dma_start3A_97 : memref<16x128xi32, #tpu.memory_space<vmem>>) target_semaphore(%run_scoped3A_87 : memref<!tpu.dma_semaphore, #tpu.memory_space<semaphore_mem>>)
      %dma_wait3A = arith.constant 0 : i32
      %dma_wait3A_100 = arith.constant 0 : i32
      %dma_wait3A_101 = tpu.memref_slice %arg6[%run_scoped3A, %dma_wait3A, %dma_wait3A_100] : memref<2x16x128xi32, #tpu.memory_space<vmem>> -> memref<1x16x128xi32, #tpu.memory_space<vmem>>
      %dma_wait3A_102 = tpu.memref_squeeze %dma_wait3A_101 : memref<1x16x128xi32, #tpu.memory_space<vmem>> -> memref<16x128xi32, #tpu.memory_space<vmem>>
      %dma_wait3A_103 = arith.constant 0 : i32
      %dma_wait3A_104 = tpu.memref_slice %arg2[%select_n3A_24, %dma_wait3A_103] : memref<2560x128xi32, #tpu.memory_space<hbm>> -> memref<16x128xi32, #tpu.memory_space<hbm>>
      %dma_wait3A_105 = arith.constant 0 : i32
      %dma_wait3A_106 = arith.constant 0 : i32
      %dma_wait3A_107 = tpu.memref_slice %arg6[%run_scoped3A, %dma_wait3A_105, %dma_wait3A_106] : memref<2x16x128xi32, #tpu.memory_space<vmem>> -> memref<1x16x128xi32, #tpu.memory_space<vmem>>
      %dma_wait3A_108 = tpu.memref_squeeze %dma_wait3A_107 : memref<1x16x128xi32, #tpu.memory_space<vmem>> -> memref<16x128xi32, #tpu.memory_space<vmem>>
      %dma_wait3A_109 = arith.constant 0 : i32
      %dma_wait3A_110 = tpu.memref_slice %arg2[%select_n3A_24, %dma_wait3A_109] : memref<2560x128xi32, #tpu.memory_space<hbm>> -> memref<16x128xi32, #tpu.memory_space<hbm>>
      tpu.wait_dma2 semaphore(%run_scoped3A_87 : memref<!tpu.dma_semaphore, #tpu.memory_space<semaphore_mem>>) src(%dma_wait3A_110 : memref<16x128xi32, #tpu.memory_space<hbm>>) dst(%dma_wait3A_108 : memref<16x128xi32, #tpu.memory_space<vmem>>)
      tpu.yield
    }) : () -> ()
    %dma_start3A = arith.constant 0 : i32
    %dma_start3A_42 = arith.constant 0 : i32
    %dma_start3A_43 = arith.constant 0 : i32
    %dma_start3A_44 = tpu.memref_slice %arg6[%dma_start3A, %dma_start3A_42, %dma_start3A_43] : memref<2x16x128xi32, #tpu.memory_space<vmem>> -> memref<1x1x128xi32, #tpu.memory_space<vmem>>
    %dma_start3A_45 = tpu.memref_squeeze %dma_start3A_44 : memref<1x1x128xi32, #tpu.memory_space<vmem>> -> memref<128xi32, #tpu.memory_space<vmem>>
    %dma_start3A_46 = arith.constant 0 : i32
    %dma_start3A_47 = arith.constant 0 : i32
    %dma_start3A_48 = tpu.memref_slice %arg4[%dma_start3A_46, %dma_start3A_47] : memref<10000x128xf32, #tpu.memory_space<hbm>> -> memref<10000x128xf32, #tpu.memory_space<hbm>>
    tpu.enqueue_indirect_dma source(%dma_start3A_48 : memref<10000x128xf32, #tpu.memory_space<hbm>>) target(%arg8 : memref<128x128xf32, #tpu.memory_space<vmem>>) offsets(%dma_start3A_45 : memref<128xi32, #tpu.memory_space<vmem>>) semaphore(%arg10 : memref<!tpu.dma_semaphore, #tpu.memory_space<semaphore_mem>>)
    %dma_start3A_49 = arith.constant 0 : i32
    %dma_start3A_50 = arith.constant 1 : i32
    %dma_start3A_51 = arith.constant 0 : i32
    %dma_start3A_52 = tpu.memref_slice %arg6[%dma_start3A_49, %dma_start3A_50, %dma_start3A_51] : memref<2x16x128xi32, #tpu.memory_space<vmem>> -> memref<1x1x128xi32, #tpu.memory_space<vmem>>
    %dma_start3A_53 = tpu.memref_squeeze %dma_start3A_52 : memref<1x1x128xi32, #tpu.memory_space<vmem>> -> memref<128xi32, #tpu.memory_space<vmem>>
    %dma_start3A_54 = arith.constant 0 : i32
    %dma_start3A_55 = arith.constant 0 : i32
    %dma_start3A_56 = tpu.memref_slice %arg4[%dma_start3A_54, %dma_start3A_55] : memref<10000x128xf32, #tpu.memory_space<hbm>> -> memref<10000x128xf32, #tpu.memory_space<hbm>>
    tpu.enqueue_indirect_dma source(%dma_start3A_56 : memref<10000x128xf32, #tpu.memory_space<hbm>>) target(%arg9 : memref<128x128xf32, #tpu.memory_space<vmem>>) offsets(%dma_start3A_53 : memref<128xi32, #tpu.memory_space<vmem>>) semaphore(%arg11 : memref<!tpu.dma_semaphore, #tpu.memory_space<semaphore_mem>>)
    %while3A = arith.constant 0 : i32
    %while3A_57 = arith.constant 0 : i32
    %while3A_58 = arith.subi %select_n3A_19, %while3A_57 : i32
    %while3A_59 = arith.addi %while3A_57, %while3A_58 : i32
    %while3A_60 = arith.constant 1 : i32
    %while3A_61 = arith.divsi %while3A_58, %while3A_60 : i32
    %while3A_62 = arith.muli %while3A_61, %while3A_60 : i32
    %while3A_63 = arith.addi %while3A_57, %while3A_62 : i32
    %while3A_64 = arith.constant 1 : i32
    scf.for %while3A_87 = %while3A_57 to %while3A_63 step %while3A_64  : i32 {
      %add3A_88 = arith.constant 1 : i32
      %add3A_89 = arith.addi %while3A_87, %add3A_88 : i32
      %lt3A = arith.cmpi slt, %add3A_89, %select_n3A_19 : i32
      %convert_element_type3A = arith.extui %lt3A : i1 to i32
      %cond3A = arith.constant 0 : i32
      %cond3A_90 = arith.cmpi ne, %convert_element_type3A, %cond3A : i32
      scf.if %cond3A_90 {
        %add3A_100 = arith.constant 1 : i32
        %add3A_101 = arith.addi %while3A_87, %add3A_100 : i32
        %mul3A_102 = arith.constant 16 : i32
        %mul3A_103 = arith.muli %add3A_101, %mul3A_102 : i32
        %add3A_104 = arith.addi %select_n3A_24, %mul3A_103 : i32
        %add3A_105 = arith.constant 1 : i32
        %add3A_106 = arith.addi %while3A_87, %add3A_105 : i32
        %jit3A_107 = arith.constant 2 : i32
        %eq3A_108 = arith.constant 0 : i32
        %eq3A_109 = arith.cmpi eq, %jit3A_107, %eq3A_108 : i32
        %jit3A_110 = arith.constant 1 : i32
        %select_n3A_111 = arith.select %eq3A_109, %jit3A_110, %jit3A_107 : i32
        %rem3A_112 = arith.remsi %add3A_106, %select_n3A_111 : i32
        %ne3A_113 = arith.constant 0 : i32
        %ne3A_114 = arith.cmpi ne, %rem3A_112, %ne3A_113 : i32
        %lt3A_115 = arith.constant 0 : i32
        %lt3A_116 = arith.cmpi slt, %rem3A_112, %lt3A_115 : i32
        %lt3A_117 = arith.constant 0 : i32
        %lt3A_118 = arith.cmpi slt, %select_n3A_111, %lt3A_117 : i32
        %ne3A_119 = arith.xori %lt3A_116, %lt3A_118 : i1
        %and3A_120 = arith.andi %ne3A_119, %ne3A_114 : i1
        %add3A_121 = arith.addi %rem3A_112, %select_n3A_111 : i32
        %select_n3A_122 = arith.select %and3A_120, %add3A_121, %rem3A_112 : i32
        "tpu.region"() ({
          %run_scoped3A_123 = tpu.sem_alloc : memref<!tpu.dma_semaphore, #tpu.memory_space<semaphore_mem>>
          %dma_start3A_124 = arith.constant 0 : i32
          %dma_start3A_125 = arith.constant 0 : i32
          %dma_start3A_126 = tpu.memref_slice %arg6[%select_n3A_122, %dma_start3A_124, %dma_start3A_125] : memref<2x16x128xi32, #tpu.memory_space<vmem>> -> memref<1x16x128xi32, #tpu.memory_space<vmem>>
          %dma_start3A_127 = tpu.memref_squeeze %dma_start3A_126 : memref<1x16x128xi32, #tpu.memory_space<vmem>> -> memref<16x128xi32, #tpu.memory_space<vmem>>
          %dma_start3A_128 = arith.constant 0 : i32
          %dma_start3A_129 = tpu.memref_slice %arg2[%add3A_104, %dma_start3A_128] : memref<2560x128xi32, #tpu.memory_space<hbm>> -> memref<16x128xi32, #tpu.memory_space<hbm>>
          %dma_start3A_130 = arith.constant 0 : i32
          %dma_start3A_131 = arith.constant 0 : i32
          %dma_start3A_132 = tpu.memref_slice %arg6[%select_n3A_122, %dma_start3A_130, %dma_start3A_131] : memref<2x16x128xi32, #tpu.memory_space<vmem>> -> memref<1x16x128xi32, #tpu.memory_space<vmem>>
          %dma_start3A_133 = tpu.memref_squeeze %dma_start3A_132 : memref<1x16x128xi32, #tpu.memory_space<vmem>> -> memref<16x128xi32, #tpu.memory_space<vmem>>
          %dma_start3A_134 = arith.constant 0 : i32
          %dma_start3A_135 = tpu.memref_slice %arg2[%add3A_104, %dma_start3A_134] : memref<2560x128xi32, #tpu.memory_space<hbm>> -> memref<16x128xi32, #tpu.memory_space<hbm>>
          tpu.enqueue_dma source(%dma_start3A_135 : memref<16x128xi32, #tpu.memory_space<hbm>>) target(%dma_start3A_133 : memref<16x128xi32, #tpu.memory_space<vmem>>) target_semaphore(%run_scoped3A_123 : memref<!tpu.dma_semaphore, #tpu.memory_space<semaphore_mem>>)
          %dma_wait3A = arith.constant 0 : i32
          %dma_wait3A_136 = arith.constant 0 : i32
          %dma_wait3A_137 = tpu.memref_slice %arg6[%select_n3A_122, %dma_wait3A, %dma_wait3A_136] : memref<2x16x128xi32, #tpu.memory_space<vmem>> -> memref<1x16x128xi32, #tpu.memory_space<vmem>>
          %dma_wait3A_138 = tpu.memref_squeeze %dma_wait3A_137 : memref<1x16x128xi32, #tpu.memory_space<vmem>> -> memref<16x128xi32, #tpu.memory_space<vmem>>
          %dma_wait3A_139 = arith.constant 0 : i32
          %dma_wait3A_140 = tpu.memref_slice %arg2[%add3A_104, %dma_wait3A_139] : memref<2560x128xi32, #tpu.memory_space<hbm>> -> memref<16x128xi32, #tpu.memory_space<hbm>>
          %dma_wait3A_141 = arith.constant 0 : i32
          %dma_wait3A_142 = arith.constant 0 : i32
          %dma_wait3A_143 = tpu.memref_slice %arg6[%select_n3A_122, %dma_wait3A_141, %dma_wait3A_142] : memref<2x16x128xi32, #tpu.memory_space<vmem>> -> memref<1x16x128xi32, #tpu.memory_space<vmem>>
          %dma_wait3A_144 = tpu.memref_squeeze %dma_wait3A_143 : memref<1x16x128xi32, #tpu.memory_space<vmem>> -> memref<16x128xi32, #tpu.memory_space<vmem>>
          %dma_wait3A_145 = arith.constant 0 : i32
          %dma_wait3A_146 = tpu.memref_slice %arg2[%add3A_104, %dma_wait3A_145] : memref<2560x128xi32, #tpu.memory_space<hbm>> -> memref<16x128xi32, #tpu.memory_space<hbm>>
          tpu.wait_dma2 semaphore(%run_scoped3A_123 : memref<!tpu.dma_semaphore, #tpu.memory_space<semaphore_mem>>) src(%dma_wait3A_146 : memref<16x128xi32, #tpu.memory_space<hbm>>) dst(%dma_wait3A_144 : memref<16x128xi32, #tpu.memory_space<vmem>>)
          tpu.yield
        }) : () -> ()
      } else {
      }
      %mul3A_91 = arith.constant 16 : i32
      %mul3A_92 = arith.muli %while3A_87, %mul3A_91 : i32
      %add3A_93 = arith.addi %select_n3A_24, %mul3A_92 : i32
      "tpu.region"() ({
        %run_scoped3A_100 = tpu.sem_alloc : memref<!tpu.dma_semaphore, #tpu.memory_space<semaphore_mem>>
        %dma_start3A_101 = arith.constant 0 : i32
        %dma_start3A_102 = tpu.memref_slice %arg3[%add3A_93, %dma_start3A_101] : memref<2560x128xi32, #tpu.memory_space<hbm>> -> memref<16x128xi32, #tpu.memory_space<hbm>>
        %dma_start3A_103 = arith.constant 0 : i32
        %dma_start3A_104 = tpu.memref_slice %arg3[%add3A_93, %dma_start3A_103] : memref<2560x128xi32, #tpu.memory_space<hbm>> -> memref<16x128xi32, #tpu.memory_space<hbm>>
        tpu.enqueue_dma source(%dma_start3A_104 : memref<16x128xi32, #tpu.memory_space<hbm>>) target(%arg7 : memref<16x128xi32, #tpu.memory_space<vmem>>) target_semaphore(%run_scoped3A_100 : memref<!tpu.dma_semaphore, #tpu.memory_space<semaphore_mem>>)
        %dma_wait3A = arith.constant 0 : i32
        %dma_wait3A_105 = tpu.memref_slice %arg3[%add3A_93, %dma_wait3A] : memref<2560x128xi32, #tpu.memory_space<hbm>> -> memref<16x128xi32, #tpu.memory_space<hbm>>
        %dma_wait3A_106 = arith.constant 0 : i32
        %dma_wait3A_107 = tpu.memref_slice %arg3[%add3A_93, %dma_wait3A_106] : memref<2560x128xi32, #tpu.memory_space<hbm>> -> memref<16x128xi32, #tpu.memory_space<hbm>>
        tpu.wait_dma2 semaphore(%run_scoped3A_100 : memref<!tpu.dma_semaphore, #tpu.memory_space<semaphore_mem>>) src(%dma_wait3A_107 : memref<16x128xi32, #tpu.memory_space<hbm>>) dst(%arg7 : memref<16x128xi32, #tpu.memory_space<vmem>>)
        tpu.yield
      }) : () -> ()
      %scan3A_94 = arith.constant 0 : i32
      %scan3A_95 = arith.constant 0 : i32
      %scan3A_96 = arith.constant 8 : i32
      %scan3A_97 = arith.addi %scan3A_95, %scan3A_96 : i32
      %scan3A_98 = arith.constant 1 : i32
      scf.for %scan3A_100 = %scan3A_95 to %scan3A_97 step %scan3A_98  : i32 {
        %mul3A_101 = arith.constant 16 : i32
        %mul3A_102 = arith.muli %while3A_87, %mul3A_101 : i32
        %mul3A_103 = arith.constant 2 : i32
        %mul3A_104 = arith.muli %scan3A_100, %mul3A_103 : i32
        %add3A_105 = arith.addi %mul3A_102, %mul3A_104 : i32
        %add3A_106 = arith.constant 0 : i32
        %add3A_107 = arith.addi %add3A_105, %add3A_106 : i32
        %dma_wait3A = arith.constant 0 : i32
        %dma_wait3A_108 = arith.constant 0 : i32
        %dma_wait3A_109 = tpu.memref_slice %arg4[%dma_wait3A, %dma_wait3A_108] : memref<10000x128xf32, #tpu.memory_space<hbm>> -> memref<128x128xf32, #tpu.memory_space<hbm>>
        %dma_wait3A_110 = arith.constant 0 : i32
        %dma_wait3A_111 = arith.constant 0 : i32
        %dma_wait3A_112 = tpu.memref_slice %arg4[%dma_wait3A_110, %dma_wait3A_111] : memref<10000x128xf32, #tpu.memory_space<hbm>> -> memref<128x128xf32, #tpu.memory_space<hbm>>
        tpu.wait_dma2 semaphore(%arg10 : memref<!tpu.dma_semaphore, #tpu.memory_space<semaphore_mem>>) src(%dma_wait3A_112 : memref<128x128xf32, #tpu.memory_space<hbm>>) dst(%arg8 : memref<128x128xf32, #tpu.memory_space<vmem>>)
        %mul3A_113 = arith.constant 2 : i32
        %mul3A_114 = arith.muli %scan3A_100, %mul3A_113 : i32
        %add3A_115 = arith.constant 0 : i32
        %add3A_116 = arith.addi %mul3A_114, %add3A_115 : i32
        "tpu.region"() ({
          %run_scoped3A_146 = tpu.sem_alloc : memref<!tpu.dma_semaphore, #tpu.memory_space<semaphore_mem>>
          %dma_start3A_147 = arith.constant 0 : i32
          %dma_start3A_148 = tpu.memref_slice %arg7[%add3A_116, %dma_start3A_147] : memref<16x128xi32, #tpu.memory_space<vmem>> -> memref<1x128xi32, #tpu.memory_space<vmem>>
          %dma_start3A_149 = tpu.memref_squeeze %dma_start3A_148 : memref<1x128xi32, #tpu.memory_space<vmem>> -> memref<128xi32, #tpu.memory_space<vmem>>
          %dma_start3A_150 = arith.constant 0 : i32
          %dma_start3A_151 = arith.constant 0 : i32
          %dma_start3A_152 = tpu.memref_slice %arg12[%dma_start3A_150, %dma_start3A_151] : memref<10112x128xf32, #tpu.memory_space<vmem_shared>> -> memref<10112x128xf32, #tpu.memory_space<vmem_shared>>
          tpu.enqueue_indirect_dma source(%arg8 : memref<128x128xf32, #tpu.memory_space<vmem>>) target(%dma_start3A_152 : memref<10112x128xf32, #tpu.memory_space<vmem_shared>>) offsets(%dma_start3A_149 : memref<128xi32, #tpu.memory_space<vmem>>) semaphore(%run_scoped3A_146 : memref<!tpu.dma_semaphore, #tpu.memory_space<semaphore_mem>>) {add = true}
          %dma_wait3A_153 = arith.constant 0 : i32
          %dma_wait3A_154 = tpu.memref_slice %arg7[%add3A_116, %dma_wait3A_153] : memref<16x128xi32, #tpu.memory_space<vmem>> -> memref<1x128xi32, #tpu.memory_space<vmem>>
          %dma_wait3A_155 = tpu.memref_squeeze %dma_wait3A_154 : memref<1x128xi32, #tpu.memory_space<vmem>> -> memref<128xi32, #tpu.memory_space<vmem>>
          %dma_wait3A_156 = arith.constant 0 : i32
          %dma_wait3A_157 = arith.constant 0 : i32
          %dma_wait3A_158 = tpu.memref_slice %arg12[%dma_wait3A_156, %dma_wait3A_157] : memref<10112x128xf32, #tpu.memory_space<vmem_shared>> -> memref<10112x128xf32, #tpu.memory_space<vmem_shared>>
          tpu.wait_indirect_dma semaphore(%run_scoped3A_146 : memref<!tpu.dma_semaphore, #tpu.memory_space<semaphore_mem>>) src(%arg8 : memref<128x128xf32, #tpu.memory_space<vmem>>) dst(%dma_wait3A_158 : memref<10112x128xf32, #tpu.memory_space<vmem_shared>>)
          tpu.yield
        }) : () -> ()
        %add3A_117 = arith.constant 2 : i32
        %add3A_118 = arith.addi %add3A_107, %add3A_117 : i32
        %lt3A_119 = arith.cmpi slt, %add3A_118, %select_n3A : i32
        %convert_element_type3A_120 = arith.extui %lt3A_119 : i1 to i32
        %cond3A_121 = arith.constant 0 : i32
        %cond3A_122 = arith.cmpi ne, %convert_element_type3A_120, %cond3A_121 : i32
        scf.if %cond3A_122 {
          %jit3A_146 = arith.constant 16 : i32
          %div3A_147 = arith.divsi %add3A_118, %jit3A_146 : i32
          %sign3A_148 = arith.constant 0 : i32
          %sign3A_149 = arith.cmpi sgt, %add3A_118, %sign3A_148 : i32
          %sign3A_150 = arith.extui %sign3A_149 : i1 to i32
          %sign3A_151 = arith.constant 0 : i32
          %sign3A_152 = arith.cmpi slt, %add3A_118, %sign3A_151 : i32
          %sign3A_153 = arith.extui %sign3A_152 : i1 to i32
          %sign3A_154 = arith.subi %sign3A_150, %sign3A_153 : i32
          %sign3A_155 = arith.constant 0 : i32
          %sign3A_156 = arith.cmpi sgt, %jit3A_146, %sign3A_155 : i32
          %sign3A_157 = arith.extui %sign3A_156 : i1 to i32
          %sign3A_158 = arith.constant 0 : i32
          %sign3A_159 = arith.cmpi slt, %jit3A_146, %sign3A_158 : i32
          %sign3A_160 = arith.extui %sign3A_159 : i1 to i32
          %sign3A_161 = arith.subi %sign3A_157, %sign3A_160 : i32
          %ne3A_162 = arith.cmpi ne, %sign3A_154, %sign3A_161 : i32
          %rem3A_163 = arith.remsi %add3A_118, %jit3A_146 : i32
          %ne3A_164 = arith.constant 0 : i32
          %ne3A_165 = arith.cmpi ne, %rem3A_163, %ne3A_164 : i32
          %and3A_166 = arith.andi %ne3A_162, %ne3A_165 : i1
          %sub3A_167 = arith.constant 1 : i32
          %sub3A_168 = arith.subi %div3A_147, %sub3A_167 : i32
          %select_n3A_169 = arith.select %and3A_166, %sub3A_168, %div3A_147 : i32
          %jit3A_170 = arith.constant 2 : i32
          %eq3A_171 = arith.constant 0 : i32
          %eq3A_172 = arith.cmpi eq, %jit3A_170, %eq3A_171 : i32
          %jit3A_173 = arith.constant 1 : i32
          %select_n3A_174 = arith.select %eq3A_172, %jit3A_173, %jit3A_170 : i32
          %rem3A_175 = arith.remsi %select_n3A_169, %select_n3A_174 : i32
          %ne3A_176 = arith.constant 0 : i32
          %ne3A_177 = arith.cmpi ne, %rem3A_175, %ne3A_176 : i32
          %lt3A_178 = arith.constant 0 : i32
          %lt3A_179 = arith.cmpi slt, %rem3A_175, %lt3A_178 : i32
          %lt3A_180 = arith.constant 0 : i32
          %lt3A_181 = arith.cmpi slt, %select_n3A_174, %lt3A_180 : i32
          %ne3A_182 = arith.xori %lt3A_179, %lt3A_181 : i1
          %and3A_183 = arith.andi %ne3A_182, %ne3A_177 : i1
          %add3A_184 = arith.addi %rem3A_175, %select_n3A_174 : i32
          %select_n3A_185 = arith.select %and3A_183, %add3A_184, %rem3A_175 : i32
          %jit3A_186 = arith.constant 16 : i32
          %eq3A_187 = arith.constant 0 : i32
          %eq3A_188 = arith.cmpi eq, %jit3A_186, %eq3A_187 : i32
          %jit3A_189 = arith.constant 1 : i32
          %select_n3A_190 = arith.select %eq3A_188, %jit3A_189, %jit3A_186 : i32
          %rem3A_191 = arith.remsi %add3A_118, %select_n3A_190 : i32
          %ne3A_192 = arith.constant 0 : i32
          %ne3A_193 = arith.cmpi ne, %rem3A_191, %ne3A_192 : i32
          %lt3A_194 = arith.constant 0 : i32
          %lt3A_195 = arith.cmpi slt, %rem3A_191, %lt3A_194 : i32
          %lt3A_196 = arith.constant 0 : i32
          %lt3A_197 = arith.cmpi slt, %select_n3A_190, %lt3A_196 : i32
          %ne3A_198 = arith.xori %lt3A_195, %lt3A_197 : i1
          %and3A_199 = arith.andi %ne3A_198, %ne3A_193 : i1
          %add3A_200 = arith.addi %rem3A_191, %select_n3A_190 : i32
          %select_n3A_201 = arith.select %and3A_199, %add3A_200, %rem3A_191 : i32
          %dma_start3A_202 = arith.constant 0 : i32
          %dma_start3A_203 = tpu.memref_slice %arg6[%select_n3A_185, %select_n3A_201, %dma_start3A_202] : memref<2x16x128xi32, #tpu.memory_space<vmem>> -> memref<1x1x128xi32, #tpu.memory_space<vmem>>
          %dma_start3A_204 = tpu.memref_squeeze %dma_start3A_203 : memref<1x1x128xi32, #tpu.memory_space<vmem>> -> memref<128xi32, #tpu.memory_space<vmem>>
          %dma_start3A_205 = arith.constant 0 : i32
          %dma_start3A_206 = arith.constant 0 : i32
          %dma_start3A_207 = tpu.memref_slice %arg4[%dma_start3A_205, %dma_start3A_206] : memref<10000x128xf32, #tpu.memory_space<hbm>> -> memref<10000x128xf32, #tpu.memory_space<hbm>>
          tpu.enqueue_indirect_dma source(%dma_start3A_207 : memref<10000x128xf32, #tpu.memory_space<hbm>>) target(%arg8 : memref<128x128xf32, #tpu.memory_space<vmem>>) offsets(%dma_start3A_204 : memref<128xi32, #tpu.memory_space<vmem>>) semaphore(%arg10 : memref<!tpu.dma_semaphore, #tpu.memory_space<semaphore_mem>>)
        } else {
        }
        %mul3A_123 = arith.constant 16 : i32
        %mul3A_124 = arith.muli %while3A_87, %mul3A_123 : i32
        %mul3A_125 = arith.constant 2 : i32
        %mul3A_126 = arith.muli %scan3A_100, %mul3A_125 : i32
        %add3A_127 = arith.addi %mul3A_124, %mul3A_126 : i32
        %add3A_128 = arith.constant 1 : i32
        %add3A_129 = arith.addi %add3A_127, %add3A_128 : i32
        %dma_wait3A_130 = arith.constant 0 : i32
        %dma_wait3A_131 = arith.constant 0 : i32
        %dma_wait3A_132 = tpu.memref_slice %arg4[%dma_wait3A_130, %dma_wait3A_131] : memref<10000x128xf32, #tpu.memory_space<hbm>> -> memref<128x128xf32, #tpu.memory_space<hbm>>
        %dma_wait3A_133 = arith.constant 0 : i32
        %dma_wait3A_134 = arith.constant 0 : i32
        %dma_wait3A_135 = tpu.memref_slice %arg4[%dma_wait3A_133, %dma_wait3A_134] : memref<10000x128xf32, #tpu.memory_space<hbm>> -> memref<128x128xf32, #tpu.memory_space<hbm>>
        tpu.wait_dma2 semaphore(%arg11 : memref<!tpu.dma_semaphore, #tpu.memory_space<semaphore_mem>>) src(%dma_wait3A_135 : memref<128x128xf32, #tpu.memory_space<hbm>>) dst(%arg9 : memref<128x128xf32, #tpu.memory_space<vmem>>)
        %mul3A_136 = arith.constant 2 : i32
        %mul3A_137 = arith.muli %scan3A_100, %mul3A_136 : i32
        %add3A_138 = arith.constant 1 : i32
        %add3A_139 = arith.addi %mul3A_137, %add3A_138 : i32
        "tpu.region"() ({
          %run_scoped3A_146 = tpu.sem_alloc : memref<!tpu.dma_semaphore, #tpu.memory_space<semaphore_mem>>
          %dma_start3A_147 = arith.constant 0 : i32
          %dma_start3A_148 = tpu.memref_slice %arg7[%add3A_139, %dma_start3A_147] : memref<16x128xi32, #tpu.memory_space<vmem>> -> memref<1x128xi32, #tpu.memory_space<vmem>>
          %dma_start3A_149 = tpu.memref_squeeze %dma_start3A_148 : memref<1x128xi32, #tpu.memory_space<vmem>> -> memref<128xi32, #tpu.memory_space<vmem>>
          %dma_start3A_150 = arith.constant 0 : i32
          %dma_start3A_151 = arith.constant 0 : i32
          %dma_start3A_152 = tpu.memref_slice %arg12[%dma_start3A_150, %dma_start3A_151] : memref<10112x128xf32, #tpu.memory_space<vmem_shared>> -> memref<10112x128xf32, #tpu.memory_space<vmem_shared>>
          tpu.enqueue_indirect_dma source(%arg9 : memref<128x128xf32, #tpu.memory_space<vmem>>) target(%dma_start3A_152 : memref<10112x128xf32, #tpu.memory_space<vmem_shared>>) offsets(%dma_start3A_149 : memref<128xi32, #tpu.memory_space<vmem>>) semaphore(%run_scoped3A_146 : memref<!tpu.dma_semaphore, #tpu.memory_space<semaphore_mem>>) {add = true}
          %dma_wait3A_153 = arith.constant 0 : i32
          %dma_wait3A_154 = tpu.memref_slice %arg7[%add3A_139, %dma_wait3A_153] : memref<16x128xi32, #tpu.memory_space<vmem>> -> memref<1x128xi32, #tpu.memory_space<vmem>>
          %dma_wait3A_155 = tpu.memref_squeeze %dma_wait3A_154 : memref<1x128xi32, #tpu.memory_space<vmem>> -> memref<128xi32, #tpu.memory_space<vmem>>
          %dma_wait3A_156 = arith.constant 0 : i32
          %dma_wait3A_157 = arith.constant 0 : i32
          %dma_wait3A_158 = tpu.memref_slice %arg12[%dma_wait3A_156, %dma_wait3A_157] : memref<10112x128xf32, #tpu.memory_space<vmem_shared>> -> memref<10112x128xf32, #tpu.memory_space<vmem_shared>>
          tpu.wait_indirect_dma semaphore(%run_scoped3A_146 : memref<!tpu.dma_semaphore, #tpu.memory_space<semaphore_mem>>) src(%arg9 : memref<128x128xf32, #tpu.memory_space<vmem>>) dst(%dma_wait3A_158 : memref<10112x128xf32, #tpu.memory_space<vmem_shared>>)
          tpu.yield
        }) : () -> ()
        %add3A_140 = arith.constant 2 : i32
        %add3A_141 = arith.addi %add3A_129, %add3A_140 : i32
        %lt3A_142 = arith.cmpi slt, %add3A_141, %select_n3A : i32
        %convert_element_type3A_143 = arith.extui %lt3A_142 : i1 to i32
        %cond3A_144 = arith.constant 0 : i32
        %cond3A_145 = arith.cmpi ne, %convert_element_type3A_143, %cond3A_144 : i32
        scf.if %cond3A_145 {
          %jit3A_146 = arith.constant 16 : i32
          %div3A_147 = arith.divsi %add3A_141, %jit3A_146 : i32
          %sign3A_148 = arith.constant 0 : i32
          %sign3A_149 = arith.cmpi sgt, %add3A_141, %sign3A_148 : i32
          %sign3A_150 = arith.extui %sign3A_149 : i1 to i32
          %sign3A_151 = arith.constant 0 : i32
          %sign3A_152 = arith.cmpi slt, %add3A_141, %sign3A_151 : i32
          %sign3A_153 = arith.extui %sign3A_152 : i1 to i32
          %sign3A_154 = arith.subi %sign3A_150, %sign3A_153 : i32
          %sign3A_155 = arith.constant 0 : i32
          %sign3A_156 = arith.cmpi sgt, %jit3A_146, %sign3A_155 : i32
          %sign3A_157 = arith.extui %sign3A_156 : i1 to i32
          %sign3A_158 = arith.constant 0 : i32
          %sign3A_159 = arith.cmpi slt, %jit3A_146, %sign3A_158 : i32
          %sign3A_160 = arith.extui %sign3A_159 : i1 to i32
          %sign3A_161 = arith.subi %sign3A_157, %sign3A_160 : i32
          %ne3A_162 = arith.cmpi ne, %sign3A_154, %sign3A_161 : i32
          %rem3A_163 = arith.remsi %add3A_141, %jit3A_146 : i32
          %ne3A_164 = arith.constant 0 : i32
          %ne3A_165 = arith.cmpi ne, %rem3A_163, %ne3A_164 : i32
          %and3A_166 = arith.andi %ne3A_162, %ne3A_165 : i1
          %sub3A_167 = arith.constant 1 : i32
          %sub3A_168 = arith.subi %div3A_147, %sub3A_167 : i32
          %select_n3A_169 = arith.select %and3A_166, %sub3A_168, %div3A_147 : i32
          %jit3A_170 = arith.constant 2 : i32
          %eq3A_171 = arith.constant 0 : i32
          %eq3A_172 = arith.cmpi eq, %jit3A_170, %eq3A_171 : i32
          %jit3A_173 = arith.constant 1 : i32
          %select_n3A_174 = arith.select %eq3A_172, %jit3A_173, %jit3A_170 : i32
          %rem3A_175 = arith.remsi %select_n3A_169, %select_n3A_174 : i32
          %ne3A_176 = arith.constant 0 : i32
          %ne3A_177 = arith.cmpi ne, %rem3A_175, %ne3A_176 : i32
          %lt3A_178 = arith.constant 0 : i32
          %lt3A_179 = arith.cmpi slt, %rem3A_175, %lt3A_178 : i32
          %lt3A_180 = arith.constant 0 : i32
          %lt3A_181 = arith.cmpi slt, %select_n3A_174, %lt3A_180 : i32
          %ne3A_182 = arith.xori %lt3A_179, %lt3A_181 : i1
          %and3A_183 = arith.andi %ne3A_182, %ne3A_177 : i1
          %add3A_184 = arith.addi %rem3A_175, %select_n3A_174 : i32
          %select_n3A_185 = arith.select %and3A_183, %add3A_184, %rem3A_175 : i32
          %jit3A_186 = arith.constant 16 : i32
          %eq3A_187 = arith.constant 0 : i32
          %eq3A_188 = arith.cmpi eq, %jit3A_186, %eq3A_187 : i32
          %jit3A_189 = arith.constant 1 : i32
          %select_n3A_190 = arith.select %eq3A_188, %jit3A_189, %jit3A_186 : i32
          %rem3A_191 = arith.remsi %add3A_141, %select_n3A_190 : i32
          %ne3A_192 = arith.constant 0 : i32
          %ne3A_193 = arith.cmpi ne, %rem3A_191, %ne3A_192 : i32
          %lt3A_194 = arith.constant 0 : i32
          %lt3A_195 = arith.cmpi slt, %rem3A_191, %lt3A_194 : i32
          %lt3A_196 = arith.constant 0 : i32
          %lt3A_197 = arith.cmpi slt, %select_n3A_190, %lt3A_196 : i32
          %ne3A_198 = arith.xori %lt3A_195, %lt3A_197 : i1
          %and3A_199 = arith.andi %ne3A_198, %ne3A_193 : i1
          %add3A_200 = arith.addi %rem3A_191, %select_n3A_190 : i32
          %select_n3A_201 = arith.select %and3A_199, %add3A_200, %rem3A_191 : i32
          %dma_start3A_202 = arith.constant 0 : i32
          %dma_start3A_203 = tpu.memref_slice %arg6[%select_n3A_185, %select_n3A_201, %dma_start3A_202] : memref<2x16x128xi32, #tpu.memory_space<vmem>> -> memref<1x1x128xi32, #tpu.memory_space<vmem>>
          %dma_start3A_204 = tpu.memref_squeeze %dma_start3A_203 : memref<1x1x128xi32, #tpu.memory_space<vmem>> -> memref<128xi32, #tpu.memory_space<vmem>>
          %dma_start3A_205 = arith.constant 0 : i32
          %dma_start3A_206 = arith.constant 0 : i32
          %dma_start3A_207 = tpu.memref_slice %arg4[%dma_start3A_205, %dma_start3A_206] : memref<10000x128xf32, #tpu.memory_space<hbm>> -> memref<10000x128xf32, #tpu.memory_space<hbm>>
          tpu.enqueue_indirect_dma source(%dma_start3A_207 : memref<10000x128xf32, #tpu.memory_space<hbm>>) target(%arg9 : memref<128x128xf32, #tpu.memory_space<vmem>>) offsets(%dma_start3A_204 : memref<128xi32, #tpu.memory_space<vmem>>) semaphore(%arg11 : memref<!tpu.dma_semaphore, #tpu.memory_space<semaphore_mem>>)
        } else {
        }
      }
      %scan3A_99 = arith.constant 8 : i32
    }
    %while3A_65 = arith.constant 1 : i32
    scf.for %while3A_87 = %while3A_63 to %while3A_59 step %while3A_65  : i32 {
      %add3A_88 = arith.constant 1 : i32
      %add3A_89 = arith.addi %while3A_87, %add3A_88 : i32
      %lt3A = arith.cmpi slt, %add3A_89, %select_n3A_19 : i32
      %convert_element_type3A = arith.extui %lt3A : i1 to i32
      %cond3A = arith.constant 0 : i32
      %cond3A_90 = arith.cmpi ne, %convert_element_type3A, %cond3A : i32
      scf.if %cond3A_90 {
        %add3A_100 = arith.constant 1 : i32
        %add3A_101 = arith.addi %while3A_87, %add3A_100 : i32
        %mul3A_102 = arith.constant 16 : i32
        %mul3A_103 = arith.muli %add3A_101, %mul3A_102 : i32
        %add3A_104 = arith.addi %select_n3A_24, %mul3A_103 : i32
        %add3A_105 = arith.constant 1 : i32
        %add3A_106 = arith.addi %while3A_87, %add3A_105 : i32
        %jit3A_107 = arith.constant 2 : i32
        %eq3A_108 = arith.constant 0 : i32
        %eq3A_109 = arith.cmpi eq, %jit3A_107, %eq3A_108 : i32
        %jit3A_110 = arith.constant 1 : i32
        %select_n3A_111 = arith.select %eq3A_109, %jit3A_110, %jit3A_107 : i32
        %rem3A_112 = arith.remsi %add3A_106, %select_n3A_111 : i32
        %ne3A_113 = arith.constant 0 : i32
        %ne3A_114 = arith.cmpi ne, %rem3A_112, %ne3A_113 : i32
        %lt3A_115 = arith.constant 0 : i32
        %lt3A_116 = arith.cmpi slt, %rem3A_112, %lt3A_115 : i32
        %lt3A_117 = arith.constant 0 : i32
        %lt3A_118 = arith.cmpi slt, %select_n3A_111, %lt3A_117 : i32
        %ne3A_119 = arith.xori %lt3A_116, %lt3A_118 : i1
        %and3A_120 = arith.andi %ne3A_119, %ne3A_114 : i1
        %add3A_121 = arith.addi %rem3A_112, %select_n3A_111 : i32
        %select_n3A_122 = arith.select %and3A_120, %add3A_121, %rem3A_112 : i32
        "tpu.region"() ({
          %run_scoped3A_123 = tpu.sem_alloc : memref<!tpu.dma_semaphore, #tpu.memory_space<semaphore_mem>>
          %dma_start3A_124 = arith.constant 0 : i32
          %dma_start3A_125 = arith.constant 0 : i32
          %dma_start3A_126 = tpu.memref_slice %arg6[%select_n3A_122, %dma_start3A_124, %dma_start3A_125] : memref<2x16x128xi32, #tpu.memory_space<vmem>> -> memref<1x16x128xi32, #tpu.memory_space<vmem>>
          %dma_start3A_127 = tpu.memref_squeeze %dma_start3A_126 : memref<1x16x128xi32, #tpu.memory_space<vmem>> -> memref<16x128xi32, #tpu.memory_space<vmem>>
          %dma_start3A_128 = arith.constant 0 : i32
          %dma_start3A_129 = tpu.memref_slice %arg2[%add3A_104, %dma_start3A_128] : memref<2560x128xi32, #tpu.memory_space<hbm>> -> memref<16x128xi32, #tpu.memory_space<hbm>>
          %dma_start3A_130 = arith.constant 0 : i32
          %dma_start3A_131 = arith.constant 0 : i32
          %dma_start3A_132 = tpu.memref_slice %arg6[%select_n3A_122, %dma_start3A_130, %dma_start3A_131] : memref<2x16x128xi32, #tpu.memory_space<vmem>> -> memref<1x16x128xi32, #tpu.memory_space<vmem>>
          %dma_start3A_133 = tpu.memref_squeeze %dma_start3A_132 : memref<1x16x128xi32, #tpu.memory_space<vmem>> -> memref<16x128xi32, #tpu.memory_space<vmem>>
          %dma_start3A_134 = arith.constant 0 : i32
          %dma_start3A_135 = tpu.memref_slice %arg2[%add3A_104, %dma_start3A_134] : memref<2560x128xi32, #tpu.memory_space<hbm>> -> memref<16x128xi32, #tpu.memory_space<hbm>>
          tpu.enqueue_dma source(%dma_start3A_135 : memref<16x128xi32, #tpu.memory_space<hbm>>) target(%dma_start3A_133 : memref<16x128xi32, #tpu.memory_space<vmem>>) target_semaphore(%run_scoped3A_123 : memref<!tpu.dma_semaphore, #tpu.memory_space<semaphore_mem>>)
          %dma_wait3A = arith.constant 0 : i32
          %dma_wait3A_136 = arith.constant 0 : i32
          %dma_wait3A_137 = tpu.memref_slice %arg6[%select_n3A_122, %dma_wait3A, %dma_wait3A_136] : memref<2x16x128xi32, #tpu.memory_space<vmem>> -> memref<1x16x128xi32, #tpu.memory_space<vmem>>
          %dma_wait3A_138 = tpu.memref_squeeze %dma_wait3A_137 : memref<1x16x128xi32, #tpu.memory_space<vmem>> -> memref<16x128xi32, #tpu.memory_space<vmem>>
          %dma_wait3A_139 = arith.constant 0 : i32
          %dma_wait3A_140 = tpu.memref_slice %arg2[%add3A_104, %dma_wait3A_139] : memref<2560x128xi32, #tpu.memory_space<hbm>> -> memref<16x128xi32, #tpu.memory_space<hbm>>
          %dma_wait3A_141 = arith.constant 0 : i32
          %dma_wait3A_142 = arith.constant 0 : i32
          %dma_wait3A_143 = tpu.memref_slice %arg6[%select_n3A_122, %dma_wait3A_141, %dma_wait3A_142] : memref<2x16x128xi32, #tpu.memory_space<vmem>> -> memref<1x16x128xi32, #tpu.memory_space<vmem>>
          %dma_wait3A_144 = tpu.memref_squeeze %dma_wait3A_143 : memref<1x16x128xi32, #tpu.memory_space<vmem>> -> memref<16x128xi32, #tpu.memory_space<vmem>>
          %dma_wait3A_145 = arith.constant 0 : i32
          %dma_wait3A_146 = tpu.memref_slice %arg2[%add3A_104, %dma_wait3A_145] : memref<2560x128xi32, #tpu.memory_space<hbm>> -> memref<16x128xi32, #tpu.memory_space<hbm>>
          tpu.wait_dma2 semaphore(%run_scoped3A_123 : memref<!tpu.dma_semaphore, #tpu.memory_space<semaphore_mem>>) src(%dma_wait3A_146 : memref<16x128xi32, #tpu.memory_space<hbm>>) dst(%dma_wait3A_144 : memref<16x128xi32, #tpu.memory_space<vmem>>)
          tpu.yield
        }) : () -> ()
      } else {
      }
      %mul3A_91 = arith.constant 16 : i32
      %mul3A_92 = arith.muli %while3A_87, %mul3A_91 : i32
      %add3A_93 = arith.addi %select_n3A_24, %mul3A_92 : i32
      "tpu.region"() ({
        %run_scoped3A_100 = tpu.sem_alloc : memref<!tpu.dma_semaphore, #tpu.memory_space<semaphore_mem>>
        %dma_start3A_101 = arith.constant 0 : i32
        %dma_start3A_102 = tpu.memref_slice %arg3[%add3A_93, %dma_start3A_101] : memref<2560x128xi32, #tpu.memory_space<hbm>> -> memref<16x128xi32, #tpu.memory_space<hbm>>
        %dma_start3A_103 = arith.constant 0 : i32
        %dma_start3A_104 = tpu.memref_slice %arg3[%add3A_93, %dma_start3A_103] : memref<2560x128xi32, #tpu.memory_space<hbm>> -> memref<16x128xi32, #tpu.memory_space<hbm>>
        tpu.enqueue_dma source(%dma_start3A_104 : memref<16x128xi32, #tpu.memory_space<hbm>>) target(%arg7 : memref<16x128xi32, #tpu.memory_space<vmem>>) target_semaphore(%run_scoped3A_100 : memref<!tpu.dma_semaphore, #tpu.memory_space<semaphore_mem>>)
        %dma_wait3A = arith.constant 0 : i32
        %dma_wait3A_105 = tpu.memref_slice %arg3[%add3A_93, %dma_wait3A] : memref<2560x128xi32, #tpu.memory_space<hbm>> -> memref<16x128xi32, #tpu.memory_space<hbm>>
        %dma_wait3A_106 = arith.constant 0 : i32
        %dma_wait3A_107 = tpu.memref_slice %arg3[%add3A_93, %dma_wait3A_106] : memref<2560x128xi32, #tpu.memory_space<hbm>> -> memref<16x128xi32, #tpu.memory_space<hbm>>
        tpu.wait_dma2 semaphore(%run_scoped3A_100 : memref<!tpu.dma_semaphore, #tpu.memory_space<semaphore_mem>>) src(%dma_wait3A_107 : memref<16x128xi32, #tpu.memory_space<hbm>>) dst(%arg7 : memref<16x128xi32, #tpu.memory_space<vmem>>)
        tpu.yield
      }) : () -> ()
      %scan3A_94 = arith.constant 0 : i32
      %scan3A_95 = arith.constant 0 : i32
      %scan3A_96 = arith.constant 8 : i32
      %scan3A_97 = arith.addi %scan3A_95, %scan3A_96 : i32
      %scan3A_98 = arith.constant 1 : i32
      scf.for %scan3A_100 = %scan3A_95 to %scan3A_97 step %scan3A_98  : i32 {
        %mul3A_101 = arith.constant 16 : i32
        %mul3A_102 = arith.muli %while3A_87, %mul3A_101 : i32
        %mul3A_103 = arith.constant 2 : i32
        %mul3A_104 = arith.muli %scan3A_100, %mul3A_103 : i32
        %add3A_105 = arith.addi %mul3A_102, %mul3A_104 : i32
        %add3A_106 = arith.constant 0 : i32
        %add3A_107 = arith.addi %add3A_105, %add3A_106 : i32
        %dma_wait3A = arith.constant 0 : i32
        %dma_wait3A_108 = arith.constant 0 : i32
        %dma_wait3A_109 = tpu.memref_slice %arg4[%dma_wait3A, %dma_wait3A_108] : memref<10000x128xf32, #tpu.memory_space<hbm>> -> memref<128x128xf32, #tpu.memory_space<hbm>>
        %dma_wait3A_110 = arith.constant 0 : i32
        %dma_wait3A_111 = arith.constant 0 : i32
        %dma_wait3A_112 = tpu.memref_slice %arg4[%dma_wait3A_110, %dma_wait3A_111] : memref<10000x128xf32, #tpu.memory_space<hbm>> -> memref<128x128xf32, #tpu.memory_space<hbm>>
        tpu.wait_dma2 semaphore(%arg10 : memref<!tpu.dma_semaphore, #tpu.memory_space<semaphore_mem>>) src(%dma_wait3A_112 : memref<128x128xf32, #tpu.memory_space<hbm>>) dst(%arg8 : memref<128x128xf32, #tpu.memory_space<vmem>>)
        %mul3A_113 = arith.constant 2 : i32
        %mul3A_114 = arith.muli %scan3A_100, %mul3A_113 : i32
        %add3A_115 = arith.constant 0 : i32
        %add3A_116 = arith.addi %mul3A_114, %add3A_115 : i32
        "tpu.region"() ({
          %run_scoped3A_146 = tpu.sem_alloc : memref<!tpu.dma_semaphore, #tpu.memory_space<semaphore_mem>>
          %dma_start3A_147 = arith.constant 0 : i32
          %dma_start3A_148 = tpu.memref_slice %arg7[%add3A_116, %dma_start3A_147] : memref<16x128xi32, #tpu.memory_space<vmem>> -> memref<1x128xi32, #tpu.memory_space<vmem>>
          %dma_start3A_149 = tpu.memref_squeeze %dma_start3A_148 : memref<1x128xi32, #tpu.memory_space<vmem>> -> memref<128xi32, #tpu.memory_space<vmem>>
          %dma_start3A_150 = arith.constant 0 : i32
          %dma_start3A_151 = arith.constant 0 : i32
          %dma_start3A_152 = tpu.memref_slice %arg12[%dma_start3A_150, %dma_start3A_151] : memref<10112x128xf32, #tpu.memory_space<vmem_shared>> -> memref<10112x128xf32, #tpu.memory_space<vmem_shared>>
          tpu.enqueue_indirect_dma source(%arg8 : memref<128x128xf32, #tpu.memory_space<vmem>>) target(%dma_start3A_152 : memref<10112x128xf32, #tpu.memory_space<vmem_shared>>) offsets(%dma_start3A_149 : memref<128xi32, #tpu.memory_space<vmem>>) semaphore(%run_scoped3A_146 : memref<!tpu.dma_semaphore, #tpu.memory_space<semaphore_mem>>) {add = true}
          %dma_wait3A_153 = arith.constant 0 : i32
          %dma_wait3A_154 = tpu.memref_slice %arg7[%add3A_116, %dma_wait3A_153] : memref<16x128xi32, #tpu.memory_space<vmem>> -> memref<1x128xi32, #tpu.memory_space<vmem>>
          %dma_wait3A_155 = tpu.memref_squeeze %dma_wait3A_154 : memref<1x128xi32, #tpu.memory_space<vmem>> -> memref<128xi32, #tpu.memory_space<vmem>>
          %dma_wait3A_156 = arith.constant 0 : i32
          %dma_wait3A_157 = arith.constant 0 : i32
          %dma_wait3A_158 = tpu.memref_slice %arg12[%dma_wait3A_156, %dma_wait3A_157] : memref<10112x128xf32, #tpu.memory_space<vmem_shared>> -> memref<10112x128xf32, #tpu.memory_space<vmem_shared>>
          tpu.wait_indirect_dma semaphore(%run_scoped3A_146 : memref<!tpu.dma_semaphore, #tpu.memory_space<semaphore_mem>>) src(%arg8 : memref<128x128xf32, #tpu.memory_space<vmem>>) dst(%dma_wait3A_158 : memref<10112x128xf32, #tpu.memory_space<vmem_shared>>)
          tpu.yield
        }) : () -> ()
        %add3A_117 = arith.constant 2 : i32
        %add3A_118 = arith.addi %add3A_107, %add3A_117 : i32
        %lt3A_119 = arith.cmpi slt, %add3A_118, %select_n3A : i32
        %convert_element_type3A_120 = arith.extui %lt3A_119 : i1 to i32
        %cond3A_121 = arith.constant 0 : i32
        %cond3A_122 = arith.cmpi ne, %convert_element_type3A_120, %cond3A_121 : i32
        scf.if %cond3A_122 {
          %jit3A_146 = arith.constant 16 : i32
          %div3A_147 = arith.divsi %add3A_118, %jit3A_146 : i32
          %sign3A_148 = arith.constant 0 : i32
          %sign3A_149 = arith.cmpi sgt, %add3A_118, %sign3A_148 : i32
          %sign3A_150 = arith.extui %sign3A_149 : i1 to i32
          %sign3A_151 = arith.constant 0 : i32
          %sign3A_152 = arith.cmpi slt, %add3A_118, %sign3A_151 : i32
          %sign3A_153 = arith.extui %sign3A_152 : i1 to i32
          %sign3A_154 = arith.subi %sign3A_150, %sign3A_153 : i32
          %sign3A_155 = arith.constant 0 : i32
          %sign3A_156 = arith.cmpi sgt, %jit3A_146, %sign3A_155 : i32
          %sign3A_157 = arith.extui %sign3A_156 : i1 to i32
          %sign3A_158 = arith.constant 0 : i32
          %sign3A_159 = arith.cmpi slt, %jit3A_146, %sign3A_158 : i32
          %sign3A_160 = arith.extui %sign3A_159 : i1 to i32
          %sign3A_161 = arith.subi %sign3A_157, %sign3A_160 : i32
          %ne3A_162 = arith.cmpi ne, %sign3A_154, %sign3A_161 : i32
          %rem3A_163 = arith.remsi %add3A_118, %jit3A_146 : i32
          %ne3A_164 = arith.constant 0 : i32
          %ne3A_165 = arith.cmpi ne, %rem3A_163, %ne3A_164 : i32
          %and3A_166 = arith.andi %ne3A_162, %ne3A_165 : i1
          %sub3A_167 = arith.constant 1 : i32
          %sub3A_168 = arith.subi %div3A_147, %sub3A_167 : i32
          %select_n3A_169 = arith.select %and3A_166, %sub3A_168, %div3A_147 : i32
          %jit3A_170 = arith.constant 2 : i32
          %eq3A_171 = arith.constant 0 : i32
          %eq3A_172 = arith.cmpi eq, %jit3A_170, %eq3A_171 : i32
          %jit3A_173 = arith.constant 1 : i32
          %select_n3A_174 = arith.select %eq3A_172, %jit3A_173, %jit3A_170 : i32
          %rem3A_175 = arith.remsi %select_n3A_169, %select_n3A_174 : i32
          %ne3A_176 = arith.constant 0 : i32
          %ne3A_177 = arith.cmpi ne, %rem3A_175, %ne3A_176 : i32
          %lt3A_178 = arith.constant 0 : i32
          %lt3A_179 = arith.cmpi slt, %rem3A_175, %lt3A_178 : i32
          %lt3A_180 = arith.constant 0 : i32
          %lt3A_181 = arith.cmpi slt, %select_n3A_174, %lt3A_180 : i32
          %ne3A_182 = arith.xori %lt3A_179, %lt3A_181 : i1
          %and3A_183 = arith.andi %ne3A_182, %ne3A_177 : i1
          %add3A_184 = arith.addi %rem3A_175, %select_n3A_174 : i32
          %select_n3A_185 = arith.select %and3A_183, %add3A_184, %rem3A_175 : i32
          %jit3A_186 = arith.constant 16 : i32
          %eq3A_187 = arith.constant 0 : i32
          %eq3A_188 = arith.cmpi eq, %jit3A_186, %eq3A_187 : i32
          %jit3A_189 = arith.constant 1 : i32
          %select_n3A_190 = arith.select %eq3A_188, %jit3A_189, %jit3A_186 : i32
          %rem3A_191 = arith.remsi %add3A_118, %select_n3A_190 : i32
          %ne3A_192 = arith.constant 0 : i32
          %ne3A_193 = arith.cmpi ne, %rem3A_191, %ne3A_192 : i32
          %lt3A_194 = arith.constant 0 : i32
          %lt3A_195 = arith.cmpi slt, %rem3A_191, %lt3A_194 : i32
          %lt3A_196 = arith.constant 0 : i32
          %lt3A_197 = arith.cmpi slt, %select_n3A_190, %lt3A_196 : i32
          %ne3A_198 = arith.xori %lt3A_195, %lt3A_197 : i1
          %and3A_199 = arith.andi %ne3A_198, %ne3A_193 : i1
          %add3A_200 = arith.addi %rem3A_191, %select_n3A_190 : i32
          %select_n3A_201 = arith.select %and3A_199, %add3A_200, %rem3A_191 : i32
          %dma_start3A_202 = arith.constant 0 : i32
          %dma_start3A_203 = tpu.memref_slice %arg6[%select_n3A_185, %select_n3A_201, %dma_start3A_202] : memref<2x16x128xi32, #tpu.memory_space<vmem>> -> memref<1x1x128xi32, #tpu.memory_space<vmem>>
          %dma_start3A_204 = tpu.memref_squeeze %dma_start3A_203 : memref<1x1x128xi32, #tpu.memory_space<vmem>> -> memref<128xi32, #tpu.memory_space<vmem>>
          %dma_start3A_205 = arith.constant 0 : i32
          %dma_start3A_206 = arith.constant 0 : i32
          %dma_start3A_207 = tpu.memref_slice %arg4[%dma_start3A_205, %dma_start3A_206] : memref<10000x128xf32, #tpu.memory_space<hbm>> -> memref<10000x128xf32, #tpu.memory_space<hbm>>
          tpu.enqueue_indirect_dma source(%dma_start3A_207 : memref<10000x128xf32, #tpu.memory_space<hbm>>) target(%arg8 : memref<128x128xf32, #tpu.memory_space<vmem>>) offsets(%dma_start3A_204 : memref<128xi32, #tpu.memory_space<vmem>>) semaphore(%arg10 : memref<!tpu.dma_semaphore, #tpu.memory_space<semaphore_mem>>)
        } else {
        }
        %mul3A_123 = arith.constant 16 : i32
        %mul3A_124 = arith.muli %while3A_87, %mul3A_123 : i32
        %mul3A_125 = arith.constant 2 : i32
        %mul3A_126 = arith.muli %scan3A_100, %mul3A_125 : i32
        %add3A_127 = arith.addi %mul3A_124, %mul3A_126 : i32
        %add3A_128 = arith.constant 1 : i32
        %add3A_129 = arith.addi %add3A_127, %add3A_128 : i32
        %dma_wait3A_130 = arith.constant 0 : i32
        %dma_wait3A_131 = arith.constant 0 : i32
        %dma_wait3A_132 = tpu.memref_slice %arg4[%dma_wait3A_130, %dma_wait3A_131] : memref<10000x128xf32, #tpu.memory_space<hbm>> -> memref<128x128xf32, #tpu.memory_space<hbm>>
        %dma_wait3A_133 = arith.constant 0 : i32
        %dma_wait3A_134 = arith.constant 0 : i32
        %dma_wait3A_135 = tpu.memref_slice %arg4[%dma_wait3A_133, %dma_wait3A_134] : memref<10000x128xf32, #tpu.memory_space<hbm>> -> memref<128x128xf32, #tpu.memory_space<hbm>>
        tpu.wait_dma2 semaphore(%arg11 : memref<!tpu.dma_semaphore, #tpu.memory_space<semaphore_mem>>) src(%dma_wait3A_135 : memref<128x128xf32, #tpu.memory_space<hbm>>) dst(%arg9 : memref<128x128xf32, #tpu.memory_space<vmem>>)
        %mul3A_136 = arith.constant 2 : i32
        %mul3A_137 = arith.muli %scan3A_100, %mul3A_136 : i32
        %add3A_138 = arith.constant 1 : i32
        %add3A_139 = arith.addi %mul3A_137, %add3A_138 : i32
        "tpu.region"() ({
          %run_scoped3A_146 = tpu.sem_alloc : memref<!tpu.dma_semaphore, #tpu.memory_space<semaphore_mem>>
          %dma_start3A_147 = arith.constant 0 : i32
          %dma_start3A_148 = tpu.memref_slice %arg7[%add3A_139, %dma_start3A_147] : memref<16x128xi32, #tpu.memory_space<vmem>> -> memref<1x128xi32, #tpu.memory_space<vmem>>
          %dma_start3A_149 = tpu.memref_squeeze %dma_start3A_148 : memref<1x128xi32, #tpu.memory_space<vmem>> -> memref<128xi32, #tpu.memory_space<vmem>>
          %dma_start3A_150 = arith.constant 0 : i32
          %dma_start3A_151 = arith.constant 0 : i32
          %dma_start3A_152 = tpu.memref_slice %arg12[%dma_start3A_150, %dma_start3A_151] : memref<10112x128xf32, #tpu.memory_space<vmem_shared>> -> memref<10112x128xf32, #tpu.memory_space<vmem_shared>>
          tpu.enqueue_indirect_dma source(%arg9 : memref<128x128xf32, #tpu.memory_space<vmem>>) target(%dma_start3A_152 : memref<10112x128xf32, #tpu.memory_space<vmem_shared>>) offsets(%dma_start3A_149 : memref<128xi32, #tpu.memory_space<vmem>>) semaphore(%run_scoped3A_146 : memref<!tpu.dma_semaphore, #tpu.memory_space<semaphore_mem>>) {add = true}
          %dma_wait3A_153 = arith.constant 0 : i32
          %dma_wait3A_154 = tpu.memref_slice %arg7[%add3A_139, %dma_wait3A_153] : memref<16x128xi32, #tpu.memory_space<vmem>> -> memref<1x128xi32, #tpu.memory_space<vmem>>
          %dma_wait3A_155 = tpu.memref_squeeze %dma_wait3A_154 : memref<1x128xi32, #tpu.memory_space<vmem>> -> memref<128xi32, #tpu.memory_space<vmem>>
          %dma_wait3A_156 = arith.constant 0 : i32
          %dma_wait3A_157 = arith.constant 0 : i32
          %dma_wait3A_158 = tpu.memref_slice %arg12[%dma_wait3A_156, %dma_wait3A_157] : memref<10112x128xf32, #tpu.memory_space<vmem_shared>> -> memref<10112x128xf32, #tpu.memory_space<vmem_shared>>
          tpu.wait_indirect_dma semaphore(%run_scoped3A_146 : memref<!tpu.dma_semaphore, #tpu.memory_space<semaphore_mem>>) src(%arg9 : memref<128x128xf32, #tpu.memory_space<vmem>>) dst(%dma_wait3A_158 : memref<10112x128xf32, #tpu.memory_space<vmem_shared>>)
          tpu.yield
        }) : () -> ()
        %add3A_140 = arith.constant 2 : i32
        %add3A_141 = arith.addi %add3A_129, %add3A_140 : i32
        %lt3A_142 = arith.cmpi slt, %add3A_141, %select_n3A : i32
        %convert_element_type3A_143 = arith.extui %lt3A_142 : i1 to i32
        %cond3A_144 = arith.constant 0 : i32
        %cond3A_145 = arith.cmpi ne, %convert_element_type3A_143, %cond3A_144 : i32
        scf.if %cond3A_145 {
          %jit3A_146 = arith.constant 16 : i32
          %div3A_147 = arith.divsi %add3A_141, %jit3A_146 : i32
          %sign3A_148 = arith.constant 0 : i32
          %sign3A_149 = arith.cmpi sgt, %add3A_141, %sign3A_148 : i32
          %sign3A_150 = arith.extui %sign3A_149 : i1 to i32
          %sign3A_151 = arith.constant 0 : i32
          %sign3A_152 = arith.cmpi slt, %add3A_141, %sign3A_151 : i32
          %sign3A_153 = arith.extui %sign3A_152 : i1 to i32
          %sign3A_154 = arith.subi %sign3A_150, %sign3A_153 : i32
          %sign3A_155 = arith.constant 0 : i32
          %sign3A_156 = arith.cmpi sgt, %jit3A_146, %sign3A_155 : i32
          %sign3A_157 = arith.extui %sign3A_156 : i1 to i32
          %sign3A_158 = arith.constant 0 : i32
          %sign3A_159 = arith.cmpi slt, %jit3A_146, %sign3A_158 : i32
          %sign3A_160 = arith.extui %sign3A_159 : i1 to i32
          %sign3A_161 = arith.subi %sign3A_157, %sign3A_160 : i32
          %ne3A_162 = arith.cmpi ne, %sign3A_154, %sign3A_161 : i32
          %rem3A_163 = arith.remsi %add3A_141, %jit3A_146 : i32
          %ne3A_164 = arith.constant 0 : i32
          %ne3A_165 = arith.cmpi ne, %rem3A_163, %ne3A_164 : i32
          %and3A_166 = arith.andi %ne3A_162, %ne3A_165 : i1
          %sub3A_167 = arith.constant 1 : i32
          %sub3A_168 = arith.subi %div3A_147, %sub3A_167 : i32
          %select_n3A_169 = arith.select %and3A_166, %sub3A_168, %div3A_147 : i32
          %jit3A_170 = arith.constant 2 : i32
          %eq3A_171 = arith.constant 0 : i32
          %eq3A_172 = arith.cmpi eq, %jit3A_170, %eq3A_171 : i32
          %jit3A_173 = arith.constant 1 : i32
          %select_n3A_174 = arith.select %eq3A_172, %jit3A_173, %jit3A_170 : i32
          %rem3A_175 = arith.remsi %select_n3A_169, %select_n3A_174 : i32
          %ne3A_176 = arith.constant 0 : i32
          %ne3A_177 = arith.cmpi ne, %rem3A_175, %ne3A_176 : i32
          %lt3A_178 = arith.constant 0 : i32
          %lt3A_179 = arith.cmpi slt, %rem3A_175, %lt3A_178 : i32
          %lt3A_180 = arith.constant 0 : i32
          %lt3A_181 = arith.cmpi slt, %select_n3A_174, %lt3A_180 : i32
          %ne3A_182 = arith.xori %lt3A_179, %lt3A_181 : i1
          %and3A_183 = arith.andi %ne3A_182, %ne3A_177 : i1
          %add3A_184 = arith.addi %rem3A_175, %select_n3A_174 : i32
          %select_n3A_185 = arith.select %and3A_183, %add3A_184, %rem3A_175 : i32
          %jit3A_186 = arith.constant 16 : i32
          %eq3A_187 = arith.constant 0 : i32
          %eq3A_188 = arith.cmpi eq, %jit3A_186, %eq3A_187 : i32
          %jit3A_189 = arith.constant 1 : i32
          %select_n3A_190 = arith.select %eq3A_188, %jit3A_189, %jit3A_186 : i32
          %rem3A_191 = arith.remsi %add3A_141, %select_n3A_190 : i32
          %ne3A_192 = arith.constant 0 : i32
          %ne3A_193 = arith.cmpi ne, %rem3A_191, %ne3A_192 : i32
          %lt3A_194 = arith.constant 0 : i32
          %lt3A_195 = arith.cmpi slt, %rem3A_191, %lt3A_194 : i32
          %lt3A_196 = arith.constant 0 : i32
          %lt3A_197 = arith.cmpi slt, %select_n3A_190, %lt3A_196 : i32
          %ne3A_198 = arith.xori %lt3A_195, %lt3A_197 : i1
          %and3A_199 = arith.andi %ne3A_198, %ne3A_193 : i1
          %add3A_200 = arith.addi %rem3A_191, %select_n3A_190 : i32
          %select_n3A_201 = arith.select %and3A_199, %add3A_200, %rem3A_191 : i32
          %dma_start3A_202 = arith.constant 0 : i32
          %dma_start3A_203 = tpu.memref_slice %arg6[%select_n3A_185, %select_n3A_201, %dma_start3A_202] : memref<2x16x128xi32, #tpu.memory_space<vmem>> -> memref<1x1x128xi32, #tpu.memory_space<vmem>>
          %dma_start3A_204 = tpu.memref_squeeze %dma_start3A_203 : memref<1x1x128xi32, #tpu.memory_space<vmem>> -> memref<128xi32, #tpu.memory_space<vmem>>
          %dma_start3A_205 = arith.constant 0 : i32
          %dma_start3A_206 = arith.constant 0 : i32
          %dma_start3A_207 = tpu.memref_slice %arg4[%dma_start3A_205, %dma_start3A_206] : memref<10000x128xf32, #tpu.memory_space<hbm>> -> memref<10000x128xf32, #tpu.memory_space<hbm>>
          tpu.enqueue_indirect_dma source(%dma_start3A_207 : memref<10000x128xf32, #tpu.memory_space<hbm>>) target(%arg9 : memref<128x128xf32, #tpu.memory_space<vmem>>) offsets(%dma_start3A_204 : memref<128xi32, #tpu.memory_space<vmem>>) semaphore(%arg11 : memref<!tpu.dma_semaphore, #tpu.memory_space<semaphore_mem>>)
        } else {
        }
      }
      %scan3A_99 = arith.constant 8 : i32
    }
    %barrier3A_66 = arith.constant 0 : index
    tpu.barrier barrier_id(%barrier3A_66)
    %add3A_67 = arith.constant 0 : i32
    %add3A_68 = arith.addi %mul3A_26, %add3A_67 : i32
    "tpu.region"() ({
      %run_scoped3A_87 = tpu.sem_alloc : memref<!tpu.dma_semaphore, #tpu.memory_space<semaphore_mem>>
      %dma_start3A_88 = arith.constant 0 : i32
      %dma_start3A_89 = arith.constant 0 : i32
      %dma_start3A_90 = tpu.memref_slice %arg8[%dma_start3A_88, %dma_start3A_89] : memref<128x128xf32, #tpu.memory_space<vmem>> -> memref<128x128xf32, #tpu.memory_space<vmem>>
      %dma_start3A_91 = arith.constant 0 : i32
      %dma_start3A_92 = tpu.memref_slice %arg12[%add3A_68, %dma_start3A_91] : memref<10112x128xf32, #tpu.memory_space<vmem_shared>> -> memref<128x128xf32, #tpu.memory_space<vmem_shared>>
      %dma_start3A_93 = arith.constant 0 : i32
      %dma_start3A_94 = arith.constant 0 : i32
      %dma_start3A_95 = tpu.memref_slice %arg8[%dma_start3A_93, %dma_start3A_94] : memref<128x128xf32, #tpu.memory_space<vmem>> -> memref<128x128xf32, #tpu.memory_space<vmem>>
      %dma_start3A_96 = arith.constant 0 : i32
      %dma_start3A_97 = tpu.memref_slice %arg12[%add3A_68, %dma_start3A_96] : memref<10112x128xf32, #tpu.memory_space<vmem_shared>> -> memref<128x128xf32, #tpu.memory_space<vmem_shared>>
      tpu.enqueue_dma source(%dma_start3A_97 : memref<128x128xf32, #tpu.memory_space<vmem_shared>>) target(%dma_start3A_95 : memref<128x128xf32, #tpu.memory_space<vmem>>) target_semaphore(%run_scoped3A_87 : memref<!tpu.dma_semaphore, #tpu.memory_space<semaphore_mem>>)
      %dma_wait3A = arith.constant 0 : i32
      %dma_wait3A_98 = arith.constant 0 : i32
      %dma_wait3A_99 = tpu.memref_slice %arg8[%dma_wait3A, %dma_wait3A_98] : memref<128x128xf32, #tpu.memory_space<vmem>> -> memref<128x128xf32, #tpu.memory_space<vmem>>
      %dma_wait3A_100 = arith.constant 0 : i32
      %dma_wait3A_101 = tpu.memref_slice %arg12[%add3A_68, %dma_wait3A_100] : memref<10112x128xf32, #tpu.memory_space<vmem_shared>> -> memref<128x128xf32, #tpu.memory_space<vmem_shared>>
      %dma_wait3A_102 = arith.constant 0 : i32
      %dma_wait3A_103 = arith.constant 0 : i32
      %dma_wait3A_104 = tpu.memref_slice %arg8[%dma_wait3A_102, %dma_wait3A_103] : memref<128x128xf32, #tpu.memory_space<vmem>> -> memref<128x128xf32, #tpu.memory_space<vmem>>
      %dma_wait3A_105 = arith.constant 0 : i32
      %dma_wait3A_106 = tpu.memref_slice %arg12[%add3A_68, %dma_wait3A_105] : memref<10112x128xf32, #tpu.memory_space<vmem_shared>> -> memref<128x128xf32, #tpu.memory_space<vmem_shared>>
      tpu.wait_dma2 semaphore(%run_scoped3A_87 : memref<!tpu.dma_semaphore, #tpu.memory_space<semaphore_mem>>) src(%dma_wait3A_106 : memref<128x128xf32, #tpu.memory_space<vmem_shared>>) dst(%dma_wait3A_104 : memref<128x128xf32, #tpu.memory_space<vmem>>)
      tpu.yield
    }) : () -> ()
    %add3A_69 = arith.constant 0 : i32
    %add3A_70 = arith.addi %mul3A_26, %add3A_69 : i32
    "tpu.region"() ({
      %run_scoped3A_87 = tpu.sem_alloc : memref<!tpu.dma_semaphore, #tpu.memory_space<semaphore_mem>>
      %dma_start3A_88 = arith.constant 0 : i32
      %dma_start3A_89 = arith.constant 0 : i32
      %dma_start3A_90 = tpu.memref_slice %arg8[%dma_start3A_88, %dma_start3A_89] : memref<128x128xf32, #tpu.memory_space<vmem>> -> memref<128x128xf32, #tpu.memory_space<vmem>>
      %dma_start3A_91 = arith.constant 0 : i32
      %dma_start3A_92 = tpu.memref_slice %arg5[%arg0, %add3A_70, %dma_start3A_91] : memref<2x10112x128xf32, #tpu.memory_space<hbm>> -> memref<1x128x128xf32, #tpu.memory_space<hbm>>
      %dma_start3A_93 = tpu.memref_squeeze %dma_start3A_92 : memref<1x128x128xf32, #tpu.memory_space<hbm>> -> memref<128x128xf32, #tpu.memory_space<hbm>>
      %dma_start3A_94 = arith.constant 0 : i32
      %dma_start3A_95 = tpu.memref_slice %arg5[%arg0, %add3A_70, %dma_start3A_94] : memref<2x10112x128xf32, #tpu.memory_space<hbm>> -> memref<1x128x128xf32, #tpu.memory_space<hbm>>
      %dma_start3A_96 = tpu.memref_squeeze %dma_start3A_95 : memref<1x128x128xf32, #tpu.memory_space<hbm>> -> memref<128x128xf32, #tpu.memory_space<hbm>>
      %dma_start3A_97 = arith.constant 0 : i32
      %dma_start3A_98 = arith.constant 0 : i32
      %dma_start3A_99 = tpu.memref_slice %arg8[%dma_start3A_97, %dma_start3A_98] : memref<128x128xf32, #tpu.memory_space<vmem>> -> memref<128x128xf32, #tpu.memory_space<vmem>>
      tpu.enqueue_dma source(%dma_start3A_99 : memref<128x128xf32, #tpu.memory_space<vmem>>) target(%dma_start3A_96 : memref<128x128xf32, #tpu.memory_space<hbm>>) target_semaphore(%run_scoped3A_87 : memref<!tpu.dma_semaphore, #tpu.memory_space<semaphore_mem>>)
      %dma_wait3A = arith.constant 0 : i32
      %dma_wait3A_100 = arith.constant 0 : i32
      %dma_wait3A_101 = tpu.memref_slice %arg8[%dma_wait3A, %dma_wait3A_100] : memref<128x128xf32, #tpu.memory_space<vmem>> -> memref<128x128xf32, #tpu.memory_space<vmem>>
      %dma_wait3A_102 = arith.constant 0 : i32
      %dma_wait3A_103 = tpu.memref_slice %arg5[%arg0, %add3A_70, %dma_wait3A_102] : memref<2x10112x128xf32, #tpu.memory_space<hbm>> -> memref<1x128x128xf32, #tpu.memory_space<hbm>>
      %dma_wait3A_104 = tpu.memref_squeeze %dma_wait3A_103 : memref<1x128x128xf32, #tpu.memory_space<hbm>> -> memref<128x128xf32, #tpu.memory_space<hbm>>
      %dma_wait3A_105 = arith.constant 0 : i32
      %dma_wait3A_106 = tpu.memref_slice %arg5[%arg0, %add3A_70, %dma_wait3A_105] : memref<2x10112x128xf32, #tpu.memory_space<hbm>> -> memref<1x128x128xf32, #tpu.memory_space<hbm>>
      %dma_wait3A_107 = tpu.memref_squeeze %dma_wait3A_106 : memref<1x128x128xf32, #tpu.memory_space<hbm>> -> memref<128x128xf32, #tpu.memory_space<hbm>>
      %dma_wait3A_108 = arith.constant 0 : i32
      %dma_wait3A_109 = arith.constant 0 : i32
      %dma_wait3A_110 = tpu.memref_slice %arg8[%dma_wait3A_108, %dma_wait3A_109] : memref<128x128xf32, #tpu.memory_space<vmem>> -> memref<128x128xf32, #tpu.memory_space<vmem>>
      tpu.wait_dma2 semaphore(%run_scoped3A_87 : memref<!tpu.dma_semaphore, #tpu.memory_space<semaphore_mem>>) src(%dma_wait3A_110 : memref<128x128xf32, #tpu.memory_space<vmem>>) dst(%dma_wait3A_107 : memref<128x128xf32, #tpu.memory_space<hbm>>)
      tpu.yield
    }) : () -> ()
    %add3A_71 = arith.constant 128 : i32
    %add3A_72 = arith.addi %mul3A_26, %add3A_71 : i32
    "tpu.region"() ({
      %run_scoped3A_87 = tpu.sem_alloc : memref<!tpu.dma_semaphore, #tpu.memory_space<semaphore_mem>>
      %dma_start3A_88 = arith.constant 0 : i32
      %dma_start3A_89 = arith.constant 0 : i32
      %dma_start3A_90 = tpu.memref_slice %arg9[%dma_start3A_88, %dma_start3A_89] : memref<128x128xf32, #tpu.memory_space<vmem>> -> memref<128x128xf32, #tpu.memory_space<vmem>>
      %dma_start3A_91 = arith.constant 0 : i32
      %dma_start3A_92 = tpu.memref_slice %arg12[%add3A_72, %dma_start3A_91] : memref<10112x128xf32, #tpu.memory_space<vmem_shared>> -> memref<128x128xf32, #tpu.memory_space<vmem_shared>>
      %dma_start3A_93 = arith.constant 0 : i32
      %dma_start3A_94 = arith.constant 0 : i32
      %dma_start3A_95 = tpu.memref_slice %arg9[%dma_start3A_93, %dma_start3A_94] : memref<128x128xf32, #tpu.memory_space<vmem>> -> memref<128x128xf32, #tpu.memory_space<vmem>>
      %dma_start3A_96 = arith.constant 0 : i32
      %dma_start3A_97 = tpu.memref_slice %arg12[%add3A_72, %dma_start3A_96] : memref<10112x128xf32, #tpu.memory_space<vmem_shared>> -> memref<128x128xf32, #tpu.memory_space<vmem_shared>>
      tpu.enqueue_dma source(%dma_start3A_97 : memref<128x128xf32, #tpu.memory_space<vmem_shared>>) target(%dma_start3A_95 : memref<128x128xf32, #tpu.memory_space<vmem>>) target_semaphore(%run_scoped3A_87 : memref<!tpu.dma_semaphore, #tpu.memory_space<semaphore_mem>>)
      %dma_wait3A = arith.constant 0 : i32
      %dma_wait3A_98 = arith.constant 0 : i32
      %dma_wait3A_99 = tpu.memref_slice %arg9[%dma_wait3A, %dma_wait3A_98] : memref<128x128xf32, #tpu.memory_space<vmem>> -> memref<128x128xf32, #tpu.memory_space<vmem>>
      %dma_wait3A_100 = arith.constant 0 : i32
      %dma_wait3A_101 = tpu.memref_slice %arg12[%add3A_72, %dma_wait3A_100] : memref<10112x128xf32, #tpu.memory_space<vmem_shared>> -> memref<128x128xf32, #tpu.memory_space<vmem_shared>>
      %dma_wait3A_102 = arith.constant 0 : i32
      %dma_wait3A_103 = arith.constant 0 : i32
      %dma_wait3A_104 = tpu.memref_slice %arg9[%dma_wait3A_102, %dma_wait3A_103] : memref<128x128xf32, #tpu.memory_space<vmem>> -> memref<128x128xf32, #tpu.memory_space<vmem>>
      %dma_wait3A_105 = arith.constant 0 : i32
      %dma_wait3A_106 = tpu.memref_slice %arg12[%add3A_72, %dma_wait3A_105] : memref<10112x128xf32, #tpu.memory_space<vmem_shared>> -> memref<128x128xf32, #tpu.memory_space<vmem_shared>>
      tpu.wait_dma2 semaphore(%run_scoped3A_87 : memref<!tpu.dma_semaphore, #tpu.memory_space<semaphore_mem>>) src(%dma_wait3A_106 : memref<128x128xf32, #tpu.memory_space<vmem_shared>>) dst(%dma_wait3A_104 : memref<128x128xf32, #tpu.memory_space<vmem>>)
      tpu.yield
    }) : () -> ()
    %add3A_73 = arith.constant 128 : i32
    %add3A_74 = arith.addi %mul3A_26, %add3A_73 : i32
    "tpu.region"() ({
      %run_scoped3A_87 = tpu.sem_alloc : memref<!tpu.dma_semaphore, #tpu.memory_space<semaphore_mem>>
      %dma_start3A_88 = arith.constant 0 : i32
      %dma_start3A_89 = arith.constant 0 : i32
      %dma_start3A_90 = tpu.memref_slice %arg9[%dma_start3A_88, %dma_start3A_89] : memref<128x128xf32, #tpu.memory_space<vmem>> -> memref<128x128xf32, #tpu.memory_space<vmem>>
      %dma_start3A_91 = arith.constant 0 : i32
      %dma_start3A_92 = tpu.memref_slice %arg5[%arg0, %add3A_74, %dma_start3A_91] : memref<2x10112x128xf32, #tpu.memory_space<hbm>> -> memref<1x128x128xf32, #tpu.memory_space<hbm>>
      %dma_start3A_93 = tpu.memref_squeeze %dma_start3A_92 : memref<1x128x128xf32, #tpu.memory_space<hbm>> -> memref<128x128xf32, #tpu.memory_space<hbm>>
      %dma_start3A_94 = arith.constant 0 : i32
      %dma_start3A_95 = tpu.memref_slice %arg5[%arg0, %add3A_74, %dma_start3A_94] : memref<2x10112x128xf32, #tpu.memory_space<hbm>> -> memref<1x128x128xf32, #tpu.memory_space<hbm>>
      %dma_start3A_96 = tpu.memref_squeeze %dma_start3A_95 : memref<1x128x128xf32, #tpu.memory_space<hbm>> -> memref<128x128xf32, #tpu.memory_space<hbm>>
      %dma_start3A_97 = arith.constant 0 : i32
      %dma_start3A_98 = arith.constant 0 : i32
      %dma_start3A_99 = tpu.memref_slice %arg9[%dma_start3A_97, %dma_start3A_98] : memref<128x128xf32, #tpu.memory_space<vmem>> -> memref<128x128xf32, #tpu.memory_space<vmem>>
      tpu.enqueue_dma source(%dma_start3A_99 : memref<128x128xf32, #tpu.memory_space<vmem>>) target(%dma_start3A_96 : memref<128x128xf32, #tpu.memory_space<hbm>>) target_semaphore(%run_scoped3A_87 : memref<!tpu.dma_semaphore, #tpu.memory_space<semaphore_mem>>)
      %dma_wait3A = arith.constant 0 : i32
      %dma_wait3A_100 = arith.constant 0 : i32
      %dma_wait3A_101 = tpu.memref_slice %arg9[%dma_wait3A, %dma_wait3A_100] : memref<128x128xf32, #tpu.memory_space<vmem>> -> memref<128x128xf32, #tpu.memory_space<vmem>>
      %dma_wait3A_102 = arith.constant 0 : i32
      %dma_wait3A_103 = tpu.memref_slice %arg5[%arg0, %add3A_74, %dma_wait3A_102] : memref<2x10112x128xf32, #tpu.memory_space<hbm>> -> memref<1x128x128xf32, #tpu.memory_space<hbm>>
      %dma_wait3A_104 = tpu.memref_squeeze %dma_wait3A_103 : memref<1x128x128xf32, #tpu.memory_space<hbm>> -> memref<128x128xf32, #tpu.memory_space<hbm>>
      %dma_wait3A_105 = arith.constant 0 : i32
      %dma_wait3A_106 = tpu.memref_slice %arg5[%arg0, %add3A_74, %dma_wait3A_105] : memref<2x10112x128xf32, #tpu.memory_space<hbm>> -> memref<1x128x128xf32, #tpu.memory_space<hbm>>
      %dma_wait3A_107 = tpu.memref_squeeze %dma_wait3A_106 : memref<1x128x128xf32, #tpu.memory_space<hbm>> -> memref<128x128xf32, #tpu.memory_space<hbm>>
      %dma_wait3A_108 = arith.constant 0 : i32
      %dma_wait3A_109 = arith.constant 0 : i32
      %dma_wait3A_110 = tpu.memref_slice %arg9[%dma_wait3A_108, %dma_wait3A_109] : memref<128x128xf32, #tpu.memory_space<vmem>> -> memref<128x128xf32, #tpu.memory_space<vmem>>
      tpu.wait_dma2 semaphore(%run_scoped3A_87 : memref<!tpu.dma_semaphore, #tpu.memory_space<semaphore_mem>>) src(%dma_wait3A_110 : memref<128x128xf32, #tpu.memory_space<vmem>>) dst(%dma_wait3A_107 : memref<128x128xf32, #tpu.memory_space<hbm>>)
      tpu.yield
    }) : () -> ()
    %add3A_75 = arith.constant 256 : i32
    %add3A_76 = arith.addi %mul3A_26, %add3A_75 : i32
    "tpu.region"() ({
      %run_scoped3A_87 = tpu.sem_alloc : memref<!tpu.dma_semaphore, #tpu.memory_space<semaphore_mem>>
      %dma_start3A_88 = arith.constant 0 : i32
      %dma_start3A_89 = arith.constant 0 : i32
      %dma_start3A_90 = tpu.memref_slice %arg8[%dma_start3A_88, %dma_start3A_89] : memref<128x128xf32, #tpu.memory_space<vmem>> -> memref<128x128xf32, #tpu.memory_space<vmem>>
      %dma_start3A_91 = arith.constant 0 : i32
      %dma_start3A_92 = tpu.memref_slice %arg12[%add3A_76, %dma_start3A_91] : memref<10112x128xf32, #tpu.memory_space<vmem_shared>> -> memref<128x128xf32, #tpu.memory_space<vmem_shared>>
      %dma_start3A_93 = arith.constant 0 : i32
      %dma_start3A_94 = arith.constant 0 : i32
      %dma_start3A_95 = tpu.memref_slice %arg8[%dma_start3A_93, %dma_start3A_94] : memref<128x128xf32, #tpu.memory_space<vmem>> -> memref<128x128xf32, #tpu.memory_space<vmem>>
      %dma_start3A_96 = arith.constant 0 : i32
      %dma_start3A_97 = tpu.memref_slice %arg12[%add3A_76, %dma_start3A_96] : memref<10112x128xf32, #tpu.memory_space<vmem_shared>> -> memref<128x128xf32, #tpu.memory_space<vmem_shared>>
      tpu.enqueue_dma source(%dma_start3A_97 : memref<128x128xf32, #tpu.memory_space<vmem_shared>>) target(%dma_start3A_95 : memref<128x128xf32, #tpu.memory_space<vmem>>) target_semaphore(%run_scoped3A_87 : memref<!tpu.dma_semaphore, #tpu.memory_space<semaphore_mem>>)
      %dma_wait3A = arith.constant 0 : i32
      %dma_wait3A_98 = arith.constant 0 : i32
      %dma_wait3A_99 = tpu.memref_slice %arg8[%dma_wait3A, %dma_wait3A_98] : memref<128x128xf32, #tpu.memory_space<vmem>> -> memref<128x128xf32, #tpu.memory_space<vmem>>
      %dma_wait3A_100 = arith.constant 0 : i32
      %dma_wait3A_101 = tpu.memref_slice %arg12[%add3A_76, %dma_wait3A_100] : memref<10112x128xf32, #tpu.memory_space<vmem_shared>> -> memref<128x128xf32, #tpu.memory_space<vmem_shared>>
      %dma_wait3A_102 = arith.constant 0 : i32
      %dma_wait3A_103 = arith.constant 0 : i32
      %dma_wait3A_104 = tpu.memref_slice %arg8[%dma_wait3A_102, %dma_wait3A_103] : memref<128x128xf32, #tpu.memory_space<vmem>> -> memref<128x128xf32, #tpu.memory_space<vmem>>
      %dma_wait3A_105 = arith.constant 0 : i32
      %dma_wait3A_106 = tpu.memref_slice %arg12[%add3A_76, %dma_wait3A_105] : memref<10112x128xf32, #tpu.memory_space<vmem_shared>> -> memref<128x128xf32, #tpu.memory_space<vmem_shared>>
      tpu.wait_dma2 semaphore(%run_scoped3A_87 : memref<!tpu.dma_semaphore, #tpu.memory_space<semaphore_mem>>) src(%dma_wait3A_106 : memref<128x128xf32, #tpu.memory_space<vmem_shared>>) dst(%dma_wait3A_104 : memref<128x128xf32, #tpu.memory_space<vmem>>)
      tpu.yield
    }) : () -> ()
    %add3A_77 = arith.constant 256 : i32
    %add3A_78 = arith.addi %mul3A_26, %add3A_77 : i32
    "tpu.region"() ({
      %run_scoped3A_87 = tpu.sem_alloc : memref<!tpu.dma_semaphore, #tpu.memory_space<semaphore_mem>>
      %dma_start3A_88 = arith.constant 0 : i32
      %dma_start3A_89 = arith.constant 0 : i32
      %dma_start3A_90 = tpu.memref_slice %arg8[%dma_start3A_88, %dma_start3A_89] : memref<128x128xf32, #tpu.memory_space<vmem>> -> memref<128x128xf32, #tpu.memory_space<vmem>>
      %dma_start3A_91 = arith.constant 0 : i32
      %dma_start3A_92 = tpu.memref_slice %arg5[%arg0, %add3A_78, %dma_start3A_91] : memref<2x10112x128xf32, #tpu.memory_space<hbm>> -> memref<1x128x128xf32, #tpu.memory_space<hbm>>
      %dma_start3A_93 = tpu.memref_squeeze %dma_start3A_92 : memref<1x128x128xf32, #tpu.memory_space<hbm>> -> memref<128x128xf32, #tpu.memory_space<hbm>>
      %dma_start3A_94 = arith.constant 0 : i32
      %dma_start3A_95 = tpu.memref_slice %arg5[%arg0, %add3A_78, %dma_start3A_94] : memref<2x10112x128xf32, #tpu.memory_space<hbm>> -> memref<1x128x128xf32, #tpu.memory_space<hbm>>
      %dma_start3A_96 = tpu.memref_squeeze %dma_start3A_95 : memref<1x128x128xf32, #tpu.memory_space<hbm>> -> memref<128x128xf32, #tpu.memory_space<hbm>>
      %dma_start3A_97 = arith.constant 0 : i32
      %dma_start3A_98 = arith.constant 0 : i32
      %dma_start3A_99 = tpu.memref_slice %arg8[%dma_start3A_97, %dma_start3A_98] : memref<128x128xf32, #tpu.memory_space<vmem>> -> memref<128x128xf32, #tpu.memory_space<vmem>>
      tpu.enqueue_dma source(%dma_start3A_99 : memref<128x128xf32, #tpu.memory_space<vmem>>) target(%dma_start3A_96 : memref<128x128xf32, #tpu.memory_space<hbm>>) target_semaphore(%run_scoped3A_87 : memref<!tpu.dma_semaphore, #tpu.memory_space<semaphore_mem>>)
      %dma_wait3A = arith.constant 0 : i32
      %dma_wait3A_100 = arith.constant 0 : i32
      %dma_wait3A_101 = tpu.memref_slice %arg8[%dma_wait3A, %dma_wait3A_100] : memref<128x128xf32, #tpu.memory_space<vmem>> -> memref<128x128xf32, #tpu.memory_space<vmem>>
      %dma_wait3A_102 = arith.constant 0 : i32
      %dma_wait3A_103 = tpu.memref_slice %arg5[%arg0, %add3A_78, %dma_wait3A_102] : memref<2x10112x128xf32, #tpu.memory_space<hbm>> -> memref<1x128x128xf32, #tpu.memory_space<hbm>>
      %dma_wait3A_104 = tpu.memref_squeeze %dma_wait3A_103 : memref<1x128x128xf32, #tpu.memory_space<hbm>> -> memref<128x128xf32, #tpu.memory_space<hbm>>
      %dma_wait3A_105 = arith.constant 0 : i32
      %dma_wait3A_106 = tpu.memref_slice %arg5[%arg0, %add3A_78, %dma_wait3A_105] : memref<2x10112x128xf32, #tpu.memory_space<hbm>> -> memref<1x128x128xf32, #tpu.memory_space<hbm>>
      %dma_wait3A_107 = tpu.memref_squeeze %dma_wait3A_106 : memref<1x128x128xf32, #tpu.memory_space<hbm>> -> memref<128x128xf32, #tpu.memory_space<hbm>>
      %dma_wait3A_108 = arith.constant 0 : i32
      %dma_wait3A_109 = arith.constant 0 : i32
      %dma_wait3A_110 = tpu.memref_slice %arg8[%dma_wait3A_108, %dma_wait3A_109] : memref<128x128xf32, #tpu.memory_space<vmem>> -> memref<128x128xf32, #tpu.memory_space<vmem>>
      tpu.wait_dma2 semaphore(%run_scoped3A_87 : memref<!tpu.dma_semaphore, #tpu.memory_space<semaphore_mem>>) src(%dma_wait3A_110 : memref<128x128xf32, #tpu.memory_space<vmem>>) dst(%dma_wait3A_107 : memref<128x128xf32, #tpu.memory_space<hbm>>)
      tpu.yield
    }) : () -> ()
    %add3A_79 = arith.constant 384 : i32
    %add3A_80 = arith.addi %mul3A_26, %add3A_79 : i32
    "tpu.region"() ({
      %run_scoped3A_87 = tpu.sem_alloc : memref<!tpu.dma_semaphore, #tpu.memory_space<semaphore_mem>>
      %dma_start3A_88 = arith.constant 0 : i32
      %dma_start3A_89 = arith.constant 0 : i32
      %dma_start3A_90 = tpu.memref_slice %arg9[%dma_start3A_88, %dma_start3A_89] : memref<128x128xf32, #tpu.memory_space<vmem>> -> memref<128x128xf32, #tpu.memory_space<vmem>>
      %dma_start3A_91 = arith.constant 0 : i32
      %dma_start3A_92 = tpu.memref_slice %arg12[%add3A_80, %dma_start3A_91] : memref<10112x128xf32, #tpu.memory_space<vmem_shared>> -> memref<128x128xf32, #tpu.memory_space<vmem_shared>>
      %dma_start3A_93 = arith.constant 0 : i32
      %dma_start3A_94 = arith.constant 0 : i32
      %dma_start3A_95 = tpu.memref_slice %arg9[%dma_start3A_93, %dma_start3A_94] : memref<128x128xf32, #tpu.memory_space<vmem>> -> memref<128x128xf32, #tpu.memory_space<vmem>>
      %dma_start3A_96 = arith.constant 0 : i32
      %dma_start3A_97 = tpu.memref_slice %arg12[%add3A_80, %dma_start3A_96] : memref<10112x128xf32, #tpu.memory_space<vmem_shared>> -> memref<128x128xf32, #tpu.memory_space<vmem_shared>>
      tpu.enqueue_dma source(%dma_start3A_97 : memref<128x128xf32, #tpu.memory_space<vmem_shared>>) target(%dma_start3A_95 : memref<128x128xf32, #tpu.memory_space<vmem>>) target_semaphore(%run_scoped3A_87 : memref<!tpu.dma_semaphore, #tpu.memory_space<semaphore_mem>>)
      %dma_wait3A = arith.constant 0 : i32
      %dma_wait3A_98 = arith.constant 0 : i32
      %dma_wait3A_99 = tpu.memref_slice %arg9[%dma_wait3A, %dma_wait3A_98] : memref<128x128xf32, #tpu.memory_space<vmem>> -> memref<128x128xf32, #tpu.memory_space<vmem>>
      %dma_wait3A_100 = arith.constant 0 : i32
      %dma_wait3A_101 = tpu.memref_slice %arg12[%add3A_80, %dma_wait3A_100] : memref<10112x128xf32, #tpu.memory_space<vmem_shared>> -> memref<128x128xf32, #tpu.memory_space<vmem_shared>>
      %dma_wait3A_102 = arith.constant 0 : i32
      %dma_wait3A_103 = arith.constant 0 : i32
      %dma_wait3A_104 = tpu.memref_slice %arg9[%dma_wait3A_102, %dma_wait3A_103] : memref<128x128xf32, #tpu.memory_space<vmem>> -> memref<128x128xf32, #tpu.memory_space<vmem>>
      %dma_wait3A_105 = arith.constant 0 : i32
      %dma_wait3A_106 = tpu.memref_slice %arg12[%add3A_80, %dma_wait3A_105] : memref<10112x128xf32, #tpu.memory_space<vmem_shared>> -> memref<128x128xf32, #tpu.memory_space<vmem_shared>>
      tpu.wait_dma2 semaphore(%run_scoped3A_87 : memref<!tpu.dma_semaphore, #tpu.memory_space<semaphore_mem>>) src(%dma_wait3A_106 : memref<128x128xf32, #tpu.memory_space<vmem_shared>>) dst(%dma_wait3A_104 : memref<128x128xf32, #tpu.memory_space<vmem>>)
      tpu.yield
    }) : () -> ()
    %add3A_81 = arith.constant 384 : i32
    %add3A_82 = arith.addi %mul3A_26, %add3A_81 : i32
    "tpu.region"() ({
      %run_scoped3A_87 = tpu.sem_alloc : memref<!tpu.dma_semaphore, #tpu.memory_space<semaphore_mem>>
      %dma_start3A_88 = arith.constant 0 : i32
      %dma_start3A_89 = arith.constant 0 : i32
      %dma_start3A_90 = tpu.memref_slice %arg9[%dma_start3A_88, %dma_start3A_89] : memref<128x128xf32, #tpu.memory_space<vmem>> -> memref<128x128xf32, #tpu.memory_space<vmem>>
      %dma_start3A_91 = arith.constant 0 : i32
      %dma_start3A_92 = tpu.memref_slice %arg5[%arg0, %add3A_82, %dma_start3A_91] : memref<2x10112x128xf32, #tpu.memory_space<hbm>> -> memref<1x128x128xf32, #tpu.memory_space<hbm>>
      %dma_start3A_93 = tpu.memref_squeeze %dma_start3A_92 : memref<1x128x128xf32, #tpu.memory_space<hbm>> -> memref<128x128xf32, #tpu.memory_space<hbm>>
      %dma_start3A_94 = arith.constant 0 : i32
      %dma_start3A_95 = tpu.memref_slice %arg5[%arg0, %add3A_82, %dma_start3A_94] : memref<2x10112x128xf32, #tpu.memory_space<hbm>> -> memref<1x128x128xf32, #tpu.memory_space<hbm>>
      %dma_start3A_96 = tpu.memref_squeeze %dma_start3A_95 : memref<1x128x128xf32, #tpu.memory_space<hbm>> -> memref<128x128xf32, #tpu.memory_space<hbm>>
      %dma_start3A_97 = arith.constant 0 : i32
      %dma_start3A_98 = arith.constant 0 : i32
      %dma_start3A_99 = tpu.memref_slice %arg9[%dma_start3A_97, %dma_start3A_98] : memref<128x128xf32, #tpu.memory_space<vmem>> -> memref<128x128xf32, #tpu.memory_space<vmem>>
      tpu.enqueue_dma source(%dma_start3A_99 : memref<128x128xf32, #tpu.memory_space<vmem>>) target(%dma_start3A_96 : memref<128x128xf32, #tpu.memory_space<hbm>>) target_semaphore(%run_scoped3A_87 : memref<!tpu.dma_semaphore, #tpu.memory_space<semaphore_mem>>)
      %dma_wait3A = arith.constant 0 : i32
      %dma_wait3A_100 = arith.constant 0 : i32
      %dma_wait3A_101 = tpu.memref_slice %arg9[%dma_wait3A, %dma_wait3A_100] : memref<128x128xf32, #tpu.memory_space<vmem>> -> memref<128x128xf32, #tpu.memory_space<vmem>>
      %dma_wait3A_102 = arith.constant 0 : i32
      %dma_wait3A_103 = tpu.memref_slice %arg5[%arg0, %add3A_82, %dma_wait3A_102] : memref<2x10112x128xf32, #tpu.memory_space<hbm>> -> memref<1x128x128xf32, #tpu.memory_space<hbm>>
      %dma_wait3A_104 = tpu.memref_squeeze %dma_wait3A_103 : memref<1x128x128xf32, #tpu.memory_space<hbm>> -> memref<128x128xf32, #tpu.memory_space<hbm>>
      %dma_wait3A_105 = arith.constant 0 : i32
      %dma_wait3A_106 = tpu.memref_slice %arg5[%arg0, %add3A_82, %dma_wait3A_105] : memref<2x10112x128xf32, #tpu.memory_space<hbm>> -> memref<1x128x128xf32, #tpu.memory_space<hbm>>
      %dma_wait3A_107 = tpu.memref_squeeze %dma_wait3A_106 : memref<1x128x128xf32, #tpu.memory_space<hbm>> -> memref<128x128xf32, #tpu.memory_space<hbm>>
      %dma_wait3A_108 = arith.constant 0 : i32
      %dma_wait3A_109 = arith.constant 0 : i32
      %dma_wait3A_110 = tpu.memref_slice %arg9[%dma_wait3A_108, %dma_wait3A_109] : memref<128x128xf32, #tpu.memory_space<vmem>> -> memref<128x128xf32, #tpu.memory_space<vmem>>
      tpu.wait_dma2 semaphore(%run_scoped3A_87 : memref<!tpu.dma_semaphore, #tpu.memory_space<semaphore_mem>>) src(%dma_wait3A_110 : memref<128x128xf32, #tpu.memory_space<vmem>>) dst(%dma_wait3A_107 : memref<128x128xf32, #tpu.memory_space<hbm>>)
      tpu.yield
    }) : () -> ()
    %add3A_83 = arith.constant 512 : i32
    %add3A_84 = arith.addi %mul3A_26, %add3A_83 : i32
    "tpu.region"() ({
      %run_scoped3A_87 = tpu.sem_alloc : memref<!tpu.dma_semaphore, #tpu.memory_space<semaphore_mem>>
      %dma_start3A_88 = arith.constant 0 : i32
      %dma_start3A_89 = arith.constant 0 : i32
      %dma_start3A_90 = tpu.memref_slice %arg8[%dma_start3A_88, %dma_start3A_89] : memref<128x128xf32, #tpu.memory_space<vmem>> -> memref<120x128xf32, #tpu.memory_space<vmem>>
      %dma_start3A_91 = arith.constant 0 : i32
      %dma_start3A_92 = tpu.memref_slice %arg12[%add3A_84, %dma_start3A_91] : memref<10112x128xf32, #tpu.memory_space<vmem_shared>> -> memref<120x128xf32, #tpu.memory_space<vmem_shared>>
      %dma_start3A_93 = arith.constant 0 : i32
      %dma_start3A_94 = arith.constant 0 : i32
      %dma_start3A_95 = tpu.memref_slice %arg8[%dma_start3A_93, %dma_start3A_94] : memref<128x128xf32, #tpu.memory_space<vmem>> -> memref<120x128xf32, #tpu.memory_space<vmem>>
      %dma_start3A_96 = arith.constant 0 : i32
      %dma_start3A_97 = tpu.memref_slice %arg12[%add3A_84, %dma_start3A_96] : memref<10112x128xf32, #tpu.memory_space<vmem_shared>> -> memref<120x128xf32, #tpu.memory_space<vmem_shared>>
      tpu.enqueue_dma source(%dma_start3A_97 : memref<120x128xf32, #tpu.memory_space<vmem_shared>>) target(%dma_start3A_95 : memref<120x128xf32, #tpu.memory_space<vmem>>) target_semaphore(%run_scoped3A_87 : memref<!tpu.dma_semaphore, #tpu.memory_space<semaphore_mem>>)
      %dma_wait3A = arith.constant 0 : i32
      %dma_wait3A_98 = arith.constant 0 : i32
      %dma_wait3A_99 = tpu.memref_slice %arg8[%dma_wait3A, %dma_wait3A_98] : memref<128x128xf32, #tpu.memory_space<vmem>> -> memref<120x128xf32, #tpu.memory_space<vmem>>
      %dma_wait3A_100 = arith.constant 0 : i32
      %dma_wait3A_101 = tpu.memref_slice %arg12[%add3A_84, %dma_wait3A_100] : memref<10112x128xf32, #tpu.memory_space<vmem_shared>> -> memref<120x128xf32, #tpu.memory_space<vmem_shared>>
      %dma_wait3A_102 = arith.constant 0 : i32
      %dma_wait3A_103 = arith.constant 0 : i32
      %dma_wait3A_104 = tpu.memref_slice %arg8[%dma_wait3A_102, %dma_wait3A_103] : memref<128x128xf32, #tpu.memory_space<vmem>> -> memref<120x128xf32, #tpu.memory_space<vmem>>
      %dma_wait3A_105 = arith.constant 0 : i32
      %dma_wait3A_106 = tpu.memref_slice %arg12[%add3A_84, %dma_wait3A_105] : memref<10112x128xf32, #tpu.memory_space<vmem_shared>> -> memref<120x128xf32, #tpu.memory_space<vmem_shared>>
      tpu.wait_dma2 semaphore(%run_scoped3A_87 : memref<!tpu.dma_semaphore, #tpu.memory_space<semaphore_mem>>) src(%dma_wait3A_106 : memref<120x128xf32, #tpu.memory_space<vmem_shared>>) dst(%dma_wait3A_104 : memref<120x128xf32, #tpu.memory_space<vmem>>)
      tpu.yield
    }) : () -> ()
    %add3A_85 = arith.constant 512 : i32
    %add3A_86 = arith.addi %mul3A_26, %add3A_85 : i32
    "tpu.region"() ({
      %run_scoped3A_87 = tpu.sem_alloc : memref<!tpu.dma_semaphore, #tpu.memory_space<semaphore_mem>>
      %dma_start3A_88 = arith.constant 0 : i32
      %dma_start3A_89 = arith.constant 0 : i32
      %dma_start3A_90 = tpu.memref_slice %arg8[%dma_start3A_88, %dma_start3A_89] : memref<128x128xf32, #tpu.memory_space<vmem>> -> memref<120x128xf32, #tpu.memory_space<vmem>>
      %dma_start3A_91 = arith.constant 0 : i32
      %dma_start3A_92 = tpu.memref_slice %arg5[%arg0, %add3A_86, %dma_start3A_91] : memref<2x10112x128xf32, #tpu.memory_space<hbm>> -> memref<1x120x128xf32, #tpu.memory_space<hbm>>
      %dma_start3A_93 = tpu.memref_squeeze %dma_start3A_92 : memref<1x120x128xf32, #tpu.memory_space<hbm>> -> memref<120x128xf32, #tpu.memory_space<hbm>>
      %dma_start3A_94 = arith.constant 0 : i32
      %dma_start3A_95 = tpu.memref_slice %arg5[%arg0, %add3A_86, %dma_start3A_94] : memref<2x10112x128xf32, #tpu.memory_space<hbm>> -> memref<1x120x128xf32, #tpu.memory_space<hbm>>
      %dma_start3A_96 = tpu.memref_squeeze %dma_start3A_95 : memref<1x120x128xf32, #tpu.memory_space<hbm>> -> memref<120x128xf32, #tpu.memory_space<hbm>>
      %dma_start3A_97 = arith.constant 0 : i32
      %dma_start3A_98 = arith.constant 0 : i32
      %dma_start3A_99 = tpu.memref_slice %arg8[%dma_start3A_97, %dma_start3A_98] : memref<128x128xf32, #tpu.memory_space<vmem>> -> memref<120x128xf32, #tpu.memory_space<vmem>>
      tpu.enqueue_dma source(%dma_start3A_99 : memref<120x128xf32, #tpu.memory_space<vmem>>) target(%dma_start3A_96 : memref<120x128xf32, #tpu.memory_space<hbm>>) target_semaphore(%run_scoped3A_87 : memref<!tpu.dma_semaphore, #tpu.memory_space<semaphore_mem>>)
      %dma_wait3A = arith.constant 0 : i32
      %dma_wait3A_100 = arith.constant 0 : i32
      %dma_wait3A_101 = tpu.memref_slice %arg8[%dma_wait3A, %dma_wait3A_100] : memref<128x128xf32, #tpu.memory_space<vmem>> -> memref<120x128xf32, #tpu.memory_space<vmem>>
      %dma_wait3A_102 = arith.constant 0 : i32
      %dma_wait3A_103 = tpu.memref_slice %arg5[%arg0, %add3A_86, %dma_wait3A_102] : memref<2x10112x128xf32, #tpu.memory_space<hbm>> -> memref<1x120x128xf32, #tpu.memory_space<hbm>>
      %dma_wait3A_104 = tpu.memref_squeeze %dma_wait3A_103 : memref<1x120x128xf32, #tpu.memory_space<hbm>> -> memref<120x128xf32, #tpu.memory_space<hbm>>
      %dma_wait3A_105 = arith.constant 0 : i32
      %dma_wait3A_106 = tpu.memref_slice %arg5[%arg0, %add3A_86, %dma_wait3A_105] : memref<2x10112x128xf32, #tpu.memory_space<hbm>> -> memref<1x120x128xf32, #tpu.memory_space<hbm>>
      %dma_wait3A_107 = tpu.memref_squeeze %dma_wait3A_106 : memref<1x120x128xf32, #tpu.memory_space<hbm>> -> memref<120x128xf32, #tpu.memory_space<hbm>>
      %dma_wait3A_108 = arith.constant 0 : i32
      %dma_wait3A_109 = arith.constant 0 : i32
      %dma_wait3A_110 = tpu.memref_slice %arg8[%dma_wait3A_108, %dma_wait3A_109] : memref<128x128xf32, #tpu.memory_space<vmem>> -> memref<120x128xf32, #tpu.memory_space<vmem>>
      tpu.wait_dma2 semaphore(%run_scoped3A_87 : memref<!tpu.dma_semaphore, #tpu.memory_space<semaphore_mem>>) src(%dma_wait3A_110 : memref<120x128xf32, #tpu.memory_space<vmem>>) dst(%dma_wait3A_107 : memref<120x128xf32, #tpu.memory_space<hbm>>)
      tpu.yield
    }) : () -> ()
    return
  }
}

#map = affine_map<(d0, d1) -> (0, 0)>
#map1 = affine_map<(d0, d1) -> (0, 0, 0)>
module attributes {stable_mosaic.version = 14 : i64} {
  func.func @sc_agg(%arg0: i32, %arg1: i32, %arg2: memref<2560x128xi32, #tpu.memory_space<hbm>>, %arg3: memref<2560x128xi32, #tpu.memory_space<hbm>>, %arg4: memref<10000x128xf32, #tpu.memory_space<hbm>>, %arg5: memref<2x10112x128xf32, #tpu.memory_space<hbm>>, %arg6: memref<2x16x128xi32, #tpu.memory_space<vmem>>, %arg7: memref<16x128xi32, #tpu.memory_space<vmem>>, %arg8: memref<128x128xf32, #tpu.memory_space<vmem>>, %arg9: memref<128x128xf32, #tpu.memory_space<vmem>>, %arg10: memref<!tpu.dma_semaphore, #tpu.memory_space<semaphore_mem>>, %arg11: memref<!tpu.dma_semaphore, #tpu.memory_space<semaphore_mem>>, %arg12: memref<10112x128xf32, #tpu.memory_space<vmem_shared>>) attributes {dimension_semantics = [#tpu.dimension_semantics<core_parallel>, #tpu.dimension_semantics<subcore_parallel>], iteration_bounds = array<i64: 2, 16>, scalar_prefetch = 0 : i64, scratch_operands = 7 : i64, tpu.core_type = #tpu.core_type<sc_vector_subcore>, window_params = [{transform_indices = #map}, {transform_indices = #map}, {transform_indices = #map}, {transform_indices = #map1}]} {
    %eq3A = arith.constant 0 : i32
    %eq3A_0 = arith.cmpi eq, %arg0, %eq3A : i32
    %jit3A = arith.constant 112 : i32
    %jit3A_1 = arith.constant 48 : i32
    %select_n3A = arith.select %eq3A_0, %jit3A, %jit3A_1 : i32
    %jit3A_2 = arith.constant 16 : i32
    %div3A = arith.divsi %select_n3A, %jit3A_2 : i32
    %sign3A = arith.constant 0 : i32
    %sign3A_3 = arith.cmpi sgt, %select_n3A, %sign3A : i32
    %sign3A_4 = arith.extui %sign3A_3 : i1 to i32
    %sign3A_5 = arith.constant 0 : i32
    %sign3A_6 = arith.cmpi slt, %select_n3A, %sign3A_5 : i32
    %sign3A_7 = arith.extui %sign3A_6 : i1 to i32
    %sign3A_8 = arith.subi %sign3A_4, %sign3A_7 : i32
    %sign3A_9 = arith.constant 0 : i32
    %sign3A_10 = arith.cmpi sgt, %jit3A_2, %sign3A_9 : i32
    %sign3A_11 = arith.extui %sign3A_10 : i1 to i32
    %sign3A_12 = arith.constant 0 : i32
    %sign3A_13 = arith.cmpi slt, %jit3A_2, %sign3A_12 : i32
    %sign3A_14 = arith.extui %sign3A_13 : i1 to i32
    %sign3A_15 = arith.subi %sign3A_11, %sign3A_14 : i32
    %ne3A = arith.cmpi ne, %sign3A_8, %sign3A_15 : i32
    %rem3A = arith.remsi %select_n3A, %jit3A_2 : i32
    %ne3A_16 = arith.constant 0 : i32
    %ne3A_17 = arith.cmpi ne, %rem3A, %ne3A_16 : i32
    %and3A = arith.andi %ne3A, %ne3A_17 : i1
    %sub3A = arith.constant 1 : i32
    %sub3A_18 = arith.subi %div3A, %sub3A : i32
    %select_n3A_19 = arith.select %and3A, %sub3A_18, %div3A : i32
    %mul3A = arith.constant 112 : i32
    %mul3A_20 = arith.muli %arg1, %mul3A : i32
    %mul3A_21 = arith.constant 48 : i32
    %mul3A_22 = arith.muli %arg1, %mul3A_21 : i32
    %add3A = arith.constant 1792 : i32
    %add3A_23 = arith.addi %add3A, %mul3A_22 : i32
    %select_n3A_24 = arith.select %eq3A_0, %mul3A_20, %add3A_23 : i32
    %mul3A_25 = arith.constant 632 : i32
    %mul3A_26 = arith.muli %arg1, %mul3A_25 : i32
    %scan3A = arith.constant 0 : i32
    %scan3A_27 = arith.constant 0 : i32
    %scan3A_28 = arith.constant 128 : i32
    %scan3A_29 = arith.addi %scan3A_27, %scan3A_28 : i32
    %scan3A_30 = arith.constant 1 : i32
    scf.for %scan3A_87 = %scan3A_27 to %scan3A_29 step %scan3A_30  : i32 {
      %broadcast_in_dim3A = arith.constant 0.000000e+00 : f32
      %broadcast_in_dim3A_88 = vector.broadcast %broadcast_in_dim3A : f32 to vector<16xf32>
      %swap3A = arith.index_cast %scan3A_87 : i32 to index
      %swap3A_89 = arith.constant 0 : index
      %swap3A_90 = tpu.vector_load %arg8[%swap3A, %swap3A_89] {strides = array<i32>} : memref<128x128xf32, #tpu.memory_space<vmem>>, vector<1x16xf32>,
      %swap3A_91 = vector.shape_cast %swap3A_90 : vector<1x16xf32> to vector<16xf32>
      %swap3A_92 = vector.shape_cast %broadcast_in_dim3A_88 : vector<16xf32> to vector<1x16xf32>
      tpu.vector_store %arg8[%swap3A, %swap3A_89], %swap3A_92 {strides = array<i32>} : memref<128x128xf32, #tpu.memory_space<vmem>>, vector<1x16xf32>,
      %broadcast_in_dim3A_93 = arith.constant 0.000000e+00 : f32
      %broadcast_in_dim3A_94 = vector.broadcast %broadcast_in_dim3A_93 : f32 to vector<16xf32>
      %swap3A_95 = arith.index_cast %scan3A_87 : i32 to index
      %swap3A_96 = arith.constant 16 : index
      %swap3A_97 = tpu.vector_load %arg8[%swap3A_95, %swap3A_96] {strides = array<i32>} : memref<128x128xf32, #tpu.memory_space<vmem>>, vector<1x16xf32>,
      %swap3A_98 = vector.shape_cast %swap3A_97 : vector<1x16xf32> to vector<16xf32>
      %swap3A_99 = vector.shape_cast %broadcast_in_dim3A_94 : vector<16xf32> to vector<1x16xf32>
      tpu.vector_store %arg8[%swap3A_95, %swap3A_96], %swap3A_99 {strides = array<i32>} : memref<128x128xf32, #tpu.memory_space<vmem>>, vector<1x16xf32>,
      %broadcast_in_dim3A_100 = arith.constant 0.000000e+00 : f32
      %broadcast_in_dim3A_101 = vector.broadcast %broadcast_in_dim3A_100 : f32 to vector<16xf32>
      %swap3A_102 = arith.index_cast %scan3A_87 : i32 to index
      %swap3A_103 = arith.constant 32 : index
      %swap3A_104 = tpu.vector_load %arg8[%swap3A_102, %swap3A_103] {strides = array<i32>} : memref<128x128xf32, #tpu.memory_space<vmem>>, vector<1x16xf32>,
      %swap3A_105 = vector.shape_cast %swap3A_104 : vector<1x16xf32> to vector<16xf32>
      %swap3A_106 = vector.shape_cast %broadcast_in_dim3A_101 : vector<16xf32> to vector<1x16xf32>
      tpu.vector_store %arg8[%swap3A_102, %swap3A_103], %swap3A_106 {strides = array<i32>} : memref<128x128xf32, #tpu.memory_space<vmem>>, vector<1x16xf32>,
      %broadcast_in_dim3A_107 = arith.constant 0.000000e+00 : f32
      %broadcast_in_dim3A_108 = vector.broadcast %broadcast_in_dim3A_107 : f32 to vector<16xf32>
      %swap3A_109 = arith.index_cast %scan3A_87 : i32 to index
      %swap3A_110 = arith.constant 48 : index
      %swap3A_111 = tpu.vector_load %arg8[%swap3A_109, %swap3A_110] {strides = array<i32>} : memref<128x128xf32, #tpu.memory_space<vmem>>, vector<1x16xf32>,
      %swap3A_112 = vector.shape_cast %swap3A_111 : vector<1x16xf32> to vector<16xf32>
      %swap3A_113 = vector.shape_cast %broadcast_in_dim3A_108 : vector<16xf32> to vector<1x16xf32>
      tpu.vector_store %arg8[%swap3A_109, %swap3A_110], %swap3A_113 {strides = array<i32>} : memref<128x128xf32, #tpu.memory_space<vmem>>, vector<1x16xf32>,
      %broadcast_in_dim3A_114 = arith.constant 0.000000e+00 : f32
      %broadcast_in_dim3A_115 = vector.broadcast %broadcast_in_dim3A_114 : f32 to vector<16xf32>
      %swap3A_116 = arith.index_cast %scan3A_87 : i32 to index
      %swap3A_117 = arith.constant 64 : index
      %swap3A_118 = tpu.vector_load %arg8[%swap3A_116, %swap3A_117] {strides = array<i32>} : memref<128x128xf32, #tpu.memory_space<vmem>>, vector<1x16xf32>,
      %swap3A_119 = vector.shape_cast %swap3A_118 : vector<1x16xf32> to vector<16xf32>
      %swap3A_120 = vector.shape_cast %broadcast_in_dim3A_115 : vector<16xf32> to vector<1x16xf32>
      tpu.vector_store %arg8[%swap3A_116, %swap3A_117], %swap3A_120 {strides = array<i32>} : memref<128x128xf32, #tpu.memory_space<vmem>>, vector<1x16xf32>,
      %broadcast_in_dim3A_121 = arith.constant 0.000000e+00 : f32
      %broadcast_in_dim3A_122 = vector.broadcast %broadcast_in_dim3A_121 : f32 to vector<16xf32>
      %swap3A_123 = arith.index_cast %scan3A_87 : i32 to index
      %swap3A_124 = arith.constant 80 : index
      %swap3A_125 = tpu.vector_load %arg8[%swap3A_123, %swap3A_124] {strides = array<i32>} : memref<128x128xf32, #tpu.memory_space<vmem>>, vector<1x16xf32>,
      %swap3A_126 = vector.shape_cast %swap3A_125 : vector<1x16xf32> to vector<16xf32>
      %swap3A_127 = vector.shape_cast %broadcast_in_dim3A_122 : vector<16xf32> to vector<1x16xf32>
      tpu.vector_store %arg8[%swap3A_123, %swap3A_124], %swap3A_127 {strides = array<i32>} : memref<128x128xf32, #tpu.memory_space<vmem>>, vector<1x16xf32>,
      %broadcast_in_dim3A_128 = arith.constant 0.000000e+00 : f32
      %broadcast_in_dim3A_129 = vector.broadcast %broadcast_in_dim3A_128 : f32 to vector<16xf32>
      %swap3A_130 = arith.index_cast %scan3A_87 : i32 to index
      %swap3A_131 = arith.constant 96 : index
      %swap3A_132 = tpu.vector_load %arg8[%swap3A_130, %swap3A_131] {strides = array<i32>} : memref<128x128xf32, #tpu.memory_space<vmem>>, vector<1x16xf32>,
      %swap3A_133 = vector.shape_cast %swap3A_132 : vector<1x16xf32> to vector<16xf32>
      %swap3A_134 = vector.shape_cast %broadcast_in_dim3A_129 : vector<16xf32> to vector<1x16xf32>
      tpu.vector_store %arg8[%swap3A_130, %swap3A_131], %swap3A_134 {strides = array<i32>} : memref<128x128xf32, #tpu.memory_space<vmem>>, vector<1x16xf32>,
      %broadcast_in_dim3A_135 = arith.constant 0.000000e+00 : f32
      %broadcast_in_dim3A_136 = vector.broadcast %broadcast_in_dim3A_135 : f32 to vector<16xf32>
      %swap3A_137 = arith.index_cast %scan3A_87 : i32 to index
      %swap3A_138 = arith.constant 112 : index
      %swap3A_139 = tpu.vector_load %arg8[%swap3A_137, %swap3A_138] {strides = array<i32>} : memref<128x128xf32, #tpu.memory_space<vmem>>, vector<1x16xf32>,
      %swap3A_140 = vector.shape_cast %swap3A_139 : vector<1x16xf32> to vector<16xf32>
      %swap3A_141 = vector.shape_cast %broadcast_in_dim3A_136 : vector<16xf32> to vector<1x16xf32>
      tpu.vector_store %arg8[%swap3A_137, %swap3A_138], %swap3A_141 {strides = array<i32>} : memref<128x128xf32, #tpu.memory_space<vmem>>, vector<1x16xf32>,
    }
    %scan3A_31 = arith.constant 128 : i32
    %add3A_32 = arith.constant 0 : i32
    %add3A_33 = arith.addi %mul3A_26, %add3A_32 : i32
    "tpu.region"() ({
      %run_scoped3A_87 = tpu.sem_alloc : memref<!tpu.dma_semaphore, #tpu.memory_space<semaphore_mem>>
      %dma_start3A_88 = arith.constant 0 : i32
      %dma_start3A_89 = tpu.memref_slice %arg12[%add3A_33, %dma_start3A_88] : memref<10112x128xf32, #tpu.memory_space<vmem_shared>> -> memref<128x128xf32, #tpu.memory_space<vmem_shared>>
      %dma_start3A_90 = arith.constant 0 : i32
      %dma_start3A_91 = tpu.memref_slice %arg12[%add3A_33, %dma_start3A_90] : memref<10112x128xf32, #tpu.memory_space<vmem_shared>> -> memref<128x128xf32, #tpu.memory_space<vmem_shared>>
      tpu.enqueue_dma source(%arg8 : memref<128x128xf32, #tpu.memory_space<vmem>>) target(%dma_start3A_91 : memref<128x128xf32, #tpu.memory_space<vmem_shared>>) target_semaphore(%run_scoped3A_87 : memref<!tpu.dma_semaphore, #tpu.memory_space<semaphore_mem>>)
      %dma_wait3A = arith.constant 0 : i32
      %dma_wait3A_92 = tpu.memref_slice %arg12[%add3A_33, %dma_wait3A] : memref<10112x128xf32, #tpu.memory_space<vmem_shared>> -> memref<128x128xf32, #tpu.memory_space<vmem_shared>>
      %dma_wait3A_93 = arith.constant 0 : i32
      %dma_wait3A_94 = tpu.memref_slice %arg12[%add3A_33, %dma_wait3A_93] : memref<10112x128xf32, #tpu.memory_space<vmem_shared>> -> memref<128x128xf32, #tpu.memory_space<vmem_shared>>
      tpu.wait_dma2 semaphore(%run_scoped3A_87 : memref<!tpu.dma_semaphore, #tpu.memory_space<semaphore_mem>>) src(%arg8 : memref<128x128xf32, #tpu.memory_space<vmem>>) dst(%dma_wait3A_94 : memref<128x128xf32, #tpu.memory_space<vmem_shared>>)
      tpu.yield
    }) : () -> ()
    %add3A_34 = arith.constant 128 : i32
    %add3A_35 = arith.addi %mul3A_26, %add3A_34 : i32
    "tpu.region"() ({
      %run_scoped3A_87 = tpu.sem_alloc : memref<!tpu.dma_semaphore, #tpu.memory_space<semaphore_mem>>
      %dma_start3A_88 = arith.constant 0 : i32
      %dma_start3A_89 = tpu.memref_slice %arg12[%add3A_35, %dma_start3A_88] : memref<10112x128xf32, #tpu.memory_space<vmem_shared>> -> memref<128x128xf32, #tpu.memory_space<vmem_shared>>
      %dma_start3A_90 = arith.constant 0 : i32
      %dma_start3A_91 = tpu.memref_slice %arg12[%add3A_35, %dma_start3A_90] : memref<10112x128xf32, #tpu.memory_space<vmem_shared>> -> memref<128x128xf32, #tpu.memory_space<vmem_shared>>
      tpu.enqueue_dma source(%arg8 : memref<128x128xf32, #tpu.memory_space<vmem>>) target(%dma_start3A_91 : memref<128x128xf32, #tpu.memory_space<vmem_shared>>) target_semaphore(%run_scoped3A_87 : memref<!tpu.dma_semaphore, #tpu.memory_space<semaphore_mem>>)
      %dma_wait3A = arith.constant 0 : i32
      %dma_wait3A_92 = tpu.memref_slice %arg12[%add3A_35, %dma_wait3A] : memref<10112x128xf32, #tpu.memory_space<vmem_shared>> -> memref<128x128xf32, #tpu.memory_space<vmem_shared>>
      %dma_wait3A_93 = arith.constant 0 : i32
      %dma_wait3A_94 = tpu.memref_slice %arg12[%add3A_35, %dma_wait3A_93] : memref<10112x128xf32, #tpu.memory_space<vmem_shared>> -> memref<128x128xf32, #tpu.memory_space<vmem_shared>>
      tpu.wait_dma2 semaphore(%run_scoped3A_87 : memref<!tpu.dma_semaphore, #tpu.memory_space<semaphore_mem>>) src(%arg8 : memref<128x128xf32, #tpu.memory_space<vmem>>) dst(%dma_wait3A_94 : memref<128x128xf32, #tpu.memory_space<vmem_shared>>)
      tpu.yield
    }) : () -> ()
    %add3A_36 = arith.constant 256 : i32
    %add3A_37 = arith.addi %mul3A_26, %add3A_36 : i32
    "tpu.region"() ({
      %run_scoped3A_87 = tpu.sem_alloc : memref<!tpu.dma_semaphore, #tpu.memory_space<semaphore_mem>>
      %dma_start3A_88 = arith.constant 0 : i32
      %dma_start3A_89 = tpu.memref_slice %arg12[%add3A_37, %dma_start3A_88] : memref<10112x128xf32, #tpu.memory_space<vmem_shared>> -> memref<128x128xf32, #tpu.memory_space<vmem_shared>>
      %dma_start3A_90 = arith.constant 0 : i32
      %dma_start3A_91 = tpu.memref_slice %arg12[%add3A_37, %dma_start3A_90] : memref<10112x128xf32, #tpu.memory_space<vmem_shared>> -> memref<128x128xf32, #tpu.memory_space<vmem_shared>>
      tpu.enqueue_dma source(%arg8 : memref<128x128xf32, #tpu.memory_space<vmem>>) target(%dma_start3A_91 : memref<128x128xf32, #tpu.memory_space<vmem_shared>>) target_semaphore(%run_scoped3A_87 : memref<!tpu.dma_semaphore, #tpu.memory_space<semaphore_mem>>)
      %dma_wait3A = arith.constant 0 : i32
      %dma_wait3A_92 = tpu.memref_slice %arg12[%add3A_37, %dma_wait3A] : memref<10112x128xf32, #tpu.memory_space<vmem_shared>> -> memref<128x128xf32, #tpu.memory_space<vmem_shared>>
      %dma_wait3A_93 = arith.constant 0 : i32
      %dma_wait3A_94 = tpu.memref_slice %arg12[%add3A_37, %dma_wait3A_93] : memref<10112x128xf32, #tpu.memory_space<vmem_shared>> -> memref<128x128xf32, #tpu.memory_space<vmem_shared>>
      tpu.wait_dma2 semaphore(%run_scoped3A_87 : memref<!tpu.dma_semaphore, #tpu.memory_space<semaphore_mem>>) src(%arg8 : memref<128x128xf32, #tpu.memory_space<vmem>>) dst(%dma_wait3A_94 : memref<128x128xf32, #tpu.memory_space<vmem_shared>>)
      tpu.yield
    }) : () -> ()
    %add3A_38 = arith.constant 384 : i32
    %add3A_39 = arith.addi %mul3A_26, %add3A_38 : i32
    "tpu.region"() ({
      %run_scoped3A_87 = tpu.sem_alloc : memref<!tpu.dma_semaphore, #tpu.memory_space<semaphore_mem>>
      %dma_start3A_88 = arith.constant 0 : i32
      %dma_start3A_89 = tpu.memref_slice %arg12[%add3A_39, %dma_start3A_88] : memref<10112x128xf32, #tpu.memory_space<vmem_shared>> -> memref<128x128xf32, #tpu.memory_space<vmem_shared>>
      %dma_start3A_90 = arith.constant 0 : i32
      %dma_start3A_91 = tpu.memref_slice %arg12[%add3A_39, %dma_start3A_90] : memref<10112x128xf32, #tpu.memory_space<vmem_shared>> -> memref<128x128xf32, #tpu.memory_space<vmem_shared>>
      tpu.enqueue_dma source(%arg8 : memref<128x128xf32, #tpu.memory_space<vmem>>) target(%dma_start3A_91 : memref<128x128xf32, #tpu.memory_space<vmem_shared>>) target_semaphore(%run_scoped3A_87 : memref<!tpu.dma_semaphore, #tpu.memory_space<semaphore_mem>>)
      %dma_wait3A = arith.constant 0 : i32
      %dma_wait3A_92 = tpu.memref_slice %arg12[%add3A_39, %dma_wait3A] : memref<10112x128xf32, #tpu.memory_space<vmem_shared>> -> memref<128x128xf32, #tpu.memory_space<vmem_shared>>
      %dma_wait3A_93 = arith.constant 0 : i32
      %dma_wait3A_94 = tpu.memref_slice %arg12[%add3A_39, %dma_wait3A_93] : memref<10112x128xf32, #tpu.memory_space<vmem_shared>> -> memref<128x128xf32, #tpu.memory_space<vmem_shared>>
      tpu.wait_dma2 semaphore(%run_scoped3A_87 : memref<!tpu.dma_semaphore, #tpu.memory_space<semaphore_mem>>) src(%arg8 : memref<128x128xf32, #tpu.memory_space<vmem>>) dst(%dma_wait3A_94 : memref<128x128xf32, #tpu.memory_space<vmem_shared>>)
      tpu.yield
    }) : () -> ()
    %add3A_40 = arith.constant 512 : i32
    %add3A_41 = arith.addi %mul3A_26, %add3A_40 : i32
    "tpu.region"() ({
      %run_scoped3A_87 = tpu.sem_alloc : memref<!tpu.dma_semaphore, #tpu.memory_space<semaphore_mem>>
      %dma_start3A_88 = arith.constant 0 : i32
      %dma_start3A_89 = arith.constant 0 : i32
      %dma_start3A_90 = tpu.memref_slice %arg8[%dma_start3A_88, %dma_start3A_89] : memref<128x128xf32, #tpu.memory_space<vmem>> -> memref<120x128xf32, #tpu.memory_space<vmem>>
      %dma_start3A_91 = arith.constant 0 : i32
      %dma_start3A_92 = tpu.memref_slice %arg12[%add3A_41, %dma_start3A_91] : memref<10112x128xf32, #tpu.memory_space<vmem_shared>> -> memref<120x128xf32, #tpu.memory_space<vmem_shared>>
      %dma_start3A_93 = arith.constant 0 : i32
      %dma_start3A_94 = tpu.memref_slice %arg12[%add3A_41, %dma_start3A_93] : memref<10112x128xf32, #tpu.memory_space<vmem_shared>> -> memref<120x128xf32, #tpu.memory_space<vmem_shared>>
      %dma_start3A_95 = arith.constant 0 : i32
      %dma_start3A_96 = arith.constant 0 : i32
      %dma_start3A_97 = tpu.memref_slice %arg8[%dma_start3A_95, %dma_start3A_96] : memref<128x128xf32, #tpu.memory_space<vmem>> -> memref<120x128xf32, #tpu.memory_space<vmem>>
      tpu.enqueue_dma source(%dma_start3A_97 : memref<120x128xf32, #tpu.memory_space<vmem>>) target(%dma_start3A_94 : memref<120x128xf32, #tpu.memory_space<vmem_shared>>) target_semaphore(%run_scoped3A_87 : memref<!tpu.dma_semaphore, #tpu.memory_space<semaphore_mem>>)
      %dma_wait3A = arith.constant 0 : i32
      %dma_wait3A_98 = arith.constant 0 : i32
      %dma_wait3A_99 = tpu.memref_slice %arg8[%dma_wait3A, %dma_wait3A_98] : memref<128x128xf32, #tpu.memory_space<vmem>> -> memref<120x128xf32, #tpu.memory_space<vmem>>
      %dma_wait3A_100 = arith.constant 0 : i32
      %dma_wait3A_101 = tpu.memref_slice %arg12[%add3A_41, %dma_wait3A_100] : memref<10112x128xf32, #tpu.memory_space<vmem_shared>> -> memref<120x128xf32, #tpu.memory_space<vmem_shared>>
      %dma_wait3A_102 = arith.constant 0 : i32
      %dma_wait3A_103 = tpu.memref_slice %arg12[%add3A_41, %dma_wait3A_102] : memref<10112x128xf32, #tpu.memory_space<vmem_shared>> -> memref<120x128xf32, #tpu.memory_space<vmem_shared>>
      %dma_wait3A_104 = arith.constant 0 : i32
      %dma_wait3A_105 = arith.constant 0 : i32
      %dma_wait3A_106 = tpu.memref_slice %arg8[%dma_wait3A_104, %dma_wait3A_105] : memref<128x128xf32, #tpu.memory_space<vmem>> -> memref<120x128xf32, #tpu.memory_space<vmem>>
      tpu.wait_dma2 semaphore(%run_scoped3A_87 : memref<!tpu.dma_semaphore, #tpu.memory_space<semaphore_mem>>) src(%dma_wait3A_106 : memref<120x128xf32, #tpu.memory_space<vmem>>) dst(%dma_wait3A_103 : memref<120x128xf32, #tpu.memory_space<vmem_shared>>)
      tpu.yield
    }) : () -> ()
    %barrier3A = arith.constant 0 : index
    tpu.barrier barrier_id(%barrier3A)
    %run_scoped3A = arith.constant 0 : i32
    "tpu.region"() ({
      %run_scoped3A_87 = tpu.sem_alloc : memref<!tpu.dma_semaphore, #tpu.memory_space<semaphore_mem>>
      %dma_start3A_88 = arith.constant 0 : i32
      %dma_start3A_89 = arith.constant 0 : i32
      %dma_start3A_90 = tpu.memref_slice %arg6[%run_scoped3A, %dma_start3A_88, %dma_start3A_89] : memref<2x16x128xi32, #tpu.memory_space<vmem>> -> memref<1x16x128xi32, #tpu.memory_space<vmem>>
      %dma_start3A_91 = tpu.memref_squeeze %dma_start3A_90 : memref<1x16x128xi32, #tpu.memory_space<vmem>> -> memref<16x128xi32, #tpu.memory_space<vmem>>
      %dma_start3A_92 = arith.constant 0 : i32
      %dma_start3A_93 = tpu.memref_slice %arg2[%select_n3A_24, %dma_start3A_92] : memref<2560x128xi32, #tpu.memory_space<hbm>> -> memref<16x128xi32, #tpu.memory_space<hbm>>
      %dma_start3A_94 = arith.constant 0 : i32
      %dma_start3A_95 = arith.constant 0 : i32
      %dma_start3A_96 = tpu.memref_slice %arg6[%run_scoped3A, %dma_start3A_94, %dma_start3A_95] : memref<2x16x128xi32, #tpu.memory_space<vmem>> -> memref<1x16x128xi32, #tpu.memory_space<vmem>>
      %dma_start3A_97 = tpu.memref_squeeze %dma_start3A_96 : memref<1x16x128xi32, #tpu.memory_space<vmem>> -> memref<16x128xi32, #tpu.memory_space<vmem>>
      %dma_start3A_98 = arith.constant 0 : i32
      %dma_start3A_99 = tpu.memref_slice %arg2[%select_n3A_24, %dma_start3A_98] : memref<2560x128xi32, #tpu.memory_space<hbm>> -> memref<16x128xi32, #tpu.memory_space<hbm>>
      tpu.enqueue_dma source(%dma_start3A_99 : memref<16x128xi32, #tpu.memory_space<hbm>>) target(%dma_start3A_97 : memref<16x128xi32, #tpu.memory_space<vmem>>) target_semaphore(%run_scoped3A_87 : memref<!tpu.dma_semaphore, #tpu.memory_space<semaphore_mem>>)
      %dma_wait3A = arith.constant 0 : i32
      %dma_wait3A_100 = arith.constant 0 : i32
      %dma_wait3A_101 = tpu.memref_slice %arg6[%run_scoped3A, %dma_wait3A, %dma_wait3A_100] : memref<2x16x128xi32, #tpu.memory_space<vmem>> -> memref<1x16x128xi32, #tpu.memory_space<vmem>>
      %dma_wait3A_102 = tpu.memref_squeeze %dma_wait3A_101 : memref<1x16x128xi32, #tpu.memory_space<vmem>> -> memref<16x128xi32, #tpu.memory_space<vmem>>
      %dma_wait3A_103 = arith.constant 0 : i32
      %dma_wait3A_104 = tpu.memref_slice %arg2[%select_n3A_24, %dma_wait3A_103] : memref<2560x128xi32, #tpu.memory_space<hbm>> -> memref<16x128xi32, #tpu.memory_space<hbm>>
      %dma_wait3A_105 = arith.constant 0 : i32
      %dma_wait3A_106 = arith.constant 0 : i32
      %dma_wait3A_107 = tpu.memref_slice %arg6[%run_scoped3A, %dma_wait3A_105, %dma_wait3A_106] : memref<2x16x128xi32, #tpu.memory_space<vmem>> -> memref<1x16x128xi32, #tpu.memory_space<vmem>>
      %dma_wait3A_108 = tpu.memref_squeeze %dma_wait3A_107 : memref<1x16x128xi32, #tpu.memory_space<vmem>> -> memref<16x128xi32, #tpu.memory_space<vmem>>
      %dma_wait3A_109 = arith.constant 0 : i32
      %dma_wait3A_110 = tpu.memref_slice %arg2[%select_n3A_24, %dma_wait3A_109] : memref<2560x128xi32, #tpu.memory_space<hbm>> -> memref<16x128xi32, #tpu.memory_space<hbm>>
      tpu.wait_dma2 semaphore(%run_scoped3A_87 : memref<!tpu.dma_semaphore, #tpu.memory_space<semaphore_mem>>) src(%dma_wait3A_110 : memref<16x128xi32, #tpu.memory_space<hbm>>) dst(%dma_wait3A_108 : memref<16x128xi32, #tpu.memory_space<vmem>>)
      tpu.yield
    }) : () -> ()
    %dma_start3A = arith.constant 0 : i32
    %dma_start3A_42 = arith.constant 0 : i32
    %dma_start3A_43 = arith.constant 0 : i32
    %dma_start3A_44 = tpu.memref_slice %arg6[%dma_start3A, %dma_start3A_42, %dma_start3A_43] : memref<2x16x128xi32, #tpu.memory_space<vmem>> -> memref<1x1x128xi32, #tpu.memory_space<vmem>>
    %dma_start3A_45 = tpu.memref_squeeze %dma_start3A_44 : memref<1x1x128xi32, #tpu.memory_space<vmem>> -> memref<128xi32, #tpu.memory_space<vmem>>
    %dma_start3A_46 = arith.constant 0 : i32
    %dma_start3A_47 = arith.constant 0 : i32
    %dma_start3A_48 = tpu.memref_slice %arg4[%dma_start3A_46, %dma_start3A_47] : memref<10000x128xf32, #tpu.memory_space<hbm>> -> memref<10000x128xf32, #tpu.memory_space<hbm>>
    tpu.enqueue_indirect_dma source(%dma_start3A_48 : memref<10000x128xf32, #tpu.memory_space<hbm>>) target(%arg8 : memref<128x128xf32, #tpu.memory_space<vmem>>) offsets(%dma_start3A_45 : memref<128xi32, #tpu.memory_space<vmem>>) semaphore(%arg10 : memref<!tpu.dma_semaphore, #tpu.memory_space<semaphore_mem>>)
    %dma_start3A_49 = arith.constant 0 : i32
    %dma_start3A_50 = arith.constant 1 : i32
    %dma_start3A_51 = arith.constant 0 : i32
    %dma_start3A_52 = tpu.memref_slice %arg6[%dma_start3A_49, %dma_start3A_50, %dma_start3A_51] : memref<2x16x128xi32, #tpu.memory_space<vmem>> -> memref<1x1x128xi32, #tpu.memory_space<vmem>>
    %dma_start3A_53 = tpu.memref_squeeze %dma_start3A_52 : memref<1x1x128xi32, #tpu.memory_space<vmem>> -> memref<128xi32, #tpu.memory_space<vmem>>
    %dma_start3A_54 = arith.constant 0 : i32
    %dma_start3A_55 = arith.constant 0 : i32
    %dma_start3A_56 = tpu.memref_slice %arg4[%dma_start3A_54, %dma_start3A_55] : memref<10000x128xf32, #tpu.memory_space<hbm>> -> memref<10000x128xf32, #tpu.memory_space<hbm>>
    tpu.enqueue_indirect_dma source(%dma_start3A_56 : memref<10000x128xf32, #tpu.memory_space<hbm>>) target(%arg9 : memref<128x128xf32, #tpu.memory_space<vmem>>) offsets(%dma_start3A_53 : memref<128xi32, #tpu.memory_space<vmem>>) semaphore(%arg11 : memref<!tpu.dma_semaphore, #tpu.memory_space<semaphore_mem>>)
    %while3A = arith.constant 0 : i32
    %while3A_57 = arith.constant 0 : i32
    %while3A_58 = arith.subi %select_n3A_19, %while3A_57 : i32
    %while3A_59 = arith.addi %while3A_57, %while3A_58 : i32
    %while3A_60 = arith.constant 1 : i32
    %while3A_61 = arith.divsi %while3A_58, %while3A_60 : i32
    %while3A_62 = arith.muli %while3A_61, %while3A_60 : i32
    %while3A_63 = arith.addi %while3A_57, %while3A_62 : i32
    %while3A_64 = arith.constant 1 : i32
    scf.for %while3A_87 = %while3A_57 to %while3A_63 step %while3A_64  : i32 {
      %add3A_88 = arith.constant 1 : i32
      %add3A_89 = arith.addi %while3A_87, %add3A_88 : i32
      %lt3A = arith.cmpi slt, %add3A_89, %select_n3A_19 : i32
      %convert_element_type3A = arith.extui %lt3A : i1 to i32
      %cond3A = arith.constant 0 : i32
      %cond3A_90 = arith.cmpi ne, %convert_element_type3A, %cond3A : i32
      scf.if %cond3A_90 {
        %add3A_100 = arith.constant 1 : i32
        %add3A_101 = arith.addi %while3A_87, %add3A_100 : i32
        %mul3A_102 = arith.constant 16 : i32
        %mul3A_103 = arith.muli %add3A_101, %mul3A_102 : i32
        %add3A_104 = arith.addi %select_n3A_24, %mul3A_103 : i32
        %add3A_105 = arith.constant 1 : i32
        %add3A_106 = arith.addi %while3A_87, %add3A_105 : i32
        %jit3A_107 = arith.constant 2 : i32
        %eq3A_108 = arith.constant 0 : i32
        %eq3A_109 = arith.cmpi eq, %jit3A_107, %eq3A_108 : i32
        %jit3A_110 = arith.constant 1 : i32
        %select_n3A_111 = arith.select %eq3A_109, %jit3A_110, %jit3A_107 : i32
        %rem3A_112 = arith.remsi %add3A_106, %select_n3A_111 : i32
        %ne3A_113 = arith.constant 0 : i32
        %ne3A_114 = arith.cmpi ne, %rem3A_112, %ne3A_113 : i32
        %lt3A_115 = arith.constant 0 : i32
        %lt3A_116 = arith.cmpi slt, %rem3A_112, %lt3A_115 : i32
        %lt3A_117 = arith.constant 0 : i32
        %lt3A_118 = arith.cmpi slt, %select_n3A_111, %lt3A_117 : i32
        %ne3A_119 = arith.xori %lt3A_116, %lt3A_118 : i1
        %and3A_120 = arith.andi %ne3A_119, %ne3A_114 : i1
        %add3A_121 = arith.addi %rem3A_112, %select_n3A_111 : i32
        %select_n3A_122 = arith.select %and3A_120, %add3A_121, %rem3A_112 : i32
        "tpu.region"() ({
          %run_scoped3A_123 = tpu.sem_alloc : memref<!tpu.dma_semaphore, #tpu.memory_space<semaphore_mem>>
          %dma_start3A_124 = arith.constant 0 : i32
          %dma_start3A_125 = arith.constant 0 : i32
          %dma_start3A_126 = tpu.memref_slice %arg6[%select_n3A_122, %dma_start3A_124, %dma_start3A_125] : memref<2x16x128xi32, #tpu.memory_space<vmem>> -> memref<1x16x128xi32, #tpu.memory_space<vmem>>
          %dma_start3A_127 = tpu.memref_squeeze %dma_start3A_126 : memref<1x16x128xi32, #tpu.memory_space<vmem>> -> memref<16x128xi32, #tpu.memory_space<vmem>>
          %dma_start3A_128 = arith.constant 0 : i32
          %dma_start3A_129 = tpu.memref_slice %arg2[%add3A_104, %dma_start3A_128] : memref<2560x128xi32, #tpu.memory_space<hbm>> -> memref<16x128xi32, #tpu.memory_space<hbm>>
          %dma_start3A_130 = arith.constant 0 : i32
          %dma_start3A_131 = arith.constant 0 : i32
          %dma_start3A_132 = tpu.memref_slice %arg6[%select_n3A_122, %dma_start3A_130, %dma_start3A_131] : memref<2x16x128xi32, #tpu.memory_space<vmem>> -> memref<1x16x128xi32, #tpu.memory_space<vmem>>
          %dma_start3A_133 = tpu.memref_squeeze %dma_start3A_132 : memref<1x16x128xi32, #tpu.memory_space<vmem>> -> memref<16x128xi32, #tpu.memory_space<vmem>>
          %dma_start3A_134 = arith.constant 0 : i32
          %dma_start3A_135 = tpu.memref_slice %arg2[%add3A_104, %dma_start3A_134] : memref<2560x128xi32, #tpu.memory_space<hbm>> -> memref<16x128xi32, #tpu.memory_space<hbm>>
          tpu.enqueue_dma source(%dma_start3A_135 : memref<16x128xi32, #tpu.memory_space<hbm>>) target(%dma_start3A_133 : memref<16x128xi32, #tpu.memory_space<vmem>>) target_semaphore(%run_scoped3A_123 : memref<!tpu.dma_semaphore, #tpu.memory_space<semaphore_mem>>)
          %dma_wait3A = arith.constant 0 : i32
          %dma_wait3A_136 = arith.constant 0 : i32
          %dma_wait3A_137 = tpu.memref_slice %arg6[%select_n3A_122, %dma_wait3A, %dma_wait3A_136] : memref<2x16x128xi32, #tpu.memory_space<vmem>> -> memref<1x16x128xi32, #tpu.memory_space<vmem>>
          %dma_wait3A_138 = tpu.memref_squeeze %dma_wait3A_137 : memref<1x16x128xi32, #tpu.memory_space<vmem>> -> memref<16x128xi32, #tpu.memory_space<vmem>>
          %dma_wait3A_139 = arith.constant 0 : i32
          %dma_wait3A_140 = tpu.memref_slice %arg2[%add3A_104, %dma_wait3A_139] : memref<2560x128xi32, #tpu.memory_space<hbm>> -> memref<16x128xi32, #tpu.memory_space<hbm>>
          %dma_wait3A_141 = arith.constant 0 : i32
          %dma_wait3A_142 = arith.constant 0 : i32
          %dma_wait3A_143 = tpu.memref_slice %arg6[%select_n3A_122, %dma_wait3A_141, %dma_wait3A_142] : memref<2x16x128xi32, #tpu.memory_space<vmem>> -> memref<1x16x128xi32, #tpu.memory_space<vmem>>
          %dma_wait3A_144 = tpu.memref_squeeze %dma_wait3A_143 : memref<1x16x128xi32, #tpu.memory_space<vmem>> -> memref<16x128xi32, #tpu.memory_space<vmem>>
          %dma_wait3A_145 = arith.constant 0 : i32
          %dma_wait3A_146 = tpu.memref_slice %arg2[%add3A_104, %dma_wait3A_145] : memref<2560x128xi32, #tpu.memory_space<hbm>> -> memref<16x128xi32, #tpu.memory_space<hbm>>
          tpu.wait_dma2 semaphore(%run_scoped3A_123 : memref<!tpu.dma_semaphore, #tpu.memory_space<semaphore_mem>>) src(%dma_wait3A_146 : memref<16x128xi32, #tpu.memory_space<hbm>>) dst(%dma_wait3A_144 : memref<16x128xi32, #tpu.memory_space<vmem>>)
          tpu.yield
        }) : () -> ()
      } else {
      }
      %mul3A_91 = arith.constant 16 : i32
      %mul3A_92 = arith.muli %while3A_87, %mul3A_91 : i32
      %add3A_93 = arith.addi %select_n3A_24, %mul3A_92 : i32
      "tpu.region"() ({
        %run_scoped3A_100 = tpu.sem_alloc : memref<!tpu.dma_semaphore, #tpu.memory_space<semaphore_mem>>
        %dma_start3A_101 = arith.constant 0 : i32
        %dma_start3A_102 = tpu.memref_slice %arg3[%add3A_93, %dma_start3A_101] : memref<2560x128xi32, #tpu.memory_space<hbm>> -> memref<16x128xi32, #tpu.memory_space<hbm>>
        %dma_start3A_103 = arith.constant 0 : i32
        %dma_start3A_104 = tpu.memref_slice %arg3[%add3A_93, %dma_start3A_103] : memref<2560x128xi32, #tpu.memory_space<hbm>> -> memref<16x128xi32, #tpu.memory_space<hbm>>
        tpu.enqueue_dma source(%dma_start3A_104 : memref<16x128xi32, #tpu.memory_space<hbm>>) target(%arg7 : memref<16x128xi32, #tpu.memory_space<vmem>>) target_semaphore(%run_scoped3A_100 : memref<!tpu.dma_semaphore, #tpu.memory_space<semaphore_mem>>)
        %dma_wait3A = arith.constant 0 : i32
        %dma_wait3A_105 = tpu.memref_slice %arg3[%add3A_93, %dma_wait3A] : memref<2560x128xi32, #tpu.memory_space<hbm>> -> memref<16x128xi32, #tpu.memory_space<hbm>>
        %dma_wait3A_106 = arith.constant 0 : i32
        %dma_wait3A_107 = tpu.memref_slice %arg3[%add3A_93, %dma_wait3A_106] : memref<2560x128xi32, #tpu.memory_space<hbm>> -> memref<16x128xi32, #tpu.memory_space<hbm>>
        tpu.wait_dma2 semaphore(%run_scoped3A_100 : memref<!tpu.dma_semaphore, #tpu.memory_space<semaphore_mem>>) src(%dma_wait3A_107 : memref<16x128xi32, #tpu.memory_space<hbm>>) dst(%arg7 : memref<16x128xi32, #tpu.memory_space<vmem>>)
        tpu.yield
      }) : () -> ()
      %scan3A_94 = arith.constant 0 : i32
      %scan3A_95 = arith.constant 0 : i32
      %scan3A_96 = arith.constant 8 : i32
      %scan3A_97 = arith.addi %scan3A_95, %scan3A_96 : i32
      %scan3A_98 = arith.constant 1 : i32
      scf.for %scan3A_100 = %scan3A_95 to %scan3A_97 step %scan3A_98  : i32 {
        %mul3A_101 = arith.constant 16 : i32
        %mul3A_102 = arith.muli %while3A_87, %mul3A_101 : i32
        %mul3A_103 = arith.constant 2 : i32
        %mul3A_104 = arith.muli %scan3A_100, %mul3A_103 : i32
        %add3A_105 = arith.addi %mul3A_102, %mul3A_104 : i32
        %add3A_106 = arith.constant 0 : i32
        %add3A_107 = arith.addi %add3A_105, %add3A_106 : i32
        %dma_wait3A = arith.constant 0 : i32
        %dma_wait3A_108 = arith.constant 0 : i32
        %dma_wait3A_109 = tpu.memref_slice %arg4[%dma_wait3A, %dma_wait3A_108] : memref<10000x128xf32, #tpu.memory_space<hbm>> -> memref<128x128xf32, #tpu.memory_space<hbm>>
        %dma_wait3A_110 = arith.constant 0 : i32
        %dma_wait3A_111 = arith.constant 0 : i32
        %dma_wait3A_112 = tpu.memref_slice %arg4[%dma_wait3A_110, %dma_wait3A_111] : memref<10000x128xf32, #tpu.memory_space<hbm>> -> memref<128x128xf32, #tpu.memory_space<hbm>>
        tpu.wait_dma2 semaphore(%arg10 : memref<!tpu.dma_semaphore, #tpu.memory_space<semaphore_mem>>) src(%dma_wait3A_112 : memref<128x128xf32, #tpu.memory_space<hbm>>) dst(%arg8 : memref<128x128xf32, #tpu.memory_space<vmem>>)
        %mul3A_113 = arith.constant 2 : i32
        %mul3A_114 = arith.muli %scan3A_100, %mul3A_113 : i32
        %add3A_115 = arith.constant 0 : i32
        %add3A_116 = arith.addi %mul3A_114, %add3A_115 : i32
        "tpu.region"() ({
          %run_scoped3A_146 = tpu.sem_alloc : memref<!tpu.dma_semaphore, #tpu.memory_space<semaphore_mem>>
          %dma_start3A_147 = arith.constant 0 : i32
          %dma_start3A_148 = tpu.memref_slice %arg7[%add3A_116, %dma_start3A_147] : memref<16x128xi32, #tpu.memory_space<vmem>> -> memref<1x128xi32, #tpu.memory_space<vmem>>
          %dma_start3A_149 = tpu.memref_squeeze %dma_start3A_148 : memref<1x128xi32, #tpu.memory_space<vmem>> -> memref<128xi32, #tpu.memory_space<vmem>>
          %dma_start3A_150 = arith.constant 0 : i32
          %dma_start3A_151 = arith.constant 0 : i32
          %dma_start3A_152 = tpu.memref_slice %arg12[%dma_start3A_150, %dma_start3A_151] : memref<10112x128xf32, #tpu.memory_space<vmem_shared>> -> memref<10112x128xf32, #tpu.memory_space<vmem_shared>>
          tpu.enqueue_indirect_dma source(%arg8 : memref<128x128xf32, #tpu.memory_space<vmem>>) target(%dma_start3A_152 : memref<10112x128xf32, #tpu.memory_space<vmem_shared>>) offsets(%dma_start3A_149 : memref<128xi32, #tpu.memory_space<vmem>>) semaphore(%run_scoped3A_146 : memref<!tpu.dma_semaphore, #tpu.memory_space<semaphore_mem>>) {add = true}
          %dma_wait3A_153 = arith.constant 0 : i32
          %dma_wait3A_154 = tpu.memref_slice %arg7[%add3A_116, %dma_wait3A_153] : memref<16x128xi32, #tpu.memory_space<vmem>> -> memref<1x128xi32, #tpu.memory_space<vmem>>
          %dma_wait3A_155 = tpu.memref_squeeze %dma_wait3A_154 : memref<1x128xi32, #tpu.memory_space<vmem>> -> memref<128xi32, #tpu.memory_space<vmem>>
          %dma_wait3A_156 = arith.constant 0 : i32
          %dma_wait3A_157 = arith.constant 0 : i32
          %dma_wait3A_158 = tpu.memref_slice %arg12[%dma_wait3A_156, %dma_wait3A_157] : memref<10112x128xf32, #tpu.memory_space<vmem_shared>> -> memref<10112x128xf32, #tpu.memory_space<vmem_shared>>
          tpu.wait_indirect_dma semaphore(%run_scoped3A_146 : memref<!tpu.dma_semaphore, #tpu.memory_space<semaphore_mem>>) src(%arg8 : memref<128x128xf32, #tpu.memory_space<vmem>>) dst(%dma_wait3A_158 : memref<10112x128xf32, #tpu.memory_space<vmem_shared>>)
          tpu.yield
        }) : () -> ()
        %add3A_117 = arith.constant 2 : i32
        %add3A_118 = arith.addi %add3A_107, %add3A_117 : i32
        %lt3A_119 = arith.cmpi slt, %add3A_118, %select_n3A : i32
        %convert_element_type3A_120 = arith.extui %lt3A_119 : i1 to i32
        %cond3A_121 = arith.constant 0 : i32
        %cond3A_122 = arith.cmpi ne, %convert_element_type3A_120, %cond3A_121 : i32
        scf.if %cond3A_122 {
          %jit3A_146 = arith.constant 16 : i32
          %div3A_147 = arith.divsi %add3A_118, %jit3A_146 : i32
          %sign3A_148 = arith.constant 0 : i32
          %sign3A_149 = arith.cmpi sgt, %add3A_118, %sign3A_148 : i32
          %sign3A_150 = arith.extui %sign3A_149 : i1 to i32
          %sign3A_151 = arith.constant 0 : i32
          %sign3A_152 = arith.cmpi slt, %add3A_118, %sign3A_151 : i32
          %sign3A_153 = arith.extui %sign3A_152 : i1 to i32
          %sign3A_154 = arith.subi %sign3A_150, %sign3A_153 : i32
          %sign3A_155 = arith.constant 0 : i32
          %sign3A_156 = arith.cmpi sgt, %jit3A_146, %sign3A_155 : i32
          %sign3A_157 = arith.extui %sign3A_156 : i1 to i32
          %sign3A_158 = arith.constant 0 : i32
          %sign3A_159 = arith.cmpi slt, %jit3A_146, %sign3A_158 : i32
          %sign3A_160 = arith.extui %sign3A_159 : i1 to i32
          %sign3A_161 = arith.subi %sign3A_157, %sign3A_160 : i32
          %ne3A_162 = arith.cmpi ne, %sign3A_154, %sign3A_161 : i32
          %rem3A_163 = arith.remsi %add3A_118, %jit3A_146 : i32
          %ne3A_164 = arith.constant 0 : i32
          %ne3A_165 = arith.cmpi ne, %rem3A_163, %ne3A_164 : i32
          %and3A_166 = arith.andi %ne3A_162, %ne3A_165 : i1
          %sub3A_167 = arith.constant 1 : i32
          %sub3A_168 = arith.subi %div3A_147, %sub3A_167 : i32
          %select_n3A_169 = arith.select %and3A_166, %sub3A_168, %div3A_147 : i32
          %jit3A_170 = arith.constant 2 : i32
          %eq3A_171 = arith.constant 0 : i32
          %eq3A_172 = arith.cmpi eq, %jit3A_170, %eq3A_171 : i32
          %jit3A_173 = arith.constant 1 : i32
          %select_n3A_174 = arith.select %eq3A_172, %jit3A_173, %jit3A_170 : i32
          %rem3A_175 = arith.remsi %select_n3A_169, %select_n3A_174 : i32
          %ne3A_176 = arith.constant 0 : i32
          %ne3A_177 = arith.cmpi ne, %rem3A_175, %ne3A_176 : i32
          %lt3A_178 = arith.constant 0 : i32
          %lt3A_179 = arith.cmpi slt, %rem3A_175, %lt3A_178 : i32
          %lt3A_180 = arith.constant 0 : i32
          %lt3A_181 = arith.cmpi slt, %select_n3A_174, %lt3A_180 : i32
          %ne3A_182 = arith.xori %lt3A_179, %lt3A_181 : i1
          %and3A_183 = arith.andi %ne3A_182, %ne3A_177 : i1
          %add3A_184 = arith.addi %rem3A_175, %select_n3A_174 : i32
          %select_n3A_185 = arith.select %and3A_183, %add3A_184, %rem3A_175 : i32
          %jit3A_186 = arith.constant 16 : i32
          %eq3A_187 = arith.constant 0 : i32
          %eq3A_188 = arith.cmpi eq, %jit3A_186, %eq3A_187 : i32
          %jit3A_189 = arith.constant 1 : i32
          %select_n3A_190 = arith.select %eq3A_188, %jit3A_189, %jit3A_186 : i32
          %rem3A_191 = arith.remsi %add3A_118, %select_n3A_190 : i32
          %ne3A_192 = arith.constant 0 : i32
          %ne3A_193 = arith.cmpi ne, %rem3A_191, %ne3A_192 : i32
          %lt3A_194 = arith.constant 0 : i32
          %lt3A_195 = arith.cmpi slt, %rem3A_191, %lt3A_194 : i32
          %lt3A_196 = arith.constant 0 : i32
          %lt3A_197 = arith.cmpi slt, %select_n3A_190, %lt3A_196 : i32
          %ne3A_198 = arith.xori %lt3A_195, %lt3A_197 : i1
          %and3A_199 = arith.andi %ne3A_198, %ne3A_193 : i1
          %add3A_200 = arith.addi %rem3A_191, %select_n3A_190 : i32
          %select_n3A_201 = arith.select %and3A_199, %add3A_200, %rem3A_191 : i32
          %dma_start3A_202 = arith.constant 0 : i32
          %dma_start3A_203 = tpu.memref_slice %arg6[%select_n3A_185, %select_n3A_201, %dma_start3A_202] : memref<2x16x128xi32, #tpu.memory_space<vmem>> -> memref<1x1x128xi32, #tpu.memory_space<vmem>>
          %dma_start3A_204 = tpu.memref_squeeze %dma_start3A_203 : memref<1x1x128xi32, #tpu.memory_space<vmem>> -> memref<128xi32, #tpu.memory_space<vmem>>
          %dma_start3A_205 = arith.constant 0 : i32
          %dma_start3A_206 = arith.constant 0 : i32
          %dma_start3A_207 = tpu.memref_slice %arg4[%dma_start3A_205, %dma_start3A_206] : memref<10000x128xf32, #tpu.memory_space<hbm>> -> memref<10000x128xf32, #tpu.memory_space<hbm>>
          tpu.enqueue_indirect_dma source(%dma_start3A_207 : memref<10000x128xf32, #tpu.memory_space<hbm>>) target(%arg8 : memref<128x128xf32, #tpu.memory_space<vmem>>) offsets(%dma_start3A_204 : memref<128xi32, #tpu.memory_space<vmem>>) semaphore(%arg10 : memref<!tpu.dma_semaphore, #tpu.memory_space<semaphore_mem>>)
        } else {
        }
        %mul3A_123 = arith.constant 16 : i32
        %mul3A_124 = arith.muli %while3A_87, %mul3A_123 : i32
        %mul3A_125 = arith.constant 2 : i32
        %mul3A_126 = arith.muli %scan3A_100, %mul3A_125 : i32
        %add3A_127 = arith.addi %mul3A_124, %mul3A_126 : i32
        %add3A_128 = arith.constant 1 : i32
        %add3A_129 = arith.addi %add3A_127, %add3A_128 : i32
        %dma_wait3A_130 = arith.constant 0 : i32
        %dma_wait3A_131 = arith.constant 0 : i32
        %dma_wait3A_132 = tpu.memref_slice %arg4[%dma_wait3A_130, %dma_wait3A_131] : memref<10000x128xf32, #tpu.memory_space<hbm>> -> memref<128x128xf32, #tpu.memory_space<hbm>>
        %dma_wait3A_133 = arith.constant 0 : i32
        %dma_wait3A_134 = arith.constant 0 : i32
        %dma_wait3A_135 = tpu.memref_slice %arg4[%dma_wait3A_133, %dma_wait3A_134] : memref<10000x128xf32, #tpu.memory_space<hbm>> -> memref<128x128xf32, #tpu.memory_space<hbm>>
        tpu.wait_dma2 semaphore(%arg11 : memref<!tpu.dma_semaphore, #tpu.memory_space<semaphore_mem>>) src(%dma_wait3A_135 : memref<128x128xf32, #tpu.memory_space<hbm>>) dst(%arg9 : memref<128x128xf32, #tpu.memory_space<vmem>>)
        %mul3A_136 = arith.constant 2 : i32
        %mul3A_137 = arith.muli %scan3A_100, %mul3A_136 : i32
        %add3A_138 = arith.constant 1 : i32
        %add3A_139 = arith.addi %mul3A_137, %add3A_138 : i32
        "tpu.region"() ({
          %run_scoped3A_146 = tpu.sem_alloc : memref<!tpu.dma_semaphore, #tpu.memory_space<semaphore_mem>>
          %dma_start3A_147 = arith.constant 0 : i32
          %dma_start3A_148 = tpu.memref_slice %arg7[%add3A_139, %dma_start3A_147] : memref<16x128xi32, #tpu.memory_space<vmem>> -> memref<1x128xi32, #tpu.memory_space<vmem>>
          %dma_start3A_149 = tpu.memref_squeeze %dma_start3A_148 : memref<1x128xi32, #tpu.memory_space<vmem>> -> memref<128xi32, #tpu.memory_space<vmem>>
          %dma_start3A_150 = arith.constant 0 : i32
          %dma_start3A_151 = arith.constant 0 : i32
          %dma_start3A_152 = tpu.memref_slice %arg12[%dma_start3A_150, %dma_start3A_151] : memref<10112x128xf32, #tpu.memory_space<vmem_shared>> -> memref<10112x128xf32, #tpu.memory_space<vmem_shared>>
          tpu.enqueue_indirect_dma source(%arg9 : memref<128x128xf32, #tpu.memory_space<vmem>>) target(%dma_start3A_152 : memref<10112x128xf32, #tpu.memory_space<vmem_shared>>) offsets(%dma_start3A_149 : memref<128xi32, #tpu.memory_space<vmem>>) semaphore(%run_scoped3A_146 : memref<!tpu.dma_semaphore, #tpu.memory_space<semaphore_mem>>) {add = true}
          %dma_wait3A_153 = arith.constant 0 : i32
          %dma_wait3A_154 = tpu.memref_slice %arg7[%add3A_139, %dma_wait3A_153] : memref<16x128xi32, #tpu.memory_space<vmem>> -> memref<1x128xi32, #tpu.memory_space<vmem>>
          %dma_wait3A_155 = tpu.memref_squeeze %dma_wait3A_154 : memref<1x128xi32, #tpu.memory_space<vmem>> -> memref<128xi32, #tpu.memory_space<vmem>>
          %dma_wait3A_156 = arith.constant 0 : i32
          %dma_wait3A_157 = arith.constant 0 : i32
          %dma_wait3A_158 = tpu.memref_slice %arg12[%dma_wait3A_156, %dma_wait3A_157] : memref<10112x128xf32, #tpu.memory_space<vmem_shared>> -> memref<10112x128xf32, #tpu.memory_space<vmem_shared>>
          tpu.wait_indirect_dma semaphore(%run_scoped3A_146 : memref<!tpu.dma_semaphore, #tpu.memory_space<semaphore_mem>>) src(%arg9 : memref<128x128xf32, #tpu.memory_space<vmem>>) dst(%dma_wait3A_158 : memref<10112x128xf32, #tpu.memory_space<vmem_shared>>)
          tpu.yield
        }) : () -> ()
        %add3A_140 = arith.constant 2 : i32
        %add3A_141 = arith.addi %add3A_129, %add3A_140 : i32
        %lt3A_142 = arith.cmpi slt, %add3A_141, %select_n3A : i32
        %convert_element_type3A_143 = arith.extui %lt3A_142 : i1 to i32
        %cond3A_144 = arith.constant 0 : i32
        %cond3A_145 = arith.cmpi ne, %convert_element_type3A_143, %cond3A_144 : i32
        scf.if %cond3A_145 {
          %jit3A_146 = arith.constant 16 : i32
          %div3A_147 = arith.divsi %add3A_141, %jit3A_146 : i32
          %sign3A_148 = arith.constant 0 : i32
          %sign3A_149 = arith.cmpi sgt, %add3A_141, %sign3A_148 : i32
          %sign3A_150 = arith.extui %sign3A_149 : i1 to i32
          %sign3A_151 = arith.constant 0 : i32
          %sign3A_152 = arith.cmpi slt, %add3A_141, %sign3A_151 : i32
          %sign3A_153 = arith.extui %sign3A_152 : i1 to i32
          %sign3A_154 = arith.subi %sign3A_150, %sign3A_153 : i32
          %sign3A_155 = arith.constant 0 : i32
          %sign3A_156 = arith.cmpi sgt, %jit3A_146, %sign3A_155 : i32
          %sign3A_157 = arith.extui %sign3A_156 : i1 to i32
          %sign3A_158 = arith.constant 0 : i32
          %sign3A_159 = arith.cmpi slt, %jit3A_146, %sign3A_158 : i32
          %sign3A_160 = arith.extui %sign3A_159 : i1 to i32
          %sign3A_161 = arith.subi %sign3A_157, %sign3A_160 : i32
          %ne3A_162 = arith.cmpi ne, %sign3A_154, %sign3A_161 : i32
          %rem3A_163 = arith.remsi %add3A_141, %jit3A_146 : i32
          %ne3A_164 = arith.constant 0 : i32
          %ne3A_165 = arith.cmpi ne, %rem3A_163, %ne3A_164 : i32
          %and3A_166 = arith.andi %ne3A_162, %ne3A_165 : i1
          %sub3A_167 = arith.constant 1 : i32
          %sub3A_168 = arith.subi %div3A_147, %sub3A_167 : i32
          %select_n3A_169 = arith.select %and3A_166, %sub3A_168, %div3A_147 : i32
          %jit3A_170 = arith.constant 2 : i32
          %eq3A_171 = arith.constant 0 : i32
          %eq3A_172 = arith.cmpi eq, %jit3A_170, %eq3A_171 : i32
          %jit3A_173 = arith.constant 1 : i32
          %select_n3A_174 = arith.select %eq3A_172, %jit3A_173, %jit3A_170 : i32
          %rem3A_175 = arith.remsi %select_n3A_169, %select_n3A_174 : i32
          %ne3A_176 = arith.constant 0 : i32
          %ne3A_177 = arith.cmpi ne, %rem3A_175, %ne3A_176 : i32
          %lt3A_178 = arith.constant 0 : i32
          %lt3A_179 = arith.cmpi slt, %rem3A_175, %lt3A_178 : i32
          %lt3A_180 = arith.constant 0 : i32
          %lt3A_181 = arith.cmpi slt, %select_n3A_174, %lt3A_180 : i32
          %ne3A_182 = arith.xori %lt3A_179, %lt3A_181 : i1
          %and3A_183 = arith.andi %ne3A_182, %ne3A_177 : i1
          %add3A_184 = arith.addi %rem3A_175, %select_n3A_174 : i32
          %select_n3A_185 = arith.select %and3A_183, %add3A_184, %rem3A_175 : i32
          %jit3A_186 = arith.constant 16 : i32
          %eq3A_187 = arith.constant 0 : i32
          %eq3A_188 = arith.cmpi eq, %jit3A_186, %eq3A_187 : i32
          %jit3A_189 = arith.constant 1 : i32
          %select_n3A_190 = arith.select %eq3A_188, %jit3A_189, %jit3A_186 : i32
          %rem3A_191 = arith.remsi %add3A_141, %select_n3A_190 : i32
          %ne3A_192 = arith.constant 0 : i32
          %ne3A_193 = arith.cmpi ne, %rem3A_191, %ne3A_192 : i32
          %lt3A_194 = arith.constant 0 : i32
          %lt3A_195 = arith.cmpi slt, %rem3A_191, %lt3A_194 : i32
          %lt3A_196 = arith.constant 0 : i32
          %lt3A_197 = arith.cmpi slt, %select_n3A_190, %lt3A_196 : i32
          %ne3A_198 = arith.xori %lt3A_195, %lt3A_197 : i1
          %and3A_199 = arith.andi %ne3A_198, %ne3A_193 : i1
          %add3A_200 = arith.addi %rem3A_191, %select_n3A_190 : i32
          %select_n3A_201 = arith.select %and3A_199, %add3A_200, %rem3A_191 : i32
          %dma_start3A_202 = arith.constant 0 : i32
          %dma_start3A_203 = tpu.memref_slice %arg6[%select_n3A_185, %select_n3A_201, %dma_start3A_202] : memref<2x16x128xi32, #tpu.memory_space<vmem>> -> memref<1x1x128xi32, #tpu.memory_space<vmem>>
          %dma_start3A_204 = tpu.memref_squeeze %dma_start3A_203 : memref<1x1x128xi32, #tpu.memory_space<vmem>> -> memref<128xi32, #tpu.memory_space<vmem>>
          %dma_start3A_205 = arith.constant 0 : i32
          %dma_start3A_206 = arith.constant 0 : i32
          %dma_start3A_207 = tpu.memref_slice %arg4[%dma_start3A_205, %dma_start3A_206] : memref<10000x128xf32, #tpu.memory_space<hbm>> -> memref<10000x128xf32, #tpu.memory_space<hbm>>
          tpu.enqueue_indirect_dma source(%dma_start3A_207 : memref<10000x128xf32, #tpu.memory_space<hbm>>) target(%arg9 : memref<128x128xf32, #tpu.memory_space<vmem>>) offsets(%dma_start3A_204 : memref<128xi32, #tpu.memory_space<vmem>>) semaphore(%arg11 : memref<!tpu.dma_semaphore, #tpu.memory_space<semaphore_mem>>)
        } else {
        }
      }
      %scan3A_99 = arith.constant 8 : i32
    }
    %while3A_65 = arith.constant 1 : i32
    scf.for %while3A_87 = %while3A_63 to %while3A_59 step %while3A_65  : i32 {
      %add3A_88 = arith.constant 1 : i32
      %add3A_89 = arith.addi %while3A_87, %add3A_88 : i32
      %lt3A = arith.cmpi slt, %add3A_89, %select_n3A_19 : i32
      %convert_element_type3A = arith.extui %lt3A : i1 to i32
      %cond3A = arith.constant 0 : i32
      %cond3A_90 = arith.cmpi ne, %convert_element_type3A, %cond3A : i32
      scf.if %cond3A_90 {
        %add3A_100 = arith.constant 1 : i32
        %add3A_101 = arith.addi %while3A_87, %add3A_100 : i32
        %mul3A_102 = arith.constant 16 : i32
        %mul3A_103 = arith.muli %add3A_101, %mul3A_102 : i32
        %add3A_104 = arith.addi %select_n3A_24, %mul3A_103 : i32
        %add3A_105 = arith.constant 1 : i32
        %add3A_106 = arith.addi %while3A_87, %add3A_105 : i32
        %jit3A_107 = arith.constant 2 : i32
        %eq3A_108 = arith.constant 0 : i32
        %eq3A_109 = arith.cmpi eq, %jit3A_107, %eq3A_108 : i32
        %jit3A_110 = arith.constant 1 : i32
        %select_n3A_111 = arith.select %eq3A_109, %jit3A_110, %jit3A_107 : i32
        %rem3A_112 = arith.remsi %add3A_106, %select_n3A_111 : i32
        %ne3A_113 = arith.constant 0 : i32
        %ne3A_114 = arith.cmpi ne, %rem3A_112, %ne3A_113 : i32
        %lt3A_115 = arith.constant 0 : i32
        %lt3A_116 = arith.cmpi slt, %rem3A_112, %lt3A_115 : i32
        %lt3A_117 = arith.constant 0 : i32
        %lt3A_118 = arith.cmpi slt, %select_n3A_111, %lt3A_117 : i32
        %ne3A_119 = arith.xori %lt3A_116, %lt3A_118 : i1
        %and3A_120 = arith.andi %ne3A_119, %ne3A_114 : i1
        %add3A_121 = arith.addi %rem3A_112, %select_n3A_111 : i32
        %select_n3A_122 = arith.select %and3A_120, %add3A_121, %rem3A_112 : i32
        "tpu.region"() ({
          %run_scoped3A_123 = tpu.sem_alloc : memref<!tpu.dma_semaphore, #tpu.memory_space<semaphore_mem>>
          %dma_start3A_124 = arith.constant 0 : i32
          %dma_start3A_125 = arith.constant 0 : i32
          %dma_start3A_126 = tpu.memref_slice %arg6[%select_n3A_122, %dma_start3A_124, %dma_start3A_125] : memref<2x16x128xi32, #tpu.memory_space<vmem>> -> memref<1x16x128xi32, #tpu.memory_space<vmem>>
          %dma_start3A_127 = tpu.memref_squeeze %dma_start3A_126 : memref<1x16x128xi32, #tpu.memory_space<vmem>> -> memref<16x128xi32, #tpu.memory_space<vmem>>
          %dma_start3A_128 = arith.constant 0 : i32
          %dma_start3A_129 = tpu.memref_slice %arg2[%add3A_104, %dma_start3A_128] : memref<2560x128xi32, #tpu.memory_space<hbm>> -> memref<16x128xi32, #tpu.memory_space<hbm>>
          %dma_start3A_130 = arith.constant 0 : i32
          %dma_start3A_131 = arith.constant 0 : i32
          %dma_start3A_132 = tpu.memref_slice %arg6[%select_n3A_122, %dma_start3A_130, %dma_start3A_131] : memref<2x16x128xi32, #tpu.memory_space<vmem>> -> memref<1x16x128xi32, #tpu.memory_space<vmem>>
          %dma_start3A_133 = tpu.memref_squeeze %dma_start3A_132 : memref<1x16x128xi32, #tpu.memory_space<vmem>> -> memref<16x128xi32, #tpu.memory_space<vmem>>
          %dma_start3A_134 = arith.constant 0 : i32
          %dma_start3A_135 = tpu.memref_slice %arg2[%add3A_104, %dma_start3A_134] : memref<2560x128xi32, #tpu.memory_space<hbm>> -> memref<16x128xi32, #tpu.memory_space<hbm>>
          tpu.enqueue_dma source(%dma_start3A_135 : memref<16x128xi32, #tpu.memory_space<hbm>>) target(%dma_start3A_133 : memref<16x128xi32, #tpu.memory_space<vmem>>) target_semaphore(%run_scoped3A_123 : memref<!tpu.dma_semaphore, #tpu.memory_space<semaphore_mem>>)
          %dma_wait3A = arith.constant 0 : i32
          %dma_wait3A_136 = arith.constant 0 : i32
          %dma_wait3A_137 = tpu.memref_slice %arg6[%select_n3A_122, %dma_wait3A, %dma_wait3A_136] : memref<2x16x128xi32, #tpu.memory_space<vmem>> -> memref<1x16x128xi32, #tpu.memory_space<vmem>>
          %dma_wait3A_138 = tpu.memref_squeeze %dma_wait3A_137 : memref<1x16x128xi32, #tpu.memory_space<vmem>> -> memref<16x128xi32, #tpu.memory_space<vmem>>
          %dma_wait3A_139 = arith.constant 0 : i32
          %dma_wait3A_140 = tpu.memref_slice %arg2[%add3A_104, %dma_wait3A_139] : memref<2560x128xi32, #tpu.memory_space<hbm>> -> memref<16x128xi32, #tpu.memory_space<hbm>>
          %dma_wait3A_141 = arith.constant 0 : i32
          %dma_wait3A_142 = arith.constant 0 : i32
          %dma_wait3A_143 = tpu.memref_slice %arg6[%select_n3A_122, %dma_wait3A_141, %dma_wait3A_142] : memref<2x16x128xi32, #tpu.memory_space<vmem>> -> memref<1x16x128xi32, #tpu.memory_space<vmem>>
          %dma_wait3A_144 = tpu.memref_squeeze %dma_wait3A_143 : memref<1x16x128xi32, #tpu.memory_space<vmem>> -> memref<16x128xi32, #tpu.memory_space<vmem>>
          %dma_wait3A_145 = arith.constant 0 : i32
          %dma_wait3A_146 = tpu.memref_slice %arg2[%add3A_104, %dma_wait3A_145] : memref<2560x128xi32, #tpu.memory_space<hbm>> -> memref<16x128xi32, #tpu.memory_space<hbm>>
          tpu.wait_dma2 semaphore(%run_scoped3A_123 : memref<!tpu.dma_semaphore, #tpu.memory_space<semaphore_mem>>) src(%dma_wait3A_146 : memref<16x128xi32, #tpu.memory_space<hbm>>) dst(%dma_wait3A_144 : memref<16x128xi32, #tpu.memory_space<vmem>>)
          tpu.yield
        }) : () -> ()
      } else {
      }
      %mul3A_91 = arith.constant 16 : i32
      %mul3A_92 = arith.muli %while3A_87, %mul3A_91 : i32
      %add3A_93 = arith.addi %select_n3A_24, %mul3A_92 : i32
      "tpu.region"() ({
        %run_scoped3A_100 = tpu.sem_alloc : memref<!tpu.dma_semaphore, #tpu.memory_space<semaphore_mem>>
        %dma_start3A_101 = arith.constant 0 : i32
        %dma_start3A_102 = tpu.memref_slice %arg3[%add3A_93, %dma_start3A_101] : memref<2560x128xi32, #tpu.memory_space<hbm>> -> memref<16x128xi32, #tpu.memory_space<hbm>>
        %dma_start3A_103 = arith.constant 0 : i32
        %dma_start3A_104 = tpu.memref_slice %arg3[%add3A_93, %dma_start3A_103] : memref<2560x128xi32, #tpu.memory_space<hbm>> -> memref<16x128xi32, #tpu.memory_space<hbm>>
        tpu.enqueue_dma source(%dma_start3A_104 : memref<16x128xi32, #tpu.memory_space<hbm>>) target(%arg7 : memref<16x128xi32, #tpu.memory_space<vmem>>) target_semaphore(%run_scoped3A_100 : memref<!tpu.dma_semaphore, #tpu.memory_space<semaphore_mem>>)
        %dma_wait3A = arith.constant 0 : i32
        %dma_wait3A_105 = tpu.memref_slice %arg3[%add3A_93, %dma_wait3A] : memref<2560x128xi32, #tpu.memory_space<hbm>> -> memref<16x128xi32, #tpu.memory_space<hbm>>
        %dma_wait3A_106 = arith.constant 0 : i32
        %dma_wait3A_107 = tpu.memref_slice %arg3[%add3A_93, %dma_wait3A_106] : memref<2560x128xi32, #tpu.memory_space<hbm>> -> memref<16x128xi32, #tpu.memory_space<hbm>>
        tpu.wait_dma2 semaphore(%run_scoped3A_100 : memref<!tpu.dma_semaphore, #tpu.memory_space<semaphore_mem>>) src(%dma_wait3A_107 : memref<16x128xi32, #tpu.memory_space<hbm>>) dst(%arg7 : memref<16x128xi32, #tpu.memory_space<vmem>>)
        tpu.yield
      }) : () -> ()
      %scan3A_94 = arith.constant 0 : i32
      %scan3A_95 = arith.constant 0 : i32
      %scan3A_96 = arith.constant 8 : i32
      %scan3A_97 = arith.addi %scan3A_95, %scan3A_96 : i32
      %scan3A_98 = arith.constant 1 : i32
      scf.for %scan3A_100 = %scan3A_95 to %scan3A_97 step %scan3A_98  : i32 {
        %mul3A_101 = arith.constant 16 : i32
        %mul3A_102 = arith.muli %while3A_87, %mul3A_101 : i32
        %mul3A_103 = arith.constant 2 : i32
        %mul3A_104 = arith.muli %scan3A_100, %mul3A_103 : i32
        %add3A_105 = arith.addi %mul3A_102, %mul3A_104 : i32
        %add3A_106 = arith.constant 0 : i32
        %add3A_107 = arith.addi %add3A_105, %add3A_106 : i32
        %dma_wait3A = arith.constant 0 : i32
        %dma_wait3A_108 = arith.constant 0 : i32
        %dma_wait3A_109 = tpu.memref_slice %arg4[%dma_wait3A, %dma_wait3A_108] : memref<10000x128xf32, #tpu.memory_space<hbm>> -> memref<128x128xf32, #tpu.memory_space<hbm>>
        %dma_wait3A_110 = arith.constant 0 : i32
        %dma_wait3A_111 = arith.constant 0 : i32
        %dma_wait3A_112 = tpu.memref_slice %arg4[%dma_wait3A_110, %dma_wait3A_111] : memref<10000x128xf32, #tpu.memory_space<hbm>> -> memref<128x128xf32, #tpu.memory_space<hbm>>
        tpu.wait_dma2 semaphore(%arg10 : memref<!tpu.dma_semaphore, #tpu.memory_space<semaphore_mem>>) src(%dma_wait3A_112 : memref<128x128xf32, #tpu.memory_space<hbm>>) dst(%arg8 : memref<128x128xf32, #tpu.memory_space<vmem>>)
        %mul3A_113 = arith.constant 2 : i32
        %mul3A_114 = arith.muli %scan3A_100, %mul3A_113 : i32
        %add3A_115 = arith.constant 0 : i32
        %add3A_116 = arith.addi %mul3A_114, %add3A_115 : i32
        "tpu.region"() ({
          %run_scoped3A_146 = tpu.sem_alloc : memref<!tpu.dma_semaphore, #tpu.memory_space<semaphore_mem>>
          %dma_start3A_147 = arith.constant 0 : i32
          %dma_start3A_148 = tpu.memref_slice %arg7[%add3A_116, %dma_start3A_147] : memref<16x128xi32, #tpu.memory_space<vmem>> -> memref<1x128xi32, #tpu.memory_space<vmem>>
          %dma_start3A_149 = tpu.memref_squeeze %dma_start3A_148 : memref<1x128xi32, #tpu.memory_space<vmem>> -> memref<128xi32, #tpu.memory_space<vmem>>
          %dma_start3A_150 = arith.constant 0 : i32
          %dma_start3A_151 = arith.constant 0 : i32
          %dma_start3A_152 = tpu.memref_slice %arg12[%dma_start3A_150, %dma_start3A_151] : memref<10112x128xf32, #tpu.memory_space<vmem_shared>> -> memref<10112x128xf32, #tpu.memory_space<vmem_shared>>
          tpu.enqueue_indirect_dma source(%arg8 : memref<128x128xf32, #tpu.memory_space<vmem>>) target(%dma_start3A_152 : memref<10112x128xf32, #tpu.memory_space<vmem_shared>>) offsets(%dma_start3A_149 : memref<128xi32, #tpu.memory_space<vmem>>) semaphore(%run_scoped3A_146 : memref<!tpu.dma_semaphore, #tpu.memory_space<semaphore_mem>>) {add = true}
          %dma_wait3A_153 = arith.constant 0 : i32
          %dma_wait3A_154 = tpu.memref_slice %arg7[%add3A_116, %dma_wait3A_153] : memref<16x128xi32, #tpu.memory_space<vmem>> -> memref<1x128xi32, #tpu.memory_space<vmem>>
          %dma_wait3A_155 = tpu.memref_squeeze %dma_wait3A_154 : memref<1x128xi32, #tpu.memory_space<vmem>> -> memref<128xi32, #tpu.memory_space<vmem>>
          %dma_wait3A_156 = arith.constant 0 : i32
          %dma_wait3A_157 = arith.constant 0 : i32
          %dma_wait3A_158 = tpu.memref_slice %arg12[%dma_wait3A_156, %dma_wait3A_157] : memref<10112x128xf32, #tpu.memory_space<vmem_shared>> -> memref<10112x128xf32, #tpu.memory_space<vmem_shared>>
          tpu.wait_indirect_dma semaphore(%run_scoped3A_146 : memref<!tpu.dma_semaphore, #tpu.memory_space<semaphore_mem>>) src(%arg8 : memref<128x128xf32, #tpu.memory_space<vmem>>) dst(%dma_wait3A_158 : memref<10112x128xf32, #tpu.memory_space<vmem_shared>>)
          tpu.yield
        }) : () -> ()
        %add3A_117 = arith.constant 2 : i32
        %add3A_118 = arith.addi %add3A_107, %add3A_117 : i32
        %lt3A_119 = arith.cmpi slt, %add3A_118, %select_n3A : i32
        %convert_element_type3A_120 = arith.extui %lt3A_119 : i1 to i32
        %cond3A_121 = arith.constant 0 : i32
        %cond3A_122 = arith.cmpi ne, %convert_element_type3A_120, %cond3A_121 : i32
        scf.if %cond3A_122 {
          %jit3A_146 = arith.constant 16 : i32
          %div3A_147 = arith.divsi %add3A_118, %jit3A_146 : i32
          %sign3A_148 = arith.constant 0 : i32
          %sign3A_149 = arith.cmpi sgt, %add3A_118, %sign3A_148 : i32
          %sign3A_150 = arith.extui %sign3A_149 : i1 to i32
          %sign3A_151 = arith.constant 0 : i32
          %sign3A_152 = arith.cmpi slt, %add3A_118, %sign3A_151 : i32
          %sign3A_153 = arith.extui %sign3A_152 : i1 to i32
          %sign3A_154 = arith.subi %sign3A_150, %sign3A_153 : i32
          %sign3A_155 = arith.constant 0 : i32
          %sign3A_156 = arith.cmpi sgt, %jit3A_146, %sign3A_155 : i32
          %sign3A_157 = arith.extui %sign3A_156 : i1 to i32
          %sign3A_158 = arith.constant 0 : i32
          %sign3A_159 = arith.cmpi slt, %jit3A_146, %sign3A_158 : i32
          %sign3A_160 = arith.extui %sign3A_159 : i1 to i32
          %sign3A_161 = arith.subi %sign3A_157, %sign3A_160 : i32
          %ne3A_162 = arith.cmpi ne, %sign3A_154, %sign3A_161 : i32
          %rem3A_163 = arith.remsi %add3A_118, %jit3A_146 : i32
          %ne3A_164 = arith.constant 0 : i32
          %ne3A_165 = arith.cmpi ne, %rem3A_163, %ne3A_164 : i32
          %and3A_166 = arith.andi %ne3A_162, %ne3A_165 : i1
          %sub3A_167 = arith.constant 1 : i32
          %sub3A_168 = arith.subi %div3A_147, %sub3A_167 : i32
          %select_n3A_169 = arith.select %and3A_166, %sub3A_168, %div3A_147 : i32
          %jit3A_170 = arith.constant 2 : i32
          %eq3A_171 = arith.constant 0 : i32
          %eq3A_172 = arith.cmpi eq, %jit3A_170, %eq3A_171 : i32
          %jit3A_173 = arith.constant 1 : i32
          %select_n3A_174 = arith.select %eq3A_172, %jit3A_173, %jit3A_170 : i32
          %rem3A_175 = arith.remsi %select_n3A_169, %select_n3A_174 : i32
          %ne3A_176 = arith.constant 0 : i32
          %ne3A_177 = arith.cmpi ne, %rem3A_175, %ne3A_176 : i32
          %lt3A_178 = arith.constant 0 : i32
          %lt3A_179 = arith.cmpi slt, %rem3A_175, %lt3A_178 : i32
          %lt3A_180 = arith.constant 0 : i32
          %lt3A_181 = arith.cmpi slt, %select_n3A_174, %lt3A_180 : i32
          %ne3A_182 = arith.xori %lt3A_179, %lt3A_181 : i1
          %and3A_183 = arith.andi %ne3A_182, %ne3A_177 : i1
          %add3A_184 = arith.addi %rem3A_175, %select_n3A_174 : i32
          %select_n3A_185 = arith.select %and3A_183, %add3A_184, %rem3A_175 : i32
          %jit3A_186 = arith.constant 16 : i32
          %eq3A_187 = arith.constant 0 : i32
          %eq3A_188 = arith.cmpi eq, %jit3A_186, %eq3A_187 : i32
          %jit3A_189 = arith.constant 1 : i32
          %select_n3A_190 = arith.select %eq3A_188, %jit3A_189, %jit3A_186 : i32
          %rem3A_191 = arith.remsi %add3A_118, %select_n3A_190 : i32
          %ne3A_192 = arith.constant 0 : i32
          %ne3A_193 = arith.cmpi ne, %rem3A_191, %ne3A_192 : i32
          %lt3A_194 = arith.constant 0 : i32
          %lt3A_195 = arith.cmpi slt, %rem3A_191, %lt3A_194 : i32
          %lt3A_196 = arith.constant 0 : i32
          %lt3A_197 = arith.cmpi slt, %select_n3A_190, %lt3A_196 : i32
          %ne3A_198 = arith.xori %lt3A_195, %lt3A_197 : i1
          %and3A_199 = arith.andi %ne3A_198, %ne3A_193 : i1
          %add3A_200 = arith.addi %rem3A_191, %select_n3A_190 : i32
          %select_n3A_201 = arith.select %and3A_199, %add3A_200, %rem3A_191 : i32
          %dma_start3A_202 = arith.constant 0 : i32
          %dma_start3A_203 = tpu.memref_slice %arg6[%select_n3A_185, %select_n3A_201, %dma_start3A_202] : memref<2x16x128xi32, #tpu.memory_space<vmem>> -> memref<1x1x128xi32, #tpu.memory_space<vmem>>
          %dma_start3A_204 = tpu.memref_squeeze %dma_start3A_203 : memref<1x1x128xi32, #tpu.memory_space<vmem>> -> memref<128xi32, #tpu.memory_space<vmem>>
          %dma_start3A_205 = arith.constant 0 : i32
          %dma_start3A_206 = arith.constant 0 : i32
          %dma_start3A_207 = tpu.memref_slice %arg4[%dma_start3A_205, %dma_start3A_206] : memref<10000x128xf32, #tpu.memory_space<hbm>> -> memref<10000x128xf32, #tpu.memory_space<hbm>>
          tpu.enqueue_indirect_dma source(%dma_start3A_207 : memref<10000x128xf32, #tpu.memory_space<hbm>>) target(%arg8 : memref<128x128xf32, #tpu.memory_space<vmem>>) offsets(%dma_start3A_204 : memref<128xi32, #tpu.memory_space<vmem>>) semaphore(%arg10 : memref<!tpu.dma_semaphore, #tpu.memory_space<semaphore_mem>>)
        } else {
        }
        %mul3A_123 = arith.constant 16 : i32
        %mul3A_124 = arith.muli %while3A_87, %mul3A_123 : i32
        %mul3A_125 = arith.constant 2 : i32
        %mul3A_126 = arith.muli %scan3A_100, %mul3A_125 : i32
        %add3A_127 = arith.addi %mul3A_124, %mul3A_126 : i32
        %add3A_128 = arith.constant 1 : i32
        %add3A_129 = arith.addi %add3A_127, %add3A_128 : i32
        %dma_wait3A_130 = arith.constant 0 : i32
        %dma_wait3A_131 = arith.constant 0 : i32
        %dma_wait3A_132 = tpu.memref_slice %arg4[%dma_wait3A_130, %dma_wait3A_131] : memref<10000x128xf32, #tpu.memory_space<hbm>> -> memref<128x128xf32, #tpu.memory_space<hbm>>
        %dma_wait3A_133 = arith.constant 0 : i32
        %dma_wait3A_134 = arith.constant 0 : i32
        %dma_wait3A_135 = tpu.memref_slice %arg4[%dma_wait3A_133, %dma_wait3A_134] : memref<10000x128xf32, #tpu.memory_space<hbm>> -> memref<128x128xf32, #tpu.memory_space<hbm>>
        tpu.wait_dma2 semaphore(%arg11 : memref<!tpu.dma_semaphore, #tpu.memory_space<semaphore_mem>>) src(%dma_wait3A_135 : memref<128x128xf32, #tpu.memory_space<hbm>>) dst(%arg9 : memref<128x128xf32, #tpu.memory_space<vmem>>)
        %mul3A_136 = arith.constant 2 : i32
        %mul3A_137 = arith.muli %scan3A_100, %mul3A_136 : i32
        %add3A_138 = arith.constant 1 : i32
        %add3A_139 = arith.addi %mul3A_137, %add3A_138 : i32
        "tpu.region"() ({
          %run_scoped3A_146 = tpu.sem_alloc : memref<!tpu.dma_semaphore, #tpu.memory_space<semaphore_mem>>
          %dma_start3A_147 = arith.constant 0 : i32
          %dma_start3A_148 = tpu.memref_slice %arg7[%add3A_139, %dma_start3A_147] : memref<16x128xi32, #tpu.memory_space<vmem>> -> memref<1x128xi32, #tpu.memory_space<vmem>>
          %dma_start3A_149 = tpu.memref_squeeze %dma_start3A_148 : memref<1x128xi32, #tpu.memory_space<vmem>> -> memref<128xi32, #tpu.memory_space<vmem>>
          %dma_start3A_150 = arith.constant 0 : i32
          %dma_start3A_151 = arith.constant 0 : i32
          %dma_start3A_152 = tpu.memref_slice %arg12[%dma_start3A_150, %dma_start3A_151] : memref<10112x128xf32, #tpu.memory_space<vmem_shared>> -> memref<10112x128xf32, #tpu.memory_space<vmem_shared>>
          tpu.enqueue_indirect_dma source(%arg9 : memref<128x128xf32, #tpu.memory_space<vmem>>) target(%dma_start3A_152 : memref<10112x128xf32, #tpu.memory_space<vmem_shared>>) offsets(%dma_start3A_149 : memref<128xi32, #tpu.memory_space<vmem>>) semaphore(%run_scoped3A_146 : memref<!tpu.dma_semaphore, #tpu.memory_space<semaphore_mem>>) {add = true}
          %dma_wait3A_153 = arith.constant 0 : i32
          %dma_wait3A_154 = tpu.memref_slice %arg7[%add3A_139, %dma_wait3A_153] : memref<16x128xi32, #tpu.memory_space<vmem>> -> memref<1x128xi32, #tpu.memory_space<vmem>>
          %dma_wait3A_155 = tpu.memref_squeeze %dma_wait3A_154 : memref<1x128xi32, #tpu.memory_space<vmem>> -> memref<128xi32, #tpu.memory_space<vmem>>
          %dma_wait3A_156 = arith.constant 0 : i32
          %dma_wait3A_157 = arith.constant 0 : i32
          %dma_wait3A_158 = tpu.memref_slice %arg12[%dma_wait3A_156, %dma_wait3A_157] : memref<10112x128xf32, #tpu.memory_space<vmem_shared>> -> memref<10112x128xf32, #tpu.memory_space<vmem_shared>>
          tpu.wait_indirect_dma semaphore(%run_scoped3A_146 : memref<!tpu.dma_semaphore, #tpu.memory_space<semaphore_mem>>) src(%arg9 : memref<128x128xf32, #tpu.memory_space<vmem>>) dst(%dma_wait3A_158 : memref<10112x128xf32, #tpu.memory_space<vmem_shared>>)
          tpu.yield
        }) : () -> ()
        %add3A_140 = arith.constant 2 : i32
        %add3A_141 = arith.addi %add3A_129, %add3A_140 : i32
        %lt3A_142 = arith.cmpi slt, %add3A_141, %select_n3A : i32
        %convert_element_type3A_143 = arith.extui %lt3A_142 : i1 to i32
        %cond3A_144 = arith.constant 0 : i32
        %cond3A_145 = arith.cmpi ne, %convert_element_type3A_143, %cond3A_144 : i32
        scf.if %cond3A_145 {
          %jit3A_146 = arith.constant 16 : i32
          %div3A_147 = arith.divsi %add3A_141, %jit3A_146 : i32
          %sign3A_148 = arith.constant 0 : i32
          %sign3A_149 = arith.cmpi sgt, %add3A_141, %sign3A_148 : i32
          %sign3A_150 = arith.extui %sign3A_149 : i1 to i32
          %sign3A_151 = arith.constant 0 : i32
          %sign3A_152 = arith.cmpi slt, %add3A_141, %sign3A_151 : i32
          %sign3A_153 = arith.extui %sign3A_152 : i1 to i32
          %sign3A_154 = arith.subi %sign3A_150, %sign3A_153 : i32
          %sign3A_155 = arith.constant 0 : i32
          %sign3A_156 = arith.cmpi sgt, %jit3A_146, %sign3A_155 : i32
          %sign3A_157 = arith.extui %sign3A_156 : i1 to i32
          %sign3A_158 = arith.constant 0 : i32
          %sign3A_159 = arith.cmpi slt, %jit3A_146, %sign3A_158 : i32
          %sign3A_160 = arith.extui %sign3A_159 : i1 to i32
          %sign3A_161 = arith.subi %sign3A_157, %sign3A_160 : i32
          %ne3A_162 = arith.cmpi ne, %sign3A_154, %sign3A_161 : i32
          %rem3A_163 = arith.remsi %add3A_141, %jit3A_146 : i32
          %ne3A_164 = arith.constant 0 : i32
          %ne3A_165 = arith.cmpi ne, %rem3A_163, %ne3A_164 : i32
          %and3A_166 = arith.andi %ne3A_162, %ne3A_165 : i1
          %sub3A_167 = arith.constant 1 : i32
          %sub3A_168 = arith.subi %div3A_147, %sub3A_167 : i32
          %select_n3A_169 = arith.select %and3A_166, %sub3A_168, %div3A_147 : i32
          %jit3A_170 = arith.constant 2 : i32
          %eq3A_171 = arith.constant 0 : i32
          %eq3A_172 = arith.cmpi eq, %jit3A_170, %eq3A_171 : i32
          %jit3A_173 = arith.constant 1 : i32
          %select_n3A_174 = arith.select %eq3A_172, %jit3A_173, %jit3A_170 : i32
          %rem3A_175 = arith.remsi %select_n3A_169, %select_n3A_174 : i32
          %ne3A_176 = arith.constant 0 : i32
          %ne3A_177 = arith.cmpi ne, %rem3A_175, %ne3A_176 : i32
          %lt3A_178 = arith.constant 0 : i32
          %lt3A_179 = arith.cmpi slt, %rem3A_175, %lt3A_178 : i32
          %lt3A_180 = arith.constant 0 : i32
          %lt3A_181 = arith.cmpi slt, %select_n3A_174, %lt3A_180 : i32
          %ne3A_182 = arith.xori %lt3A_179, %lt3A_181 : i1
          %and3A_183 = arith.andi %ne3A_182, %ne3A_177 : i1
          %add3A_184 = arith.addi %rem3A_175, %select_n3A_174 : i32
          %select_n3A_185 = arith.select %and3A_183, %add3A_184, %rem3A_175 : i32
          %jit3A_186 = arith.constant 16 : i32
          %eq3A_187 = arith.constant 0 : i32
          %eq3A_188 = arith.cmpi eq, %jit3A_186, %eq3A_187 : i32
          %jit3A_189 = arith.constant 1 : i32
          %select_n3A_190 = arith.select %eq3A_188, %jit3A_189, %jit3A_186 : i32
          %rem3A_191 = arith.remsi %add3A_141, %select_n3A_190 : i32
          %ne3A_192 = arith.constant 0 : i32
          %ne3A_193 = arith.cmpi ne, %rem3A_191, %ne3A_192 : i32
          %lt3A_194 = arith.constant 0 : i32
          %lt3A_195 = arith.cmpi slt, %rem3A_191, %lt3A_194 : i32
          %lt3A_196 = arith.constant 0 : i32
          %lt3A_197 = arith.cmpi slt, %select_n3A_190, %lt3A_196 : i32
          %ne3A_198 = arith.xori %lt3A_195, %lt3A_197 : i1
          %and3A_199 = arith.andi %ne3A_198, %ne3A_193 : i1
          %add3A_200 = arith.addi %rem3A_191, %select_n3A_190 : i32
          %select_n3A_201 = arith.select %and3A_199, %add3A_200, %rem3A_191 : i32
          %dma_start3A_202 = arith.constant 0 : i32
          %dma_start3A_203 = tpu.memref_slice %arg6[%select_n3A_185, %select_n3A_201, %dma_start3A_202] : memref<2x16x128xi32, #tpu.memory_space<vmem>> -> memref<1x1x128xi32, #tpu.memory_space<vmem>>
          %dma_start3A_204 = tpu.memref_squeeze %dma_start3A_203 : memref<1x1x128xi32, #tpu.memory_space<vmem>> -> memref<128xi32, #tpu.memory_space<vmem>>
          %dma_start3A_205 = arith.constant 0 : i32
          %dma_start3A_206 = arith.constant 0 : i32
          %dma_start3A_207 = tpu.memref_slice %arg4[%dma_start3A_205, %dma_start3A_206] : memref<10000x128xf32, #tpu.memory_space<hbm>> -> memref<10000x128xf32, #tpu.memory_space<hbm>>
          tpu.enqueue_indirect_dma source(%dma_start3A_207 : memref<10000x128xf32, #tpu.memory_space<hbm>>) target(%arg9 : memref<128x128xf32, #tpu.memory_space<vmem>>) offsets(%dma_start3A_204 : memref<128xi32, #tpu.memory_space<vmem>>) semaphore(%arg11 : memref<!tpu.dma_semaphore, #tpu.memory_space<semaphore_mem>>)
        } else {
        }
      }
      %scan3A_99 = arith.constant 8 : i32
    }
    %barrier3A_66 = arith.constant 0 : index
    tpu.barrier barrier_id(%barrier3A_66)
    %add3A_67 = arith.constant 0 : i32
    %add3A_68 = arith.addi %mul3A_26, %add3A_67 : i32
    "tpu.region"() ({
      %run_scoped3A_87 = tpu.sem_alloc : memref<!tpu.dma_semaphore, #tpu.memory_space<semaphore_mem>>
      %dma_start3A_88 = arith.constant 0 : i32
      %dma_start3A_89 = arith.constant 0 : i32
      %dma_start3A_90 = tpu.memref_slice %arg8[%dma_start3A_88, %dma_start3A_89] : memref<128x128xf32, #tpu.memory_space<vmem>> -> memref<128x128xf32, #tpu.memory_space<vmem>>
      %dma_start3A_91 = arith.constant 0 : i32
      %dma_start3A_92 = tpu.memref_slice %arg12[%add3A_68, %dma_start3A_91] : memref<10112x128xf32, #tpu.memory_space<vmem_shared>> -> memref<128x128xf32, #tpu.memory_space<vmem_shared>>
      %dma_start3A_93 = arith.constant 0 : i32
      %dma_start3A_94 = arith.constant 0 : i32
      %dma_start3A_95 = tpu.memref_slice %arg8[%dma_start3A_93, %dma_start3A_94] : memref<128x128xf32, #tpu.memory_space<vmem>> -> memref<128x128xf32, #tpu.memory_space<vmem>>
      %dma_start3A_96 = arith.constant 0 : i32
      %dma_start3A_97 = tpu.memref_slice %arg12[%add3A_68, %dma_start3A_96] : memref<10112x128xf32, #tpu.memory_space<vmem_shared>> -> memref<128x128xf32, #tpu.memory_space<vmem_shared>>
      tpu.enqueue_dma source(%dma_start3A_97 : memref<128x128xf32, #tpu.memory_space<vmem_shared>>) target(%dma_start3A_95 : memref<128x128xf32, #tpu.memory_space<vmem>>) target_semaphore(%run_scoped3A_87 : memref<!tpu.dma_semaphore, #tpu.memory_space<semaphore_mem>>)
      %dma_wait3A = arith.constant 0 : i32
      %dma_wait3A_98 = arith.constant 0 : i32
      %dma_wait3A_99 = tpu.memref_slice %arg8[%dma_wait3A, %dma_wait3A_98] : memref<128x128xf32, #tpu.memory_space<vmem>> -> memref<128x128xf32, #tpu.memory_space<vmem>>
      %dma_wait3A_100 = arith.constant 0 : i32
      %dma_wait3A_101 = tpu.memref_slice %arg12[%add3A_68, %dma_wait3A_100] : memref<10112x128xf32, #tpu.memory_space<vmem_shared>> -> memref<128x128xf32, #tpu.memory_space<vmem_shared>>
      %dma_wait3A_102 = arith.constant 0 : i32
      %dma_wait3A_103 = arith.constant 0 : i32
      %dma_wait3A_104 = tpu.memref_slice %arg8[%dma_wait3A_102, %dma_wait3A_103] : memref<128x128xf32, #tpu.memory_space<vmem>> -> memref<128x128xf32, #tpu.memory_space<vmem>>
      %dma_wait3A_105 = arith.constant 0 : i32
      %dma_wait3A_106 = tpu.memref_slice %arg12[%add3A_68, %dma_wait3A_105] : memref<10112x128xf32, #tpu.memory_space<vmem_shared>> -> memref<128x128xf32, #tpu.memory_space<vmem_shared>>
      tpu.wait_dma2 semaphore(%run_scoped3A_87 : memref<!tpu.dma_semaphore, #tpu.memory_space<semaphore_mem>>) src(%dma_wait3A_106 : memref<128x128xf32, #tpu.memory_space<vmem_shared>>) dst(%dma_wait3A_104 : memref<128x128xf32, #tpu.memory_space<vmem>>)
      tpu.yield
    }) : () -> ()
    %add3A_69 = arith.constant 0 : i32
    %add3A_70 = arith.addi %mul3A_26, %add3A_69 : i32
    "tpu.region"() ({
      %run_scoped3A_87 = tpu.sem_alloc : memref<!tpu.dma_semaphore, #tpu.memory_space<semaphore_mem>>
      %dma_start3A_88 = arith.constant 0 : i32
      %dma_start3A_89 = arith.constant 0 : i32
      %dma_start3A_90 = tpu.memref_slice %arg8[%dma_start3A_88, %dma_start3A_89] : memref<128x128xf32, #tpu.memory_space<vmem>> -> memref<128x128xf32, #tpu.memory_space<vmem>>
      %dma_start3A_91 = arith.constant 0 : i32
      %dma_start3A_92 = tpu.memref_slice %arg5[%arg0, %add3A_70, %dma_start3A_91] : memref<2x10112x128xf32, #tpu.memory_space<hbm>> -> memref<1x128x128xf32, #tpu.memory_space<hbm>>
      %dma_start3A_93 = tpu.memref_squeeze %dma_start3A_92 : memref<1x128x128xf32, #tpu.memory_space<hbm>> -> memref<128x128xf32, #tpu.memory_space<hbm>>
      %dma_start3A_94 = arith.constant 0 : i32
      %dma_start3A_95 = tpu.memref_slice %arg5[%arg0, %add3A_70, %dma_start3A_94] : memref<2x10112x128xf32, #tpu.memory_space<hbm>> -> memref<1x128x128xf32, #tpu.memory_space<hbm>>
      %dma_start3A_96 = tpu.memref_squeeze %dma_start3A_95 : memref<1x128x128xf32, #tpu.memory_space<hbm>> -> memref<128x128xf32, #tpu.memory_space<hbm>>
      %dma_start3A_97 = arith.constant 0 : i32
      %dma_start3A_98 = arith.constant 0 : i32
      %dma_start3A_99 = tpu.memref_slice %arg8[%dma_start3A_97, %dma_start3A_98] : memref<128x128xf32, #tpu.memory_space<vmem>> -> memref<128x128xf32, #tpu.memory_space<vmem>>
      tpu.enqueue_dma source(%dma_start3A_99 : memref<128x128xf32, #tpu.memory_space<vmem>>) target(%dma_start3A_96 : memref<128x128xf32, #tpu.memory_space<hbm>>) target_semaphore(%run_scoped3A_87 : memref<!tpu.dma_semaphore, #tpu.memory_space<semaphore_mem>>)
      %dma_wait3A = arith.constant 0 : i32
      %dma_wait3A_100 = arith.constant 0 : i32
      %dma_wait3A_101 = tpu.memref_slice %arg8[%dma_wait3A, %dma_wait3A_100] : memref<128x128xf32, #tpu.memory_space<vmem>> -> memref<128x128xf32, #tpu.memory_space<vmem>>
      %dma_wait3A_102 = arith.constant 0 : i32
      %dma_wait3A_103 = tpu.memref_slice %arg5[%arg0, %add3A_70, %dma_wait3A_102] : memref<2x10112x128xf32, #tpu.memory_space<hbm>> -> memref<1x128x128xf32, #tpu.memory_space<hbm>>
      %dma_wait3A_104 = tpu.memref_squeeze %dma_wait3A_103 : memref<1x128x128xf32, #tpu.memory_space<hbm>> -> memref<128x128xf32, #tpu.memory_space<hbm>>
      %dma_wait3A_105 = arith.constant 0 : i32
      %dma_wait3A_106 = tpu.memref_slice %arg5[%arg0, %add3A_70, %dma_wait3A_105] : memref<2x10112x128xf32, #tpu.memory_space<hbm>> -> memref<1x128x128xf32, #tpu.memory_space<hbm>>
      %dma_wait3A_107 = tpu.memref_squeeze %dma_wait3A_106 : memref<1x128x128xf32, #tpu.memory_space<hbm>> -> memref<128x128xf32, #tpu.memory_space<hbm>>
      %dma_wait3A_108 = arith.constant 0 : i32
      %dma_wait3A_109 = arith.constant 0 : i32
      %dma_wait3A_110 = tpu.memref_slice %arg8[%dma_wait3A_108, %dma_wait3A_109] : memref<128x128xf32, #tpu.memory_space<vmem>> -> memref<128x128xf32, #tpu.memory_space<vmem>>
      tpu.wait_dma2 semaphore(%run_scoped3A_87 : memref<!tpu.dma_semaphore, #tpu.memory_space<semaphore_mem>>) src(%dma_wait3A_110 : memref<128x128xf32, #tpu.memory_space<vmem>>) dst(%dma_wait3A_107 : memref<128x128xf32, #tpu.memory_space<hbm>>)
      tpu.yield
    }) : () -> ()
    %add3A_71 = arith.constant 128 : i32
    %add3A_72 = arith.addi %mul3A_26, %add3A_71 : i32
    "tpu.region"() ({
      %run_scoped3A_87 = tpu.sem_alloc : memref<!tpu.dma_semaphore, #tpu.memory_space<semaphore_mem>>
      %dma_start3A_88 = arith.constant 0 : i32
      %dma_start3A_89 = arith.constant 0 : i32
      %dma_start3A_90 = tpu.memref_slice %arg9[%dma_start3A_88, %dma_start3A_89] : memref<128x128xf32, #tpu.memory_space<vmem>> -> memref<128x128xf32, #tpu.memory_space<vmem>>
      %dma_start3A_91 = arith.constant 0 : i32
      %dma_start3A_92 = tpu.memref_slice %arg12[%add3A_72, %dma_start3A_91] : memref<10112x128xf32, #tpu.memory_space<vmem_shared>> -> memref<128x128xf32, #tpu.memory_space<vmem_shared>>
      %dma_start3A_93 = arith.constant 0 : i32
      %dma_start3A_94 = arith.constant 0 : i32
      %dma_start3A_95 = tpu.memref_slice %arg9[%dma_start3A_93, %dma_start3A_94] : memref<128x128xf32, #tpu.memory_space<vmem>> -> memref<128x128xf32, #tpu.memory_space<vmem>>
      %dma_start3A_96 = arith.constant 0 : i32
      %dma_start3A_97 = tpu.memref_slice %arg12[%add3A_72, %dma_start3A_96] : memref<10112x128xf32, #tpu.memory_space<vmem_shared>> -> memref<128x128xf32, #tpu.memory_space<vmem_shared>>
      tpu.enqueue_dma source(%dma_start3A_97 : memref<128x128xf32, #tpu.memory_space<vmem_shared>>) target(%dma_start3A_95 : memref<128x128xf32, #tpu.memory_space<vmem>>) target_semaphore(%run_scoped3A_87 : memref<!tpu.dma_semaphore, #tpu.memory_space<semaphore_mem>>)
      %dma_wait3A = arith.constant 0 : i32
      %dma_wait3A_98 = arith.constant 0 : i32
      %dma_wait3A_99 = tpu.memref_slice %arg9[%dma_wait3A, %dma_wait3A_98] : memref<128x128xf32, #tpu.memory_space<vmem>> -> memref<128x128xf32, #tpu.memory_space<vmem>>
      %dma_wait3A_100 = arith.constant 0 : i32
      %dma_wait3A_101 = tpu.memref_slice %arg12[%add3A_72, %dma_wait3A_100] : memref<10112x128xf32, #tpu.memory_space<vmem_shared>> -> memref<128x128xf32, #tpu.memory_space<vmem_shared>>
      %dma_wait3A_102 = arith.constant 0 : i32
      %dma_wait3A_103 = arith.constant 0 : i32
      %dma_wait3A_104 = tpu.memref_slice %arg9[%dma_wait3A_102, %dma_wait3A_103] : memref<128x128xf32, #tpu.memory_space<vmem>> -> memref<128x128xf32, #tpu.memory_space<vmem>>
      %dma_wait3A_105 = arith.constant 0 : i32
      %dma_wait3A_106 = tpu.memref_slice %arg12[%add3A_72, %dma_wait3A_105] : memref<10112x128xf32, #tpu.memory_space<vmem_shared>> -> memref<128x128xf32, #tpu.memory_space<vmem_shared>>
      tpu.wait_dma2 semaphore(%run_scoped3A_87 : memref<!tpu.dma_semaphore, #tpu.memory_space<semaphore_mem>>) src(%dma_wait3A_106 : memref<128x128xf32, #tpu.memory_space<vmem_shared>>) dst(%dma_wait3A_104 : memref<128x128xf32, #tpu.memory_space<vmem>>)
      tpu.yield
    }) : () -> ()
    %add3A_73 = arith.constant 128 : i32
    %add3A_74 = arith.addi %mul3A_26, %add3A_73 : i32
    "tpu.region"() ({
      %run_scoped3A_87 = tpu.sem_alloc : memref<!tpu.dma_semaphore, #tpu.memory_space<semaphore_mem>>
      %dma_start3A_88 = arith.constant 0 : i32
      %dma_start3A_89 = arith.constant 0 : i32
      %dma_start3A_90 = tpu.memref_slice %arg9[%dma_start3A_88, %dma_start3A_89] : memref<128x128xf32, #tpu.memory_space<vmem>> -> memref<128x128xf32, #tpu.memory_space<vmem>>
      %dma_start3A_91 = arith.constant 0 : i32
      %dma_start3A_92 = tpu.memref_slice %arg5[%arg0, %add3A_74, %dma_start3A_91] : memref<2x10112x128xf32, #tpu.memory_space<hbm>> -> memref<1x128x128xf32, #tpu.memory_space<hbm>>
      %dma_start3A_93 = tpu.memref_squeeze %dma_start3A_92 : memref<1x128x128xf32, #tpu.memory_space<hbm>> -> memref<128x128xf32, #tpu.memory_space<hbm>>
      %dma_start3A_94 = arith.constant 0 : i32
      %dma_start3A_95 = tpu.memref_slice %arg5[%arg0, %add3A_74, %dma_start3A_94] : memref<2x10112x128xf32, #tpu.memory_space<hbm>> -> memref<1x128x128xf32, #tpu.memory_space<hbm>>
      %dma_start3A_96 = tpu.memref_squeeze %dma_start3A_95 : memref<1x128x128xf32, #tpu.memory_space<hbm>> -> memref<128x128xf32, #tpu.memory_space<hbm>>
      %dma_start3A_97 = arith.constant 0 : i32
      %dma_start3A_98 = arith.constant 0 : i32
      %dma_start3A_99 = tpu.memref_slice %arg9[%dma_start3A_97, %dma_start3A_98] : memref<128x128xf32, #tpu.memory_space<vmem>> -> memref<128x128xf32, #tpu.memory_space<vmem>>
      tpu.enqueue_dma source(%dma_start3A_99 : memref<128x128xf32, #tpu.memory_space<vmem>>) target(%dma_start3A_96 : memref<128x128xf32, #tpu.memory_space<hbm>>) target_semaphore(%run_scoped3A_87 : memref<!tpu.dma_semaphore, #tpu.memory_space<semaphore_mem>>)
      %dma_wait3A = arith.constant 0 : i32
      %dma_wait3A_100 = arith.constant 0 : i32
      %dma_wait3A_101 = tpu.memref_slice %arg9[%dma_wait3A, %dma_wait3A_100] : memref<128x128xf32, #tpu.memory_space<vmem>> -> memref<128x128xf32, #tpu.memory_space<vmem>>
      %dma_wait3A_102 = arith.constant 0 : i32
      %dma_wait3A_103 = tpu.memref_slice %arg5[%arg0, %add3A_74, %dma_wait3A_102] : memref<2x10112x128xf32, #tpu.memory_space<hbm>> -> memref<1x128x128xf32, #tpu.memory_space<hbm>>
      %dma_wait3A_104 = tpu.memref_squeeze %dma_wait3A_103 : memref<1x128x128xf32, #tpu.memory_space<hbm>> -> memref<128x128xf32, #tpu.memory_space<hbm>>
      %dma_wait3A_105 = arith.constant 0 : i32
      %dma_wait3A_106 = tpu.memref_slice %arg5[%arg0, %add3A_74, %dma_wait3A_105] : memref<2x10112x128xf32, #tpu.memory_space<hbm>> -> memref<1x128x128xf32, #tpu.memory_space<hbm>>
      %dma_wait3A_107 = tpu.memref_squeeze %dma_wait3A_106 : memref<1x128x128xf32, #tpu.memory_space<hbm>> -> memref<128x128xf32, #tpu.memory_space<hbm>>
      %dma_wait3A_108 = arith.constant 0 : i32
      %dma_wait3A_109 = arith.constant 0 : i32
      %dma_wait3A_110 = tpu.memref_slice %arg9[%dma_wait3A_108, %dma_wait3A_109] : memref<128x128xf32, #tpu.memory_space<vmem>> -> memref<128x128xf32, #tpu.memory_space<vmem>>
      tpu.wait_dma2 semaphore(%run_scoped3A_87 : memref<!tpu.dma_semaphore, #tpu.memory_space<semaphore_mem>>) src(%dma_wait3A_110 : memref<128x128xf32, #tpu.memory_space<vmem>>) dst(%dma_wait3A_107 : memref<128x128xf32, #tpu.memory_space<hbm>>)
      tpu.yield
    }) : () -> ()
    %add3A_75 = arith.constant 256 : i32
    %add3A_76 = arith.addi %mul3A_26, %add3A_75 : i32
    "tpu.region"() ({
      %run_scoped3A_87 = tpu.sem_alloc : memref<!tpu.dma_semaphore, #tpu.memory_space<semaphore_mem>>
      %dma_start3A_88 = arith.constant 0 : i32
      %dma_start3A_89 = arith.constant 0 : i32
      %dma_start3A_90 = tpu.memref_slice %arg8[%dma_start3A_88, %dma_start3A_89] : memref<128x128xf32, #tpu.memory_space<vmem>> -> memref<128x128xf32, #tpu.memory_space<vmem>>
      %dma_start3A_91 = arith.constant 0 : i32
      %dma_start3A_92 = tpu.memref_slice %arg12[%add3A_76, %dma_start3A_91] : memref<10112x128xf32, #tpu.memory_space<vmem_shared>> -> memref<128x128xf32, #tpu.memory_space<vmem_shared>>
      %dma_start3A_93 = arith.constant 0 : i32
      %dma_start3A_94 = arith.constant 0 : i32
      %dma_start3A_95 = tpu.memref_slice %arg8[%dma_start3A_93, %dma_start3A_94] : memref<128x128xf32, #tpu.memory_space<vmem>> -> memref<128x128xf32, #tpu.memory_space<vmem>>
      %dma_start3A_96 = arith.constant 0 : i32
      %dma_start3A_97 = tpu.memref_slice %arg12[%add3A_76, %dma_start3A_96] : memref<10112x128xf32, #tpu.memory_space<vmem_shared>> -> memref<128x128xf32, #tpu.memory_space<vmem_shared>>
      tpu.enqueue_dma source(%dma_start3A_97 : memref<128x128xf32, #tpu.memory_space<vmem_shared>>) target(%dma_start3A_95 : memref<128x128xf32, #tpu.memory_space<vmem>>) target_semaphore(%run_scoped3A_87 : memref<!tpu.dma_semaphore, #tpu.memory_space<semaphore_mem>>)
      %dma_wait3A = arith.constant 0 : i32
      %dma_wait3A_98 = arith.constant 0 : i32
      %dma_wait3A_99 = tpu.memref_slice %arg8[%dma_wait3A, %dma_wait3A_98] : memref<128x128xf32, #tpu.memory_space<vmem>> -> memref<128x128xf32, #tpu.memory_space<vmem>>
      %dma_wait3A_100 = arith.constant 0 : i32
      %dma_wait3A_101 = tpu.memref_slice %arg12[%add3A_76, %dma_wait3A_100] : memref<10112x128xf32, #tpu.memory_space<vmem_shared>> -> memref<128x128xf32, #tpu.memory_space<vmem_shared>>
      %dma_wait3A_102 = arith.constant 0 : i32
      %dma_wait3A_103 = arith.constant 0 : i32
      %dma_wait3A_104 = tpu.memref_slice %arg8[%dma_wait3A_102, %dma_wait3A_103] : memref<128x128xf32, #tpu.memory_space<vmem>> -> memref<128x128xf32, #tpu.memory_space<vmem>>
      %dma_wait3A_105 = arith.constant 0 : i32
      %dma_wait3A_106 = tpu.memref_slice %arg12[%add3A_76, %dma_wait3A_105] : memref<10112x128xf32, #tpu.memory_space<vmem_shared>> -> memref<128x128xf32, #tpu.memory_space<vmem_shared>>
      tpu.wait_dma2 semaphore(%run_scoped3A_87 : memref<!tpu.dma_semaphore, #tpu.memory_space<semaphore_mem>>) src(%dma_wait3A_106 : memref<128x128xf32, #tpu.memory_space<vmem_shared>>) dst(%dma_wait3A_104 : memref<128x128xf32, #tpu.memory_space<vmem>>)
      tpu.yield
    }) : () -> ()
    %add3A_77 = arith.constant 256 : i32
    %add3A_78 = arith.addi %mul3A_26, %add3A_77 : i32
    "tpu.region"() ({
      %run_scoped3A_87 = tpu.sem_alloc : memref<!tpu.dma_semaphore, #tpu.memory_space<semaphore_mem>>
      %dma_start3A_88 = arith.constant 0 : i32
      %dma_start3A_89 = arith.constant 0 : i32
      %dma_start3A_90 = tpu.memref_slice %arg8[%dma_start3A_88, %dma_start3A_89] : memref<128x128xf32, #tpu.memory_space<vmem>> -> memref<128x128xf32, #tpu.memory_space<vmem>>
      %dma_start3A_91 = arith.constant 0 : i32
      %dma_start3A_92 = tpu.memref_slice %arg5[%arg0, %add3A_78, %dma_start3A_91] : memref<2x10112x128xf32, #tpu.memory_space<hbm>> -> memref<1x128x128xf32, #tpu.memory_space<hbm>>
      %dma_start3A_93 = tpu.memref_squeeze %dma_start3A_92 : memref<1x128x128xf32, #tpu.memory_space<hbm>> -> memref<128x128xf32, #tpu.memory_space<hbm>>
      %dma_start3A_94 = arith.constant 0 : i32
      %dma_start3A_95 = tpu.memref_slice %arg5[%arg0, %add3A_78, %dma_start3A_94] : memref<2x10112x128xf32, #tpu.memory_space<hbm>> -> memref<1x128x128xf32, #tpu.memory_space<hbm>>
      %dma_start3A_96 = tpu.memref_squeeze %dma_start3A_95 : memref<1x128x128xf32, #tpu.memory_space<hbm>> -> memref<128x128xf32, #tpu.memory_space<hbm>>
      %dma_start3A_97 = arith.constant 0 : i32
      %dma_start3A_98 = arith.constant 0 : i32
      %dma_start3A_99 = tpu.memref_slice %arg8[%dma_start3A_97, %dma_start3A_98] : memref<128x128xf32, #tpu.memory_space<vmem>> -> memref<128x128xf32, #tpu.memory_space<vmem>>
      tpu.enqueue_dma source(%dma_start3A_99 : memref<128x128xf32, #tpu.memory_space<vmem>>) target(%dma_start3A_96 : memref<128x128xf32, #tpu.memory_space<hbm>>) target_semaphore(%run_scoped3A_87 : memref<!tpu.dma_semaphore, #tpu.memory_space<semaphore_mem>>)
      %dma_wait3A = arith.constant 0 : i32
      %dma_wait3A_100 = arith.constant 0 : i32
      %dma_wait3A_101 = tpu.memref_slice %arg8[%dma_wait3A, %dma_wait3A_100] : memref<128x128xf32, #tpu.memory_space<vmem>> -> memref<128x128xf32, #tpu.memory_space<vmem>>
      %dma_wait3A_102 = arith.constant 0 : i32
      %dma_wait3A_103 = tpu.memref_slice %arg5[%arg0, %add3A_78, %dma_wait3A_102] : memref<2x10112x128xf32, #tpu.memory_space<hbm>> -> memref<1x128x128xf32, #tpu.memory_space<hbm>>
      %dma_wait3A_104 = tpu.memref_squeeze %dma_wait3A_103 : memref<1x128x128xf32, #tpu.memory_space<hbm>> -> memref<128x128xf32, #tpu.memory_space<hbm>>
      %dma_wait3A_105 = arith.constant 0 : i32
      %dma_wait3A_106 = tpu.memref_slice %arg5[%arg0, %add3A_78, %dma_wait3A_105] : memref<2x10112x128xf32, #tpu.memory_space<hbm>> -> memref<1x128x128xf32, #tpu.memory_space<hbm>>
      %dma_wait3A_107 = tpu.memref_squeeze %dma_wait3A_106 : memref<1x128x128xf32, #tpu.memory_space<hbm>> -> memref<128x128xf32, #tpu.memory_space<hbm>>
      %dma_wait3A_108 = arith.constant 0 : i32
      %dma_wait3A_109 = arith.constant 0 : i32
      %dma_wait3A_110 = tpu.memref_slice %arg8[%dma_wait3A_108, %dma_wait3A_109] : memref<128x128xf32, #tpu.memory_space<vmem>> -> memref<128x128xf32, #tpu.memory_space<vmem>>
      tpu.wait_dma2 semaphore(%run_scoped3A_87 : memref<!tpu.dma_semaphore, #tpu.memory_space<semaphore_mem>>) src(%dma_wait3A_110 : memref<128x128xf32, #tpu.memory_space<vmem>>) dst(%dma_wait3A_107 : memref<128x128xf32, #tpu.memory_space<hbm>>)
      tpu.yield
    }) : () -> ()
    %add3A_79 = arith.constant 384 : i32
    %add3A_80 = arith.addi %mul3A_26, %add3A_79 : i32
    "tpu.region"() ({
      %run_scoped3A_87 = tpu.sem_alloc : memref<!tpu.dma_semaphore, #tpu.memory_space<semaphore_mem>>
      %dma_start3A_88 = arith.constant 0 : i32
      %dma_start3A_89 = arith.constant 0 : i32
      %dma_start3A_90 = tpu.memref_slice %arg9[%dma_start3A_88, %dma_start3A_89] : memref<128x128xf32, #tpu.memory_space<vmem>> -> memref<128x128xf32, #tpu.memory_space<vmem>>
      %dma_start3A_91 = arith.constant 0 : i32
      %dma_start3A_92 = tpu.memref_slice %arg12[%add3A_80, %dma_start3A_91] : memref<10112x128xf32, #tpu.memory_space<vmem_shared>> -> memref<128x128xf32, #tpu.memory_space<vmem_shared>>
      %dma_start3A_93 = arith.constant 0 : i32
      %dma_start3A_94 = arith.constant 0 : i32
      %dma_start3A_95 = tpu.memref_slice %arg9[%dma_start3A_93, %dma_start3A_94] : memref<128x128xf32, #tpu.memory_space<vmem>> -> memref<128x128xf32, #tpu.memory_space<vmem>>
      %dma_start3A_96 = arith.constant 0 : i32
      %dma_start3A_97 = tpu.memref_slice %arg12[%add3A_80, %dma_start3A_96] : memref<10112x128xf32, #tpu.memory_space<vmem_shared>> -> memref<128x128xf32, #tpu.memory_space<vmem_shared>>
      tpu.enqueue_dma source(%dma_start3A_97 : memref<128x128xf32, #tpu.memory_space<vmem_shared>>) target(%dma_start3A_95 : memref<128x128xf32, #tpu.memory_space<vmem>>) target_semaphore(%run_scoped3A_87 : memref<!tpu.dma_semaphore, #tpu.memory_space<semaphore_mem>>)
      %dma_wait3A = arith.constant 0 : i32
      %dma_wait3A_98 = arith.constant 0 : i32
      %dma_wait3A_99 = tpu.memref_slice %arg9[%dma_wait3A, %dma_wait3A_98] : memref<128x128xf32, #tpu.memory_space<vmem>> -> memref<128x128xf32, #tpu.memory_space<vmem>>
      %dma_wait3A_100 = arith.constant 0 : i32
      %dma_wait3A_101 = tpu.memref_slice %arg12[%add3A_80, %dma_wait3A_100] : memref<10112x128xf32, #tpu.memory_space<vmem_shared>> -> memref<128x128xf32, #tpu.memory_space<vmem_shared>>
      %dma_wait3A_102 = arith.constant 0 : i32
      %dma_wait3A_103 = arith.constant 0 : i32
      %dma_wait3A_104 = tpu.memref_slice %arg9[%dma_wait3A_102, %dma_wait3A_103] : memref<128x128xf32, #tpu.memory_space<vmem>> -> memref<128x128xf32, #tpu.memory_space<vmem>>
      %dma_wait3A_105 = arith.constant 0 : i32
      %dma_wait3A_106 = tpu.memref_slice %arg12[%add3A_80, %dma_wait3A_105] : memref<10112x128xf32, #tpu.memory_space<vmem_shared>> -> memref<128x128xf32, #tpu.memory_space<vmem_shared>>
      tpu.wait_dma2 semaphore(%run_scoped3A_87 : memref<!tpu.dma_semaphore, #tpu.memory_space<semaphore_mem>>) src(%dma_wait3A_106 : memref<128x128xf32, #tpu.memory_space<vmem_shared>>) dst(%dma_wait3A_104 : memref<128x128xf32, #tpu.memory_space<vmem>>)
      tpu.yield
    }) : () -> ()
    %add3A_81 = arith.constant 384 : i32
    %add3A_82 = arith.addi %mul3A_26, %add3A_81 : i32
    "tpu.region"() ({
      %run_scoped3A_87 = tpu.sem_alloc : memref<!tpu.dma_semaphore, #tpu.memory_space<semaphore_mem>>
      %dma_start3A_88 = arith.constant 0 : i32
      %dma_start3A_89 = arith.constant 0 : i32
      %dma_start3A_90 = tpu.memref_slice %arg9[%dma_start3A_88, %dma_start3A_89] : memref<128x128xf32, #tpu.memory_space<vmem>> -> memref<128x128xf32, #tpu.memory_space<vmem>>
      %dma_start3A_91 = arith.constant 0 : i32
      %dma_start3A_92 = tpu.memref_slice %arg5[%arg0, %add3A_82, %dma_start3A_91] : memref<2x10112x128xf32, #tpu.memory_space<hbm>> -> memref<1x128x128xf32, #tpu.memory_space<hbm>>
      %dma_start3A_93 = tpu.memref_squeeze %dma_start3A_92 : memref<1x128x128xf32, #tpu.memory_space<hbm>> -> memref<128x128xf32, #tpu.memory_space<hbm>>
      %dma_start3A_94 = arith.constant 0 : i32
      %dma_start3A_95 = tpu.memref_slice %arg5[%arg0, %add3A_82, %dma_start3A_94] : memref<2x10112x128xf32, #tpu.memory_space<hbm>> -> memref<1x128x128xf32, #tpu.memory_space<hbm>>
      %dma_start3A_96 = tpu.memref_squeeze %dma_start3A_95 : memref<1x128x128xf32, #tpu.memory_space<hbm>> -> memref<128x128xf32, #tpu.memory_space<hbm>>
      %dma_start3A_97 = arith.constant 0 : i32
      %dma_start3A_98 = arith.constant 0 : i32
      %dma_start3A_99 = tpu.memref_slice %arg9[%dma_start3A_97, %dma_start3A_98] : memref<128x128xf32, #tpu.memory_space<vmem>> -> memref<128x128xf32, #tpu.memory_space<vmem>>
      tpu.enqueue_dma source(%dma_start3A_99 : memref<128x128xf32, #tpu.memory_space<vmem>>) target(%dma_start3A_96 : memref<128x128xf32, #tpu.memory_space<hbm>>) target_semaphore(%run_scoped3A_87 : memref<!tpu.dma_semaphore, #tpu.memory_space<semaphore_mem>>)
      %dma_wait3A = arith.constant 0 : i32
      %dma_wait3A_100 = arith.constant 0 : i32
      %dma_wait3A_101 = tpu.memref_slice %arg9[%dma_wait3A, %dma_wait3A_100] : memref<128x128xf32, #tpu.memory_space<vmem>> -> memref<128x128xf32, #tpu.memory_space<vmem>>
      %dma_wait3A_102 = arith.constant 0 : i32
      %dma_wait3A_103 = tpu.memref_slice %arg5[%arg0, %add3A_82, %dma_wait3A_102] : memref<2x10112x128xf32, #tpu.memory_space<hbm>> -> memref<1x128x128xf32, #tpu.memory_space<hbm>>
      %dma_wait3A_104 = tpu.memref_squeeze %dma_wait3A_103 : memref<1x128x128xf32, #tpu.memory_space<hbm>> -> memref<128x128xf32, #tpu.memory_space<hbm>>
      %dma_wait3A_105 = arith.constant 0 : i32
      %dma_wait3A_106 = tpu.memref_slice %arg5[%arg0, %add3A_82, %dma_wait3A_105] : memref<2x10112x128xf32, #tpu.memory_space<hbm>> -> memref<1x128x128xf32, #tpu.memory_space<hbm>>
      %dma_wait3A_107 = tpu.memref_squeeze %dma_wait3A_106 : memref<1x128x128xf32, #tpu.memory_space<hbm>> -> memref<128x128xf32, #tpu.memory_space<hbm>>
      %dma_wait3A_108 = arith.constant 0 : i32
      %dma_wait3A_109 = arith.constant 0 : i32
      %dma_wait3A_110 = tpu.memref_slice %arg9[%dma_wait3A_108, %dma_wait3A_109] : memref<128x128xf32, #tpu.memory_space<vmem>> -> memref<128x128xf32, #tpu.memory_space<vmem>>
      tpu.wait_dma2 semaphore(%run_scoped3A_87 : memref<!tpu.dma_semaphore, #tpu.memory_space<semaphore_mem>>) src(%dma_wait3A_110 : memref<128x128xf32, #tpu.memory_space<vmem>>) dst(%dma_wait3A_107 : memref<128x128xf32, #tpu.memory_space<hbm>>)
      tpu.yield
    }) : () -> ()
    %add3A_83 = arith.constant 512 : i32
    %add3A_84 = arith.addi %mul3A_26, %add3A_83 : i32
    "tpu.region"() ({
      %run_scoped3A_87 = tpu.sem_alloc : memref<!tpu.dma_semaphore, #tpu.memory_space<semaphore_mem>>
      %dma_start3A_88 = arith.constant 0 : i32
      %dma_start3A_89 = arith.constant 0 : i32
      %dma_start3A_90 = tpu.memref_slice %arg8[%dma_start3A_88, %dma_start3A_89] : memref<128x128xf32, #tpu.memory_space<vmem>> -> memref<120x128xf32, #tpu.memory_space<vmem>>
      %dma_start3A_91 = arith.constant 0 : i32
      %dma_start3A_92 = tpu.memref_slice %arg12[%add3A_84, %dma_start3A_91] : memref<10112x128xf32, #tpu.memory_space<vmem_shared>> -> memref<120x128xf32, #tpu.memory_space<vmem_shared>>
      %dma_start3A_93 = arith.constant 0 : i32
      %dma_start3A_94 = arith.constant 0 : i32
      %dma_start3A_95 = tpu.memref_slice %arg8[%dma_start3A_93, %dma_start3A_94] : memref<128x128xf32, #tpu.memory_space<vmem>> -> memref<120x128xf32, #tpu.memory_space<vmem>>
      %dma_start3A_96 = arith.constant 0 : i32
      %dma_start3A_97 = tpu.memref_slice %arg12[%add3A_84, %dma_start3A_96] : memref<10112x128xf32, #tpu.memory_space<vmem_shared>> -> memref<120x128xf32, #tpu.memory_space<vmem_shared>>
      tpu.enqueue_dma source(%dma_start3A_97 : memref<120x128xf32, #tpu.memory_space<vmem_shared>>) target(%dma_start3A_95 : memref<120x128xf32, #tpu.memory_space<vmem>>) target_semaphore(%run_scoped3A_87 : memref<!tpu.dma_semaphore, #tpu.memory_space<semaphore_mem>>)
      %dma_wait3A = arith.constant 0 : i32
      %dma_wait3A_98 = arith.constant 0 : i32
      %dma_wait3A_99 = tpu.memref_slice %arg8[%dma_wait3A, %dma_wait3A_98] : memref<128x128xf32, #tpu.memory_space<vmem>> -> memref<120x128xf32, #tpu.memory_space<vmem>>
      %dma_wait3A_100 = arith.constant 0 : i32
      %dma_wait3A_101 = tpu.memref_slice %arg12[%add3A_84, %dma_wait3A_100] : memref<10112x128xf32, #tpu.memory_space<vmem_shared>> -> memref<120x128xf32, #tpu.memory_space<vmem_shared>>
      %dma_wait3A_102 = arith.constant 0 : i32
      %dma_wait3A_103 = arith.constant 0 : i32
      %dma_wait3A_104 = tpu.memref_slice %arg8[%dma_wait3A_102, %dma_wait3A_103] : memref<128x128xf32, #tpu.memory_space<vmem>> -> memref<120x128xf32, #tpu.memory_space<vmem>>
      %dma_wait3A_105 = arith.constant 0 : i32
      %dma_wait3A_106 = tpu.memref_slice %arg12[%add3A_84, %dma_wait3A_105] : memref<10112x128xf32, #tpu.memory_space<vmem_shared>> -> memref<120x128xf32, #tpu.memory_space<vmem_shared>>
      tpu.wait_dma2 semaphore(%run_scoped3A_87 : memref<!tpu.dma_semaphore, #tpu.memory_space<semaphore_mem>>) src(%dma_wait3A_106 : memref<120x128xf32, #tpu.memory_space<vmem_shared>>) dst(%dma_wait3A_104 : memref<120x128xf32, #tpu.memory_space<vmem>>)
      tpu.yield
    }) : () -> ()
    %add3A_85 = arith.constant 512 : i32
    %add3A_86 = arith.addi %mul3A_26, %add3A_85 : i32
    "tpu.region"() ({
      %run_scoped3A_87 = tpu.sem_alloc : memref<!tpu.dma_semaphore, #tpu.memory_space<semaphore_mem>>
      %dma_start3A_88 = arith.constant 0 : i32
      %dma_start3A_89 = arith.constant 0 : i32
      %dma_start3A_90 = tpu.memref_slice %arg8[%dma_start3A_88, %dma_start3A_89] : memref<128x128xf32, #tpu.memory_space<vmem>> -> memref<120x128xf32, #tpu.memory_space<vmem>>
      %dma_start3A_91 = arith.constant 0 : i32
      %dma_start3A_92 = tpu.memref_slice %arg5[%arg0, %add3A_86, %dma_start3A_91] : memref<2x10112x128xf32, #tpu.memory_space<hbm>> -> memref<1x120x128xf32, #tpu.memory_space<hbm>>
      %dma_start3A_93 = tpu.memref_squeeze %dma_start3A_92 : memref<1x120x128xf32, #tpu.memory_space<hbm>> -> memref<120x128xf32, #tpu.memory_space<hbm>>
      %dma_start3A_94 = arith.constant 0 : i32
      %dma_start3A_95 = tpu.memref_slice %arg5[%arg0, %add3A_86, %dma_start3A_94] : memref<2x10112x128xf32, #tpu.memory_space<hbm>> -> memref<1x120x128xf32, #tpu.memory_space<hbm>>
      %dma_start3A_96 = tpu.memref_squeeze %dma_start3A_95 : memref<1x120x128xf32, #tpu.memory_space<hbm>> -> memref<120x128xf32, #tpu.memory_space<hbm>>
      %dma_start3A_97 = arith.constant 0 : i32
      %dma_start3A_98 = arith.constant 0 : i32
      %dma_start3A_99 = tpu.memref_slice %arg8[%dma_start3A_97, %dma_start3A_98] : memref<128x128xf32, #tpu.memory_space<vmem>> -> memref<120x128xf32, #tpu.memory_space<vmem>>
      tpu.enqueue_dma source(%dma_start3A_99 : memref<120x128xf32, #tpu.memory_space<vmem>>) target(%dma_start3A_96 : memref<120x128xf32, #tpu.memory_space<hbm>>) target_semaphore(%run_scoped3A_87 : memref<!tpu.dma_semaphore, #tpu.memory_space<semaphore_mem>>)
      %dma_wait3A = arith.constant 0 : i32
      %dma_wait3A_100 = arith.constant 0 : i32
      %dma_wait3A_101 = tpu.memref_slice %arg8[%dma_wait3A, %dma_wait3A_100] : memref<128x128xf32, #tpu.memory_space<vmem>> -> memref<120x128xf32, #tpu.memory_space<vmem>>
      %dma_wait3A_102 = arith.constant 0 : i32
      %dma_wait3A_103 = tpu.memref_slice %arg5[%arg0, %add3A_86, %dma_wait3A_102] : memref<2x10112x128xf32, #tpu.memory_space<hbm>> -> memref<1x120x128xf32, #tpu.memory_space<hbm>>
      %dma_wait3A_104 = tpu.memref_squeeze %dma_wait3A_103 : memref<1x120x128xf32, #tpu.memory_space<hbm>> -> memref<120x128xf32, #tpu.memory_space<hbm>>
      %dma_wait3A_105 = arith.constant 0 : i32
      %dma_wait3A_106 = tpu.memref_slice %arg5[%arg0, %add3A_86, %dma_wait3A_105] : memref<2x10112x128xf32, #tpu.memory_space<hbm>> -> memref<1x120x128xf32, #tpu.memory_space<hbm>>
      %dma_wait3A_107 = tpu.memref_squeeze %dma_wait3A_106 : memref<1x120x128xf32, #tpu.memory_space<hbm>> -> memref<120x128xf32, #tpu.memory_space<hbm>>
      %dma_wait3A_108 = arith.constant 0 : i32
      %dma_wait3A_109 = arith.constant 0 : i32
      %dma_wait3A_110 = tpu.memref_slice %arg8[%dma_wait3A_108, %dma_wait3A_109] : memref<128x128xf32, #tpu.memory_space<vmem>> -> memref<120x128xf32, #tpu.memory_space<vmem>>
      tpu.wait_dma2 semaphore(%run_scoped3A_87 : memref<!tpu.dma_semaphore, #tpu.memory_space<semaphore_mem>>) src(%dma_wait3A_110 : memref<120x128xf32, #tpu.memory_space<vmem>>) dst(%dma_wait3A_107 : memref<120x128xf32, #tpu.memory_space<hbm>>)
      tpu.yield
    }) : () -> ()
    return
  }
}

module attributes {stable_mosaic.version = 14 : i64} {
  func.func @_dense_in_body(%arg0: memref<10000x128xf32, #tpu.memory_space<vmem>>, %arg1: memref<128x128xf32, #tpu.memory_space<vmem>>, %arg2: memref<128xf32, #tpu.memory_space<vmem>>, %arg3: memref<128x128xf32, #tpu.memory_space<vmem>>, %arg4: memref<128xf32, #tpu.memory_space<vmem>>, %arg5: memref<128x128xf32, #tpu.memory_space<vmem>>, %arg6: memref<10000x128xf32, #tpu.memory_space<vmem>>, %arg7: memref<10000x128xf32, #tpu.memory_space<vmem>>) attributes {dimension_semantics = [], scalar_prefetch = 0 : i64, scratch_operands = 0 : i64, tpu.core_type = #tpu.core_type<tc>} {
    %get3A = arith.constant 0 : index
    %get3A_0 = arith.constant 0 : index
    %get3A_1 = vector.load %arg0[%get3A, %get3A_0] : memref<10000x128xf32, #tpu.memory_space<vmem>>, vector<10000x128xf32>
    %get3A_2 = arith.constant 0 : index
    %get3A_3 = arith.constant 0 : index
    %get3A_4 = vector.load %arg1[%get3A_2, %get3A_3] : memref<128x128xf32, #tpu.memory_space<vmem>>, vector<128x128xf32>
    %dot_general3A = arith.constant dense<0.000000e+00> : vector<10000x128xf32>
    %dot_general3A_5 = tpu.matmul %get3A_1, %get3A_4, %dot_general3A {dimension_numbers = #tpu.dot_dimension_numbers<[1], [0], [0], [1], [0, 0, 1, 1], [], []>, transpose_lhs_hint = false} : vector<10000x128xf32>, vector<128x128xf32>, vector<10000x128xf32> -> vector<10000x128xf32>
    %get3A_6 = arith.constant 0 : index
    %get3A_7 = vector.load %arg2[%get3A_6] : memref<128xf32, #tpu.memory_space<vmem>>, vector<128xf32>
    %broadcast_in_dim3A = vector.shape_cast %get3A_7 : vector<128xf32> to vector<1x128xf32>
    %add3A = vector.broadcast %broadcast_in_dim3A : vector<1x128xf32> to vector<10000x128xf32>
    %add3A_8 = arith.addf %dot_general3A_5, %add3A : vector<10000x128xf32>
    %get3A_9 = arith.constant 0 : index
    %get3A_10 = arith.constant 0 : index
    %get3A_11 = vector.load %arg3[%get3A_9, %get3A_10] : memref<128x128xf32, #tpu.memory_space<vmem>>, vector<128x128xf32>
    %dot_general3A_12 = arith.constant dense<0.000000e+00> : vector<10000x128xf32>
    %dot_general3A_13 = tpu.matmul %add3A_8, %get3A_11, %dot_general3A_12 {dimension_numbers = #tpu.dot_dimension_numbers<[1], [0], [0], [1], [0, 0, 1, 1], [], []>, transpose_lhs_hint = false} : vector<10000x128xf32>, vector<128x128xf32>, vector<10000x128xf32> -> vector<10000x128xf32>
    %swap3A = arith.constant 0 : index
    %swap3A_14 = arith.constant 0 : index
    %swap3A_15 = vector.load %arg6[%swap3A, %swap3A_14] : memref<10000x128xf32, #tpu.memory_space<vmem>>, vector<10000x128xf32>
    tpu.vector_store %arg6[%swap3A, %swap3A_14], %dot_general3A_13 {strides = array<i32>} : memref<10000x128xf32, #tpu.memory_space<vmem>>, vector<10000x128xf32>,
    %get3A_16 = arith.constant 0 : index
    %get3A_17 = arith.constant 0 : index
    %get3A_18 = vector.load %arg5[%get3A_16, %get3A_17] : memref<128x128xf32, #tpu.memory_space<vmem>>, vector<128x128xf32>
    %dot_general3A_19 = arith.constant dense<0.000000e+00> : vector<10000x128xf32>
    %dot_general3A_20 = tpu.matmul %add3A_8, %get3A_18, %dot_general3A_19 {dimension_numbers = #tpu.dot_dimension_numbers<[1], [0], [0], [1], [0, 0, 1, 1], [], []>, transpose_lhs_hint = false} : vector<10000x128xf32>, vector<128x128xf32>, vector<10000x128xf32> -> vector<10000x128xf32>
    %get3A_21 = arith.constant 0 : index
    %get3A_22 = vector.load %arg4[%get3A_21] : memref<128xf32, #tpu.memory_space<vmem>>, vector<128xf32>
    %broadcast_in_dim3A_23 = vector.shape_cast %get3A_22 : vector<128xf32> to vector<1x128xf32>
    %add3A_24 = vector.broadcast %broadcast_in_dim3A_23 : vector<1x128xf32> to vector<10000x128xf32>
    %add3A_25 = arith.addf %dot_general3A_20, %add3A_24 : vector<10000x128xf32>
    %swap3A_26 = arith.constant 0 : index
    %swap3A_27 = arith.constant 0 : index
    %swap3A_28 = vector.load %arg7[%swap3A_26, %swap3A_27] : memref<10000x128xf32, #tpu.memory_space<vmem>>, vector<10000x128xf32>
    tpu.vector_store %arg7[%swap3A_26, %swap3A_27], %add3A_25 {strides = array<i32>} : memref<10000x128xf32, #tpu.memory_space<vmem>>, vector<10000x128xf32>,
    return
  }
}

module attributes {stable_mosaic.version = 14 : i64} {
  func.func @_mid_body(%arg0: memref<10000x128xf32, #tpu.memory_space<vmem>>, %arg1: memref<10000x128xf32, #tpu.memory_space<vmem>>, %arg2: memref<10000x1xf32, #tpu.memory_space<vmem>>, %arg3: memref<10000x1xf32, #tpu.memory_space<vmem>>, %arg4: memref<10000x128xf32, #tpu.memory_space<vmem>>, %arg5: memref<128xf32, #tpu.memory_space<vmem>>, %arg6: memref<128xf32, #tpu.memory_space<vmem>>, %arg7: memref<128x128xf32, #tpu.memory_space<vmem>>, %arg8: memref<128xf32, #tpu.memory_space<vmem>>, %arg9: memref<128x128xf32, #tpu.memory_space<vmem>>, %arg10: memref<10000x128xf32, #tpu.memory_space<vmem>>, %arg11: memref<10000x128xf32, #tpu.memory_space<vmem>>) attributes {dimension_semantics = [], scalar_prefetch = 0 : i64, scratch_operands = 0 : i64, tpu.core_type = #tpu.core_type<tc>} {
    %get3A = arith.constant 0 : index
    %get3A_0 = arith.constant 0 : index
    %get3A_1 = vector.load %arg2[%get3A, %get3A_0] : memref<10000x1xf32, #tpu.memory_space<vmem>>, vector<10000x1xf32>
    %get3A_2 = arith.constant 0 : index
    %get3A_3 = arith.constant 0 : index
    %get3A_4 = vector.load %arg3[%get3A_2, %get3A_3] : memref<10000x1xf32, #tpu.memory_space<vmem>>, vector<10000x1xf32>
    %add3A = arith.addf %get3A_1, %get3A_4 : vector<10000x1xf32>
    %max3A = arith.constant 1.000000e+00 : f32
    %max3A_5 = vector.broadcast %max3A : f32 to vector<10000x1xf32>
    %max3A_6 = arith.maximumf %add3A, %max3A_5 : vector<10000x1xf32>
    %get3A_7 = arith.constant 0 : index
    %get3A_8 = arith.constant 0 : index
    %get3A_9 = vector.load %arg0[%get3A_7, %get3A_8] : memref<10000x128xf32, #tpu.memory_space<vmem>>, vector<10000x128xf32>
    %get3A_10 = arith.constant 0 : index
    %get3A_11 = arith.constant 0 : index
    %get3A_12 = vector.load %arg1[%get3A_10, %get3A_11] : memref<10000x128xf32, #tpu.memory_space<vmem>>, vector<10000x128xf32>
    %add3A_13 = arith.addf %get3A_9, %get3A_12 : vector<10000x128xf32>
    %div3A = vector.broadcast %max3A_6 : vector<10000x1xf32> to vector<10000x128xf32>
    %div3A_14 = arith.divf %add3A_13, %div3A : vector<10000x128xf32>
    %get3A_15 = arith.constant 0 : index
    %get3A_16 = arith.constant 0 : index
    %get3A_17 = vector.load %arg4[%get3A_15, %get3A_16] : memref<10000x128xf32, #tpu.memory_space<vmem>>, vector<10000x128xf32>
    %add3A_18 = arith.addf %div3A_14, %get3A_17 : vector<10000x128xf32>
    %reduce_sum3A = arith.constant dense<0.000000e+00> : vector<128xf32>
    %reduce_sum3A_19 = vector.multi_reduction <add>, %add3A_18, %reduce_sum3A [0] : vector<10000x128xf32> to vector<128xf32>
    %broadcast_in_dim3A = vector.shape_cast %reduce_sum3A_19 : vector<128xf32> to vector<1x128xf32>
    %div3A_20 = arith.constant 1.000000e+04 : f32
    %div3A_21 = vector.broadcast %div3A_20 : f32 to vector<1x128xf32>
    %div3A_22 = arith.divf %broadcast_in_dim3A, %div3A_21 : vector<1x128xf32>
    %sub3A = vector.broadcast %div3A_22 : vector<1x128xf32> to vector<10000x128xf32>
    %sub3A_23 = arith.subf %add3A_18, %sub3A : vector<10000x128xf32>
    %integer_pow3A = arith.mulf %sub3A_23, %sub3A_23 : vector<10000x128xf32>
    %reduce_sum3A_24 = arith.constant dense<0.000000e+00> : vector<128xf32>
    %reduce_sum3A_25 = vector.multi_reduction <add>, %integer_pow3A, %reduce_sum3A_24 [0] : vector<10000x128xf32> to vector<128xf32>
    %broadcast_in_dim3A_26 = vector.shape_cast %reduce_sum3A_25 : vector<128xf32> to vector<1x128xf32>
    %div3A_27 = arith.constant 1.000000e+04 : f32
    %div3A_28 = vector.broadcast %div3A_27 : f32 to vector<1x128xf32>
    %div3A_29 = arith.divf %broadcast_in_dim3A_26, %div3A_28 : vector<1x128xf32>
    %sub3A_30 = vector.broadcast %div3A_22 : vector<1x128xf32> to vector<10000x128xf32>
    %sub3A_31 = arith.subf %add3A_18, %sub3A_30 : vector<10000x128xf32>
    %add3A_32 = arith.constant 9.99999974E-6 : f32
    %add3A_33 = vector.broadcast %add3A_32 : f32 to vector<1x128xf32>
    %add3A_34 = arith.addf %div3A_29, %add3A_33 : vector<1x128xf32>
    %rsqrt3A = math.rsqrt %add3A_34 : vector<1x128xf32>
    %mul3A = vector.broadcast %rsqrt3A : vector<1x128xf32> to vector<10000x128xf32>
    %mul3A_35 = arith.mulf %sub3A_31, %mul3A : vector<10000x128xf32>
    %get3A_36 = arith.constant 0 : index
    %get3A_37 = vector.load %arg5[%get3A_36] : memref<128xf32, #tpu.memory_space<vmem>>, vector<128xf32>
    %broadcast_in_dim3A_38 = vector.shape_cast %get3A_37 : vector<128xf32> to vector<1x128xf32>
    %mul3A_39 = vector.broadcast %broadcast_in_dim3A_38 : vector<1x128xf32> to vector<10000x128xf32>
    %mul3A_40 = arith.mulf %mul3A_35, %mul3A_39 : vector<10000x128xf32>
    %get3A_41 = arith.constant 0 : index
    %get3A_42 = vector.load %arg6[%get3A_41] : memref<128xf32, #tpu.memory_space<vmem>>, vector<128xf32>
    %broadcast_in_dim3A_43 = vector.shape_cast %get3A_42 : vector<128xf32> to vector<1x128xf32>
    %add3A_44 = vector.broadcast %broadcast_in_dim3A_43 : vector<1x128xf32> to vector<10000x128xf32>
    %add3A_45 = arith.addf %mul3A_40, %add3A_44 : vector<10000x128xf32>
    %max3A_46 = arith.constant 0.000000e+00 : f32
    %max3A_47 = vector.broadcast %max3A_46 : f32 to vector<10000x128xf32>
    %max3A_48 = arith.maximumf %add3A_45, %max3A_47 : vector<10000x128xf32>
    %get3A_49 = arith.constant 0 : index
    %get3A_50 = arith.constant 0 : index
    %get3A_51 = vector.load %arg7[%get3A_49, %get3A_50] : memref<128x128xf32, #tpu.memory_space<vmem>>, vector<128x128xf32>
    %dot_general3A = arith.constant dense<0.000000e+00> : vector<10000x128xf32>
    %dot_general3A_52 = tpu.matmul %max3A_48, %get3A_51, %dot_general3A {dimension_numbers = #tpu.dot_dimension_numbers<[1], [0], [0], [1], [0, 0, 1, 1], [], []>, transpose_lhs_hint = false} : vector<10000x128xf32>, vector<128x128xf32>, vector<10000x128xf32> -> vector<10000x128xf32>
    %swap3A = arith.constant 0 : index
    %swap3A_53 = arith.constant 0 : index
    %swap3A_54 = vector.load %arg10[%swap3A, %swap3A_53] : memref<10000x128xf32, #tpu.memory_space<vmem>>, vector<10000x128xf32>
    tpu.vector_store %arg10[%swap3A, %swap3A_53], %dot_general3A_52 {strides = array<i32>} : memref<10000x128xf32, #tpu.memory_space<vmem>>, vector<10000x128xf32>,
    %get3A_55 = arith.constant 0 : index
    %get3A_56 = arith.constant 0 : index
    %get3A_57 = vector.load %arg9[%get3A_55, %get3A_56] : memref<128x128xf32, #tpu.memory_space<vmem>>, vector<128x128xf32>
    %dot_general3A_58 = arith.constant dense<0.000000e+00> : vector<10000x128xf32>
    %dot_general3A_59 = tpu.matmul %max3A_48, %get3A_57, %dot_general3A_58 {dimension_numbers = #tpu.dot_dimension_numbers<[1], [0], [0], [1], [0, 0, 1, 1], [], []>, transpose_lhs_hint = false} : vector<10000x128xf32>, vector<128x128xf32>, vector<10000x128xf32> -> vector<10000x128xf32>
    %get3A_60 = arith.constant 0 : index
    %get3A_61 = vector.load %arg8[%get3A_60] : memref<128xf32, #tpu.memory_space<vmem>>, vector<128xf32>
    %broadcast_in_dim3A_62 = vector.shape_cast %get3A_61 : vector<128xf32> to vector<1x128xf32>
    %add3A_63 = vector.broadcast %broadcast_in_dim3A_62 : vector<1x128xf32> to vector<10000x128xf32>
    %add3A_64 = arith.addf %dot_general3A_59, %add3A_63 : vector<10000x128xf32>
    %swap3A_65 = arith.constant 0 : index
    %swap3A_66 = arith.constant 0 : index
    %swap3A_67 = vector.load %arg11[%swap3A_65, %swap3A_66] : memref<10000x128xf32, #tpu.memory_space<vmem>>, vector<10000x128xf32>
    tpu.vector_store %arg11[%swap3A_65, %swap3A_66], %add3A_64 {strides = array<i32>} : memref<10000x128xf32, #tpu.memory_space<vmem>>, vector<10000x128xf32>,
    return
  }
}

module attributes {stable_mosaic.version = 14 : i64} {
  func.func @_out_body(%arg0: memref<10000x128xf32, #tpu.memory_space<vmem>>, %arg1: memref<10000x128xf32, #tpu.memory_space<vmem>>, %arg2: memref<10000x1xf32, #tpu.memory_space<vmem>>, %arg3: memref<10000x1xf32, #tpu.memory_space<vmem>>, %arg4: memref<10000x128xf32, #tpu.memory_space<vmem>>, %arg5: memref<128xf32, #tpu.memory_space<vmem>>, %arg6: memref<128xf32, #tpu.memory_space<vmem>>, %arg7: memref<128x40xf32, #tpu.memory_space<vmem>>, %arg8: memref<40xf32, #tpu.memory_space<vmem>>, %arg9: memref<10000x40xf32, #tpu.memory_space<vmem>>) attributes {dimension_semantics = [], scalar_prefetch = 0 : i64, scratch_operands = 0 : i64, tpu.core_type = #tpu.core_type<tc>} {
    %get3A = arith.constant 0 : index
    %get3A_0 = arith.constant 0 : index
    %get3A_1 = vector.load %arg2[%get3A, %get3A_0] : memref<10000x1xf32, #tpu.memory_space<vmem>>, vector<10000x1xf32>
    %get3A_2 = arith.constant 0 : index
    %get3A_3 = arith.constant 0 : index
    %get3A_4 = vector.load %arg3[%get3A_2, %get3A_3] : memref<10000x1xf32, #tpu.memory_space<vmem>>, vector<10000x1xf32>
    %add3A = arith.addf %get3A_1, %get3A_4 : vector<10000x1xf32>
    %max3A = arith.constant 1.000000e+00 : f32
    %max3A_5 = vector.broadcast %max3A : f32 to vector<10000x1xf32>
    %max3A_6 = arith.maximumf %add3A, %max3A_5 : vector<10000x1xf32>
    %get3A_7 = arith.constant 0 : index
    %get3A_8 = arith.constant 0 : index
    %get3A_9 = vector.load %arg0[%get3A_7, %get3A_8] : memref<10000x128xf32, #tpu.memory_space<vmem>>, vector<10000x128xf32>
    %get3A_10 = arith.constant 0 : index
    %get3A_11 = arith.constant 0 : index
    %get3A_12 = vector.load %arg1[%get3A_10, %get3A_11] : memref<10000x128xf32, #tpu.memory_space<vmem>>, vector<10000x128xf32>
    %add3A_13 = arith.addf %get3A_9, %get3A_12 : vector<10000x128xf32>
    %div3A = vector.broadcast %max3A_6 : vector<10000x1xf32> to vector<10000x128xf32>
    %div3A_14 = arith.divf %add3A_13, %div3A : vector<10000x128xf32>
    %get3A_15 = arith.constant 0 : index
    %get3A_16 = arith.constant 0 : index
    %get3A_17 = vector.load %arg4[%get3A_15, %get3A_16] : memref<10000x128xf32, #tpu.memory_space<vmem>>, vector<10000x128xf32>
    %add3A_18 = arith.addf %div3A_14, %get3A_17 : vector<10000x128xf32>
    %reduce_sum3A = arith.constant dense<0.000000e+00> : vector<128xf32>
    %reduce_sum3A_19 = vector.multi_reduction <add>, %add3A_18, %reduce_sum3A [0] : vector<10000x128xf32> to vector<128xf32>
    %broadcast_in_dim3A = vector.shape_cast %reduce_sum3A_19 : vector<128xf32> to vector<1x128xf32>
    %div3A_20 = arith.constant 1.000000e+04 : f32
    %div3A_21 = vector.broadcast %div3A_20 : f32 to vector<1x128xf32>
    %div3A_22 = arith.divf %broadcast_in_dim3A, %div3A_21 : vector<1x128xf32>
    %sub3A = vector.broadcast %div3A_22 : vector<1x128xf32> to vector<10000x128xf32>
    %sub3A_23 = arith.subf %add3A_18, %sub3A : vector<10000x128xf32>
    %integer_pow3A = arith.mulf %sub3A_23, %sub3A_23 : vector<10000x128xf32>
    %reduce_sum3A_24 = arith.constant dense<0.000000e+00> : vector<128xf32>
    %reduce_sum3A_25 = vector.multi_reduction <add>, %integer_pow3A, %reduce_sum3A_24 [0] : vector<10000x128xf32> to vector<128xf32>
    %broadcast_in_dim3A_26 = vector.shape_cast %reduce_sum3A_25 : vector<128xf32> to vector<1x128xf32>
    %div3A_27 = arith.constant 1.000000e+04 : f32
    %div3A_28 = vector.broadcast %div3A_27 : f32 to vector<1x128xf32>
    %div3A_29 = arith.divf %broadcast_in_dim3A_26, %div3A_28 : vector<1x128xf32>
    %sub3A_30 = vector.broadcast %div3A_22 : vector<1x128xf32> to vector<10000x128xf32>
    %sub3A_31 = arith.subf %add3A_18, %sub3A_30 : vector<10000x128xf32>
    %add3A_32 = arith.constant 9.99999974E-6 : f32
    %add3A_33 = vector.broadcast %add3A_32 : f32 to vector<1x128xf32>
    %add3A_34 = arith.addf %div3A_29, %add3A_33 : vector<1x128xf32>
    %rsqrt3A = math.rsqrt %add3A_34 : vector<1x128xf32>
    %mul3A = vector.broadcast %rsqrt3A : vector<1x128xf32> to vector<10000x128xf32>
    %mul3A_35 = arith.mulf %sub3A_31, %mul3A : vector<10000x128xf32>
    %get3A_36 = arith.constant 0 : index
    %get3A_37 = vector.load %arg5[%get3A_36] : memref<128xf32, #tpu.memory_space<vmem>>, vector<128xf32>
    %broadcast_in_dim3A_38 = vector.shape_cast %get3A_37 : vector<128xf32> to vector<1x128xf32>
    %mul3A_39 = vector.broadcast %broadcast_in_dim3A_38 : vector<1x128xf32> to vector<10000x128xf32>
    %mul3A_40 = arith.mulf %mul3A_35, %mul3A_39 : vector<10000x128xf32>
    %get3A_41 = arith.constant 0 : index
    %get3A_42 = vector.load %arg6[%get3A_41] : memref<128xf32, #tpu.memory_space<vmem>>, vector<128xf32>
    %broadcast_in_dim3A_43 = vector.shape_cast %get3A_42 : vector<128xf32> to vector<1x128xf32>
    %add3A_44 = vector.broadcast %broadcast_in_dim3A_43 : vector<1x128xf32> to vector<10000x128xf32>
    %add3A_45 = arith.addf %mul3A_40, %add3A_44 : vector<10000x128xf32>
    %max3A_46 = arith.constant 0.000000e+00 : f32
    %max3A_47 = vector.broadcast %max3A_46 : f32 to vector<10000x128xf32>
    %max3A_48 = arith.maximumf %add3A_45, %max3A_47 : vector<10000x128xf32>
    %get3A_49 = arith.constant 0 : index
    %get3A_50 = arith.constant 0 : index
    %get3A_51 = vector.load %arg7[%get3A_49, %get3A_50] : memref<128x40xf32, #tpu.memory_space<vmem>>, vector<128x40xf32>
    %dot_general3A = arith.constant dense<0.000000e+00> : vector<10000x40xf32>
    %dot_general3A_52 = tpu.matmul %max3A_48, %get3A_51, %dot_general3A {dimension_numbers = #tpu.dot_dimension_numbers<[1], [0], [0], [1], [0, 0, 1, 1], [], []>, transpose_lhs_hint = false} : vector<10000x128xf32>, vector<128x40xf32>, vector<10000x40xf32> -> vector<10000x40xf32>
    %get3A_53 = arith.constant 0 : index
    %get3A_54 = vector.load %arg8[%get3A_53] : memref<40xf32, #tpu.memory_space<vmem>>, vector<40xf32>
    %broadcast_in_dim3A_55 = vector.shape_cast %get3A_54 : vector<40xf32> to vector<1x40xf32>
    %add3A_56 = vector.broadcast %broadcast_in_dim3A_55 : vector<1x40xf32> to vector<10000x40xf32>
    %add3A_57 = arith.addf %dot_general3A_52, %add3A_56 : vector<10000x40xf32>
    %swap3A = arith.constant 0 : index
    %swap3A_58 = arith.constant 0 : index
    %swap3A_59 = vector.load %arg9[%swap3A, %swap3A_58] : memref<10000x40xf32, #tpu.memory_space<vmem>>, vector<10000x40xf32>
    tpu.vector_store %arg9[%swap3A, %swap3A_58], %add3A_57 {strides = array<i32>} : memref<10000x40xf32, #tpu.memory_space<vmem>>, vector<10000x40xf32>,
    return
  }
}

</mosaic_0001>

<sc_bundles>
// kernel: sc_agg.4.cloned.1.call-start
scs
__scs_entry_jumppad:
0x0: {  	(pc) =	sbr.rel $0x88, $3  }
0x1: {  	(tag) =	ssettag $0x0;
	lr =	simm.s32 $0x1  }
0x2: {  	[smem:$0x3F8C] =	sst lr;
	_ =	strace $0xD0000000  }
0x3: {  	_ = 	snop  }
0x4: {  	_ = 	snop  }
0x5: {  	_ = 	snop  }
0x6: {  	_ = 	snop  }
0x7: {  	_ = 	snop  }
__scs_overlays_trampoline_lowered:
0x8: {  	[smem:$0x3F9B] =	sst s0  }
0x9: {  	[smem:$0x3F9C] =	sst s1  }
0xa: {  	[smem:$0x3F9D] =	sst s2  }
0xb: {  	[smem:$0x3F9E] =	sst s3  }
0xc: {  	[smem:$0x3F9F] =	sst s4  }
0xd: {  	[smem:$0x3FA0] =	sst s5  }
0xe: {  	[smem:$0x3FA1] =	sst s6  }
0xf: {  	[smem:$0x3FA2] =	sst s7  }
0x10: {  	[smem:$0x3FA3] =	sst s8  }
0x11: {  	[smem:$0x3FA4] =	sst s9;
	s0 =	simm.s32 @!p0 $0x0  }
0x12: {  	s1 =	sld [smem:$0x3F8A];
	s0 =	simm.s32 @p0 $0x1  }
0x13: {  	[smem:$0x3FA5] =	sst s0;
	s0 =	simm.s32 @!p1 $0x0  }
0x14: {  	s2 =	sld [smem:$0x3F89];
	s0 =	simm.s32 @p1 $0x1  }
0x15: {  	[smem:$0x3FA6] =	sst s0;
	s0 =	simm.s32 @!p2 $0x0  }
0x16: {  	s3 =	sld [smem:$0x3FDB];
	s0 =	simm.s32 @p2 $0x1  }
0x17: {  	s4 =	simm.s32 $0x1BF5;
	[smem:$0x3FA8] =	sst s0  }
0x18: {  	s0 =	sld [smem:$0x3F8B];
	_ =	swait.ge [sflag:s4], $0x0  }
0x19: {  	s7 =	sld [smem:$0x3F8C]  }
0x1a: {  	s8 =	sadd.s32 $0xFFFFE003, lr  }
0x1b: {  	s9 =	sadd.s32 $0xFFFFFEF7, lr;
	s5 =	simm.s32 $0xFFFFFFFF;
	p2 =	slt.u32 s8, $0xFFFFF086  }
0x1c: {  	p1 =	slt.u32 s9, $0xF7A;
	s5 =	simm.s32 @!p2 $0x0  }
0x1d: {  	s5 =	simm.s32 @p1 $0x1;
	p0 =	seq.s32 s7, s2  }
0x1e: {  	s7 =	smul.u32 @!p0 $0xF7A, s2;
	p2 =	seq.s32 @!p0 s5, $0x0  }
0x1f: {  	s9 =	smul.u32 $0xF7A, s1;
	s8 =	simm.s32 @!p0 $0x1BF5;
	p2 =	por !p2, p0  }
0x20: {  	[sflag:s8] =	ssyncset.s32 @!p0 $0xFFFFF086;
	s6 =	sadd.s32 @!p0 s3, s7;
	s7 =	simm.s32 @!p0 $0x108  }
0x21: {  	s3 =	sadd.s32 s3, s9;
	s6 =	sadd.s32 @!p0 $0x88, s6;
	s7 =	simm.s32 @p2 $0x1082  }
0x22: {  	[simem:s7], [sflag:s8] =	dma.local @!p0 [hbm:s6], $0xF7A  }
0x23: {  	s9 =	sor.u32 $0xD0000000, s2;
	s6 =	simm.s32 $0x108;
	_ =	swait.ge @!p0 [sflag:s8], $0x0  }
0x24: {  	s3 =	sadd.s32 $0x88, s3;
	s6 =	simm.s32 @!p1 $0x1082;
	[sflag:s4] =	ssyncset.s32 $0xFFFFF086  }
0x25: {  	[simem:s6], [sflag:s4] =	dma.local [hbm:s3], $0xF7A  }
0x26: {  	[smem:$0x3F8C] =	sst s1;
	(tag) =	ssettag s2;
	_ =	strace s9  }
0x27: {  	s1 =	sld [smem:$0x3F9C]  }
0x28: {  	s2 =	sld [smem:$0x3F9D]  }
0x29: {  	s4 =	sld [smem:$0x3F9F]  }
0x2a: {  	p0 =	seq.s32 s5, $0x0;
	s5 =	sld [smem:$0x3FA0]  }
0x2b: {  	s6 =	sld [smem:$0x3FA1]  }
0x2c: {  	s7 =	sld [smem:$0x3FA2]  }
0x2d: {  	s3 =	simm.s32 $0x108;
	s8 =	sld [smem:$0x3FA3]  }
0x2e: {  	s3 =	simm.s32 @!p0 $0x1082;
	s9 =	sld [smem:$0x3FA4]  }
0x2f: {  	lr =	sadd.s32 s0, s3;
	s0 =	sld [smem:$0x3F9B]  }
0x30: {  	s3 =	sld [smem:$0x3F9E]  }
0x31: {  	[smem:$0x3FA7] =	sst s10  }
0x32: {  	s10 =	sld [smem:$0x3FA5];
	_ =	sdelay $0x3  }
0x33: {  	p0 =	seq.s32 s10, $0x1;
	s10 =	sld [smem:$0x3FA7];
	_ =	sdelay $0x3  }
0x34: {  	[smem:$0x3FA7] =	sst s10  }
0x35: {  	s10 =	sld [smem:$0x3FA6];
	_ =	sdelay $0x3  }
0x36: {  	p1 =	seq.s32 s10, $0x1;
	s10 =	sld [smem:$0x3FA7];
	_ =	sdelay $0x3  }
0x37: {  	[smem:$0x3FA7] =	sst s10  }
0x38: {  	s10 =	sld [smem:$0x3FA8]  }
0x39: {  	_ = 	snop;
	(pc) =	sbr.ind lr, $3  }
0x3a: {  	_ = 	snop  }
0x3b: {  	_ = 	snop  }
0x3c: {  	p2 =	seq.s32 s10, $0x1;
	s10 =	sld [smem:$0x3FA7]  }
0x3d: {  	_ =	shalt  }
0x3e: {  	_ =	shalt  }
0x3f: {  	_ =	shalt  }
0x40: {  	_ =	shalt  }
0x41: {  	_ =	shalt  }
0x42: {  	_ =	shalt  }
0x43: {  	_ =	shalt  }
0x44: {  	_ =	shalt  }
0x45: {  	_ =	shalt  }
0x46: {  	_ =	shalt  }
0x47: {  	_ =	shalt  }
0x48: {  	_ =	shalt  }
0x49: {  	_ =	shalt  }
0x4a: {  	_ =	shalt  }
0x4b: {  	_ =	shalt  }
0x4c: {  	_ =	shalt  }
0x4d: {  	_ =	shalt  }
0x4e: {  	_ =	shalt  }
0x4f: {  	_ =	shalt  }
0x50: {  	_ =	shalt  }
0x51: {  	_ =	shalt  }
0x52: {  	_ =	shalt  }
0x53: {  	_ =	shalt  }
0x54: {  	_ =	shalt  }
0x55: {  	_ =	shalt  }
0x56: {  	_ =	shalt  }
0x57: {  	_ =	shalt  }
0x58: {  	_ =	shalt  }
0x59: {  	_ =	shalt  }
0x5a: {  	_ =	shalt  }
0x5b: {  	_ =	shalt  }
0x5c: {  	_ =	shalt  }
0x5d: {  	_ =	shalt  }
0x5e: {  	_ =	shalt  }
0x5f: {  	_ =	shalt  }
0x60: {  	_ =	shalt  }
0x61: {  	_ =	shalt  }
0x62: {  	_ =	shalt  }
0x63: {  	_ =	shalt  }
0x64: {  	_ =	shalt  }
0x65: {  	_ =	shalt  }
0x66: {  	_ =	shalt  }
0x67: {  	_ =	shalt  }
0x68: {  	_ =	shalt  }
0x69: {  	_ =	shalt  }
0x6a: {  	_ =	shalt  }
0x6b: {  	_ =	shalt  }
0x6c: {  	_ =	shalt  }
0x6d: {  	_ =	shalt  }
0x6e: {  	_ =	shalt  }
0x6f: {  	_ =	shalt  }
0x70: {  	_ =	shalt  }
0x71: {  	_ =	shalt  }
0x72: {  	_ =	shalt  }
0x73: {  	_ =	shalt  }
0x74: {  	_ =	shalt  }
0x75: {  	_ =	shalt  }
0x76: {  	_ =	shalt  }
0x77: {  	_ =	shalt  }
0x78: {  	_ =	shalt  }
0x79: {  	_ =	shalt  }
0x7a: {  	_ =	shalt  }
0x7b: {  	_ =	shalt  }
0x7c: {  	_ =	shalt  }
0x7d: {  	_ =	shalt  }
0x7e: {  	_ =	shalt  }
0x7f: {  	_ =	shalt  }
0x80: {  	_ =	shalt  }
0x81: {  	_ =	shalt  }
0x82: {  	_ =	shalt  }
0x83: {  	_ =	shalt  }
0x84: {  	_ =	shalt  }
0x85: {  	_ =	shalt  }
0x86: {  	_ =	shalt  }
0x87: {  	_ =	shalt  }
.Lfunc_end0:
.L_simem_size_0:
called_computation.1_lowered:
.L_overlay_start_0:
0x88: {  	s2 =	sld [smem:$0x3FD9]  }
0x89: {  	s3 =	sld [smem:$0x3FFE];
	_ =	sdelay $0x1  }
0x8a: {  	s1 =	srdreg.scid  }
0x8b: {  	s0 =	sand.u32 $0x1, s1  }
0x8c: {  	s17 =	sshll.u32 s0, $0xA;
	s2 =	sadd.s32 s3, s2  }
0x8d: {  	s2 =	sadd.s32 s2, s17  }
0x8e: {  	[smem:$0x3FB3] =	sst s2  }
0x8f: {  	_ = 	snop  }
0x90: {  	s2 =	sld [smem:$0x3FD0];
	(tm) =	ssettm $0x1  }
0x91: {  	s18 =	sld [smem:$0x3FFB];
	_ =	sdelay $0x3  }
0x92: {  	_ =	strace s18  }
0x93: {  	s3 =	sld [smem:$0x3FFC];
	_ =	sdelay $0x3  }
0x94: {  	_ =	strace s3  }
0x95: {  	s3 =	sld [smem:$0x3FFD];
	_ =	sdelay $0x3  }
0x96: {  	_ =	strace s3  }
0x97: {  	_ =	strace $0x8FFFFFFF  }
0x98: {  	s19 =	sld [smem:$0x3FDB];
	_ =	sdelay $0x1  }
0x99: {  	s4 =	simm.s32 $_scs_section_size  }
0x9a: {  	s5 =	simm.s32 $_size__tile_overlayer_lowered;
	s6 =	simm.s32 $_tile_overlayer_lowered  }
0x9b: {  	s22 =	simm.s32 $0x1BFF;
	s21 =	sshll.u32 s6, $0x1;
	s3 =	sadd.s32 s4, s19  }
0x9c: {  	s7 =	simm.s32 $0x0;
	s20 =	sshll.u32 s5, $0x1;
	s5 =	sadd.s32 s21, s3  }
0x9d: {  	[timem:s7], [sflag:s22] =	dma.local [hbm:s5], s20  }
0x9e: {  	_ =	swait.ge [sflag:s22], s20  }
0x9f: {  	s4 =	ssub.s32 $0x0, s20;
	[sflag:s22] =	ssyncset.done $0x0  }
0xa0: {  	[sflag:s22] =	ssyncadd.s32 s4;
	_ =	sdelay $0x1  }
0xa1: {  	s23 =	simm.s32 $0x1B8B  }
0xa2: {  	_ =	swait.ge [sflag:s23], $0x1  }
0xa3: {  	[sflag:s23] =	ssyncset.done $0x0  }
0xa4: {  	s25 =	simm.s32 $0x1B8E;
	s24 =	sld [smem:$0x3FFE];
	[sflag:s23] =	ssyncadd.s32 $0xFFFFFFFF  }
0xa5: {  	s26 =	simm.s32 $execute0_lowered;
	[smem:$0x3FD2] =	sst s25  }
0xa6: {  	s5 =	sshll.u32 s26, $0x1;
	_ =	strace $0x80000049;
	[dreg:$0x1] =	wrdreg $0xFFFFFFFF  }
0xa7: {  	s28 =	simm.s32 $_size_execute0_lowered;
	s3 =	sadd.s32 s3, s5;
	[dreg:$0x0] =	wrdreg $0x0  }
0xa8: {  	s5 =	sshll.u32 s28, $0x1;
	[dreg:$0x2] =	wrdreg s3  }
0xa9: {  	[dreg:$0x3] =	wrdreg s5  }
0xaa: {  	[dreg:$0x4] =	wrdreg $0xC0  }
0xab: {  	_ =	task [dreg:s7], $0x5FFFF  }
0xac: {  	[dreg:$0x1] =	wrdreg $0xFFFFFFFF  }
0xad: {  	[dreg:$0x0] =	wrdreg $0x60  }
0xae: {  	[dreg:$0x2] =	wrdreg s24  }
0xaf: {  	[dreg:$0x3] =	wrdreg s2  }
0xb0: {  	[dreg:$0x4] =	wrdreg $0x98000  }
0xb1: {  	[dreg:$0x5] =	wrdreg $0x9  }
0xb2: {  	_ =	task.clear_ibuf [dreg:s7], $0x6FFFF;
	_ =	strace $0x90000049  }
0xb3: {  	s29 =	simm.s32 $0x9;
	_ =	strace $0x8000004B  }
0xb4: {  	_ =	swait.ge [sflag:s29], $0x1  }
0xb5: {  	[sflag:s29] =	ssyncadd.s32 $0xFFFFFFFF  }
0xb6: {  	_ =	strace $0x9000004B  }
0xb7: {  	_ =	sfence  }
0xb8: {  	s30 =	sld [smem:$0x0];
	_ =	sdelay $0x2  }
0xb9: {  	s31 =	sshll.u32 s1, $0xD;
	s1 =	sshrl.u32 s1, $0x2  }
0xba: {  	s3 =	sand.u32 $0x4000, s31;
	s1 =	sadd.s32 s1, s30  }
0xbb: {  	s0 =	sor.u32 s3, s0;
	s1 =	sshll.u32 s1, $0x11  }
0xbc: {  	s0 =	sor.u32 s1, s0  }
0xbd: {  	s0 =	sadd.s32 $0x8F2B, s0  }
0xbe: {  	[sflag:s0] =	ssyncadd.remote.s32 $0x1  }
0xbf: {  	_ =	sfence.sel $0xFFFF  }
0xc0: {  	[dreg:$0x0] =	wrdreg $0xFFFFFFFF;
	(pc) =	sbr.abs _section_cstart, $3  }
0xc1: {  	[dreg:$0x1] =	wrdreg $0xFFFFFFFF  }
0xc2: {  	_ =	task.clear_ibuf [dreg:s7], $0x2FFFF;
	_ =	strace $0x9FFFFFFF  }
0xc3: {  	(tm) =	ssettm $0x7FFFFFFF  }
tec
execute0_lowered:
.L_overlay_start_1:
0x0: {  	(tag) =	ssettag $0x1  }
0x1: {  	s0 =	rddreg [dreg:$0x0]  }
0x2: {  	s1 =	rddreg [dreg:$0x1]  }
0x3: {  	s2 =	rddreg [dreg:$0x2];
	s3 =	simm.s32 $0x0  }
0x4: {  	s4 =	srdreg.scid;
	s13 =	stileid.u32;
	s7 =	simm.s32 $0x70  }
0x5: {  	s28 =	simm.s32 $0x3;
	s29 =	simm.s32 $0x1;
	s30 =	simm.s32 $0x2  }
0x6: {  	s31 =	simm.s32 $0x0;
	[smem:$0x7FF] =	sst s3;
	s10 =	smul.u32 $0x70, s13  }
0x7: {  	s5 =	sadd.s32 $0x5600, s0;
	s6 =	sadd.s32 $0x36800, s0;
	s9 =	smul.u32 $0x30, s13  }
0x8: {  	s4 =	sand.u32 $0x1, s4;
	s0 =	sadd.s32 $0xD4600, s0;
	s11 =	smul.u32 $0x4F000, s13  }
0x9: {  	s15 =	smul.u32 $0x13C00, s13;
	_ =	strace $0x8000004A;
	s8 =	ssub.s32 $0x2, s4  }
0xa: {  	p0 =	seq.s32 s4, $0x0;
	s4 =	smul.u32 $0x13C000, s4;
	s12 =	sshrl.u32 s8, $0x1  }
0xb: {  	s7 =	simm.s32 @!p0 $0x30;
	s9 =	sadd.s32 $0x700, s9;
	s24 =	sshrl.u32 s11, $0x2  }
0xc: {  	s16 =	sadd.s32 $0x4000, s15;
	s18 =	sadd.s32 $0x8000, s15;
	s19 =	sadd.s32 $0xC000, s15  }
0xd: {  	s20 =	sadd.s32 $0x10000, s15;
	s17 =	ssub.s32 s8, s12;
	s8 =	sshrl.u32 s7, $0x4  }
0xe: {  	s9 =	smov.u32 @p0 s10;
	s10 =	sadd.s32 s24, s2;
	s11 =	sadd.s32 s16, s2  }
0xf: {  	s12 =	sadd.s32 s18, s2;
	s13 =	sadd.s32 s19, s2;
	s22 =	sadd.s32 s20, s2  }
0x10: {  	s15 =	sadd.s32 s15, s4;
	s16 =	sadd.s32 s4, s16;
	s23 =	sadd.s32 s4, s19  }
0x11: {  	s21 =	sshll.u32 s9, $0x4;
	s15 =	sshrl.u32 s15, $0x3;
	[dreg:$0x4] =	wrdreg s12  }
0x12: {  	s26 =	sshrl.u32 s16, $0x3;
	s16 =	sshll.u32 s9, $0x7;
	[dreg:$0x5] =	wrdreg s13  }
0x13: {  	[dreg:$0x6] =	wrdreg s22;
	s25 =	sadd.s32 s5, s21;
	s14 =	sadd.s32 s0, s15  }
0x14: {  	s15 =	sadd.s32 s0, s26;
	s21 =	sadd.s32 s4, s18;
	[dreg:$0x7] =	wrdreg s25  }
0x15: {  	s4 =	sadd.s32 s4, s20;
	s18 =	sshrl.u32 s23, $0x3;
	[dreg:$0x8] =	wrdreg s14  }
0x16: {  	s26 =	smax.u32 s17, $0x1;
	s23 =	simm.s32 $0x1800;
	[dreg:$0x9] =	wrdreg s15  }
0x17: {  	s15 =	sshrl.u32 s21, $0x3;
	s25 =	sadd.s32 s0, s18;
	[dreg:$0xd] =	wrdreg s26  }
0x18: {  	s4 =	sshrl.u32 s4, $0x3;
	s24 =	sadd.s32 s0, s15;
	[dreg:$0xb] =	wrdreg s25  }
0x19: {  	s26 =	simm.s32 $0x1000;
	s0 =	sadd.s32 s0, s4;
	[dreg:$0xa] =	wrdreg s24  }
0x1a: {  	v0 =	vimm.f32 $0.0e+00;
	s25 =	simm.s32 $0x5800;
	[dreg:$0xc] =	wrdreg s0;
	s24 =	simm.s32 $0x80  }
.LBB2_1:
0x1b: {  	s0 =	simm.s32 $0x0;
	s4 =	simm.s32 $0x200  }
.LBB2_2:
0x1c: {  	p0 =	sne.s32 s4, $0xFE00;
	[tilespmem:s0+$0x1870] =	vst v0  }
0x1d: {  	[tilespmem:s0+$0x1800] =	vst v0  }
0x1e: {  	[tilespmem:s0+$0x1810] =	vst v0  }
.Ltmp0:
0x1f: {  	[tilespmem:s0+$0x1820] =	vst v0;
	(pc) =	sbr.rel @p0 .LBB2_2-.Ltmp0, $4  }
0x20: {  	[tilespmem:s0+$0x1830] =	vst v0  }
0x21: {  	[tilespmem:s0+$0x1840] =	vst v0  }
0x22: {  	[tilespmem:s0+$0x1850] =	vst v0  }
0x23: {  	[tilespmem:s0+$0x1860] =	vst v0;
	s0 =	sshra.s32 s4, $0x2;
	s4 =	sadd.s32 $0x200, s4  }
0x24: {  	[tilespmem:s0+$0x1870] =	vst v0  }
0x25: {  	[tilespmem:s0+$0x1800] =	vst v0  }
0x26: {  	[tilespmem:s0+$0x1810] =	vst v0  }
0x27: {  	[tilespmem:s0+$0x1820] =	vst v0  }
0x28: {  	[tilespmem:s0+$0x1830] =	vst v0  }
0x29: {  	[tilespmem:s0+$0x1840] =	vst v0  }
0x2a: {  	[tilespmem:s0+$0x1850] =	vst v0  }
0x2b: {  	[tilespmem:s0+$0x1860] =	vst v0;
	s0 =	simm.s32 $0x3  }
0x2c: {  	[spmem:s10] =	stream.linear.scatter [tilespmem:s23], [sflag:$0x3], $0x4000, $0x38;
	[tilespmem:$0x1D400] =	vst v63  }
0x2d: {  	_ =	swait.ge [sflag:s0], $0x4000  }
0x2e: {  	[sflag:s0] =	ssyncset.done $0x0  }
0x2f: {  	[sflag:s0] =	ssyncadd.s32 $0xFFFFC000  }
0x30: {  	[spmem:s11] =	stream.linear.scatter [tilespmem:s23], [sflag:$0x3], $0x4000, $0x38;
	[tilespmem:$0x1D400] =	vst v63  }
0x31: {  	_ =	swait.ge [sflag:s0], $0x4000  }
0x32: {  	[sflag:s0] =	ssyncset.done $0x0  }
0x33: {  	[sflag:s0] =	ssyncadd.s32 $0xFFFFC000  }
0x34: {  	[spmem:s12] =	stream.linear.scatter [tilespmem:s23], [sflag:$0x3], $0x4000, $0x38;
	[tilespmem:$0x1D400] =	vst v63  }
0x35: {  	_ =	swait.ge [sflag:s0], $0x4000  }
0x36: {  	[sflag:s0] =	ssyncset.done $0x0  }
0x37: {  	[sflag:s0] =	ssyncadd.s32 $0xFFFFC000  }
0x38: {  	[spmem:s13] =	stream.linear.scatter [tilespmem:s23], [sflag:$0x3], $0x4000, $0x38;
	[tilespmem:$0x1D400] =	vst v63  }
0x39: {  	_ =	swait.ge [sflag:s0], $0x4000  }
0x3a: {  	[sflag:s0] =	ssyncset.done $0x0  }
0x3b: {  	[sflag:s0] =	ssyncadd.s32 $0xFFFFC000  }
0x3c: {  	[spmem:s22] =	stream.linear.scatter [tilespmem:s23], [sflag:$0x3], $0x3C00, $0x38;
	[tilespmem:$0x1D400] =	vst v63  }
0x3d: {  	_ =	swait.ge [sflag:s0], $0x3C00  }
0x3e: {  	[sflag:s0] =	ssyncset.done $0x0  }
0x3f: {  	[sflag:s0] =	ssyncadd.s32 $0xFFFFC400  }
0x40: {  	[bflag:$0x0] =	sbarrier.arrive $0xFFFF  }
0x41: {  	s4 =	simm.s32 $0x0;
	s22 =	rddreg [dreg:$0x7]  }
0x42: {  	[tilespmem:s4], [sflag:$0x3] =	stream.linear.gather [hbm4b:s22+s4], $0x800, $0x38;
	[tilespmem:$0x1D400] =	vst v63  }
0x43: {  	_ =	swait.ge [sflag:s0], $0x800  }
0x44: {  	[sflag:s0] =	ssyncset.done $0x0  }
0x45: {  	s14 =	smov.u32 s10;
	[sflag:s0] =	ssyncadd.s32 $0xFFFFF800  }
0x46: {  	[tilespmem:s23], [sflag:$0x1] =	stream.indirect.gather [hbm4b:s6+s24], $0x80, s4, s24, $0xb8;
	[tilespmem:$0x1D400] =	vst v63  }
0x47: {  	s3 =	smov.u32 s11;
	s15 =	simm.s32 $0x180;
	s17 =	simm.s32 $0x0  }
0x48: {  	[tilespmem:s25], [sflag:$0x2] =	stream.indirect.gather [hbm4b:s6+s24], $0x80, s24, s24, $0xb8;
	[tilespmem:$0x1D400] =	vst v63  }
.LBB2_5:
0x49: {  	s18 =	smov.u32 s17;
	s17 =	sadd.s32 $0x1, s17  }
0x4a: {  	p0 =	sge.u32 s17, s8  }
0x4b: {  	s19 =	sshll.u32 @!p0 s17, $0xB  }
0x4c: {  	s20 =	sadd.s32 @!p0 s16, s19  }
0x4d: {  	s20 =	sshrl.u32 @!p0 s20, $0x3  }
0x4e: {  	s21 =	simm.s32 @!p0 $0x0;
	s19 =	sand.u32 @!p0 $0x800, s19;
	s20 =	sadd.s32 @!p0 s5, s20  }
0x4f: {  	[tilespmem:s19], [sflag:$0x3] =	stream.linear.gather @!p0 [hbm4b:s20+s21], $0x800, $0x38;
	[tilespmem:$0x1D400] =	vst v63  }
0x50: {  	s18 =	sshll.u32 s18, $0x4;
	s19 =	simm.s32 @!p0 $0x3  }
0x51: {  	s18 =	sadd.s32 s9, s18;
	_ =	swait.ge @!p0 [sflag:s19], $0x800  }
0x52: {  	s18 =	sshll.u32 s18, $0x4;
	[sflag:s19] =	ssyncset.done @!p0 $0x0  }
0x53: {  	s18 =	sadd.s32 s1, s18;
	[sflag:s19] =	ssyncadd.s32 @!p0 $0xFFFFF800  }
0x54: {  	[tilespmem:s26], [sflag:$0x3] =	stream.linear.gather [hbm4b:s18+s4], $0x800, $0x38;
	[tilespmem:$0x1D400] =	vst v63  }
0x55: {  	_ =	swait.ge [sflag:s28], $0x800  }
0x56: {  	[sflag:s28] =	ssyncset.done $0x0  }
0x57: {  	[sflag:s28] =	ssyncadd.s32 $0xFFFFF800  }
0x58: {  	_ =	swait.ge [sflag:s29], $0x4000  }
0x59: {  	[sflag:s29] =	ssyncset.done $0x0  }
0x5a: {  	s20 =	simm.s32 $0x1000;
	s21 =	sadd.s32 $0xFFFFFFFF, s0;
	[sflag:s29] =	ssyncadd.s32 $0xFFFFC000  }
0x5b: {  	[spmem:s2] =	stream.indirect.scatter.add.f32 [tilespmem:s23], [sflag:$0x3], $0x80, s20, s24, $0xb8;
	[tilespmem:$0x1D400] =	vst v63  }
0x5c: {  	p0 =	sge.u32 s21, s7;
	_ =	swait.ge [sflag:s28], $0x4000  }
0x5d: {  	s18 =	sadd.s32 @!p0 $0xFFFFFF80, s15;
	s19 =	simm.s32 @!p0 $0x1800;
	[sflag:s28] =	ssyncset.done $0x0  }
0x5e: {  	s18 =	sand.u32 @!p0 $0xF00, s18;
	s20 =	simm.s32 @!p0 $0x80;
	[sflag:s28] =	ssyncadd.s32 $0xFFFFC000  }
0x5f: {  	[tilespmem:s19], [sflag:$0x1] =	stream.indirect.gather @!p0 [hbm4b:s6+s20], $0x80, s18, s20, $0xb8;
	[tilespmem:$0x1D400] =	vst v63  }
0x60: {  	_ =	swait.ge [sflag:s30], $0x4000  }
0x61: {  	p1 =	sge.u32 s0, s7;
	[sflag:s30] =	ssyncset.done $0x0  }
0x62: {  	s22 =	simm.s32 $0x1080;
	s21 =	sand.u32 @!p1 $0xF80, s15;
	[sflag:s30] =	ssyncadd.s32 $0xFFFFC000  }
0x63: {  	[spmem:s2] =	stream.indirect.scatter.add.f32 [tilespmem:s25], [sflag:$0x3], $0x80, s22, s24, $0xb8;
	[tilespmem:$0x1D400] =	vst v63  }
0x64: {  	s18 =	simm.s32 $0x400;
	s19 =	sadd.s32 $0x2, s0;
	_ =	swait.ge [sflag:s28], $0x4000  }
0x65: {  	s20 =	sadd.s32 $0x100, s15;
	s22 =	simm.s32 @!p1 $0x80;
	[sflag:s28] =	ssyncset.done $0x0  }
.LBB2_6:
0x66: {  	[sflag:s28] =	ssyncadd.s32 $0xFFFFC000;
	s10 =	simm.s32 @!p1 $0x5800;
	s11 =	smov.u32 s18  }
0x67: {  	s18 =	sadd.s32 $0x400, s18;
	s12 =	smov.u32 s19;
	s13 =	smov.u32 s20  }
0x68: {  	[tilespmem:s10], [sflag:$0x2] =	stream.indirect.gather @!p1 [hbm4b:s6+s22], $0x80, s21, s22, $0xb8;
	[tilespmem:$0x1D400] =	vst v63  }
0x69: {  	s10 =	sshra.s32 s11, $0x2;
	p0 =	seq.s32 s18, $0x2000;
	_ =	swait.ge [sflag:s29], $0x4000  }
0x6a: {  	s21 =	sadd.s32 $0xFFFFFFFF, s19;
	s11 =	sadd.s32 $0x1000, s10;
	[sflag:s29] =	ssyncset.done $0x0  }
0x6b: {  	p1 =	sge.u32 s21, s7;
	[sflag:s29] =	ssyncadd.s32 $0xFFFFC000  }
0x6c: {  	[spmem:s2] =	stream.indirect.scatter.add.f32 [tilespmem:s23], [sflag:$0x3], $0x80, s11, s24, $0xb8;
	[tilespmem:$0x1D400] =	vst v63  }
0x6d: {  	s21 =	simm.s32 @!p1 $0x1800;
	s11 =	sadd.s32 @!p1 $0xFFFFFF80, s20;
	_ =	swait.ge [sflag:s28], $0x4000  }
0x6e: {  	s22 =	simm.s32 @!p1 $0x80;
	s11 =	sand.u32 @!p1 $0xF00, s11;
	[sflag:s28] =	ssyncset.done $0x0  }
0x6f: {  	[sflag:s28] =	ssyncadd.s32 $0xFFFFC000  }
0x70: {  	[tilespmem:s21], [sflag:$0x1] =	stream.indirect.gather @!p1 [hbm4b:s6+s22], $0x80, s11, s22, $0xb8;
	[tilespmem:$0x1D400] =	vst v63  }
0x71: {  	_ =	swait.ge [sflag:s30], $0x4000  }
.Ltmp1:
0x72: {  	s10 =	sadd.s32 $0x1080, s10;
	[sflag:s30] =	ssyncset.done $0x0;
	(pc) =	sbr.rel @!p0 .LBB2_6-.Ltmp1, $4  }
0x73: {  	s19 =	sadd.s32 $0x2, s19;
	[sflag:s30] =	ssyncadd.s32 $0xFFFFC000  }
0x74: {  	[spmem:s2] =	stream.indirect.scatter.add.f32 [tilespmem:s25], [sflag:$0x3], $0x80, s10, s24, $0xb8;
	[tilespmem:$0x1D400] =	vst v63  }
0x75: {  	s20 =	sadd.s32 $0x100, s20;
	p1 =	sge.u32 s12, s7;
	_ =	swait.ge [sflag:s28], $0x4000  }
0x76: {  	s21 =	sand.u32 @!p1 $0xF80, s13;
	s22 =	simm.s32 @!p1 $0x80;
	[sflag:s28] =	ssyncset.done $0x0  }
0x77: {  	[sflag:s28] =	ssyncadd.s32 $0xFFFFC000;
	s10 =	simm.s32 @!p1 $0x5800  }
0x78: {  	[tilespmem:s10], [sflag:$0x2] =	stream.indirect.gather @!p1 [hbm4b:s6+s22], $0x80, s21, s22, $0xb8;
	[tilespmem:$0x1D400] =	vst v63  }
0x79: {  	p0 =	seq.s32 s17, s8  }
.Ltmp2:
0x7a: {  	_ = 	snop;
	(pc) =	sbr.rel @!p0 .LBB2_5-.Ltmp2, $2  }
0x7b: {  	_ =	sdelay $0x2  }
0x7c: {  	s15 =	sadd.s32 $0x800, s15;
	s0 =	sadd.s32 $0x10, s0  }
0x7d: {  	[bflag:$0x0] =	sbarrier.arrive $0xFFFF  }
0x7e: {  	[tilespmem:s23], [sflag:$0x3] =	stream.linear.gather [spmem:s14], $0x4000, $0x38;
	[tilespmem:$0x1D400] =	vst v63  }
0x7f: {  	_ =	swait.ge [sflag:s28], $0x4000  }
0x80: {  	[sflag:s28] =	ssyncset.done $0x0  }
0x81: {  	s0 =	simm.s32 $0x0;
	s4 =	rddreg [dreg:$0x8];
	[sflag:s28] =	ssyncadd.s32 $0xFFFFC000  }
0x82: {  	[hbm4b:s4+s0] =	stream.linear.scatter [tilespmem:s23], [sflag:$0x3], $0x4000, $0x38;
	[tilespmem:$0x1D400] =	vst v63  }
0x83: {  	_ =	swait.ge [sflag:s28], $0x4000  }
0x84: {  	[sflag:s28] =	ssyncset.done $0x0  }
0x85: {  	[sflag:s28] =	ssyncadd.s32 $0xFFFFC000  }
0x86: {  	[tilespmem:s25], [sflag:$0x3] =	stream.linear.gather [spmem:s3], $0x4000, $0x38;
	[tilespmem:$0x1D400] =	vst v63  }
0x87: {  	_ =	swait.ge [sflag:s28], $0x4000  }
0x88: {  	[sflag:s28] =	ssyncset.done $0x0  }
0x89: {  	s17 =	rddreg [dreg:$0x9];
	[sflag:s28] =	ssyncadd.s32 $0xFFFFC000  }
0x8a: {  	[hbm4b:s17+s0] =	stream.linear.scatter [tilespmem:s25], [sflag:$0x3], $0x4000, $0x38;
	[tilespmem:$0x1D400] =	vst v63  }
0x8b: {  	_ =	swait.ge [sflag:s28], $0x4000  }
0x8c: {  	[sflag:s28] =	ssyncset.done $0x0  }
0x8d: {  	s12 =	rddreg [dreg:$0x4];
	[sflag:s28] =	ssyncadd.s32 $0xFFFFC000  }
0x8e: {  	[tilespmem:s23], [sflag:$0x3] =	stream.linear.gather [spmem:s12], $0x4000, $0x38;
	[tilespmem:$0x1D400] =	vst v63  }
0x8f: {  	_ =	swait.ge [sflag:s28], $0x4000  }
0x90: {  	[sflag:s28] =	ssyncset.done $0x0  }
0x91: {  	s18 =	rddreg [dreg:$0xa];
	[sflag:s28] =	ssyncadd.s32 $0xFFFFC000  }
0x92: {  	[hbm4b:s18+s0] =	stream.linear.scatter [tilespmem:s23], [sflag:$0x3], $0x4000, $0x38;
	[tilespmem:$0x1D400] =	vst v63  }
0x93: {  	_ =	swait.ge [sflag:s28], $0x4000  }
0x94: {  	[sflag:s28] =	ssyncset.done $0x0  }
0x95: {  	s13 =	rddreg [dreg:$0x5];
	[sflag:s28] =	ssyncadd.s32 $0xFFFFC000  }
0x96: {  	[tilespmem:s25], [sflag:$0x3] =	stream.linear.gather [spmem:s13], $0x4000, $0x38;
	[tilespmem:$0x1D400] =	vst v63  }
0x97: {  	_ =	swait.ge [sflag:s28], $0x4000  }
0x98: {  	[sflag:s28] =	ssyncset.done $0x0  }
0x99: {  	s19 =	rddreg [dreg:$0xb];
	[sflag:s28] =	ssyncadd.s32 $0xFFFFC000  }
0x9a: {  	[hbm4b:s19+s0] =	stream.linear.scatter [tilespmem:s25], [sflag:$0x3], $0x4000, $0x38;
	[tilespmem:$0x1D400] =	vst v63  }
0x9b: {  	_ =	swait.ge [sflag:s28], $0x4000  }
0x9c: {  	[sflag:s28] =	ssyncset.done $0x0  }
0x9d: {  	s22 =	rddreg [dreg:$0x6];
	[sflag:s28] =	ssyncadd.s32 $0xFFFFC000  }
0x9e: {  	[tilespmem:s23], [sflag:$0x3] =	stream.linear.gather [spmem:s22], $0x3C00, $0x38;
	[tilespmem:$0x1D400] =	vst v63  }
0x9f: {  	_ =	swait.ge [sflag:s28], $0x3C00  }
0xa0: {  	[sflag:s28] =	ssyncset.done $0x0  }
0xa1: {  	s20 =	rddreg [dreg:$0xc];
	[sflag:s28] =	ssyncadd.s32 $0xFFFFC400  }
0xa2: {  	[hbm4b:s20+s0] =	stream.linear.scatter [tilespmem:s23], [sflag:$0x3], $0x3C00, $0x38;
	[tilespmem:$0x1D400] =	vst v63  }
0xa3: {  	_ =	swait.ge [sflag:s28], $0x3C00  }
0xa4: {  	s31 =	sadd.s32 $0x1, s31;
	s21 =	rddreg [dreg:$0xd]  }
0xa5: {  	p0 =	sne.s32 s31, s21  }
.Ltmp3:
0xa6: {  	_ = 	snop;
	(pc) =	sbr.rel @p0 .LBB2_1-.Ltmp3, $3  }
0xa7: {  	_ =	sdelay $0x1  }
0xa8: {  	[sflag:s28] =	ssyncset.done $0x0  }
0xa9: {  	s10 =	smov.u32 s14;
	s11 =	smov.u32 s3;
	[sflag:s28] =	ssyncadd.s32 $0xFFFFC400  }
0xaa: {  	_ =	sfence.sel $0x180000  }
0xab: {  	[bflag:$0x0] =	sbarrier.arrive $0xFFFF  }
0xac: {  	_ =	strace $0x9000004A  }
0xad: {  	s0 =	stileid.u32;
	[bflag:$0x2] =	sbarrier.arrive $0xFFFF  }
0xae: {  	p0 =	sne.s32 s0, $0x0;
	s0 =	rddreg [dreg:$0x3]  }
0xaf: {  	s0 =	sadd.s32 @!p0 $0x100000, s0  }
0xb0: {  	[sflag:s0] =	ssyncadd.tile.s32 @!p0 $0x1;
	_ =	shalt  }
.Lfunc_end2:
_tile_overlayer_lowered:
.L_overlay_start_2:
0xb1: {  	(tag) =	ssettag $0x2  }
0xb2: {  	s0 =	rddreg [dreg:$0x0];
	s2 =	stileid.u32  }
0xb3: {  	s1 =	rddreg [dreg:$0x1];
	p0 =	sne.s32 s2, $0x0  }
0xb4: {  	s3 =	rddreg [dreg:$0x2];
	[bflag:$0x3] =	sbarrier.arrive $0xFFFF;
	s2 =	simm.s32 @!p0 $0x1C03  }
0xb5: {  	[timem:s3], [sflag:s2] =	dma.local @!p0 [hbm:s0], s1  }
0xb6: {  	s0 =	simm.s32 @!p0 $0x3  }
0xb7: {  	_ =	swait.ge @!p0 [sflag:s0], s1  }
0xb8: {  	s1 =	ssub.s32 @!p0 $0x0, s1;
	[sflag:s0] =	ssyncset.done @!p0 $0x0  }
0xb9: {  	[sflag:s0] =	ssyncadd.s32 @!p0 s1  }
0xba: {  	[bflag:$0x3] =	sbarrier.arrive $0xFFFF  }
0xbb: {  	_ =	shalt  }

// kernel: sc_agg.7.cloned.1.call-start
scs
__scs_entry_jumppad:
0x0: {  	(pc) =	sbr.rel $0x88, $3  }
0x1: {  	(tag) =	ssettag $0x0;
	lr =	simm.s32 $0x1  }
0x2: {  	[smem:$0x3F8C] =	sst lr;
	_ =	strace $0xD0000000  }
0x3: {  	_ = 	snop  }
0x4: {  	_ = 	snop  }
0x5: {  	_ = 	snop  }
0x6: {  	_ = 	snop  }
0x7: {  	_ = 	snop  }
__scs_overlays_trampoline_lowered:
0x8: {  	[smem:$0x3F9B] =	sst s0  }
0x9: {  	[smem:$0x3F9C] =	sst s1  }
0xa: {  	[smem:$0x3F9D] =	sst s2  }
0xb: {  	[smem:$0x3F9E] =	sst s3  }
0xc: {  	[smem:$0x3F9F] =	sst s4  }
0xd: {  	[smem:$0x3FA0] =	sst s5  }
0xe: {  	[smem:$0x3FA1] =	sst s6  }
0xf: {  	[smem:$0x3FA2] =	sst s7  }
0x10: {  	[smem:$0x3FA3] =	sst s8  }
0x11: {  	[smem:$0x3FA4] =	sst s9;
	s0 =	simm.s32 @!p0 $0x0  }
0x12: {  	s1 =	sld [smem:$0x3F8A];
	s0 =	simm.s32 @p0 $0x1  }
0x13: {  	[smem:$0x3FA5] =	sst s0;
	s0 =	simm.s32 @!p1 $0x0  }
0x14: {  	s2 =	sld [smem:$0x3F89];
	s0 =	simm.s32 @p1 $0x1  }
0x15: {  	[smem:$0x3FA6] =	sst s0;
	s0 =	simm.s32 @!p2 $0x0  }
0x16: {  	s3 =	sld [smem:$0x3FDB];
	s0 =	simm.s32 @p2 $0x1  }
0x17: {  	s4 =	simm.s32 $0x1BF5;
	[smem:$0x3FA8] =	sst s0  }
0x18: {  	s0 =	sld [smem:$0x3F8B];
	_ =	swait.ge [sflag:s4], $0x0  }
0x19: {  	s7 =	sld [smem:$0x3F8C]  }
0x1a: {  	s8 =	sadd.s32 $0xFFFFE003, lr  }
0x1b: {  	s9 =	sadd.s32 $0xFFFFFEF7, lr;
	s5 =	simm.s32 $0xFFFFFFFF;
	p2 =	slt.u32 s8, $0xFFFFF086  }
0x1c: {  	p1 =	slt.u32 s9, $0xF7A;
	s5 =	simm.s32 @!p2 $0x0  }
0x1d: {  	s5 =	simm.s32 @p1 $0x1;
	p0 =	seq.s32 s7, s2  }
0x1e: {  	s7 =	smul.u32 @!p0 $0xF7A, s2;
	p2 =	seq.s32 @!p0 s5, $0x0  }
0x1f: {  	s9 =	smul.u32 $0xF7A, s1;
	s8 =	simm.s32 @!p0 $0x1BF5;
	p2 =	por !p2, p0  }
0x20: {  	[sflag:s8] =	ssyncset.s32 @!p0 $0xFFFFF086;
	s6 =	sadd.s32 @!p0 s3, s7;
	s7 =	simm.s32 @!p0 $0x108  }
0x21: {  	s3 =	sadd.s32 s3, s9;
	s6 =	sadd.s32 @!p0 $0x88, s6;
	s7 =	simm.s32 @p2 $0x1082  }
0x22: {  	[simem:s7], [sflag:s8] =	dma.local @!p0 [hbm:s6], $0xF7A  }
0x23: {  	s9 =	sor.u32 $0xD0000000, s2;
	s6 =	simm.s32 $0x108;
	_ =	swait.ge @!p0 [sflag:s8], $0x0  }
0x24: {  	s3 =	sadd.s32 $0x88, s3;
	s6 =	simm.s32 @!p1 $0x1082;
	[sflag:s4] =	ssyncset.s32 $0xFFFFF086  }
0x25: {  	[simem:s6], [sflag:s4] =	dma.local [hbm:s3], $0xF7A  }
0x26: {  	[smem:$0x3F8C] =	sst s1;
	(tag) =	ssettag s2;
	_ =	strace s9  }
0x27: {  	s1 =	sld [smem:$0x3F9C]  }
0x28: {  	s2 =	sld [smem:$0x3F9D]  }
0x29: {  	s4 =	sld [smem:$0x3F9F]  }
0x2a: {  	p0 =	seq.s32 s5, $0x0;
	s5 =	sld [smem:$0x3FA0]  }
0x2b: {  	s6 =	sld [smem:$0x3FA1]  }
0x2c: {  	s7 =	sld [smem:$0x3FA2]  }
0x2d: {  	s3 =	simm.s32 $0x108;
	s8 =	sld [smem:$0x3FA3]  }
0x2e: {  	s3 =	simm.s32 @!p0 $0x1082;
	s9 =	sld [smem:$0x3FA4]  }
0x2f: {  	lr =	sadd.s32 s0, s3;
	s0 =	sld [smem:$0x3F9B]  }
0x30: {  	s3 =	sld [smem:$0x3F9E]  }
0x31: {  	[smem:$0x3FA7] =	sst s10  }
0x32: {  	s10 =	sld [smem:$0x3FA5];
	_ =	sdelay $0x3  }
0x33: {  	p0 =	seq.s32 s10, $0x1;
	s10 =	sld [smem:$0x3FA7];
	_ =	sdelay $0x3  }
0x34: {  	[smem:$0x3FA7] =	sst s10  }
0x35: {  	s10 =	sld [smem:$0x3FA6];
	_ =	sdelay $0x3  }
0x36: {  	p1 =	seq.s32 s10, $0x1;
	s10 =	sld [smem:$0x3FA7];
	_ =	sdelay $0x3  }
0x37: {  	[smem:$0x3FA7] =	sst s10  }
0x38: {  	s10 =	sld [smem:$0x3FA8]  }
0x39: {  	_ = 	snop;
	(pc) =	sbr.ind lr, $3  }
0x3a: {  	_ = 	snop  }
0x3b: {  	_ = 	snop  }
0x3c: {  	p2 =	seq.s32 s10, $0x1;
	s10 =	sld [smem:$0x3FA7]  }
0x3d: {  	_ =	shalt  }
0x3e: {  	_ =	shalt  }
0x3f: {  	_ =	shalt  }
0x40: {  	_ =	shalt  }
0x41: {  	_ =	shalt  }
0x42: {  	_ =	shalt  }
0x43: {  	_ =	shalt  }
0x44: {  	_ =	shalt  }
0x45: {  	_ =	shalt  }
0x46: {  	_ =	shalt  }
0x47: {  	_ =	shalt  }
0x48: {  	_ =	shalt  }
0x49: {  	_ =	shalt  }
0x4a: {  	_ =	shalt  }
0x4b: {  	_ =	shalt  }
0x4c: {  	_ =	shalt  }
0x4d: {  	_ =	shalt  }
0x4e: {  	_ =	shalt  }
0x4f: {  	_ =	shalt  }
0x50: {  	_ =	shalt  }
0x51: {  	_ =	shalt  }
0x52: {  	_ =	shalt  }
0x53: {  	_ =	shalt  }
0x54: {  	_ =	shalt  }
0x55: {  	_ =	shalt  }
0x56: {  	_ =	shalt  }
0x57: {  	_ =	shalt  }
0x58: {  	_ =	shalt  }
0x59: {  	_ =	shalt  }
0x5a: {  	_ =	shalt  }
0x5b: {  	_ =	shalt  }
0x5c: {  	_ =	shalt  }
0x5d: {  	_ =	shalt  }
0x5e: {  	_ =	shalt  }
0x5f: {  	_ =	shalt  }
0x60: {  	_ =	shalt  }
0x61: {  	_ =	shalt  }
0x62: {  	_ =	shalt  }
0x63: {  	_ =	shalt  }
0x64: {  	_ =	shalt  }
0x65: {  	_ =	shalt  }
0x66: {  	_ =	shalt  }
0x67: {  	_ =	shalt  }
0x68: {  	_ =	shalt  }
0x69: {  	_ =	shalt  }
0x6a: {  	_ =	shalt  }
0x6b: {  	_ =	shalt  }
0x6c: {  	_ =	shalt  }
0x6d: {  	_ =	shalt  }
0x6e: {  	_ =	shalt  }
0x6f: {  	_ =	shalt  }
0x70: {  	_ =	shalt  }
0x71: {  	_ =	shalt  }
0x72: {  	_ =	shalt  }
0x73: {  	_ =	shalt  }
0x74: {  	_ =	shalt  }
0x75: {  	_ =	shalt  }
0x76: {  	_ =	shalt  }
0x77: {  	_ =	shalt  }
0x78: {  	_ =	shalt  }
0x79: {  	_ =	shalt  }
0x7a: {  	_ =	shalt  }
0x7b: {  	_ =	shalt  }
0x7c: {  	_ =	shalt  }
0x7d: {  	_ =	shalt  }
0x7e: {  	_ =	shalt  }
0x7f: {  	_ =	shalt  }
0x80: {  	_ =	shalt  }
0x81: {  	_ =	shalt  }
0x82: {  	_ =	shalt  }
0x83: {  	_ =	shalt  }
0x84: {  	_ =	shalt  }
0x85: {  	_ =	shalt  }
0x86: {  	_ =	shalt  }
0x87: {  	_ =	shalt  }
.Lfunc_end0:
.L_simem_size_0:
called_computation.2_lowered:
.L_overlay_start_0:
0x88: {  	s2 =	sld [smem:$0x3FD9]  }
0x89: {  	s3 =	sld [smem:$0x3FFE];
	_ =	sdelay $0x1  }
0x8a: {  	s1 =	srdreg.scid  }
0x8b: {  	s0 =	sand.u32 $0x1, s1  }
0x8c: {  	s17 =	sshll.u32 s0, $0xA;
	s2 =	sadd.s32 s3, s2  }
0x8d: {  	s2 =	sadd.s32 s2, s17  }
0x8e: {  	[smem:$0x3FB3] =	sst s2  }
0x8f: {  	_ = 	snop  }
0x90: {  	s2 =	sld [smem:$0x3FD0];
	(tm) =	ssettm $0x1  }
0x91: {  	s18 =	sld [smem:$0x3FFB];
	_ =	sdelay $0x3  }
0x92: {  	_ =	strace s18  }
0x93: {  	s3 =	sld [smem:$0x3FFC];
	_ =	sdelay $0x3  }
0x94: {  	_ =	strace s3  }
0x95: {  	s3 =	sld [smem:$0x3FFD];
	_ =	sdelay $0x3  }
0x96: {  	_ =	strace s3  }
0x97: {  	_ =	strace $0x8FFFFFFF  }
0x98: {  	s19 =	sld [smem:$0x3FDB];
	_ =	sdelay $0x1  }
0x99: {  	s4 =	simm.s32 $_scs_section_size  }
0x9a: {  	s5 =	simm.s32 $_size__tile_overlayer_lowered;
	s6 =	simm.s32 $_tile_overlayer_lowered  }
0x9b: {  	s22 =	simm.s32 $0x1BFF;
	s21 =	sshll.u32 s6, $0x1;
	s3 =	sadd.s32 s4, s19  }
0x9c: {  	s7 =	simm.s32 $0x0;
	s20 =	sshll.u32 s5, $0x1;
	s5 =	sadd.s32 s21, s3  }
0x9d: {  	[timem:s7], [sflag:s22] =	dma.local [hbm:s5], s20  }
0x9e: {  	_ =	swait.ge [sflag:s22], s20  }
0x9f: {  	s4 =	ssub.s32 $0x0, s20;
	[sflag:s22] =	ssyncset.done $0x0  }
0xa0: {  	[sflag:s22] =	ssyncadd.s32 s4;
	_ =	sdelay $0x1  }
0xa1: {  	s23 =	simm.s32 $0x1B8B  }
0xa2: {  	_ =	swait.ge [sflag:s23], $0x1  }
0xa3: {  	[sflag:s23] =	ssyncset.done $0x0  }
0xa4: {  	s25 =	simm.s32 $0x1B8E;
	s24 =	sld [smem:$0x3FFE];
	[sflag:s23] =	ssyncadd.s32 $0xFFFFFFFF  }
0xa5: {  	s26 =	simm.s32 $execute0_lowered;
	[smem:$0x3FD2] =	sst s25  }
0xa6: {  	s5 =	sshll.u32 s26, $0x1;
	_ =	strace $0x8000004C;
	[dreg:$0x1] =	wrdreg $0xFFFFFFFF  }
0xa7: {  	s28 =	simm.s32 $_size_execute0_lowered;
	s3 =	sadd.s32 s3, s5;
	[dreg:$0x0] =	wrdreg $0x0  }
0xa8: {  	s5 =	sshll.u32 s28, $0x1;
	[dreg:$0x2] =	wrdreg s3  }
0xa9: {  	[dreg:$0x3] =	wrdreg s5  }
0xaa: {  	[dreg:$0x4] =	wrdreg $0xC0  }
0xab: {  	_ =	task [dreg:s7], $0x5FFFF  }
0xac: {  	[dreg:$0x1] =	wrdreg $0xFFFFFFFF  }
0xad: {  	[dreg:$0x0] =	wrdreg $0x60  }
0xae: {  	[dreg:$0x2] =	wrdreg s24  }
0xaf: {  	[dreg:$0x3] =	wrdreg s2  }
0xb0: {  	[dreg:$0x4] =	wrdreg $0x98000  }
0xb1: {  	[dreg:$0x5] =	wrdreg $0x9  }
0xb2: {  	_ =	task.clear_ibuf [dreg:s7], $0x6FFFF;
	_ =	strace $0x9000004C  }
0xb3: {  	s29 =	simm.s32 $0x9;
	_ =	strace $0x8000004E  }
0xb4: {  	_ =	swait.ge [sflag:s29], $0x1  }
0xb5: {  	[sflag:s29] =	ssyncadd.s32 $0xFFFFFFFF  }
0xb6: {  	_ =	strace $0x9000004E  }
0xb7: {  	_ =	sfence  }
0xb8: {  	s30 =	sld [smem:$0x0];
	_ =	sdelay $0x2  }
0xb9: {  	s31 =	sshll.u32 s1, $0xD;
	s1 =	sshrl.u32 s1, $0x2  }
0xba: {  	s3 =	sand.u32 $0x4000, s31;
	s1 =	sadd.s32 s1, s30  }
0xbb: {  	s0 =	sor.u32 s3, s0;
	s1 =	sshll.u32 s1, $0x11  }
0xbc: {  	s0 =	sor.u32 s1, s0  }
0xbd: {  	s0 =	sadd.s32 $0x8F2B, s0  }
0xbe: {  	[sflag:s0] =	ssyncadd.remote.s32 $0x1  }
0xbf: {  	_ =	sfence.sel $0xFFFF  }
0xc0: {  	[dreg:$0x0] =	wrdreg $0xFFFFFFFF;
	(pc) =	sbr.abs _section_cstart, $3  }
0xc1: {  	[dreg:$0x1] =	wrdreg $0xFFFFFFFF  }
0xc2: {  	_ =	task.clear_ibuf [dreg:s7], $0x2FFFF;
	_ =	strace $0x9FFFFFFF  }
0xc3: {  	(tm) =	ssettm $0x7FFFFFFF  }
tec
execute0_lowered:
.L_overlay_start_1:
0x0: {  	(tag) =	ssettag $0x1  }
0x1: {  	s0 =	rddreg [dreg:$0x0]  }
0x2: {  	s1 =	rddreg [dreg:$0x1]  }
0x3: {  	s2 =	rddreg [dreg:$0x2];
	s3 =	simm.s32 $0x0  }
0x4: {  	s4 =	srdreg.scid;
	s13 =	stileid.u32;
	s7 =	simm.s32 $0x70  }
0x5: {  	s28 =	simm.s32 $0x3;
	s29 =	simm.s32 $0x1;
	s30 =	simm.s32 $0x2  }
0x6: {  	s31 =	simm.s32 $0x0;
	[smem:$0x7FF] =	sst s3;
	s10 =	smul.u32 $0x70, s13  }
0x7: {  	s5 =	sadd.s32 $0x5600, s0;
	s6 =	sadd.s32 $0x36800, s0;
	s9 =	smul.u32 $0x30, s13  }
0x8: {  	s4 =	sand.u32 $0x1, s4;
	s0 =	sadd.s32 $0xD4600, s0;
	s11 =	smul.u32 $0x4F000, s13  }
0x9: {  	s15 =	smul.u32 $0x13C00, s13;
	_ =	strace $0x8000004D;
	s8 =	ssub.s32 $0x2, s4  }
0xa: {  	p0 =	seq.s32 s4, $0x0;
	s4 =	smul.u32 $0x13C000, s4;
	s12 =	sshrl.u32 s8, $0x1  }
0xb: {  	s7 =	simm.s32 @!p0 $0x30;
	s9 =	sadd.s32 $0x700, s9;
	s24 =	sshrl.u32 s11, $0x2  }
0xc: {  	s16 =	sadd.s32 $0x4000, s15;
	s18 =	sadd.s32 $0x8000, s15;
	s19 =	sadd.s32 $0xC000, s15  }
0xd: {  	s20 =	sadd.s32 $0x10000, s15;
	s17 =	ssub.s32 s8, s12;
	s8 =	sshrl.u32 s7, $0x4  }
0xe: {  	s9 =	smov.u32 @p0 s10;
	s10 =	sadd.s32 s24, s2;
	s11 =	sadd.s32 s16, s2  }
0xf: {  	s12 =	sadd.s32 s18, s2;
	s13 =	sadd.s32 s19, s2;
	s22 =	sadd.s32 s20, s2  }
0x10: {  	s15 =	sadd.s32 s15, s4;
	s16 =	sadd.s32 s4, s16;
	s23 =	sadd.s32 s4, s19  }
0x11: {  	s21 =	sshll.u32 s9, $0x4;
	s15 =	sshrl.u32 s15, $0x3;
	[dreg:$0x4] =	wrdreg s12  }
0x12: {  	s26 =	sshrl.u32 s16, $0x3;
	s16 =	sshll.u32 s9, $0x7;
	[dreg:$0x5] =	wrdreg s13  }
0x13: {  	[dreg:$0x6] =	wrdreg s22;
	s25 =	sadd.s32 s5, s21;
	s14 =	sadd.s32 s0, s15  }
0x14: {  	s15 =	sadd.s32 s0, s26;
	s21 =	sadd.s32 s4, s18;
	[dreg:$0x7] =	wrdreg s25  }
0x15: {  	s4 =	sadd.s32 s4, s20;
	s18 =	sshrl.u32 s23, $0x3;
	[dreg:$0x8] =	wrdreg s14  }
0x16: {  	s26 =	smax.u32 s17, $0x1;
	s23 =	simm.s32 $0x1800;
	[dreg:$0x9] =	wrdreg s15  }
0x17: {  	s15 =	sshrl.u32 s21, $0x3;
	s25 =	sadd.s32 s0, s18;
	[dreg:$0xd] =	wrdreg s26  }
0x18: {  	s4 =	sshrl.u32 s4, $0x3;
	s24 =	sadd.s32 s0, s15;
	[dreg:$0xb] =	wrdreg s25  }
0x19: {  	s26 =	simm.s32 $0x1000;
	s0 =	sadd.s32 s0, s4;
	[dreg:$0xa] =	wrdreg s24  }
0x1a: {  	v0 =	vimm.f32 $0.0e+00;
	s25 =	simm.s32 $0x5800;
	[dreg:$0xc] =	wrdreg s0;
	s24 =	simm.s32 $0x80  }
.LBB2_1:
0x1b: {  	s0 =	simm.s32 $0x0;
	s4 =	simm.s32 $0x200  }
.LBB2_2:
0x1c: {  	p0 =	sne.s32 s4, $0xFE00;
	[tilespmem:s0+$0x1870] =	vst v0  }
0x1d: {  	[tilespmem:s0+$0x1800] =	vst v0  }
0x1e: {  	[tilespmem:s0+$0x1810] =	vst v0  }
.Ltmp0:
0x1f: {  	[tilespmem:s0+$0x1820] =	vst v0;
	(pc) =	sbr.rel @p0 .LBB2_2-.Ltmp0, $4  }
0x20: {  	[tilespmem:s0+$0x1830] =	vst v0  }
0x21: {  	[tilespmem:s0+$0x1840] =	vst v0  }
0x22: {  	[tilespmem:s0+$0x1850] =	vst v0  }
0x23: {  	[tilespmem:s0+$0x1860] =	vst v0;
	s0 =	sshra.s32 s4, $0x2;
	s4 =	sadd.s32 $0x200, s4  }
0x24: {  	[tilespmem:s0+$0x1870] =	vst v0  }
0x25: {  	[tilespmem:s0+$0x1800] =	vst v0  }
0x26: {  	[tilespmem:s0+$0x1810] =	vst v0  }
0x27: {  	[tilespmem:s0+$0x1820] =	vst v0  }
0x28: {  	[tilespmem:s0+$0x1830] =	vst v0  }
0x29: {  	[tilespmem:s0+$0x1840] =	vst v0  }
0x2a: {  	[tilespmem:s0+$0x1850] =	vst v0  }
0x2b: {  	[tilespmem:s0+$0x1860] =	vst v0;
	s0 =	simm.s32 $0x3  }
0x2c: {  	[spmem:s10] =	stream.linear.scatter [tilespmem:s23], [sflag:$0x3], $0x4000, $0x38;
	[tilespmem:$0x1D400] =	vst v63  }
0x2d: {  	_ =	swait.ge [sflag:s0], $0x4000  }
0x2e: {  	[sflag:s0] =	ssyncset.done $0x0  }
0x2f: {  	[sflag:s0] =	ssyncadd.s32 $0xFFFFC000  }
0x30: {  	[spmem:s11] =	stream.linear.scatter [tilespmem:s23], [sflag:$0x3], $0x4000, $0x38;
	[tilespmem:$0x1D400] =	vst v63  }
0x31: {  	_ =	swait.ge [sflag:s0], $0x4000  }
0x32: {  	[sflag:s0] =	ssyncset.done $0x0  }
0x33: {  	[sflag:s0] =	ssyncadd.s32 $0xFFFFC000  }
0x34: {  	[spmem:s12] =	stream.linear.scatter [tilespmem:s23], [sflag:$0x3], $0x4000, $0x38;
	[tilespmem:$0x1D400] =	vst v63  }
0x35: {  	_ =	swait.ge [sflag:s0], $0x4000  }
0x36: {  	[sflag:s0] =	ssyncset.done $0x0  }
0x37: {  	[sflag:s0] =	ssyncadd.s32 $0xFFFFC000  }
0x38: {  	[spmem:s13] =	stream.linear.scatter [tilespmem:s23], [sflag:$0x3], $0x4000, $0x38;
	[tilespmem:$0x1D400] =	vst v63  }
0x39: {  	_ =	swait.ge [sflag:s0], $0x4000  }
0x3a: {  	[sflag:s0] =	ssyncset.done $0x0  }
0x3b: {  	[sflag:s0] =	ssyncadd.s32 $0xFFFFC000  }
0x3c: {  	[spmem:s22] =	stream.linear.scatter [tilespmem:s23], [sflag:$0x3], $0x3C00, $0x38;
	[tilespmem:$0x1D400] =	vst v63  }
0x3d: {  	_ =	swait.ge [sflag:s0], $0x3C00  }
0x3e: {  	[sflag:s0] =	ssyncset.done $0x0  }
0x3f: {  	[sflag:s0] =	ssyncadd.s32 $0xFFFFC400  }
0x40: {  	[bflag:$0x0] =	sbarrier.arrive $0xFFFF  }
0x41: {  	s4 =	simm.s32 $0x0;
	s22 =	rddreg [dreg:$0x7]  }
0x42: {  	[tilespmem:s4], [sflag:$0x3] =	stream.linear.gather [hbm4b:s22+s4], $0x800, $0x38;
	[tilespmem:$0x1D400] =	vst v63  }
0x43: {  	_ =	swait.ge [sflag:s0], $0x800  }
0x44: {  	[sflag:s0] =	ssyncset.done $0x0  }
0x45: {  	s14 =	smov.u32 s10;
	[sflag:s0] =	ssyncadd.s32 $0xFFFFF800  }
0x46: {  	[tilespmem:s23], [sflag:$0x1] =	stream.indirect.gather [hbm4b:s6+s24], $0x80, s4, s24, $0xb8;
	[tilespmem:$0x1D400] =	vst v63  }
0x47: {  	s3 =	smov.u32 s11;
	s15 =	simm.s32 $0x180;
	s17 =	simm.s32 $0x0  }
0x48: {  	[tilespmem:s25], [sflag:$0x2] =	stream.indirect.gather [hbm4b:s6+s24], $0x80, s24, s24, $0xb8;
	[tilespmem:$0x1D400] =	vst v63  }
.LBB2_5:
0x49: {  	s18 =	smov.u32 s17;
	s17 =	sadd.s32 $0x1, s17  }
0x4a: {  	p0 =	sge.u32 s17, s8  }
0x4b: {  	s19 =	sshll.u32 @!p0 s17, $0xB  }
0x4c: {  	s20 =	sadd.s32 @!p0 s16, s19  }
0x4d: {  	s20 =	sshrl.u32 @!p0 s20, $0x3  }
0x4e: {  	s21 =	simm.s32 @!p0 $0x0;
	s19 =	sand.u32 @!p0 $0x800, s19;
	s20 =	sadd.s32 @!p0 s5, s20  }
0x4f: {  	[tilespmem:s19], [sflag:$0x3] =	stream.linear.gather @!p0 [hbm4b:s20+s21], $0x800, $0x38;
	[tilespmem:$0x1D400] =	vst v63  }
0x50: {  	s18 =	sshll.u32 s18, $0x4;
	s19 =	simm.s32 @!p0 $0x3  }
0x51: {  	s18 =	sadd.s32 s9, s18;
	_ =	swait.ge @!p0 [sflag:s19], $0x800  }
0x52: {  	s18 =	sshll.u32 s18, $0x4;
	[sflag:s19] =	ssyncset.done @!p0 $0x0  }
0x53: {  	s18 =	sadd.s32 s1, s18;
	[sflag:s19] =	ssyncadd.s32 @!p0 $0xFFFFF800  }
0x54: {  	[tilespmem:s26], [sflag:$0x3] =	stream.linear.gather [hbm4b:s18+s4], $0x800, $0x38;
	[tilespmem:$0x1D400] =	vst v63  }
0x55: {  	_ =	swait.ge [sflag:s28], $0x800  }
0x56: {  	[sflag:s28] =	ssyncset.done $0x0  }
0x57: {  	[sflag:s28] =	ssyncadd.s32 $0xFFFFF800  }
0x58: {  	_ =	swait.ge [sflag:s29], $0x4000  }
0x59: {  	[sflag:s29] =	ssyncset.done $0x0  }
0x5a: {  	s20 =	simm.s32 $0x1000;
	s21 =	sadd.s32 $0xFFFFFFFF, s0;
	[sflag:s29] =	ssyncadd.s32 $0xFFFFC000  }
0x5b: {  	[spmem:s2] =	stream.indirect.scatter.add.f32 [tilespmem:s23], [sflag:$0x3], $0x80, s20, s24, $0xb8;
	[tilespmem:$0x1D400] =	vst v63  }
0x5c: {  	p0 =	sge.u32 s21, s7;
	_ =	swait.ge [sflag:s28], $0x4000  }
0x5d: {  	s18 =	sadd.s32 @!p0 $0xFFFFFF80, s15;
	s19 =	simm.s32 @!p0 $0x1800;
	[sflag:s28] =	ssyncset.done $0x0  }
0x5e: {  	s18 =	sand.u32 @!p0 $0xF00, s18;
	s20 =	simm.s32 @!p0 $0x80;
	[sflag:s28] =	ssyncadd.s32 $0xFFFFC000  }
0x5f: {  	[tilespmem:s19], [sflag:$0x1] =	stream.indirect.gather @!p0 [hbm4b:s6+s20], $0x80, s18, s20, $0xb8;
	[tilespmem:$0x1D400] =	vst v63  }
0x60: {  	_ =	swait.ge [sflag:s30], $0x4000  }
0x61: {  	p1 =	sge.u32 s0, s7;
	[sflag:s30] =	ssyncset.done $0x0  }
0x62: {  	s22 =	simm.s32 $0x1080;
	s21 =	sand.u32 @!p1 $0xF80, s15;
	[sflag:s30] =	ssyncadd.s32 $0xFFFFC000  }
0x63: {  	[spmem:s2] =	stream.indirect.scatter.add.f32 [tilespmem:s25], [sflag:$0x3], $0x80, s22, s24, $0xb8;
	[tilespmem:$0x1D400] =	vst v63  }
0x64: {  	s18 =	simm.s32 $0x400;
	s19 =	sadd.s32 $0x2, s0;
	_ =	swait.ge [sflag:s28], $0x4000  }
0x65: {  	s20 =	sadd.s32 $0x100, s15;
	s22 =	simm.s32 @!p1 $0x80;
	[sflag:s28] =	ssyncset.done $0x0  }
.LBB2_6:
0x66: {  	[sflag:s28] =	ssyncadd.s32 $0xFFFFC000;
	s10 =	simm.s32 @!p1 $0x5800;
	s11 =	smov.u32 s18  }
0x67: {  	s18 =	sadd.s32 $0x400, s18;
	s12 =	smov.u32 s19;
	s13 =	smov.u32 s20  }
0x68: {  	[tilespmem:s10], [sflag:$0x2] =	stream.indirect.gather @!p1 [hbm4b:s6+s22], $0x80, s21, s22, $0xb8;
	[tilespmem:$0x1D400] =	vst v63  }
0x69: {  	s10 =	sshra.s32 s11, $0x2;
	p0 =	seq.s32 s18, $0x2000;
	_ =	swait.ge [sflag:s29], $0x4000  }
0x6a: {  	s21 =	sadd.s32 $0xFFFFFFFF, s19;
	s11 =	sadd.s32 $0x1000, s10;
	[sflag:s29] =	ssyncset.done $0x0  }
0x6b: {  	p1 =	sge.u32 s21, s7;
	[sflag:s29] =	ssyncadd.s32 $0xFFFFC000  }
0x6c: {  	[spmem:s2] =	stream.indirect.scatter.add.f32 [tilespmem:s23], [sflag:$0x3], $0x80, s11, s24, $0xb8;
	[tilespmem:$0x1D400] =	vst v63  }
0x6d: {  	s21 =	simm.s32 @!p1 $0x1800;
	s11 =	sadd.s32 @!p1 $0xFFFFFF80, s20;
	_ =	swait.ge [sflag:s28], $0x4000  }
0x6e: {  	s22 =	simm.s32 @!p1 $0x80;
	s11 =	sand.u32 @!p1 $0xF00, s11;
	[sflag:s28] =	ssyncset.done $0x0  }
0x6f: {  	[sflag:s28] =	ssyncadd.s32 $0xFFFFC000  }
0x70: {  	[tilespmem:s21], [sflag:$0x1] =	stream.indirect.gather @!p1 [hbm4b:s6+s22], $0x80, s11, s22, $0xb8;
	[tilespmem:$0x1D400] =	vst v63  }
0x71: {  	_ =	swait.ge [sflag:s30], $0x4000  }
.Ltmp1:
0x72: {  	s10 =	sadd.s32 $0x1080, s10;
	[sflag:s30] =	ssyncset.done $0x0;
	(pc) =	sbr.rel @!p0 .LBB2_6-.Ltmp1, $4  }
0x73: {  	s19 =	sadd.s32 $0x2, s19;
	[sflag:s30] =	ssyncadd.s32 $0xFFFFC000  }
0x74: {  	[spmem:s2] =	stream.indirect.scatter.add.f32 [tilespmem:s25], [sflag:$0x3], $0x80, s10, s24, $0xb8;
	[tilespmem:$0x1D400] =	vst v63  }
0x75: {  	s20 =	sadd.s32 $0x100, s20;
	p1 =	sge.u32 s12, s7;
	_ =	swait.ge [sflag:s28], $0x4000  }
0x76: {  	s21 =	sand.u32 @!p1 $0xF80, s13;
	s22 =	simm.s32 @!p1 $0x80;
	[sflag:s28] =	ssyncset.done $0x0  }
0x77: {  	[sflag:s28] =	ssyncadd.s32 $0xFFFFC000;
	s10 =	simm.s32 @!p1 $0x5800  }
0x78: {  	[tilespmem:s10], [sflag:$0x2] =	stream.indirect.gather @!p1 [hbm4b:s6+s22], $0x80, s21, s22, $0xb8;
	[tilespmem:$0x1D400] =	vst v63  }
0x79: {  	p0 =	seq.s32 s17, s8  }
.Ltmp2:
0x7a: {  	_ = 	snop;
	(pc) =	sbr.rel @!p0 .LBB2_5-.Ltmp2, $2  }
0x7b: {  	_ =	sdelay $0x2  }
0x7c: {  	s15 =	sadd.s32 $0x800, s15;
	s0 =	sadd.s32 $0x10, s0  }
0x7d: {  	[bflag:$0x0] =	sbarrier.arrive $0xFFFF  }
0x7e: {  	[tilespmem:s23], [sflag:$0x3] =	stream.linear.gather [spmem:s14], $0x4000, $0x38;
	[tilespmem:$0x1D400] =	vst v63  }
0x7f: {  	_ =	swait.ge [sflag:s28], $0x4000  }
0x80: {  	[sflag:s28] =	ssyncset.done $0x0  }
0x81: {  	s0 =	simm.s32 $0x0;
	s4 =	rddreg [dreg:$0x8];
	[sflag:s28] =	ssyncadd.s32 $0xFFFFC000  }
0x82: {  	[hbm4b:s4+s0] =	stream.linear.scatter [tilespmem:s23], [sflag:$0x3], $0x4000, $0x38;
	[tilespmem:$0x1D400] =	vst v63  }
0x83: {  	_ =	swait.ge [sflag:s28], $0x4000  }
0x84: {  	[sflag:s28] =	ssyncset.done $0x0  }
0x85: {  	[sflag:s28] =	ssyncadd.s32 $0xFFFFC000  }
0x86: {  	[tilespmem:s25], [sflag:$0x3] =	stream.linear.gather [spmem:s3], $0x4000, $0x38;
	[tilespmem:$0x1D400] =	vst v63  }
0x87: {  	_ =	swait.ge [sflag:s28], $0x4000  }
0x88: {  	[sflag:s28] =	ssyncset.done $0x0  }
0x89: {  	s17 =	rddreg [dreg:$0x9];
	[sflag:s28] =	ssyncadd.s32 $0xFFFFC000  }
0x8a: {  	[hbm4b:s17+s0] =	stream.linear.scatter [tilespmem:s25], [sflag:$0x3], $0x4000, $0x38;
	[tilespmem:$0x1D400] =	vst v63  }
0x8b: {  	_ =	swait.ge [sflag:s28], $0x4000  }
0x8c: {  	[sflag:s28] =	ssyncset.done $0x0  }
0x8d: {  	s12 =	rddreg [dreg:$0x4];
	[sflag:s28] =	ssyncadd.s32 $0xFFFFC000  }
0x8e: {  	[tilespmem:s23], [sflag:$0x3] =	stream.linear.gather [spmem:s12], $0x4000, $0x38;
	[tilespmem:$0x1D400] =	vst v63  }
0x8f: {  	_ =	swait.ge [sflag:s28], $0x4000  }
0x90: {  	[sflag:s28] =	ssyncset.done $0x0  }
0x91: {  	s18 =	rddreg [dreg:$0xa];
	[sflag:s28] =	ssyncadd.s32 $0xFFFFC000  }
0x92: {  	[hbm4b:s18+s0] =	stream.linear.scatter [tilespmem:s23], [sflag:$0x3], $0x4000, $0x38;
	[tilespmem:$0x1D400] =	vst v63  }
0x93: {  	_ =	swait.ge [sflag:s28], $0x4000  }
0x94: {  	[sflag:s28] =	ssyncset.done $0x0  }
0x95: {  	s13 =	rddreg [dreg:$0x5];
	[sflag:s28] =	ssyncadd.s32 $0xFFFFC000  }
0x96: {  	[tilespmem:s25], [sflag:$0x3] =	stream.linear.gather [spmem:s13], $0x4000, $0x38;
	[tilespmem:$0x1D400] =	vst v63  }
0x97: {  	_ =	swait.ge [sflag:s28], $0x4000  }
0x98: {  	[sflag:s28] =	ssyncset.done $0x0  }
0x99: {  	s19 =	rddreg [dreg:$0xb];
	[sflag:s28] =	ssyncadd.s32 $0xFFFFC000  }
0x9a: {  	[hbm4b:s19+s0] =	stream.linear.scatter [tilespmem:s25], [sflag:$0x3], $0x4000, $0x38;
	[tilespmem:$0x1D400] =	vst v63  }
0x9b: {  	_ =	swait.ge [sflag:s28], $0x4000  }
0x9c: {  	[sflag:s28] =	ssyncset.done $0x0  }
0x9d: {  	s22 =	rddreg [dreg:$0x6];
	[sflag:s28] =	ssyncadd.s32 $0xFFFFC000  }
0x9e: {  	[tilespmem:s23], [sflag:$0x3] =	stream.linear.gather [spmem:s22], $0x3C00, $0x38;
	[tilespmem:$0x1D400] =	vst v63  }
0x9f: {  	_ =	swait.ge [sflag:s28], $0x3C00  }
0xa0: {  	[sflag:s28] =	ssyncset.done $0x0  }
0xa1: {  	s20 =	rddreg [dreg:$0xc];
	[sflag:s28] =	ssyncadd.s32 $0xFFFFC400  }
0xa2: {  	[hbm4b:s20+s0] =	stream.linear.scatter [tilespmem:s23], [sflag:$0x3], $0x3C00, $0x38;
	[tilespmem:$0x1D400] =	vst v63  }
0xa3: {  	_ =	swait.ge [sflag:s28], $0x3C00  }
0xa4: {  	s31 =	sadd.s32 $0x1, s31;
	s21 =	rddreg [dreg:$0xd]  }
0xa5: {  	p0 =	sne.s32 s31, s21  }
.Ltmp3:
0xa6: {  	_ = 	snop;
	(pc) =	sbr.rel @p0 .LBB2_1-.Ltmp3, $3  }
0xa7: {  	_ =	sdelay $0x1  }
0xa8: {  	[sflag:s28] =	ssyncset.done $0x0  }
0xa9: {  	s10 =	smov.u32 s14;
	s11 =	smov.u32 s3;
	[sflag:s28] =	ssyncadd.s32 $0xFFFFC400  }
0xaa: {  	_ =	sfence.sel $0x180000  }
0xab: {  	[bflag:$0x0] =	sbarrier.arrive $0xFFFF  }
0xac: {  	_ =	strace $0x9000004D  }
0xad: {  	s0 =	stileid.u32;
	[bflag:$0x2] =	sbarrier.arrive $0xFFFF  }
0xae: {  	p0 =	sne.s32 s0, $0x0;
	s0 =	rddreg [dreg:$0x3]  }
0xaf: {  	s0 =	sadd.s32 @!p0 $0x100000, s0  }
0xb0: {  	[sflag:s0] =	ssyncadd.tile.s32 @!p0 $0x1;
	_ =	shalt  }
.Lfunc_end2:
_tile_overlayer_lowered:
.L_overlay_start_2:
0xb1: {  	(tag) =	ssettag $0x2  }
0xb2: {  	s0 =	rddreg [dreg:$0x0];
	s2 =	stileid.u32  }
0xb3: {  	s1 =	rddreg [dreg:$0x1];
	p0 =	sne.s32 s2, $0x0  }
0xb4: {  	s3 =	rddreg [dreg:$0x2];
	[bflag:$0x3] =	sbarrier.arrive $0xFFFF;
	s2 =	simm.s32 @!p0 $0x1C03  }
0xb5: {  	[timem:s3], [sflag:s2] =	dma.local @!p0 [hbm:s0], s1  }
0xb6: {  	s0 =	simm.s32 @!p0 $0x3  }
0xb7: {  	_ =	swait.ge @!p0 [sflag:s0], s1  }
0xb8: {  	s1 =	ssub.s32 @!p0 $0x0, s1;
	[sflag:s0] =	ssyncset.done @!p0 $0x0  }
0xb9: {  	[sflag:s0] =	ssyncadd.s32 @!p0 s1  }
0xba: {  	[bflag:$0x3] =	sbarrier.arrive $0xFFFF  }
0xbb: {  	_ =	shalt  }

// kernel: sc_agg_deg.3.cloned.1.call-start
scs
__scs_entry_jumppad:
0x0: {  	(pc) =	sbr.rel $0x88, $3  }
0x1: {  	(tag) =	ssettag $0x0;
	lr =	simm.s32 $0x1  }
0x2: {  	[smem:$0x3F8C] =	sst lr;
	_ =	strace $0xD0000000  }
0x3: {  	_ = 	snop  }
0x4: {  	_ = 	snop  }
0x5: {  	_ = 	snop  }
0x6: {  	_ = 	snop  }
0x7: {  	_ = 	snop  }
__scs_overlays_trampoline_lowered:
0x8: {  	[smem:$0x3F9B] =	sst s0  }
0x9: {  	[smem:$0x3F9C] =	sst s1  }
0xa: {  	[smem:$0x3F9D] =	sst s2  }
0xb: {  	[smem:$0x3F9E] =	sst s3  }
0xc: {  	[smem:$0x3F9F] =	sst s4  }
0xd: {  	[smem:$0x3FA0] =	sst s5  }
0xe: {  	[smem:$0x3FA1] =	sst s6  }
0xf: {  	[smem:$0x3FA2] =	sst s7  }
0x10: {  	[smem:$0x3FA3] =	sst s8  }
0x11: {  	[smem:$0x3FA4] =	sst s9;
	s0 =	simm.s32 @!p0 $0x0  }
0x12: {  	s1 =	sld [smem:$0x3F8A];
	s0 =	simm.s32 @p0 $0x1  }
0x13: {  	[smem:$0x3FA5] =	sst s0;
	s0 =	simm.s32 @!p1 $0x0  }
0x14: {  	s2 =	sld [smem:$0x3F89];
	s0 =	simm.s32 @p1 $0x1  }
0x15: {  	[smem:$0x3FA6] =	sst s0;
	s0 =	simm.s32 @!p2 $0x0  }
0x16: {  	s3 =	sld [smem:$0x3FDB];
	s0 =	simm.s32 @p2 $0x1  }
0x17: {  	s4 =	simm.s32 $0x1BF5;
	[smem:$0x3FA8] =	sst s0  }
0x18: {  	s0 =	sld [smem:$0x3F8B];
	_ =	swait.ge [sflag:s4], $0x0  }
0x19: {  	s7 =	sld [smem:$0x3F8C]  }
0x1a: {  	s8 =	sadd.s32 $0xFFFFE003, lr  }
0x1b: {  	s9 =	sadd.s32 $0xFFFFFEF7, lr;
	s5 =	simm.s32 $0xFFFFFFFF;
	p2 =	slt.u32 s8, $0xFFFFF086  }
0x1c: {  	p1 =	slt.u32 s9, $0xF7A;
	s5 =	simm.s32 @!p2 $0x0  }
0x1d: {  	s5 =	simm.s32 @p1 $0x1;
	p0 =	seq.s32 s7, s2  }
0x1e: {  	s7 =	smul.u32 @!p0 $0xF7A, s2;
	p2 =	seq.s32 @!p0 s5, $0x0  }
0x1f: {  	s9 =	smul.u32 $0xF7A, s1;
	s8 =	simm.s32 @!p0 $0x1BF5;
	p2 =	por !p2, p0  }
0x20: {  	[sflag:s8] =	ssyncset.s32 @!p0 $0xFFFFF086;
	s6 =	sadd.s32 @!p0 s3, s7;
	s7 =	simm.s32 @!p0 $0x108  }
0x21: {  	s3 =	sadd.s32 s3, s9;
	s6 =	sadd.s32 @!p0 $0x88, s6;
	s7 =	simm.s32 @p2 $0x1082  }
0x22: {  	[simem:s7], [sflag:s8] =	dma.local @!p0 [hbm:s6], $0xF7A  }
0x23: {  	s9 =	sor.u32 $0xD0000000, s2;
	s6 =	simm.s32 $0x108;
	_ =	swait.ge @!p0 [sflag:s8], $0x0  }
0x24: {  	s3 =	sadd.s32 $0x88, s3;
	s6 =	simm.s32 @!p1 $0x1082;
	[sflag:s4] =	ssyncset.s32 $0xFFFFF086  }
0x25: {  	[simem:s6], [sflag:s4] =	dma.local [hbm:s3], $0xF7A  }
0x26: {  	[smem:$0x3F8C] =	sst s1;
	(tag) =	ssettag s2;
	_ =	strace s9  }
0x27: {  	s1 =	sld [smem:$0x3F9C]  }
0x28: {  	s2 =	sld [smem:$0x3F9D]  }
0x29: {  	s4 =	sld [smem:$0x3F9F]  }
0x2a: {  	p0 =	seq.s32 s5, $0x0;
	s5 =	sld [smem:$0x3FA0]  }
0x2b: {  	s6 =	sld [smem:$0x3FA1]  }
0x2c: {  	s7 =	sld [smem:$0x3FA2]  }
0x2d: {  	s3 =	simm.s32 $0x108;
	s8 =	sld [smem:$0x3FA3]  }
0x2e: {  	s3 =	simm.s32 @!p0 $0x1082;
	s9 =	sld [smem:$0x3FA4]  }
0x2f: {  	lr =	sadd.s32 s0, s3;
	s0 =	sld [smem:$0x3F9B]  }
0x30: {  	s3 =	sld [smem:$0x3F9E]  }
0x31: {  	[smem:$0x3FA7] =	sst s10  }
0x32: {  	s10 =	sld [smem:$0x3FA5];
	_ =	sdelay $0x3  }
0x33: {  	p0 =	seq.s32 s10, $0x1;
	s10 =	sld [smem:$0x3FA7];
	_ =	sdelay $0x3  }
0x34: {  	[smem:$0x3FA7] =	sst s10  }
0x35: {  	s10 =	sld [smem:$0x3FA6];
	_ =	sdelay $0x3  }
0x36: {  	p1 =	seq.s32 s10, $0x1;
	s10 =	sld [smem:$0x3FA7];
	_ =	sdelay $0x3  }
0x37: {  	[smem:$0x3FA7] =	sst s10  }
0x38: {  	s10 =	sld [smem:$0x3FA8]  }
0x39: {  	_ = 	snop;
	(pc) =	sbr.ind lr, $3  }
0x3a: {  	_ = 	snop  }
0x3b: {  	_ = 	snop  }
0x3c: {  	p2 =	seq.s32 s10, $0x1;
	s10 =	sld [smem:$0x3FA7]  }
0x3d: {  	_ =	shalt  }
0x3e: {  	_ =	shalt  }
0x3f: {  	_ =	shalt  }
0x40: {  	_ =	shalt  }
0x41: {  	_ =	shalt  }
0x42: {  	_ =	shalt  }
0x43: {  	_ =	shalt  }
0x44: {  	_ =	shalt  }
0x45: {  	_ =	shalt  }
0x46: {  	_ =	shalt  }
0x47: {  	_ =	shalt  }
0x48: {  	_ =	shalt  }
0x49: {  	_ =	shalt  }
0x4a: {  	_ =	shalt  }
0x4b: {  	_ =	shalt  }
0x4c: {  	_ =	shalt  }
0x4d: {  	_ =	shalt  }
0x4e: {  	_ =	shalt  }
0x4f: {  	_ =	shalt  }
0x50: {  	_ =	shalt  }
0x51: {  	_ =	shalt  }
0x52: {  	_ =	shalt  }
0x53: {  	_ =	shalt  }
0x54: {  	_ =	shalt  }
0x55: {  	_ =	shalt  }
0x56: {  	_ =	shalt  }
0x57: {  	_ =	shalt  }
0x58: {  	_ =	shalt  }
0x59: {  	_ =	shalt  }
0x5a: {  	_ =	shalt  }
0x5b: {  	_ =	shalt  }
0x5c: {  	_ =	shalt  }
0x5d: {  	_ =	shalt  }
0x5e: {  	_ =	shalt  }
0x5f: {  	_ =	shalt  }
0x60: {  	_ =	shalt  }
0x61: {  	_ =	shalt  }
0x62: {  	_ =	shalt  }
0x63: {  	_ =	shalt  }
0x64: {  	_ =	shalt  }
0x65: {  	_ =	shalt  }
0x66: {  	_ =	shalt  }
0x67: {  	_ =	shalt  }
0x68: {  	_ =	shalt  }
0x69: {  	_ =	shalt  }
0x6a: {  	_ =	shalt  }
0x6b: {  	_ =	shalt  }
0x6c: {  	_ =	shalt  }
0x6d: {  	_ =	shalt  }
0x6e: {  	_ =	shalt  }
0x6f: {  	_ =	shalt  }
0x70: {  	_ =	shalt  }
0x71: {  	_ =	shalt  }
0x72: {  	_ =	shalt  }
0x73: {  	_ =	shalt  }
0x74: {  	_ =	shalt  }
0x75: {  	_ =	shalt  }
0x76: {  	_ =	shalt  }
0x77: {  	_ =	shalt  }
0x78: {  	_ =	shalt  }
0x79: {  	_ =	shalt  }
0x7a: {  	_ =	shalt  }
0x7b: {  	_ =	shalt  }
0x7c: {  	_ =	shalt  }
0x7d: {  	_ =	shalt  }
0x7e: {  	_ =	shalt  }
0x7f: {  	_ =	shalt  }
0x80: {  	_ =	shalt  }
0x81: {  	_ =	shalt  }
0x82: {  	_ =	shalt  }
0x83: {  	_ =	shalt  }
0x84: {  	_ =	shalt  }
0x85: {  	_ =	shalt  }
0x86: {  	_ =	shalt  }
0x87: {  	_ =	shalt  }
.Lfunc_end0:
.L_simem_size_0:
called_computation_lowered:
.L_overlay_start_0:
0x88: {  	s2 =	sld [smem:$0x3FD9]  }
0x89: {  	s3 =	sld [smem:$0x3FFE];
	_ =	sdelay $0x1  }
0x8a: {  	s1 =	srdreg.scid  }
0x8b: {  	s0 =	sand.u32 $0x1, s1  }
0x8c: {  	s17 =	sshll.u32 s0, $0xA;
	s2 =	sadd.s32 s3, s2  }
0x8d: {  	s2 =	sadd.s32 s2, s17  }
0x8e: {  	[smem:$0x3FB3] =	sst s2  }
0x8f: {  	_ = 	snop  }
0x90: {  	s2 =	sld [smem:$0x3FD0];
	(tm) =	ssettm $0x1  }
0x91: {  	s18 =	sld [smem:$0x3FFB];
	_ =	sdelay $0x3  }
0x92: {  	_ =	strace s18  }
0x93: {  	s3 =	sld [smem:$0x3FFC];
	_ =	sdelay $0x3  }
0x94: {  	_ =	strace s3  }
0x95: {  	s3 =	sld [smem:$0x3FFD];
	_ =	sdelay $0x3  }
0x96: {  	_ =	strace s3  }
0x97: {  	_ =	strace $0x8FFFFFFF  }
0x98: {  	s19 =	sld [smem:$0x3FDB];
	_ =	sdelay $0x1  }
0x99: {  	s4 =	simm.s32 $_scs_section_size  }
0x9a: {  	s5 =	simm.s32 $_size__tile_overlayer_lowered;
	s6 =	simm.s32 $_tile_overlayer_lowered  }
0x9b: {  	s22 =	simm.s32 $0x1BFF;
	s21 =	sshll.u32 s6, $0x1;
	s3 =	sadd.s32 s4, s19  }
0x9c: {  	s7 =	simm.s32 $0x0;
	s20 =	sshll.u32 s5, $0x1;
	s5 =	sadd.s32 s21, s3  }
0x9d: {  	[timem:s7], [sflag:s22] =	dma.local [hbm:s5], s20  }
0x9e: {  	_ =	swait.ge [sflag:s22], s20  }
0x9f: {  	s4 =	ssub.s32 $0x0, s20;
	[sflag:s22] =	ssyncset.done $0x0  }
0xa0: {  	[sflag:s22] =	ssyncadd.s32 s4;
	_ =	sdelay $0x1  }
0xa1: {  	s23 =	simm.s32 $0x1B8B  }
0xa2: {  	_ =	swait.ge [sflag:s23], $0x1  }
0xa3: {  	[sflag:s23] =	ssyncset.done $0x0  }
0xa4: {  	s25 =	simm.s32 $0x1B8E;
	s24 =	sld [smem:$0x3FFE];
	[sflag:s23] =	ssyncadd.s32 $0xFFFFFFFF  }
0xa5: {  	s26 =	simm.s32 $execute0_lowered;
	[smem:$0x3FD2] =	sst s25  }
0xa6: {  	s5 =	sshll.u32 s26, $0x1;
	_ =	strace $0x80000046;
	[dreg:$0x1] =	wrdreg $0xFFFFFFFF  }
0xa7: {  	s28 =	simm.s32 $_size_execute0_lowered;
	s3 =	sadd.s32 s3, s5;
	[dreg:$0x0] =	wrdreg $0x0  }
0xa8: {  	s5 =	sshll.u32 s28, $0x1;
	[dreg:$0x2] =	wrdreg s3  }
0xa9: {  	[dreg:$0x3] =	wrdreg s5  }
0xaa: {  	[dreg:$0x4] =	wrdreg $0xC0  }
0xab: {  	_ =	task [dreg:s7], $0x5FFFF  }
0xac: {  	[dreg:$0x1] =	wrdreg $0xFFFFFFFF  }
0xad: {  	[dreg:$0x0] =	wrdreg $0x60  }
0xae: {  	[dreg:$0x2] =	wrdreg s24  }
0xaf: {  	[dreg:$0x3] =	wrdreg s2  }
0xb0: {  	[dreg:$0x4] =	wrdreg $0x98000  }
0xb1: {  	[dreg:$0x5] =	wrdreg $0x1D4800  }
0xb2: {  	[dreg:$0x6] =	wrdreg $0x9  }
0xb3: {  	_ =	task.clear_ibuf [dreg:s7], $0x7FFFF;
	_ =	strace $0x90000046  }
0xb4: {  	s29 =	simm.s32 $0x9;
	_ =	strace $0x80000048  }
0xb5: {  	_ =	swait.ge [sflag:s29], $0x1  }
0xb6: {  	[sflag:s29] =	ssyncadd.s32 $0xFFFFFFFF  }
0xb7: {  	_ =	strace $0x90000048  }
0xb8: {  	_ =	sfence  }
0xb9: {  	s30 =	sld [smem:$0x0];
	_ =	sdelay $0x2  }
0xba: {  	s31 =	sshll.u32 s1, $0xD;
	s1 =	sshrl.u32 s1, $0x2  }
0xbb: {  	s3 =	sand.u32 $0x4000, s31;
	s1 =	sadd.s32 s1, s30  }
0xbc: {  	s0 =	sor.u32 s3, s0;
	s1 =	sshll.u32 s1, $0x11  }
0xbd: {  	s0 =	sor.u32 s1, s0  }
0xbe: {  	s0 =	sadd.s32 $0x8F2B, s0  }
0xbf: {  	[sflag:s0] =	ssyncadd.remote.s32 $0x1  }
0xc0: {  	_ =	sfence.sel $0xFFFF  }
0xc1: {  	[dreg:$0x0] =	wrdreg $0xFFFFFFFF;
	(pc) =	sbr.abs _section_cstart, $3  }
0xc2: {  	[dreg:$0x1] =	wrdreg $0xFFFFFFFF  }
0xc3: {  	_ =	task.clear_ibuf [dreg:s7], $0x2FFFF;
	_ =	strace $0x9FFFFFFF  }
0xc4: {  	(tm) =	ssettm $0x7FFFFFFF  }
0xc5: {  	_ =	shalt  }
tec
execute0_lowered:
.L_overlay_start_1:
0x0: {  	(tag) =	ssettag $0x1  }
0x1: {  	s0 =	rddreg [dreg:$0x0]  }
0x2: {  	s1 =	rddreg [dreg:$0x1]  }
0x3: {  	s3 =	rddreg [dreg:$0x2];
	s5 =	stileid.u32  }
0x4: {  	s2 =	srdreg.scid;
	s11 =	smul.u32 $0x278, s5  }
0x5: {  	s4 =	rddreg [dreg:$0x3];
	s13 =	smul.u32 $0x70, s5  }
0x6: {  	s6 =	simm.s32 $0x0;
	s29 =	simm.s32 $0x80;
	s10 =	smul.u32 $0x30, s5  }
0x7: {  	s30 =	simm.s32 $0x5800;
	s31 =	simm.s32 $0x1000;
	s15 =	smul.u32 $0x4F000, s5  }
0x8: {  	s2 =	sand.u32 $0x1, s2;
	[smem:$0x7FF] =	sst s6;
	s21 =	smul.u32 $0x13C00, s5  }
0x9: {  	s6 =	sadd.s32 $0x5600, s0;
	s12 =	sadd.s32 $0x5E400, s0;
	s7 =	smul.u32 $0x2780, s2  }
0xa: {  	_ =	strace $0x80000047;
	s9 =	ssub.s32 $0x2, s2;
	p0 =	seq.s32 s2, $0x0  }
0xb: {  	s2 =	smul.u32 $0x13C000, s2;
	s14 =	sshrl.u32 s9, $0x1;
	s10 =	sadd.s32 $0x700, s10  }
0xc: {  	s25 =	sshrl.u32 s15, $0x2;
	s26 =	sshll.u32 s11, $0x7;
	s8 =	sadd.s32 s11, s7  }
0xd: {  	s7 =	sadd.s32 $0xF600, s0;
	s17 =	ssub.s32 s9, s14;
	s10 =	smov.u32 @p0 s13  }
0xe: {  	s15 =	sadd.s32 s25, s3;
	s28 =	sadd.s32 $0x4000, s26;
	s18 =	sadd.s32 $0x8000, s26  }
0xf: {  	s19 =	sadd.s32 $0xC000, s26;
	s20 =	sadd.s32 $0x10000, s26;
	s25 =	sadd.s32 s11, s4  }
0x10: {  	s23 =	sadd.s32 s21, s2;
	s8 =	sshrl.u32 s8, $0x3;
	s16 =	sadd.s32 s28, s3  }
0x11: {  	s22 =	sadd.s32 s18, s3;
	s14 =	sadd.s32 s19, s3;
	s24 =	sadd.s32 s20, s3  }
0x12: {  	s13 =	sadd.s32 s2, s28;
	s18 =	sadd.s32 s2, s18;
	[dreg:$0x5] =	wrdreg s15  }
0x13: {  	s19 =	sadd.s32 s2, s19;
	s2 =	sadd.s32 s2, s20;
	[dreg:$0xa] =	wrdreg s25  }
0x14: {  	s26 =	sshll.u32 s10, $0x4;
	s11 =	sshrl.u32 s23, $0x3;
	[dreg:$0x6] =	wrdreg s16  }
0x15: {  	s0 =	sadd.s32 s8, s0;
	s8 =	simm.s32 $0x70;
	[dreg:$0x7] =	wrdreg s22  }
0x16: {  	s28 =	sadd.s32 s6, s26;
	s13 =	sshrl.u32 s13, $0x3;
	[dreg:$0x8] =	wrdreg s14  }
0x17: {  	s11 =	sadd.s32 s12, s11;
	s20 =	sshrl.u32 s18, $0x3;
	[dreg:$0x9] =	wrdreg s24  }
0x18: {  	s23 =	sshrl.u32 s19, $0x3;
	s2 =	sshrl.u32 s2, $0x3;
	[dreg:$0xb] =	wrdreg s28  }
0x19: {  	s18 =	simm.s32 $0x2;
	[dreg:$0xc] =	wrdreg s11;
	s13 =	sadd.s32 s12, s13  }
0x1a: {  	s19 =	simm.s32 $0x0;
	s21 =	sadd.s32 s12, s20;
	[dreg:$0xd] =	wrdreg s13  }
0x1b: {  	s8 =	simm.s32 @!p0 $0x30;
	s26 =	sadd.s32 s12, s23;
	[dreg:$0xe] =	wrdreg s21  }
0x1c: {  	s2 =	sadd.s32 s12, s2;
	s23 =	sshll.u32 s10, $0x7;
	[dreg:$0xf] =	wrdreg s26  }
0x1d: {  	s0 =	sadd.s32 $0x5DA00, s0;
	s28 =	smax.u32 s17, $0x1;
	[dreg:$0x10] =	wrdreg s2  }
0x1e: {  	s12 =	simm.s32 $0x1D6F8;
	s17 =	simm.s32 $0x1D400;
	[dreg:$0x11] =	wrdreg s0  }
0x1f: {  	s9 =	sshrl.u32 s8, $0x4;
	[dreg:$0x12] =	wrdreg s28;
	s26 =	simm.s32 $0x1800  }
0x20: {  	v0 =	vimm.f32 $0.0e+00;
	v1 =	vimm.f32 $1.000000000e+00;
	s2 =	simm.s32 $0x3;
	s0 =	simm.s32 $0x1;
	s21 =	simm.s32 $0x0  }
.LBB2_1:
0x21: {  	s11 =	simm.s32 $0x0;
	s20 =	simm.s32 $0x200  }
.LBB2_2:
0x22: {  	p0 =	sne.s32 s20, $0xFE00;
	[tilespmem:s11+$0x1870] =	vst v0  }
0x23: {  	[tilespmem:s11+$0x1800] =	vst v0  }
0x24: {  	[tilespmem:s11+$0x1810] =	vst v0  }
.Ltmp0:
0x25: {  	[tilespmem:s11+$0x1820] =	vst v0;
	(pc) =	sbr.rel @p0 .LBB2_2-.Ltmp0, $4  }
0x26: {  	[tilespmem:s11+$0x1830] =	vst v0  }
0x27: {  	[tilespmem:s11+$0x1840] =	vst v0  }
0x28: {  	[tilespmem:s11+$0x1850] =	vst v0  }
0x29: {  	[tilespmem:s11+$0x1860] =	vst v0;
	s11 =	sshra.s32 s20, $0x2;
	s20 =	sadd.s32 $0x200, s20  }
0x2a: {  	[tilespmem:s11+$0x1870] =	vst v0  }
0x2b: {  	[tilespmem:s11+$0x1800] =	vst v0  }
0x2c: {  	[tilespmem:s11+$0x1810] =	vst v0  }
0x2d: {  	[tilespmem:s11+$0x1820] =	vst v0  }
0x2e: {  	[tilespmem:s11+$0x1830] =	vst v0  }
0x2f: {  	[tilespmem:s11+$0x1840] =	vst v0  }
0x30: {  	[tilespmem:s11+$0x1850] =	vst v0  }
0x31: {  	[tilespmem:s11+$0x1860] =	vst v0;
	s20 =	simm.s32 $0x3  }
0x32: {  	[spmem:s15] =	stream.linear.scatter [tilespmem:s26], [sflag:$0x3], $0x4000, $0x38;
	[tilespmem:$0x1D978] =	vst v63  }
0x33: {  	_ =	swait.ge [sflag:s20], $0x4000  }
0x34: {  	[sflag:s20] =	ssyncset.done $0x0  }
0x35: {  	[sflag:s20] =	ssyncadd.s32 $0xFFFFC000  }
0x36: {  	[spmem:s16] =	stream.linear.scatter [tilespmem:s26], [sflag:$0x3], $0x4000, $0x38;
	[tilespmem:$0x1D978] =	vst v63  }
0x37: {  	_ =	swait.ge [sflag:s20], $0x4000  }
0x38: {  	[sflag:s20] =	ssyncset.done $0x0  }
0x39: {  	[sflag:s20] =	ssyncadd.s32 $0xFFFFC000  }
0x3a: {  	[spmem:s22] =	stream.linear.scatter [tilespmem:s26], [sflag:$0x3], $0x4000, $0x38;
	[tilespmem:$0x1D978] =	vst v63  }
0x3b: {  	_ =	swait.ge [sflag:s20], $0x4000  }
0x3c: {  	[sflag:s20] =	ssyncset.done $0x0  }
0x3d: {  	[sflag:s20] =	ssyncadd.s32 $0xFFFFC000  }
0x3e: {  	[spmem:s14] =	stream.linear.scatter [tilespmem:s26], [sflag:$0x3], $0x4000, $0x38;
	[tilespmem:$0x1D978] =	vst v63  }
0x3f: {  	_ =	swait.ge [sflag:s20], $0x4000  }
0x40: {  	[sflag:s20] =	ssyncset.done $0x0  }
0x41: {  	[sflag:s20] =	ssyncadd.s32 $0xFFFFC000  }
0x42: {  	[spmem:s24] =	stream.linear.scatter [tilespmem:s26], [sflag:$0x3], $0x3C00, $0x38;
	[tilespmem:$0x1D978] =	vst v63  }
0x43: {  	_ =	swait.ge [sflag:s20], $0x3C00  }
0x44: {  	[sflag:s20] =	ssyncset.done $0x0  }
0x45: {  	[sflag:s20] =	ssyncadd.s32 $0xFFFFC400  }
0x46: {  	[tilespmem:$0x1D400] =	vst v1  }
0x47: {  	[tilespmem:$0x1D410] =	vst v1  }
0x48: {  	[tilespmem:$0x1D420] =	vst v1  }
0x49: {  	[tilespmem:$0x1D430] =	vst v1  }
0x4a: {  	[tilespmem:$0x1D440] =	vst v1  }
0x4b: {  	[tilespmem:$0x1D450] =	vst v1  }
0x4c: {  	[tilespmem:$0x1D460] =	vst v1  }
0x4d: {  	[tilespmem:$0x1D470] =	vst v1  }
0x4e: {  	[tilespmem:$0x1D6F8] =	vst v0  }
0x4f: {  	[tilespmem:$0x1D708] =	vst v0  }
0x50: {  	[tilespmem:$0x1D718] =	vst v0  }
0x51: {  	[tilespmem:$0x1D728] =	vst v0  }
0x52: {  	[tilespmem:$0x1D738] =	vst v0  }
0x53: {  	[tilespmem:$0x1D748] =	vst v0  }
0x54: {  	[tilespmem:$0x1D758] =	vst v0  }
0x55: {  	[tilespmem:$0x1D768] =	vst v0  }
0x56: {  	[tilespmem:$0x1D778] =	vst v0  }
0x57: {  	[tilespmem:$0x1D788] =	vst v0  }
0x58: {  	[tilespmem:$0x1D798] =	vst v0  }
0x59: {  	[tilespmem:$0x1D7A8] =	vst v0  }
0x5a: {  	[tilespmem:$0x1D7B8] =	vst v0  }
0x5b: {  	[tilespmem:$0x1D7C8] =	vst v0  }
0x5c: {  	[tilespmem:$0x1D7D8] =	vst v0  }
0x5d: {  	[tilespmem:$0x1D7E8] =	vst v0  }
0x5e: {  	[tilespmem:$0x1D7F8] =	vst v0  }
0x5f: {  	[tilespmem:$0x1D808] =	vst v0  }
0x60: {  	[tilespmem:$0x1D818] =	vst v0  }
0x61: {  	[tilespmem:$0x1D828] =	vst v0  }
0x62: {  	[tilespmem:$0x1D838] =	vst v0  }
0x63: {  	[tilespmem:$0x1D848] =	vst v0  }
0x64: {  	[tilespmem:$0x1D858] =	vst v0  }
0x65: {  	[tilespmem:$0x1D868] =	vst v0  }
0x66: {  	[tilespmem:$0x1D878] =	vst v0  }
0x67: {  	[tilespmem:$0x1D888] =	vst v0  }
0x68: {  	[tilespmem:$0x1D898] =	vst v0  }
0x69: {  	[tilespmem:$0x1D8A8] =	vst v0  }
0x6a: {  	[tilespmem:$0x1D8B8] =	vst v0  }
0x6b: {  	[tilespmem:$0x1D8C8] =	vst v0  }
0x6c: {  	[tilespmem:$0x1D8D8] =	vst v0  }
0x6d: {  	[tilespmem:$0x1D8E8] =	vst v0  }
0x6e: {  	[tilespmem:$0x1D8F8] =	vst v0  }
0x6f: {  	[tilespmem:$0x1D908] =	vst v0  }
0x70: {  	[tilespmem:$0x1D918] =	vst v0  }
0x71: {  	[tilespmem:$0x1D928] =	vst v0  }
0x72: {  	[tilespmem:$0x1D938] =	vst v0  }
0x73: {  	[tilespmem:$0x1D948] =	vst v0  }
0x74: {  	[tilespmem:$0x1D958] =	vst v0  }
0x75: {  	[tilespmem:$0x1D960] =	vst v0  }
0x76: {  	[spmem:s25] =	stream.linear.scatter [tilespmem:s12], [sflag:$0x3], $0x278, $0x38;
	[tilespmem:$0x1D978] =	vst v63  }
0x77: {  	_ =	swait.ge [sflag:s20], $0x278  }
0x78: {  	[sflag:s20] =	ssyncset.done $0x0  }
0x79: {  	[sflag:s20] =	ssyncadd.s32 $0xFFFFFD88  }
0x7a: {  	[bflag:$0x0] =	sbarrier.arrive $0xFFFF  }
0x7b: {  	s5 =	rddreg [dreg:$0xb]  }
0x7c: {  	[tilespmem:s21], [sflag:$0x3] =	stream.linear.gather [hbm4b:s5+s21], $0x800, $0x38;
	[tilespmem:$0x1D978] =	vst v63  }
0x7d: {  	_ =	swait.ge [sflag:s20], $0x800  }
0x7e: {  	[sflag:s20] =	ssyncset.done $0x0  }
0x7f: {  	[sflag:s20] =	ssyncadd.s32 $0xFFFFF800  }
0x80: {  	[tilespmem:s26], [sflag:$0x1] =	stream.indirect.gather [hbm4b:s7+s29], $0x80, s21, s29, $0xb8;
	[tilespmem:$0x1D978] =	vst v63  }
0x81: {  	s22 =	simm.s32 $0x180;
	s24 =	simm.s32 $0x0  }
0x82: {  	[tilespmem:s30], [sflag:$0x2] =	stream.indirect.gather [hbm4b:s7+s29], $0x80, s29, s29, $0xb8;
	[tilespmem:$0x1D978] =	vst v63  }
.LBB2_5:
0x83: {  	s11 =	smov.u32 s24;
	s24 =	sadd.s32 $0x1, s24  }
0x84: {  	p0 =	sge.u32 s24, s9  }
0x85: {  	s12 =	sshll.u32 @!p0 s24, $0xB  }
0x86: {  	s13 =	sadd.s32 @!p0 s23, s12  }
0x87: {  	s13 =	sshrl.u32 @!p0 s13, $0x3  }
0x88: {  	s25 =	simm.s32 @!p0 $0x0;
	s12 =	sand.u32 @!p0 $0x800, s12;
	s13 =	sadd.s32 @!p0 s6, s13  }
0x89: {  	[tilespmem:s12], [sflag:$0x3] =	stream.linear.gather @!p0 [hbm4b:s13+s25], $0x800, $0x38;
	[tilespmem:$0x1D978] =	vst v63  }
0x8a: {  	s11 =	sshll.u32 s11, $0x4;
	s12 =	simm.s32 @!p0 $0x3  }
0x8b: {  	s11 =	sadd.s32 s10, s11;
	_ =	swait.ge @!p0 [sflag:s12], $0x800  }
0x8c: {  	s11 =	sshll.u32 s11, $0x4;
	[sflag:s12] =	ssyncset.done @!p0 $0x0  }
0x8d: {  	s11 =	sadd.s32 s1, s11;
	[sflag:s12] =	ssyncadd.s32 @!p0 $0xFFFFF800  }
0x8e: {  	[tilespmem:s31], [sflag:$0x3] =	stream.linear.gather [hbm4b:s11+s21], $0x800, $0x38;
	[tilespmem:$0x1D978] =	vst v63  }
0x8f: {  	_ =	swait.ge [sflag:s2], $0x800  }
0x90: {  	[sflag:s2] =	ssyncset.done $0x0  }
0x91: {  	[sflag:s2] =	ssyncadd.s32 $0xFFFFF800  }
0x92: {  	_ =	swait.ge [sflag:s0], $0x4000  }
0x93: {  	[sflag:s0] =	ssyncset.done $0x0  }
0x94: {  	s14 =	simm.s32 $0x1000;
	[sflag:s0] =	ssyncadd.s32 $0xFFFFC000  }
0x95: {  	[spmem:s3] =	stream.indirect.scatter.add.f32 [tilespmem:s26], [sflag:$0x3], $0x80, s14, s29, $0xb8;
	[tilespmem:$0x1D978] =	vst v63  }
0x96: {  	_ =	swait.ge [sflag:s2], $0x4000  }
0x97: {  	[sflag:s2] =	ssyncset.done $0x0  }
0x98: {  	s15 =	sadd.s32 $0xFFFFFFFF, s20;
	[sflag:s2] =	ssyncadd.s32 $0xFFFFC000  }
0x99: {  	[spmem:s4] =	stream.indirect.scatter.add.f32 [tilespmem:s17], [sflag:$0x3], $0x1, s14, s29, $0xb8;
	[tilespmem:$0x1D978] =	vst v63  }
0x9a: {  	p0 =	sge.u32 s15, s8;
	_ =	swait.ge [sflag:s2], $0x80  }
0x9b: {  	s11 =	sadd.s32 @!p0 $0xFFFFFF80, s22;
	s12 =	simm.s32 @!p0 $0x1800;
	[sflag:s2] =	ssyncset.done $0x0  }
0x9c: {  	s13 =	simm.s32 @!p0 $0x80;
	s11 =	sand.u32 @!p0 $0xF00, s11;
	[sflag:s2] =	ssyncadd.s32 $0xFFFFFF80  }
0x9d: {  	[tilespmem:s12], [sflag:$0x1] =	stream.indirect.gather @!p0 [hbm4b:s7+s13], $0x80, s11, s13, $0xb8;
	[tilespmem:$0x1D978] =	vst v63  }
0x9e: {  	_ =	swait.ge [sflag:s18], $0x4000  }
0x9f: {  	[sflag:s18] =	ssyncset.done $0x0  }
0xa0: {  	s16 =	simm.s32 $0x1080;
	[sflag:s18] =	ssyncadd.s32 $0xFFFFC000  }
0xa1: {  	[spmem:s3] =	stream.indirect.scatter.add.f32 [tilespmem:s30], [sflag:$0x3], $0x80, s16, s29, $0xb8;
	[tilespmem:$0x1D978] =	vst v63  }
0xa2: {  	_ =	swait.ge [sflag:s2], $0x4000  }
0xa3: {  	[sflag:s2] =	ssyncset.done $0x0  }
0xa4: {  	s28 =	sadd.s32 $0x2, s20;
	p1 =	sge.u32 s20, s8;
	[sflag:s2] =	ssyncadd.s32 $0xFFFFC000  }
0xa5: {  	[spmem:s4] =	stream.indirect.scatter.add.f32 [tilespmem:s17], [sflag:$0x3], $0x1, s16, s29, $0xb8;
	[tilespmem:$0x1D978] =	vst v63  }
0xa6: {  	s25 =	simm.s32 $0x400;
	s11 =	sadd.s32 $0x100, s22;
	_ =	swait.ge [sflag:s2], $0x80  }
0xa7: {  	s12 =	sand.u32 @!p1 $0xF80, s22;
	s13 =	simm.s32 @!p1 $0x80;
	[sflag:s2] =	ssyncset.done $0x0  }
.LBB2_6:
0xa8: {  	[sflag:s2] =	ssyncadd.s32 $0xFFFFFF80;
	s14 =	simm.s32 @!p1 $0x5800;
	s15 =	smov.u32 s25  }
0xa9: {  	s25 =	sadd.s32 $0x400, s25;
	s16 =	smov.u32 s28;
	s5 =	smov.u32 s11  }
0xaa: {  	[tilespmem:s14], [sflag:$0x2] =	stream.indirect.gather @!p1 [hbm4b:s7+s13], $0x80, s12, s13, $0xb8;
	[tilespmem:$0x1D978] =	vst v63  }
0xab: {  	s12 =	sshra.s32 s15, $0x2;
	p0 =	seq.s32 s25, $0x2000;
	_ =	swait.ge [sflag:s0], $0x4000  }
0xac: {  	s13 =	sadd.s32 $0x1000, s12;
	[sflag:s0] =	ssyncset.done $0x0  }
0xad: {  	[sflag:s0] =	ssyncadd.s32 $0xFFFFC000  }
0xae: {  	[spmem:s3] =	stream.indirect.scatter.add.f32 [tilespmem:s26], [sflag:$0x3], $0x80, s13, s29, $0xb8;
	[tilespmem:$0x1D978] =	vst v63  }
0xaf: {  	_ =	swait.ge [sflag:s2], $0x4000  }
0xb0: {  	s14 =	sadd.s32 $0xFFFFFFFF, s28;
	[sflag:s2] =	ssyncset.done $0x0  }
0xb1: {  	p1 =	sge.u32 s14, s8;
	[sflag:s2] =	ssyncadd.s32 $0xFFFFC000  }
0xb2: {  	[spmem:s4] =	stream.indirect.scatter.add.f32 [tilespmem:s17], [sflag:$0x3], $0x1, s13, s29, $0xb8;
	[tilespmem:$0x1D978] =	vst v63  }
0xb3: {  	s14 =	simm.s32 @!p1 $0x1800;
	s13 =	sadd.s32 @!p1 $0xFFFFFF80, s11;
	_ =	swait.ge [sflag:s2], $0x80  }
0xb4: {  	s15 =	simm.s32 @!p1 $0x80;
	s13 =	sand.u32 @!p1 $0xF00, s13;
	[sflag:s2] =	ssyncset.done $0x0  }
0xb5: {  	[sflag:s2] =	ssyncadd.s32 $0xFFFFFF80  }
0xb6: {  	[tilespmem:s14], [sflag:$0x1] =	stream.indirect.gather @!p1 [hbm4b:s7+s15], $0x80, s13, s15, $0xb8;
	[tilespmem:$0x1D978] =	vst v63  }
0xb7: {  	_ =	swait.ge [sflag:s18], $0x4000  }
0xb8: {  	s12 =	sadd.s32 $0x1080, s12;
	[sflag:s18] =	ssyncset.done $0x0  }
0xb9: {  	[sflag:s18] =	ssyncadd.s32 $0xFFFFC000  }
0xba: {  	[spmem:s3] =	stream.indirect.scatter.add.f32 [tilespmem:s30], [sflag:$0x3], $0x80, s12, s29, $0xb8;
	[tilespmem:$0x1D978] =	vst v63  }
0xbb: {  	_ =	swait.ge [sflag:s2], $0x4000  }
.Ltmp1:
0xbc: {  	[sflag:s2] =	ssyncset.done $0x0;
	(pc) =	sbr.rel @!p0 .LBB2_6-.Ltmp1, $4  }
0xbd: {  	s28 =	sadd.s32 $0x2, s28;
	[sflag:s2] =	ssyncadd.s32 $0xFFFFC000  }
0xbe: {  	[spmem:s4] =	stream.indirect.scatter.add.f32 [tilespmem:s17], [sflag:$0x3], $0x1, s12, s29, $0xb8;
	[tilespmem:$0x1D978] =	vst v63  }
0xbf: {  	s11 =	sadd.s32 $0x100, s11;
	p1 =	sge.u32 s16, s8;
	_ =	swait.ge [sflag:s2], $0x80  }
0xc0: {  	s13 =	simm.s32 @!p1 $0x80;
	s12 =	sand.u32 @!p1 $0xF80, s5;
	[sflag:s2] =	ssyncset.done $0x0  }
0xc1: {  	[sflag:s2] =	ssyncadd.s32 $0xFFFFFF80;
	s5 =	simm.s32 @!p1 $0x5800  }
0xc2: {  	[tilespmem:s5], [sflag:$0x2] =	stream.indirect.gather @!p1 [hbm4b:s7+s13], $0x80, s12, s13, $0xb8;
	[tilespmem:$0x1D978] =	vst v63  }
0xc3: {  	p0 =	seq.s32 s24, s9  }
.Ltmp2:
0xc4: {  	_ = 	snop;
	(pc) =	sbr.rel @!p0 .LBB2_5-.Ltmp2, $2  }
0xc5: {  	_ =	sdelay $0x2  }
0xc6: {  	s22 =	sadd.s32 $0x800, s22;
	s20 =	sadd.s32 $0x10, s20  }
0xc7: {  	[bflag:$0x0] =	sbarrier.arrive $0xFFFF  }
0xc8: {  	s15 =	rddreg [dreg:$0x5]  }
0xc9: {  	[tilespmem:s26], [sflag:$0x3] =	stream.linear.gather [spmem:s15], $0x4000, $0x38;
	[tilespmem:$0x1D978] =	vst v63  }
0xca: {  	_ =	swait.ge [sflag:s2], $0x4000  }
0xcb: {  	[sflag:s2] =	ssyncset.done $0x0  }
0xcc: {  	s5 =	simm.s32 $0x0;
	s11 =	rddreg [dreg:$0xc];
	[sflag:s2] =	ssyncadd.s32 $0xFFFFC000  }
0xcd: {  	[hbm4b:s11+s5] =	stream.linear.scatter [tilespmem:s26], [sflag:$0x3], $0x4000, $0x38;
	[tilespmem:$0x1D978] =	vst v63  }
0xce: {  	_ =	swait.ge [sflag:s2], $0x4000  }
0xcf: {  	[sflag:s2] =	ssyncset.done $0x0  }
0xd0: {  	s16 =	rddreg [dreg:$0x6];
	[sflag:s2] =	ssyncadd.s32 $0xFFFFC000  }
0xd1: {  	[tilespmem:s30], [sflag:$0x3] =	stream.linear.gather [spmem:s16], $0x4000, $0x38;
	[tilespmem:$0x1D978] =	vst v63  }
0xd2: {  	_ =	swait.ge [sflag:s2], $0x4000  }
0xd3: {  	[sflag:s2] =	ssyncset.done $0x0  }
0xd4: {  	s25 =	rddreg [dreg:$0xd];
	[sflag:s2] =	ssyncadd.s32 $0xFFFFC000  }
0xd5: {  	[hbm4b:s25+s5] =	stream.linear.scatter [tilespmem:s30], [sflag:$0x3], $0x4000, $0x38;
	[tilespmem:$0x1D978] =	vst v63  }
0xd6: {  	_ =	swait.ge [sflag:s2], $0x4000  }
0xd7: {  	[sflag:s2] =	ssyncset.done $0x0  }
0xd8: {  	s22 =	rddreg [dreg:$0x7];
	[sflag:s2] =	ssyncadd.s32 $0xFFFFC000  }
0xd9: {  	[tilespmem:s26], [sflag:$0x3] =	stream.linear.gather [spmem:s22], $0x4000, $0x38;
	[tilespmem:$0x1D978] =	vst v63  }
0xda: {  	_ =	swait.ge [sflag:s2], $0x4000  }
0xdb: {  	[sflag:s2] =	ssyncset.done $0x0  }
0xdc: {  	s28 =	rddreg [dreg:$0xe];
	[sflag:s2] =	ssyncadd.s32 $0xFFFFC000  }
0xdd: {  	[hbm4b:s28+s5] =	stream.linear.scatter [tilespmem:s26], [sflag:$0x3], $0x4000, $0x38;
	[tilespmem:$0x1D978] =	vst v63  }
0xde: {  	_ =	swait.ge [sflag:s2], $0x4000  }
0xdf: {  	[sflag:s2] =	ssyncset.done $0x0  }
0xe0: {  	s14 =	rddreg [dreg:$0x8];
	[sflag:s2] =	ssyncadd.s32 $0xFFFFC000  }
0xe1: {  	[tilespmem:s30], [sflag:$0x3] =	stream.linear.gather [spmem:s14], $0x4000, $0x38;
	[tilespmem:$0x1D978] =	vst v63  }
0xe2: {  	_ =	swait.ge [sflag:s2], $0x4000  }
0xe3: {  	[sflag:s2] =	ssyncset.done $0x0  }
0xe4: {  	s12 =	rddreg [dreg:$0xf];
	[sflag:s2] =	ssyncadd.s32 $0xFFFFC000  }
0xe5: {  	[hbm4b:s12+s5] =	stream.linear.scatter [tilespmem:s30], [sflag:$0x3], $0x4000, $0x38;
	[tilespmem:$0x1D978] =	vst v63  }
0xe6: {  	_ =	swait.ge [sflag:s2], $0x4000  }
0xe7: {  	[sflag:s2] =	ssyncset.done $0x0  }
0xe8: {  	s24 =	rddreg [dreg:$0x9];
	[sflag:s2] =	ssyncadd.s32 $0xFFFFC000  }
0xe9: {  	[tilespmem:s26], [sflag:$0x3] =	stream.linear.gather [spmem:s24], $0x3C00, $0x38;
	[tilespmem:$0x1D978] =	vst v63  }
0xea: {  	_ =	swait.ge [sflag:s2], $0x3C00  }
0xeb: {  	[sflag:s2] =	ssyncset.done $0x0  }
0xec: {  	s13 =	rddreg [dreg:$0x10];
	[sflag:s2] =	ssyncadd.s32 $0xFFFFC400  }
0xed: {  	[hbm4b:s13+s5] =	stream.linear.scatter [tilespmem:s26], [sflag:$0x3], $0x3C00, $0x38;
	[tilespmem:$0x1D978] =	vst v63  }
0xee: {  	_ =	swait.ge [sflag:s2], $0x3C00  }
0xef: {  	[sflag:s2] =	ssyncset.done $0x0  }
0xf0: {  	s12 =	simm.s32 $0x1D6F8;
	s25 =	rddreg [dreg:$0xa];
	[sflag:s2] =	ssyncadd.s32 $0xFFFFC400  }
0xf1: {  	[tilespmem:s12], [sflag:$0x3] =	stream.linear.gather [spmem:s25], $0x278, $0x38;
	[tilespmem:$0x1D978] =	vst v63  }
0xf2: {  	_ =	swait.ge [sflag:s2], $0x278  }
0xf3: {  	[sflag:s2] =	ssyncset.done $0x0  }
0xf4: {  	s20 =	rddreg [dreg:$0x11];
	[sflag:s2] =	ssyncadd.s32 $0xFFFFFD88  }
0xf5: {  	[hbm4b:s20+s5] =	stream.linear.scatter [tilespmem:s12], [sflag:$0x3], $0x278, $0x38;
	[tilespmem:$0x1D978] =	vst v63  }
0xf6: {  	_ =	swait.ge [sflag:s2], $0x278  }
0xf7: {  	s19 =	sadd.s32 $0x1, s19;
	s28 =	rddreg [dreg:$0x12]  }
0xf8: {  	p0 =	sne.s32 s19, s28  }
.Ltmp3:
0xf9: {  	_ = 	snop;
	(pc) =	sbr.rel @p0 .LBB2_1-.Ltmp3, $3  }
0xfa: {  	_ =	sdelay $0x1  }
0xfb: {  	[sflag:s2] =	ssyncset.done $0x0  }
0xfc: {  	[sflag:s2] =	ssyncadd.s32 $0xFFFFFD88  }
0xfd: {  	_ =	sfence.sel $0x180000  }
0xfe: {  	[bflag:$0x0] =	sbarrier.arrive $0xFFFF  }
0xff: {  	_ =	strace $0x90000047  }
0x100: {  	s0 =	stileid.u32;
	[bflag:$0x2] =	sbarrier.arrive $0xFFFF  }
0x101: {  	p0 =	sne.s32 s0, $0x0;
	s0 =	rddreg [dreg:$0x4]  }
0x102: {  	s0 =	sadd.s32 @!p0 $0x100000, s0  }
0x103: {  	[sflag:s0] =	ssyncadd.tile.s32 @!p0 $0x1;
	_ =	shalt  }
.Lfunc_end2:
_tile_overlayer_lowered:
.L_overlay_start_2:
0x104: {  	(tag) =	ssettag $0x2  }
0x105: {  	s0 =	rddreg [dreg:$0x0];
	s2 =	stileid.u32  }
0x106: {  	s1 =	rddreg [dreg:$0x1];
	p0 =	sne.s32 s2, $0x0  }
0x107: {  	s3 =	rddreg [dreg:$0x2];
	[bflag:$0x3] =	sbarrier.arrive $0xFFFF;
	s2 =	simm.s32 @!p0 $0x1C03  }
0x108: {  	[timem:s3], [sflag:s2] =	dma.local @!p0 [hbm:s0], s1  }
0x109: {  	s0 =	simm.s32 @!p0 $0x3  }
0x10a: {  	_ =	swait.ge @!p0 [sflag:s0], s1  }
0x10b: {  	s1 =	ssub.s32 @!p0 $0x0, s1;
	[sflag:s0] =	ssyncset.done @!p0 $0x0  }
0x10c: {  	[sflag:s0] =	ssyncadd.s32 @!p0 s1  }
0x10d: {  	[bflag:$0x3] =	sbarrier.arrive $0xFFFF  }
0x10e: {  	_ =	shalt  }

</sc_bundles>
